<compile_context>
chip_gen: v7x
topology: tpu7x:2x2x1
jax: 0.10.2.dev20260603
libtpu: 0.0.44.dev20260713+nightly
codegen_flags: <defaults>
</compile_context>

<pallas_src>
import functools

import jax
import jax.numpy as jnp
from jax import lax
from jax.experimental import pallas as pl
from jax.experimental.pallas import tpu as pltpu
from jax.experimental.pallas import tpu_sc as plsc

N = 10000
E = 320000
D = 128
DE = 16
C = 10
B = 64

NC = 2
NS = 16
EPT = E // (NC * NS)
CH = 128
NFULL = EPT // CH
TAIL = EPT - NFULL * CH
RPS_A = 640
RPS_B = N - 15 * RPS_A

LANES = D // 16


def _leaky(x):
    return jnp.where(x > 0, x, 0.01 * x)



_BE = 8000


def _edge_mlp_body(ea, w1, b1, w2, b2, out):
    t = jnp.dot(ea[...], w1[0], preferred_element_type=jnp.float32) + b1[0]
    t = _leaky(t)
    y = jnp.dot(t, w2[0], preferred_element_type=jnp.float32) + b2[0]
    out[0] = jnp.where(y > 0, y, jnp.exp(y) - 1.0)


def _edge_mlp(edge_attr, w1s, b1s, w2s, b2s):
    return pl.pallas_call(
        _edge_mlp_body,
        grid=(4, E // _BE),
        in_specs=[
            pl.BlockSpec((_BE, DE), lambda l, j: (j, 0)),
            pl.BlockSpec((1, DE, D), lambda l, j: (l, 0, 0)),
            pl.BlockSpec((1, 1, D), lambda l, j: (l, 0, 0)),
            pl.BlockSpec((1, D, D), lambda l, j: (l, 0, 0)),
            pl.BlockSpec((1, 1, D), lambda l, j: (l, 0, 0)),
        ],
        out_specs=pl.BlockSpec((1, _BE, D), lambda l, j: (l, j, 0)),
        out_shape=jax.ShapeDtypeStruct((4, E, D), jnp.float32),
    )(edge_attr, w1s, b1s, w2s, b2s)



def _edge_agg_body(h_hbm, src_hbm, dst_hbm, w_hbm, zeros_hbm, out_hbm,
              src_v, dst_v, srcT_v, dstT_v, rows_v, wv, rowsT_v, wTv,
              agg_sh, sem):
    c = lax.axis_index("c")
    s = lax.axis_index("s")
    wid = c * NS + s

    @pl.when(s < 15)
    def _():
        pltpu.sync_copy(zeros_hbm.at[pl.ds(s * RPS_A, RPS_A), :],
                        agg_sh.at[pl.ds(s * RPS_A, RPS_A), :])

    @pl.when(s == 15)
    def _():
        pltpu.sync_copy(zeros_hbm.at[pl.ds(15 * RPS_A, RPS_B), :],
                        agg_sh.at[pl.ds(15 * RPS_A, RPS_B), :])

    plsc.subcore_barrier()

    base0 = wid * EPT

    def chunk(i, carry):
        b = base0 + i * CH
        pltpu.sync_copy(src_hbm.at[pl.ds(b, CH)], src_v)
        pltpu.sync_copy(dst_hbm.at[pl.ds(b, CH)], dst_v)
        g = pltpu.async_copy(h_hbm.at[src_v], rows_v, sem)
        pltpu.sync_copy(w_hbm.at[pl.ds(b, CH), :], wv)
        g.wait()

        def mulrow(r, cy):
            for j in range(LANES):
                sl = pl.ds(j * 16, 16)
                rows_v[r, sl] = rows_v[r, sl] * wv[r, sl]
            return cy

        lax.fori_loop(0, CH, mulrow, 0)
        pltpu.sync_copy(rows_v, agg_sh.at[dst_v], add=True)
        return carry

    lax.fori_loop(0, NFULL, chunk, 0)

    bt = base0 + NFULL * CH
    pltpu.sync_copy(src_hbm.at[pl.ds(bt, TAIL)], srcT_v)
    pltpu.sync_copy(dst_hbm.at[pl.ds(bt, TAIL)], dstT_v)
    gt = pltpu.async_copy(h_hbm.at[srcT_v], rowsT_v, sem)
    pltpu.sync_copy(w_hbm.at[pl.ds(bt, TAIL), :], wTv)
    gt.wait()

    def mulrowT(r, cy):
        for j in range(LANES):
            sl = pl.ds(j * 16, 16)
            rowsT_v[r, sl] = rowsT_v[r, sl] * wTv[r, sl]
        return cy

    lax.fori_loop(0, TAIL, mulrowT, 0)
    pltpu.sync_copy(rowsT_v, agg_sh.at[dstT_v], add=True)

    plsc.subcore_barrier()

    @pl.when(s < 15)
    def _():
        pltpu.sync_copy(agg_sh.at[pl.ds(s * RPS_A, RPS_A), :],
                        out_hbm.at[c, pl.ds(s * RPS_A, RPS_A), :])

    @pl.when(s == 15)
    def _():
        pltpu.sync_copy(agg_sh.at[pl.ds(15 * RPS_A, RPS_B), :],
                        out_hbm.at[c, pl.ds(15 * RPS_A, RPS_B), :])


@functools.lru_cache(maxsize=1)
def _edge_agg_build():
    mesh = plsc.VectorSubcoreMesh(
        core_axis_name="c", subcore_axis_name="s",
        num_cores=NC, num_subcores=NS)
    return pl.kernel(
        _edge_agg_body,
        out_type=jax.ShapeDtypeStruct((NC, N, D), jnp.float32),
        mesh=mesh,
        scratch_types=[
            pltpu.VMEM((CH,), jnp.int32),
            pltpu.VMEM((CH,), jnp.int32),
            pltpu.VMEM((TAIL,), jnp.int32),
            pltpu.VMEM((TAIL,), jnp.int32),
            pltpu.VMEM((CH, D), jnp.float32),
            pltpu.VMEM((CH, D), jnp.float32),
            pltpu.VMEM((TAIL, D), jnp.float32),
            pltpu.VMEM((TAIL, D), jnp.float32),
            pltpu.VMEM_SHARED((N, D), jnp.float32),
            pltpu.SemaphoreType.DMA,
        ],
    )


def _edge_agg(h, src, dst, w, zeros):
    return _edge_agg_build()(h, src, dst, w, zeros)



_BN = 2000
_NB = N // _BN


def _node_body(agg, h, eps128, w1, b1, w2, b2, z, sums):
    out = agg[0] + agg[1] + eps128[0] * h[...]
    t = _leaky(jnp.dot(out, w1[...], preferred_element_type=jnp.float32) + b1[0])
    y = jnp.dot(t, w2[...], preferred_element_type=jnp.float32) + b2[0]
    zl = _leaky(y)
    z[...] = zl
    s1 = jnp.sum(zl, axis=0, keepdims=True)
    s2 = jnp.sum(zl * zl, axis=0, keepdims=True)
    sums[...] = jnp.concatenate(
        [s1, s2, jnp.zeros((6, D), jnp.float32)], axis=0)[None]


def _node_update(agg2, h, eps128, w1, b1, w2, b2):
    return pl.pallas_call(
        _node_body,
        grid=(_NB,),
        in_specs=[
            pl.BlockSpec((NC, _BN, D), lambda j: (0, j, 0)),
            pl.BlockSpec((_BN, D), lambda j: (j, 0)),
            pl.BlockSpec((1, D), lambda j: (0, 0)),
            pl.BlockSpec((D, D), lambda j: (0, 0)),
            pl.BlockSpec((1, D), lambda j: (0, 0)),
            pl.BlockSpec((D, D), lambda j: (0, 0)),
            pl.BlockSpec((1, D), lambda j: (0, 0)),
        ],
        out_specs=[
            pl.BlockSpec((_BN, D), lambda j: (j, 0)),
            pl.BlockSpec((1, 8, D), lambda j: (j, 0, 0)),
        ],
        out_shape=[
            jax.ShapeDtypeStruct((N, D), jnp.float32),
            jax.ShapeDtypeStruct((_NB, 8, D), jnp.float32),
        ],
    )(agg2, h, eps128, w1, b1, w2, b2)



def _bn_body(z, sums, g, b, out):
    s1 = jnp.sum(sums[:, 0, :], axis=0)
    s2 = jnp.sum(sums[:, 1, :], axis=0)
    mu = s1 / N
    var = s2 / N - mu * mu
    inv = g[0] * lax.rsqrt(var + 1e-5)
    out[...] = z[...] * inv + (b[0] - mu * inv)


def _bn_apply(z, sums, g, b):
    return pl.pallas_call(
        _bn_body,
        grid=(_NB,),
        in_specs=[
            pl.BlockSpec((_BN, D), lambda j: (j, 0)),
            pl.BlockSpec((_NB, 8, D), lambda j: (0, 0, 0)),
            pl.BlockSpec((1, D), lambda j: (0, 0)),
            pl.BlockSpec((1, D), lambda j: (0, 0)),
        ],
        out_specs=pl.BlockSpec((_BN, D), lambda j: (j, 0)),
        out_shape=jax.ShapeDtypeStruct((N, D), jnp.float32),
    )(z, sums, g, b)



def _set2set_body(hA, skip, batch, wih0, whh0, bih0, bhh0,
                  wih1, whh1, bih1, bhh1, wf, bf, out):
    h = hA[...] + skip[...]
    onehot = jnp.equal(batch[...],
                       lax.broadcasted_iota(jnp.int32, (N, B), 1))

    q_star = jnp.zeros((B, 2 * D), jnp.float32)
    hs = [jnp.zeros((B, D), jnp.float32) for _ in range(2)]
    cs = [jnp.zeros((B, D), jnp.float32) for _ in range(2)]
    wihs = (wih0, wih1)
    whhs = (whh0, whh1)
    bihs = (bih0, bih1)
    bhhs = (bhh0, bhh1)

    dn_t = (((1,), (1,)), ((), ()))
    for _ in range(5):
        inp = q_star
        for l in range(2):
            gates = (lax.dot_general(inp, wihs[l][...], dn_t,
                                     preferred_element_type=jnp.float32)
                     + bihs[l][0]
                     + lax.dot_general(hs[l], whhs[l][...], dn_t,
                                       preferred_element_type=jnp.float32)
                     + bhhs[l][0])
            ig = gates[:, 0:D]
            fg = gates[:, D:2 * D]
            gg = gates[:, 2 * D:3 * D]
            og = gates[:, 3 * D:4 * D]
            c = jax.nn.sigmoid(fg) * cs[l] + jax.nn.sigmoid(ig) * jnp.tanh(gg)
            hl = jax.nn.sigmoid(og) * jnp.tanh(c)
            hs[l] = hl
            cs[l] = c
            inp = hl
        q = hs[1]
        emat = lax.dot_general(h, q, dn_t,
                               preferred_element_type=jnp.float32)
        emask = jnp.where(onehot, emat, -1e30)
        emax = jnp.max(emask, axis=0)
        emax = jnp.where(emax > -1e29, emax, 0.0)
        p = jnp.exp(jnp.where(onehot, emat - emax[None, :], -1e30))
        denom = jnp.sum(p, axis=0)
        a = p / (denom[None, :] + 1e-16)
        r = lax.dot_general(a, h, (((0,), (0,)), ((), ())),
                            preferred_element_type=jnp.float32)
        q_star = jnp.concatenate([q, r], axis=1)

    logits = jnp.dot(q_star, wf[...],
                     preferred_element_type=jnp.float32) + bf[0]
    m = jnp.max(logits, axis=1, keepdims=True)
    lse = m + jnp.log(jnp.sum(jnp.exp(logits - m), axis=1, keepdims=True))
    out[...] = logits - lse


def _set2set(hA, skip, batch2d, lp, wf, bf):
    return pl.pallas_call(
        _set2set_body,
        out_shape=jax.ShapeDtypeStruct((B, C), jnp.float32),
    )(hA, skip, batch2d,
      lp['Wih0'], lp['Whh0'], lp['bih0'].reshape(1, -1), lp['bhh0'].reshape(1, -1),
      lp['Wih1'], lp['Whh1'], lp['bih1'].reshape(1, -1), lp['bhh1'].reshape(1, -1),
      wf, bf.reshape(1, -1))



def kernel(x, edge_index, edge_attr, batch, params):
    src = edge_index[0].astype(jnp.int32)
    dst = edge_index[1].astype(jnp.int32)
    batch2d = batch.astype(jnp.int32).reshape(N, 1)

    w1s = jnp.stack([
        jnp.pad(params['conv%d' % i]['We1'], ((0, 0), (0, D - 8)))
        for i in range(4)])
    b1s = jnp.stack([
        jnp.pad(params['conv%d' % i]['be1'], (0, D - 8)).reshape(1, D)
        for i in range(4)])
    w2s = jnp.stack([
        jnp.pad(params['conv%d' % i]['We2'], ((0, D - 8), (0, 0)))
        for i in range(4)])
    b2s = jnp.stack([
        params['conv%d' % i]['be2'].reshape(1, D) for i in range(4)])

    w_all = _edge_mlp(edge_attr, w1s, b1s, w2s, b2s)
    zeros = jnp.zeros((N, D), jnp.float32)

    h = x
    skip = None
    for i in range(4):
        cp = params['conv%d' % i]
        agg2 = _edge_agg(h, src, dst, w_all[i], zeros)
        eps128 = jnp.broadcast_to(1.0 + cp['eps'], (1, D)).astype(jnp.float32)
        z, sums = _node_update(agg2, h, eps128, cp['Wn1'],
                               cp['bn1'].reshape(1, D), cp['Wn2'],
                               cp['bn2'].reshape(1, D))
        h = _bn_apply(z, sums, params['bn%d_g' % i].reshape(1, D),
                      params['bn%d_b' % i].reshape(1, D))
        if i == 0:
            skip = h
            h_in_next = h
        if i == 3:
            hA = h
    return _set2set(hA, skip, batch2d, params['lstm'],
                    params['Wf'], params['bf'])

# --- scband reference (transcript-rebuilt; emitter-appended) ---
"""Pipeline reference for scband-mo-net-23682449670681 (READ-ONLY COPY).

The authoritative reference and input builder live on the scoring server;
editing this copy changes nothing except your own understanding.
"""

import jax, jax.numpy as jnp
import numpy as np

N = 10000
E = 320000
D = 128
DE = 16
C = 10
B = 64


def _forward(x, edge_attr, params, edge_index, batch):
    src = edge_index[0]
    dst = edge_index[1]

    def conv(h, cp):
        w = jax.nn.elu(jnp.dot(jax.nn.leaky_relu(jnp.dot(edge_attr, cp['We1']) + cp['be1']), cp['We2']) + cp['be2'])
        m = h[src] * w
        agg = jax.ops.segment_sum(m, dst, num_segments=N)
        out = agg + (1.0 + cp['eps']) * h
        return jnp.dot(jax.nn.leaky_relu(jnp.dot(out, cp['Wn1']) + cp['bn1']), cp['Wn2']) + cp['bn2']

    def bn(h, g, b):
        mu = jnp.mean(h, axis=0)
        var = jnp.var(h, axis=0)
        return g * (h - mu) / jnp.sqrt(var + 1e-5) + b

    h = bn(jax.nn.leaky_relu(conv(x, params['conv0'])), params['bn0_g'], params['bn0_b'])
    skip = h
    h = bn(jax.nn.leaky_relu(conv(h, params['conv1'])), params['bn1_g'], params['bn1_b'])
    h = bn(jax.nn.leaky_relu(conv(h, params['conv2'])), params['bn2_g'], params['bn2_b'])
    h = bn(jax.nn.leaky_relu(conv(h, params['conv3'])), params['bn3_g'], params['bn3_b'])
    h = h + skip

    lp = params['lstm']
    q_star = jnp.zeros((B, 2 * D), dtype=h.dtype)
    hs = [jnp.zeros((B, D), dtype=h.dtype) for _ in range(2)]
    cs = [jnp.zeros((B, D), dtype=h.dtype) for _ in range(2)]
    for _ in range(5):
        inp = q_star
        for l in range(2):
            gates = jnp.dot(inp, lp['Wih' + str(l)].T) + lp['bih' + str(l)] + jnp.dot(hs[l], lp['Whh' + str(l)].T) + lp['bhh' + str(l)]
            ig, fg, gg, og = jnp.split(gates, 4, axis=1)
            c = jax.nn.sigmoid(fg) * cs[l] + jax.nn.sigmoid(ig) * jnp.tanh(gg)
            hl = jax.nn.sigmoid(og) * jnp.tanh(c)
            hs[l] = hl
            cs[l] = c
            inp = hl
        q = hs[1]
        e = jnp.sum(h * q[batch], axis=-1)
        emax = jax.ops.segment_max(e, batch, num_segments=B)
        emax = jnp.where(jnp.isfinite(emax), emax, 0.0)
        ee = jnp.exp(e - emax[batch])
        denom = jax.ops.segment_sum(ee, batch, num_segments=B)
        a = ee / (denom[batch] + 1e-16)
        r = jax.ops.segment_sum(a[:, None] * h, batch, num_segments=B)
        q_star = jnp.concatenate([q, r], axis=1)

    logits = jnp.dot(q_star, params['Wf']) + params['bf']
    return jax.nn.log_softmax(logits, axis=-1)


def setup_inputs() -> dict:
    keys = jax.random.split(jax.random.key(0), 80)
    it = iter(range(80))

    def nrm(shape, s=0.05):
        return (jax.random.normal(keys[next(it)], shape) * s).astype(jnp.float32)

    x = jax.random.normal(keys[next(it)], (N, D), dtype=jnp.float32)
    edge_index = jax.random.randint(keys[next(it)], (2, E), 0, N)
    edge_attr = jax.random.normal(keys[next(it)], (E, DE), dtype=jnp.float32)
    batch = jnp.sort(jax.random.randint(keys[next(it)], (N,), 0, B))

    params = {}
    for i in range(4):
        params['conv' + str(i)] = {
            'We1': nrm((DE, 8)), 'be1': jnp.zeros((8,), jnp.float32),
            'We2': nrm((8, D)), 'be2': jnp.zeros((D,), jnp.float32),
            'Wn1': nrm((D, D)), 'bn1': jnp.zeros((D,), jnp.float32),
            'Wn2': nrm((D, D)), 'bn2': jnp.zeros((D,), jnp.float32),
            'eps': jnp.zeros((), jnp.float32),
        }
        params['bn' + str(i) + '_g'] = jnp.ones((D,), jnp.float32)
        params['bn' + str(i) + '_b'] = jnp.zeros((D,), jnp.float32)
    params['lstm'] = {
        'Wih0': nrm((4 * D, 2 * D)), 'Whh0': nrm((4 * D, D)),
        'bih0': jnp.zeros((4 * D,), jnp.float32), 'bhh0': jnp.zeros((4 * D,), jnp.float32),
        'Wih1': nrm((4 * D, D)), 'Whh1': nrm((4 * D, D)),
        'bih1': jnp.zeros((4 * D,), jnp.float32), 'bhh1': jnp.zeros((4 * D,), jnp.float32),
    }
    params['Wf'] = nrm((2 * D, C))
    params['bf'] = jnp.zeros((C,), jnp.float32)

    return {'x': x, 'edge_index': edge_index, 'edge_attr': edge_attr, 'batch': batch, 'params': params}


def reference(x, edge_index, edge_attr, batch, params):
    return _forward(x, edge_attr, params, edge_index, batch)

if __name__ == "__main__":
    import jax
    _d = setup_inputs()
    print(jax.jit(kernel)(*tuple(_d.values())))

</pallas_src>

<mosaic_0001>
#map = affine_map<(d0, d1) -> (0, 0)>
#map1 = affine_map<(d0, d1) -> (0)>
#map2 = affine_map<(d0, d1) -> (0, 0, 0)>
module attributes {stable_mosaic.version = 14 : i64} {
  func.func @_edge_agg_body(%arg0: i32, %arg1: i32, %arg2: memref<10000x128xf32, #tpu.memory_space<hbm>>, %arg3: memref<320000xi32, #tpu.memory_space<hbm>>, %arg4: memref<320000xi32, #tpu.memory_space<hbm>>, %arg5: memref<320000x128xf32, #tpu.memory_space<hbm>>, %arg6: memref<10000x128xf32, #tpu.memory_space<hbm>>, %arg7: memref<2x10000x128xf32, #tpu.memory_space<hbm>>, %arg8: memref<128xi32, #tpu.memory_space<vmem>>, %arg9: memref<128xi32, #tpu.memory_space<vmem>>, %arg10: memref<16xi32, #tpu.memory_space<vmem>>, %arg11: memref<16xi32, #tpu.memory_space<vmem>>, %arg12: memref<128x128xf32, #tpu.memory_space<vmem>>, %arg13: memref<128x128xf32, #tpu.memory_space<vmem>>, %arg14: memref<16x128xf32, #tpu.memory_space<vmem>>, %arg15: memref<16x128xf32, #tpu.memory_space<vmem>>, %arg16: memref<10000x128xf32, #tpu.memory_space<vmem_shared>>, %arg17: memref<!tpu.dma_semaphore, #tpu.memory_space<semaphore_mem>>) attributes {dimension_semantics = [#tpu.dimension_semantics<core_parallel>, #tpu.dimension_semantics<subcore_parallel>], iteration_bounds = array<i64: 2, 16>, scalar_prefetch = 0 : i64, scratch_operands = 10 : i64, tpu.core_type = #tpu.core_type<sc_vector_subcore>, window_params = [{transform_indices = #map}, {transform_indices = #map1}, {transform_indices = #map1}, {transform_indices = #map}, {transform_indices = #map}, {transform_indices = #map2}]} {
    %mul3A = arith.constant 16 : i32
    %mul3A_0 = arith.muli %arg0, %mul3A : i32
    %add3A = arith.addi %mul3A_0, %arg1 : i32
    %lt3A = arith.constant 15 : i32
    %lt3A_1 = arith.cmpi slt, %arg1, %lt3A : i32
    %convert_element_type3A = arith.extui %lt3A_1 : i1 to i32
    %cond3A = arith.constant 0 : i32
    %cond3A_2 = arith.cmpi ne, %convert_element_type3A, %cond3A : i32
    scf.if %cond3A_2 {
      %mul3A_37 = arith.constant 640 : i32
      %mul3A_38 = arith.muli %arg1, %mul3A_37 : i32
      %mul3A_39 = arith.constant 640 : i32
      %mul3A_40 = arith.muli %arg1, %mul3A_39 : i32
      "tpu.region"() ({
        %run_scoped3A = tpu.sem_alloc : memref<!tpu.dma_semaphore, #tpu.memory_space<semaphore_mem>>
        %dma_start3A_41 = arith.constant 0 : i32
        %dma_start3A_42 = tpu.memref_slice %arg16[%mul3A_40, %dma_start3A_41] : memref<10000x128xf32, #tpu.memory_space<vmem_shared>> -> memref<640x128xf32, #tpu.memory_space<vmem_shared>>
        %dma_start3A_43 = arith.constant 0 : i32
        %dma_start3A_44 = tpu.memref_slice %arg6[%mul3A_38, %dma_start3A_43] : memref<10000x128xf32, #tpu.memory_space<hbm>> -> memref<640x128xf32, #tpu.memory_space<hbm>>
        tpu.enqueue_dma source(%dma_start3A_44 : memref<640x128xf32, #tpu.memory_space<hbm>>) target(%dma_start3A_42 : memref<640x128xf32, #tpu.memory_space<vmem_shared>>) target_semaphore(%run_scoped3A : memref<!tpu.dma_semaphore, #tpu.memory_space<semaphore_mem>>)
        %dma_wait3A_45 = arith.constant 0 : i32
        %dma_wait3A_46 = tpu.memref_slice %arg16[%mul3A_40, %dma_wait3A_45] : memref<10000x128xf32, #tpu.memory_space<vmem_shared>> -> memref<640x128xf32, #tpu.memory_space<vmem_shared>>
        %dma_wait3A_47 = arith.constant 0 : i32
        %dma_wait3A_48 = tpu.memref_slice %arg6[%mul3A_38, %dma_wait3A_47] : memref<10000x128xf32, #tpu.memory_space<hbm>> -> memref<640x128xf32, #tpu.memory_space<hbm>>
        tpu.wait_dma2 semaphore(%run_scoped3A : memref<!tpu.dma_semaphore, #tpu.memory_space<semaphore_mem>>) src(%dma_wait3A_48 : memref<640x128xf32, #tpu.memory_space<hbm>>) dst(%dma_wait3A_46 : memref<640x128xf32, #tpu.memory_space<vmem_shared>>)
        tpu.yield
      }) : () -> ()
    } else {
    }
    %eq3A = arith.constant 15 : i32
    %eq3A_3 = arith.cmpi eq, %arg1, %eq3A : i32
    %convert_element_type3A_4 = arith.extui %eq3A_3 : i1 to i32
    %cond3A_5 = arith.constant 0 : i32
    %cond3A_6 = arith.cmpi ne, %convert_element_type3A_4, %cond3A_5 : i32
    scf.if %cond3A_6 {
      "tpu.region"() ({
        %run_scoped3A = tpu.sem_alloc : memref<!tpu.dma_semaphore, #tpu.memory_space<semaphore_mem>>
        %dma_start3A_37 = arith.constant 9600 : i32
        %dma_start3A_38 = arith.constant 0 : i32
        %dma_start3A_39 = tpu.memref_slice %arg16[%dma_start3A_37, %dma_start3A_38] : memref<10000x128xf32, #tpu.memory_space<vmem_shared>> -> memref<400x128xf32, #tpu.memory_space<vmem_shared>>
        %dma_start3A_40 = arith.constant 9600 : i32
        %dma_start3A_41 = arith.constant 0 : i32
        %dma_start3A_42 = tpu.memref_slice %arg6[%dma_start3A_40, %dma_start3A_41] : memref<10000x128xf32, #tpu.memory_space<hbm>> -> memref<400x128xf32, #tpu.memory_space<hbm>>
        tpu.enqueue_dma source(%dma_start3A_42 : memref<400x128xf32, #tpu.memory_space<hbm>>) target(%dma_start3A_39 : memref<400x128xf32, #tpu.memory_space<vmem_shared>>) target_semaphore(%run_scoped3A : memref<!tpu.dma_semaphore, #tpu.memory_space<semaphore_mem>>)
        %dma_wait3A_43 = arith.constant 9600 : i32
        %dma_wait3A_44 = arith.constant 0 : i32
        %dma_wait3A_45 = tpu.memref_slice %arg16[%dma_wait3A_43, %dma_wait3A_44] : memref<10000x128xf32, #tpu.memory_space<vmem_shared>> -> memref<400x128xf32, #tpu.memory_space<vmem_shared>>
        %dma_wait3A_46 = arith.constant 9600 : i32
        %dma_wait3A_47 = arith.constant 0 : i32
        %dma_wait3A_48 = tpu.memref_slice %arg6[%dma_wait3A_46, %dma_wait3A_47] : memref<10000x128xf32, #tpu.memory_space<hbm>> -> memref<400x128xf32, #tpu.memory_space<hbm>>
        tpu.wait_dma2 semaphore(%run_scoped3A : memref<!tpu.dma_semaphore, #tpu.memory_space<semaphore_mem>>) src(%dma_wait3A_48 : memref<400x128xf32, #tpu.memory_space<hbm>>) dst(%dma_wait3A_45 : memref<400x128xf32, #tpu.memory_space<vmem_shared>>)
        tpu.yield
      }) : () -> ()
    } else {
    }
    %barrier3A = arith.constant 0 : index
    tpu.barrier barrier_id(%barrier3A)
    %mul3A_7 = arith.constant 10000 : i32
    %mul3A_8 = arith.muli %add3A, %mul3A_7 : i32
    %scan3A = arith.constant 0 : i32
    %scan3A_9 = arith.constant 0 : i32
    %scan3A_10 = arith.constant 78 : i32
    %scan3A_11 = arith.addi %scan3A_9, %scan3A_10 : i32
    %scan3A_12 = arith.constant 1 : i32
    scf.for %scan3A_37 = %scan3A_9 to %scan3A_11 step %scan3A_12  : i32 {
      %mul3A_38 = arith.constant 128 : i32
      %mul3A_39 = arith.muli %scan3A_37, %mul3A_38 : i32
      %add3A_40 = arith.addi %mul3A_8, %mul3A_39 : i32
      "tpu.region"() ({
        %run_scoped3A = tpu.sem_alloc : memref<!tpu.dma_semaphore, #tpu.memory_space<semaphore_mem>>
        %dma_start3A_53 = tpu.memref_slice %arg3[%add3A_40] : memref<320000xi32, #tpu.memory_space<hbm>> -> memref<128xi32, #tpu.memory_space<hbm>>
        %dma_start3A_54 = tpu.memref_slice %arg3[%add3A_40] : memref<320000xi32, #tpu.memory_space<hbm>> -> memref<128xi32, #tpu.memory_space<hbm>>
        tpu.enqueue_dma source(%dma_start3A_54 : memref<128xi32, #tpu.memory_space<hbm>>) target(%arg8 : memref<128xi32, #tpu.memory_space<vmem>>) target_semaphore(%run_scoped3A : memref<!tpu.dma_semaphore, #tpu.memory_space<semaphore_mem>>)
        %dma_wait3A_55 = tpu.memref_slice %arg3[%add3A_40] : memref<320000xi32, #tpu.memory_space<hbm>> -> memref<128xi32, #tpu.memory_space<hbm>>
        %dma_wait3A_56 = tpu.memref_slice %arg3[%add3A_40] : memref<320000xi32, #tpu.memory_space<hbm>> -> memref<128xi32, #tpu.memory_space<hbm>>
        tpu.wait_dma2 semaphore(%run_scoped3A : memref<!tpu.dma_semaphore, #tpu.memory_space<semaphore_mem>>) src(%dma_wait3A_56 : memref<128xi32, #tpu.memory_space<hbm>>) dst(%arg8 : memref<128xi32, #tpu.memory_space<vmem>>)
        tpu.yield
      }) : () -> ()
      "tpu.region"() ({
        %run_scoped3A = tpu.sem_alloc : memref<!tpu.dma_semaphore, #tpu.memory_space<semaphore_mem>>
        %dma_start3A_53 = tpu.memref_slice %arg4[%add3A_40] : memref<320000xi32, #tpu.memory_space<hbm>> -> memref<128xi32, #tpu.memory_space<hbm>>
        %dma_start3A_54 = tpu.memref_slice %arg4[%add3A_40] : memref<320000xi32, #tpu.memory_space<hbm>> -> memref<128xi32, #tpu.memory_space<hbm>>
        tpu.enqueue_dma source(%dma_start3A_54 : memref<128xi32, #tpu.memory_space<hbm>>) target(%arg9 : memref<128xi32, #tpu.memory_space<vmem>>) target_semaphore(%run_scoped3A : memref<!tpu.dma_semaphore, #tpu.memory_space<semaphore_mem>>)
        %dma_wait3A_55 = tpu.memref_slice %arg4[%add3A_40] : memref<320000xi32, #tpu.memory_space<hbm>> -> memref<128xi32, #tpu.memory_space<hbm>>
        %dma_wait3A_56 = tpu.memref_slice %arg4[%add3A_40] : memref<320000xi32, #tpu.memory_space<hbm>> -> memref<128xi32, #tpu.memory_space<hbm>>
        tpu.wait_dma2 semaphore(%run_scoped3A : memref<!tpu.dma_semaphore, #tpu.memory_space<semaphore_mem>>) src(%dma_wait3A_56 : memref<128xi32, #tpu.memory_space<hbm>>) dst(%arg9 : memref<128xi32, #tpu.memory_space<vmem>>)
        tpu.yield
      }) : () -> ()
      %dma_start3A_41 = arith.constant 0 : i32
      %dma_start3A_42 = arith.constant 0 : i32
      %dma_start3A_43 = tpu.memref_slice %arg2[%dma_start3A_41, %dma_start3A_42] : memref<10000x128xf32, #tpu.memory_space<hbm>> -> memref<10000x128xf32, #tpu.memory_space<hbm>>
      tpu.enqueue_indirect_dma source(%dma_start3A_43 : memref<10000x128xf32, #tpu.memory_space<hbm>>) target(%arg12 : memref<128x128xf32, #tpu.memory_space<vmem>>) offsets(%arg8 : memref<128xi32, #tpu.memory_space<vmem>>) semaphore(%arg17 : memref<!tpu.dma_semaphore, #tpu.memory_space<semaphore_mem>>)
      "tpu.region"() ({
        %run_scoped3A = tpu.sem_alloc : memref<!tpu.dma_semaphore, #tpu.memory_space<semaphore_mem>>
        %dma_start3A_53 = arith.constant 0 : i32
        %dma_start3A_54 = tpu.memref_slice %arg5[%add3A_40, %dma_start3A_53] : memref<320000x128xf32, #tpu.memory_space<hbm>> -> memref<128x128xf32, #tpu.memory_space<hbm>>
        %dma_start3A_55 = arith.constant 0 : i32
        %dma_start3A_56 = tpu.memref_slice %arg5[%add3A_40, %dma_start3A_55] : memref<320000x128xf32, #tpu.memory_space<hbm>> -> memref<128x128xf32, #tpu.memory_space<hbm>>
        tpu.enqueue_dma source(%dma_start3A_56 : memref<128x128xf32, #tpu.memory_space<hbm>>) target(%arg13 : memref<128x128xf32, #tpu.memory_space<vmem>>) target_semaphore(%run_scoped3A : memref<!tpu.dma_semaphore, #tpu.memory_space<semaphore_mem>>)
        %dma_wait3A_57 = arith.constant 0 : i32
        %dma_wait3A_58 = tpu.memref_slice %arg5[%add3A_40, %dma_wait3A_57] : memref<320000x128xf32, #tpu.memory_space<hbm>> -> memref<128x128xf32, #tpu.memory_space<hbm>>
        %dma_wait3A_59 = arith.constant 0 : i32
        %dma_wait3A_60 = tpu.memref_slice %arg5[%add3A_40, %dma_wait3A_59] : memref<320000x128xf32, #tpu.memory_space<hbm>> -> memref<128x128xf32, #tpu.memory_space<hbm>>
        tpu.wait_dma2 semaphore(%run_scoped3A : memref<!tpu.dma_semaphore, #tpu.memory_space<semaphore_mem>>) src(%dma_wait3A_60 : memref<128x128xf32, #tpu.memory_space<hbm>>) dst(%arg13 : memref<128x128xf32, #tpu.memory_space<vmem>>)
        tpu.yield
      }) : () -> ()
      %dma_wait3A_44 = arith.constant 0 : i32
      %dma_wait3A_45 = arith.constant 0 : i32
      %dma_wait3A_46 = tpu.memref_slice %arg2[%dma_wait3A_44, %dma_wait3A_45] : memref<10000x128xf32, #tpu.memory_space<hbm>> -> memref<10000x128xf32, #tpu.memory_space<hbm>>
      tpu.wait_indirect_dma semaphore(%arg17 : memref<!tpu.dma_semaphore, #tpu.memory_space<semaphore_mem>>) src(%dma_wait3A_46 : memref<10000x128xf32, #tpu.memory_space<hbm>>) dst(%arg12 : memref<128x128xf32, #tpu.memory_space<vmem>>)
      %scan3A_47 = arith.constant 0 : i32
      %scan3A_48 = arith.constant 0 : i32
      %scan3A_49 = arith.constant 128 : i32
      %scan3A_50 = arith.addi %scan3A_48, %scan3A_49 : i32
      %scan3A_51 = arith.constant 1 : i32
      scf.for %scan3A_53 = %scan3A_48 to %scan3A_50 step %scan3A_51  : i32 {
        %get3A = arith.index_cast %scan3A_53 : i32 to index
        %get3A_54 = arith.constant 0 : index
        %get3A_55 = tpu.vector_load %arg12[%get3A, %get3A_54] {strides = array<i32>} : memref<128x128xf32, #tpu.memory_space<vmem>>, vector<1x16xf32>,
        %get3A_56 = vector.shape_cast %get3A_55 : vector<1x16xf32> to vector<16xf32>
        %get3A_57 = arith.index_cast %scan3A_53 : i32 to index
        %get3A_58 = arith.constant 0 : index
        %get3A_59 = tpu.vector_load %arg13[%get3A_57, %get3A_58] {strides = array<i32>} : memref<128x128xf32, #tpu.memory_space<vmem>>, vector<1x16xf32>,
        %get3A_60 = vector.shape_cast %get3A_59 : vector<1x16xf32> to vector<16xf32>
        %mul3A_61 = arith.mulf %get3A_56, %get3A_60 : vector<16xf32>
        %swap3A = arith.index_cast %scan3A_53 : i32 to index
        %swap3A_62 = arith.constant 0 : index
        %swap3A_63 = tpu.vector_load %arg12[%swap3A, %swap3A_62] {strides = array<i32>} : memref<128x128xf32, #tpu.memory_space<vmem>>, vector<1x16xf32>,
        %swap3A_64 = vector.shape_cast %swap3A_63 : vector<1x16xf32> to vector<16xf32>
        %swap3A_65 = vector.shape_cast %mul3A_61 : vector<16xf32> to vector<1x16xf32>
        tpu.vector_store %arg12[%swap3A, %swap3A_62], %swap3A_65 {strides = array<i32>} : memref<128x128xf32, #tpu.memory_space<vmem>>, vector<1x16xf32>,
        %get3A_66 = arith.index_cast %scan3A_53 : i32 to index
        %get3A_67 = arith.constant 16 : index
        %get3A_68 = tpu.vector_load %arg12[%get3A_66, %get3A_67] {strides = array<i32>} : memref<128x128xf32, #tpu.memory_space<vmem>>, vector<1x16xf32>,
        %get3A_69 = vector.shape_cast %get3A_68 : vector<1x16xf32> to vector<16xf32>
        %get3A_70 = arith.index_cast %scan3A_53 : i32 to index
        %get3A_71 = arith.constant 16 : index
        %get3A_72 = tpu.vector_load %arg13[%get3A_70, %get3A_71] {strides = array<i32>} : memref<128x128xf32, #tpu.memory_space<vmem>>, vector<1x16xf32>,
        %get3A_73 = vector.shape_cast %get3A_72 : vector<1x16xf32> to vector<16xf32>
        %mul3A_74 = arith.mulf %get3A_69, %get3A_73 : vector<16xf32>
        %swap3A_75 = arith.index_cast %scan3A_53 : i32 to index
        %swap3A_76 = arith.constant 16 : index
        %swap3A_77 = tpu.vector_load %arg12[%swap3A_75, %swap3A_76] {strides = array<i32>} : memref<128x128xf32, #tpu.memory_space<vmem>>, vector<1x16xf32>,
        %swap3A_78 = vector.shape_cast %swap3A_77 : vector<1x16xf32> to vector<16xf32>
        %swap3A_79 = vector.shape_cast %mul3A_74 : vector<16xf32> to vector<1x16xf32>
        tpu.vector_store %arg12[%swap3A_75, %swap3A_76], %swap3A_79 {strides = array<i32>} : memref<128x128xf32, #tpu.memory_space<vmem>>, vector<1x16xf32>,
        %get3A_80 = arith.index_cast %scan3A_53 : i32 to index
        %get3A_81 = arith.constant 32 : index
        %get3A_82 = tpu.vector_load %arg12[%get3A_80, %get3A_81] {strides = array<i32>} : memref<128x128xf32, #tpu.memory_space<vmem>>, vector<1x16xf32>,
        %get3A_83 = vector.shape_cast %get3A_82 : vector<1x16xf32> to vector<16xf32>
        %get3A_84 = arith.index_cast %scan3A_53 : i32 to index
        %get3A_85 = arith.constant 32 : index
        %get3A_86 = tpu.vector_load %arg13[%get3A_84, %get3A_85] {strides = array<i32>} : memref<128x128xf32, #tpu.memory_space<vmem>>, vector<1x16xf32>,
        %get3A_87 = vector.shape_cast %get3A_86 : vector<1x16xf32> to vector<16xf32>
        %mul3A_88 = arith.mulf %get3A_83, %get3A_87 : vector<16xf32>
        %swap3A_89 = arith.index_cast %scan3A_53 : i32 to index
        %swap3A_90 = arith.constant 32 : index
        %swap3A_91 = tpu.vector_load %arg12[%swap3A_89, %swap3A_90] {strides = array<i32>} : memref<128x128xf32, #tpu.memory_space<vmem>>, vector<1x16xf32>,
        %swap3A_92 = vector.shape_cast %swap3A_91 : vector<1x16xf32> to vector<16xf32>
        %swap3A_93 = vector.shape_cast %mul3A_88 : vector<16xf32> to vector<1x16xf32>
        tpu.vector_store %arg12[%swap3A_89, %swap3A_90], %swap3A_93 {strides = array<i32>} : memref<128x128xf32, #tpu.memory_space<vmem>>, vector<1x16xf32>,
        %get3A_94 = arith.index_cast %scan3A_53 : i32 to index
        %get3A_95 = arith.constant 48 : index
        %get3A_96 = tpu.vector_load %arg12[%get3A_94, %get3A_95] {strides = array<i32>} : memref<128x128xf32, #tpu.memory_space<vmem>>, vector<1x16xf32>,
        %get3A_97 = vector.shape_cast %get3A_96 : vector<1x16xf32> to vector<16xf32>
        %get3A_98 = arith.index_cast %scan3A_53 : i32 to index
        %get3A_99 = arith.constant 48 : index
        %get3A_100 = tpu.vector_load %arg13[%get3A_98, %get3A_99] {strides = array<i32>} : memref<128x128xf32, #tpu.memory_space<vmem>>, vector<1x16xf32>,
        %get3A_101 = vector.shape_cast %get3A_100 : vector<1x16xf32> to vector<16xf32>
        %mul3A_102 = arith.mulf %get3A_97, %get3A_101 : vector<16xf32>
        %swap3A_103 = arith.index_cast %scan3A_53 : i32 to index
        %swap3A_104 = arith.constant 48 : index
        %swap3A_105 = tpu.vector_load %arg12[%swap3A_103, %swap3A_104] {strides = array<i32>} : memref<128x128xf32, #tpu.memory_space<vmem>>, vector<1x16xf32>,
        %swap3A_106 = vector.shape_cast %swap3A_105 : vector<1x16xf32> to vector<16xf32>
        %swap3A_107 = vector.shape_cast %mul3A_102 : vector<16xf32> to vector<1x16xf32>
        tpu.vector_store %arg12[%swap3A_103, %swap3A_104], %swap3A_107 {strides = array<i32>} : memref<128x128xf32, #tpu.memory_space<vmem>>, vector<1x16xf32>,
        %get3A_108 = arith.index_cast %scan3A_53 : i32 to index
        %get3A_109 = arith.constant 64 : index
        %get3A_110 = tpu.vector_load %arg12[%get3A_108, %get3A_109] {strides = array<i32>} : memref<128x128xf32, #tpu.memory_space<vmem>>, vector<1x16xf32>,
        %get3A_111 = vector.shape_cast %get3A_110 : vector<1x16xf32> to vector<16xf32>
        %get3A_112 = arith.index_cast %scan3A_53 : i32 to index
        %get3A_113 = arith.constant 64 : index
        %get3A_114 = tpu.vector_load %arg13[%get3A_112, %get3A_113] {strides = array<i32>} : memref<128x128xf32, #tpu.memory_space<vmem>>, vector<1x16xf32>,
        %get3A_115 = vector.shape_cast %get3A_114 : vector<1x16xf32> to vector<16xf32>
        %mul3A_116 = arith.mulf %get3A_111, %get3A_115 : vector<16xf32>
        %swap3A_117 = arith.index_cast %scan3A_53 : i32 to index
        %swap3A_118 = arith.constant 64 : index
        %swap3A_119 = tpu.vector_load %arg12[%swap3A_117, %swap3A_118] {strides = array<i32>} : memref<128x128xf32, #tpu.memory_space<vmem>>, vector<1x16xf32>,
        %swap3A_120 = vector.shape_cast %swap3A_119 : vector<1x16xf32> to vector<16xf32>
        %swap3A_121 = vector.shape_cast %mul3A_116 : vector<16xf32> to vector<1x16xf32>
        tpu.vector_store %arg12[%swap3A_117, %swap3A_118], %swap3A_121 {strides = array<i32>} : memref<128x128xf32, #tpu.memory_space<vmem>>, vector<1x16xf32>,
        %get3A_122 = arith.index_cast %scan3A_53 : i32 to index
        %get3A_123 = arith.constant 80 : index
        %get3A_124 = tpu.vector_load %arg12[%get3A_122, %get3A_123] {strides = array<i32>} : memref<128x128xf32, #tpu.memory_space<vmem>>, vector<1x16xf32>,
        %get3A_125 = vector.shape_cast %get3A_124 : vector<1x16xf32> to vector<16xf32>
        %get3A_126 = arith.index_cast %scan3A_53 : i32 to index
        %get3A_127 = arith.constant 80 : index
        %get3A_128 = tpu.vector_load %arg13[%get3A_126, %get3A_127] {strides = array<i32>} : memref<128x128xf32, #tpu.memory_space<vmem>>, vector<1x16xf32>,
        %get3A_129 = vector.shape_cast %get3A_128 : vector<1x16xf32> to vector<16xf32>
        %mul3A_130 = arith.mulf %get3A_125, %get3A_129 : vector<16xf32>
        %swap3A_131 = arith.index_cast %scan3A_53 : i32 to index
        %swap3A_132 = arith.constant 80 : index
        %swap3A_133 = tpu.vector_load %arg12[%swap3A_131, %swap3A_132] {strides = array<i32>} : memref<128x128xf32, #tpu.memory_space<vmem>>, vector<1x16xf32>,
        %swap3A_134 = vector.shape_cast %swap3A_133 : vector<1x16xf32> to vector<16xf32>
        %swap3A_135 = vector.shape_cast %mul3A_130 : vector<16xf32> to vector<1x16xf32>
        tpu.vector_store %arg12[%swap3A_131, %swap3A_132], %swap3A_135 {strides = array<i32>} : memref<128x128xf32, #tpu.memory_space<vmem>>, vector<1x16xf32>,
        %get3A_136 = arith.index_cast %scan3A_53 : i32 to index
        %get3A_137 = arith.constant 96 : index
        %get3A_138 = tpu.vector_load %arg12[%get3A_136, %get3A_137] {strides = array<i32>} : memref<128x128xf32, #tpu.memory_space<vmem>>, vector<1x16xf32>,
        %get3A_139 = vector.shape_cast %get3A_138 : vector<1x16xf32> to vector<16xf32>
        %get3A_140 = arith.index_cast %scan3A_53 : i32 to index
        %get3A_141 = arith.constant 96 : index
        %get3A_142 = tpu.vector_load %arg13[%get3A_140, %get3A_141] {strides = array<i32>} : memref<128x128xf32, #tpu.memory_space<vmem>>, vector<1x16xf32>,
        %get3A_143 = vector.shape_cast %get3A_142 : vector<1x16xf32> to vector<16xf32>
        %mul3A_144 = arith.mulf %get3A_139, %get3A_143 : vector<16xf32>
        %swap3A_145 = arith.index_cast %scan3A_53 : i32 to index
        %swap3A_146 = arith.constant 96 : index
        %swap3A_147 = tpu.vector_load %arg12[%swap3A_145, %swap3A_146] {strides = array<i32>} : memref<128x128xf32, #tpu.memory_space<vmem>>, vector<1x16xf32>,
        %swap3A_148 = vector.shape_cast %swap3A_147 : vector<1x16xf32> to vector<16xf32>
        %swap3A_149 = vector.shape_cast %mul3A_144 : vector<16xf32> to vector<1x16xf32>
        tpu.vector_store %arg12[%swap3A_145, %swap3A_146], %swap3A_149 {strides = array<i32>} : memref<128x128xf32, #tpu.memory_space<vmem>>, vector<1x16xf32>,
        %get3A_150 = arith.index_cast %scan3A_53 : i32 to index
        %get3A_151 = arith.constant 112 : index
        %get3A_152 = tpu.vector_load %arg12[%get3A_150, %get3A_151] {strides = array<i32>} : memref<128x128xf32, #tpu.memory_space<vmem>>, vector<1x16xf32>,
        %get3A_153 = vector.shape_cast %get3A_152 : vector<1x16xf32> to vector<16xf32>
        %get3A_154 = arith.index_cast %scan3A_53 : i32 to index
        %get3A_155 = arith.constant 112 : index
        %get3A_156 = tpu.vector_load %arg13[%get3A_154, %get3A_155] {strides = array<i32>} : memref<128x128xf32, #tpu.memory_space<vmem>>, vector<1x16xf32>,
        %get3A_157 = vector.shape_cast %get3A_156 : vector<1x16xf32> to vector<16xf32>
        %mul3A_158 = arith.mulf %get3A_153, %get3A_157 : vector<16xf32>
        %swap3A_159 = arith.index_cast %scan3A_53 : i32 to index
        %swap3A_160 = arith.constant 112 : index
        %swap3A_161 = tpu.vector_load %arg12[%swap3A_159, %swap3A_160] {strides = array<i32>} : memref<128x128xf32, #tpu.memory_space<vmem>>, vector<1x16xf32>,
        %swap3A_162 = vector.shape_cast %swap3A_161 : vector<1x16xf32> to vector<16xf32>
        %swap3A_163 = vector.shape_cast %mul3A_158 : vector<16xf32> to vector<1x16xf32>
        tpu.vector_store %arg12[%swap3A_159, %swap3A_160], %swap3A_163 {strides = array<i32>} : memref<128x128xf32, #tpu.memory_space<vmem>>, vector<1x16xf32>,
      }
      %scan3A_52 = arith.constant 128 : i32
      "tpu.region"() ({
        %run_scoped3A = tpu.sem_alloc : memref<!tpu.dma_semaphore, #tpu.memory_space<semaphore_mem>>
        %dma_start3A_53 = arith.constant 0 : i32
        %dma_start3A_54 = arith.constant 0 : i32
        %dma_start3A_55 = tpu.memref_slice %arg16[%dma_start3A_53, %dma_start3A_54] : memref<10000x128xf32, #tpu.memory_space<vmem_shared>> -> memref<10000x128xf32, #tpu.memory_space<vmem_shared>>
        tpu.enqueue_indirect_dma source(%arg12 : memref<128x128xf32, #tpu.memory_space<vmem>>) target(%dma_start3A_55 : memref<10000x128xf32, #tpu.memory_space<vmem_shared>>) offsets(%arg9 : memref<128xi32, #tpu.memory_space<vmem>>) semaphore(%run_scoped3A : memref<!tpu.dma_semaphore, #tpu.memory_space<semaphore_mem>>) {add = true}
        %dma_wait3A_56 = arith.constant 0 : i32
        %dma_wait3A_57 = arith.constant 0 : i32
        %dma_wait3A_58 = tpu.memref_slice %arg16[%dma_wait3A_56, %dma_wait3A_57] : memref<10000x128xf32, #tpu.memory_space<vmem_shared>> -> memref<10000x128xf32, #tpu.memory_space<vmem_shared>>
        tpu.wait_indirect_dma semaphore(%run_scoped3A : memref<!tpu.dma_semaphore, #tpu.memory_space<semaphore_mem>>) src(%arg12 : memref<128x128xf32, #tpu.memory_space<vmem>>) dst(%dma_wait3A_58 : memref<10000x128xf32, #tpu.memory_space<vmem_shared>>)
        tpu.yield
      }) : () -> ()
    }
    %scan3A_13 = arith.constant 78 : i32
    %add3A_14 = arith.constant 9984 : i32
    %add3A_15 = arith.addi %mul3A_8, %add3A_14 : i32
    "tpu.region"() ({
      %run_scoped3A = tpu.sem_alloc : memref<!tpu.dma_semaphore, #tpu.memory_space<semaphore_mem>>
      %dma_start3A_37 = tpu.memref_slice %arg3[%add3A_15] : memref<320000xi32, #tpu.memory_space<hbm>> -> memref<16xi32, #tpu.memory_space<hbm>>
      %dma_start3A_38 = tpu.memref_slice %arg3[%add3A_15] : memref<320000xi32, #tpu.memory_space<hbm>> -> memref<16xi32, #tpu.memory_space<hbm>>
      tpu.enqueue_dma source(%dma_start3A_38 : memref<16xi32, #tpu.memory_space<hbm>>) target(%arg10 : memref<16xi32, #tpu.memory_space<vmem>>) target_semaphore(%run_scoped3A : memref<!tpu.dma_semaphore, #tpu.memory_space<semaphore_mem>>)
      %dma_wait3A_39 = tpu.memref_slice %arg3[%add3A_15] : memref<320000xi32, #tpu.memory_space<hbm>> -> memref<16xi32, #tpu.memory_space<hbm>>
      %dma_wait3A_40 = tpu.memref_slice %arg3[%add3A_15] : memref<320000xi32, #tpu.memory_space<hbm>> -> memref<16xi32, #tpu.memory_space<hbm>>
      tpu.wait_dma2 semaphore(%run_scoped3A : memref<!tpu.dma_semaphore, #tpu.memory_space<semaphore_mem>>) src(%dma_wait3A_40 : memref<16xi32, #tpu.memory_space<hbm>>) dst(%arg10 : memref<16xi32, #tpu.memory_space<vmem>>)
      tpu.yield
    }) : () -> ()
    "tpu.region"() ({
      %run_scoped3A = tpu.sem_alloc : memref<!tpu.dma_semaphore, #tpu.memory_space<semaphore_mem>>
      %dma_start3A_37 = tpu.memref_slice %arg4[%add3A_15] : memref<320000xi32, #tpu.memory_space<hbm>> -> memref<16xi32, #tpu.memory_space<hbm>>
      %dma_start3A_38 = tpu.memref_slice %arg4[%add3A_15] : memref<320000xi32, #tpu.memory_space<hbm>> -> memref<16xi32, #tpu.memory_space<hbm>>
      tpu.enqueue_dma source(%dma_start3A_38 : memref<16xi32, #tpu.memory_space<hbm>>) target(%arg11 : memref<16xi32, #tpu.memory_space<vmem>>) target_semaphore(%run_scoped3A : memref<!tpu.dma_semaphore, #tpu.memory_space<semaphore_mem>>)
      %dma_wait3A_39 = tpu.memref_slice %arg4[%add3A_15] : memref<320000xi32, #tpu.memory_space<hbm>> -> memref<16xi32, #tpu.memory_space<hbm>>
      %dma_wait3A_40 = tpu.memref_slice %arg4[%add3A_15] : memref<320000xi32, #tpu.memory_space<hbm>> -> memref<16xi32, #tpu.memory_space<hbm>>
      tpu.wait_dma2 semaphore(%run_scoped3A : memref<!tpu.dma_semaphore, #tpu.memory_space<semaphore_mem>>) src(%dma_wait3A_40 : memref<16xi32, #tpu.memory_space<hbm>>) dst(%arg11 : memref<16xi32, #tpu.memory_space<vmem>>)
      tpu.yield
    }) : () -> ()
    %dma_start3A = arith.constant 0 : i32
    %dma_start3A_16 = arith.constant 0 : i32
    %dma_start3A_17 = tpu.memref_slice %arg2[%dma_start3A, %dma_start3A_16] : memref<10000x128xf32, #tpu.memory_space<hbm>> -> memref<10000x128xf32, #tpu.memory_space<hbm>>
    tpu.enqueue_indirect_dma source(%dma_start3A_17 : memref<10000x128xf32, #tpu.memory_space<hbm>>) target(%arg14 : memref<16x128xf32, #tpu.memory_space<vmem>>) offsets(%arg10 : memref<16xi32, #tpu.memory_space<vmem>>) semaphore(%arg17 : memref<!tpu.dma_semaphore, #tpu.memory_space<semaphore_mem>>)
    "tpu.region"() ({
      %run_scoped3A = tpu.sem_alloc : memref<!tpu.dma_semaphore, #tpu.memory_space<semaphore_mem>>
      %dma_start3A_37 = arith.constant 0 : i32
      %dma_start3A_38 = tpu.memref_slice %arg5[%add3A_15, %dma_start3A_37] : memref<320000x128xf32, #tpu.memory_space<hbm>> -> memref<16x128xf32, #tpu.memory_space<hbm>>
      %dma_start3A_39 = arith.constant 0 : i32
      %dma_start3A_40 = tpu.memref_slice %arg5[%add3A_15, %dma_start3A_39] : memref<320000x128xf32, #tpu.memory_space<hbm>> -> memref<16x128xf32, #tpu.memory_space<hbm>>
      tpu.enqueue_dma source(%dma_start3A_40 : memref<16x128xf32, #tpu.memory_space<hbm>>) target(%arg15 : memref<16x128xf32, #tpu.memory_space<vmem>>) target_semaphore(%run_scoped3A : memref<!tpu.dma_semaphore, #tpu.memory_space<semaphore_mem>>)
      %dma_wait3A_41 = arith.constant 0 : i32
      %dma_wait3A_42 = tpu.memref_slice %arg5[%add3A_15, %dma_wait3A_41] : memref<320000x128xf32, #tpu.memory_space<hbm>> -> memref<16x128xf32, #tpu.memory_space<hbm>>
      %dma_wait3A_43 = arith.constant 0 : i32
      %dma_wait3A_44 = tpu.memref_slice %arg5[%add3A_15, %dma_wait3A_43] : memref<320000x128xf32, #tpu.memory_space<hbm>> -> memref<16x128xf32, #tpu.memory_space<hbm>>
      tpu.wait_dma2 semaphore(%run_scoped3A : memref<!tpu.dma_semaphore, #tpu.memory_space<semaphore_mem>>) src(%dma_wait3A_44 : memref<16x128xf32, #tpu.memory_space<hbm>>) dst(%arg15 : memref<16x128xf32, #tpu.memory_space<vmem>>)
      tpu.yield
    }) : () -> ()
    %dma_wait3A = arith.constant 0 : i32
    %dma_wait3A_18 = arith.constant 0 : i32
    %dma_wait3A_19 = tpu.memref_slice %arg2[%dma_wait3A, %dma_wait3A_18] : memref<10000x128xf32, #tpu.memory_space<hbm>> -> memref<10000x128xf32, #tpu.memory_space<hbm>>
    tpu.wait_indirect_dma semaphore(%arg17 : memref<!tpu.dma_semaphore, #tpu.memory_space<semaphore_mem>>) src(%dma_wait3A_19 : memref<10000x128xf32, #tpu.memory_space<hbm>>) dst(%arg14 : memref<16x128xf32, #tpu.memory_space<vmem>>)
    %scan3A_20 = arith.constant 0 : i32
    %scan3A_21 = arith.constant 0 : i32
    %scan3A_22 = arith.constant 16 : i32
    %scan3A_23 = arith.addi %scan3A_21, %scan3A_22 : i32
    %scan3A_24 = arith.constant 1 : i32
    scf.for %scan3A_37 = %scan3A_21 to %scan3A_23 step %scan3A_24  : i32 {
      %get3A = arith.index_cast %scan3A_37 : i32 to index
      %get3A_38 = arith.constant 0 : index
      %get3A_39 = tpu.vector_load %arg14[%get3A, %get3A_38] {strides = array<i32>} : memref<16x128xf32, #tpu.memory_space<vmem>>, vector<1x16xf32>,
      %get3A_40 = vector.shape_cast %get3A_39 : vector<1x16xf32> to vector<16xf32>
      %get3A_41 = arith.index_cast %scan3A_37 : i32 to index
      %get3A_42 = arith.constant 0 : index
      %get3A_43 = tpu.vector_load %arg15[%get3A_41, %get3A_42] {strides = array<i32>} : memref<16x128xf32, #tpu.memory_space<vmem>>, vector<1x16xf32>,
      %get3A_44 = vector.shape_cast %get3A_43 : vector<1x16xf32> to vector<16xf32>
      %mul3A_45 = arith.mulf %get3A_40, %get3A_44 : vector<16xf32>
      %swap3A = arith.index_cast %scan3A_37 : i32 to index
      %swap3A_46 = arith.constant 0 : index
      %swap3A_47 = tpu.vector_load %arg14[%swap3A, %swap3A_46] {strides = array<i32>} : memref<16x128xf32, #tpu.memory_space<vmem>>, vector<1x16xf32>,
      %swap3A_48 = vector.shape_cast %swap3A_47 : vector<1x16xf32> to vector<16xf32>
      %swap3A_49 = vector.shape_cast %mul3A_45 : vector<16xf32> to vector<1x16xf32>
      tpu.vector_store %arg14[%swap3A, %swap3A_46], %swap3A_49 {strides = array<i32>} : memref<16x128xf32, #tpu.memory_space<vmem>>, vector<1x16xf32>,
      %get3A_50 = arith.index_cast %scan3A_37 : i32 to index
      %get3A_51 = arith.constant 16 : index
      %get3A_52 = tpu.vector_load %arg14[%get3A_50, %get3A_51] {strides = array<i32>} : memref<16x128xf32, #tpu.memory_space<vmem>>, vector<1x16xf32>,
      %get3A_53 = vector.shape_cast %get3A_52 : vector<1x16xf32> to vector<16xf32>
      %get3A_54 = arith.index_cast %scan3A_37 : i32 to index
      %get3A_55 = arith.constant 16 : index
      %get3A_56 = tpu.vector_load %arg15[%get3A_54, %get3A_55] {strides = array<i32>} : memref<16x128xf32, #tpu.memory_space<vmem>>, vector<1x16xf32>,
      %get3A_57 = vector.shape_cast %get3A_56 : vector<1x16xf32> to vector<16xf32>
      %mul3A_58 = arith.mulf %get3A_53, %get3A_57 : vector<16xf32>
      %swap3A_59 = arith.index_cast %scan3A_37 : i32 to index
      %swap3A_60 = arith.constant 16 : index
      %swap3A_61 = tpu.vector_load %arg14[%swap3A_59, %swap3A_60] {strides = array<i32>} : memref<16x128xf32, #tpu.memory_space<vmem>>, vector<1x16xf32>,
      %swap3A_62 = vector.shape_cast %swap3A_61 : vector<1x16xf32> to vector<16xf32>
      %swap3A_63 = vector.shape_cast %mul3A_58 : vector<16xf32> to vector<1x16xf32>
      tpu.vector_store %arg14[%swap3A_59, %swap3A_60], %swap3A_63 {strides = array<i32>} : memref<16x128xf32, #tpu.memory_space<vmem>>, vector<1x16xf32>,
      %get3A_64 = arith.index_cast %scan3A_37 : i32 to index
      %get3A_65 = arith.constant 32 : index
      %get3A_66 = tpu.vector_load %arg14[%get3A_64, %get3A_65] {strides = array<i32>} : memref<16x128xf32, #tpu.memory_space<vmem>>, vector<1x16xf32>,
      %get3A_67 = vector.shape_cast %get3A_66 : vector<1x16xf32> to vector<16xf32>
      %get3A_68 = arith.index_cast %scan3A_37 : i32 to index
      %get3A_69 = arith.constant 32 : index
      %get3A_70 = tpu.vector_load %arg15[%get3A_68, %get3A_69] {strides = array<i32>} : memref<16x128xf32, #tpu.memory_space<vmem>>, vector<1x16xf32>,
      %get3A_71 = vector.shape_cast %get3A_70 : vector<1x16xf32> to vector<16xf32>
      %mul3A_72 = arith.mulf %get3A_67, %get3A_71 : vector<16xf32>
      %swap3A_73 = arith.index_cast %scan3A_37 : i32 to index
      %swap3A_74 = arith.constant 32 : index
      %swap3A_75 = tpu.vector_load %arg14[%swap3A_73, %swap3A_74] {strides = array<i32>} : memref<16x128xf32, #tpu.memory_space<vmem>>, vector<1x16xf32>,
      %swap3A_76 = vector.shape_cast %swap3A_75 : vector<1x16xf32> to vector<16xf32>
      %swap3A_77 = vector.shape_cast %mul3A_72 : vector<16xf32> to vector<1x16xf32>
      tpu.vector_store %arg14[%swap3A_73, %swap3A_74], %swap3A_77 {strides = array<i32>} : memref<16x128xf32, #tpu.memory_space<vmem>>, vector<1x16xf32>,
      %get3A_78 = arith.index_cast %scan3A_37 : i32 to index
      %get3A_79 = arith.constant 48 : index
      %get3A_80 = tpu.vector_load %arg14[%get3A_78, %get3A_79] {strides = array<i32>} : memref<16x128xf32, #tpu.memory_space<vmem>>, vector<1x16xf32>,
      %get3A_81 = vector.shape_cast %get3A_80 : vector<1x16xf32> to vector<16xf32>
      %get3A_82 = arith.index_cast %scan3A_37 : i32 to index
      %get3A_83 = arith.constant 48 : index
      %get3A_84 = tpu.vector_load %arg15[%get3A_82, %get3A_83] {strides = array<i32>} : memref<16x128xf32, #tpu.memory_space<vmem>>, vector<1x16xf32>,
      %get3A_85 = vector.shape_cast %get3A_84 : vector<1x16xf32> to vector<16xf32>
      %mul3A_86 = arith.mulf %get3A_81, %get3A_85 : vector<16xf32>
      %swap3A_87 = arith.index_cast %scan3A_37 : i32 to index
      %swap3A_88 = arith.constant 48 : index
      %swap3A_89 = tpu.vector_load %arg14[%swap3A_87, %swap3A_88] {strides = array<i32>} : memref<16x128xf32, #tpu.memory_space<vmem>>, vector<1x16xf32>,
      %swap3A_90 = vector.shape_cast %swap3A_89 : vector<1x16xf32> to vector<16xf32>
      %swap3A_91 = vector.shape_cast %mul3A_86 : vector<16xf32> to vector<1x16xf32>
      tpu.vector_store %arg14[%swap3A_87, %swap3A_88], %swap3A_91 {strides = array<i32>} : memref<16x128xf32, #tpu.memory_space<vmem>>, vector<1x16xf32>,
      %get3A_92 = arith.index_cast %scan3A_37 : i32 to index
      %get3A_93 = arith.constant 64 : index
      %get3A_94 = tpu.vector_load %arg14[%get3A_92, %get3A_93] {strides = array<i32>} : memref<16x128xf32, #tpu.memory_space<vmem>>, vector<1x16xf32>,
      %get3A_95 = vector.shape_cast %get3A_94 : vector<1x16xf32> to vector<16xf32>
      %get3A_96 = arith.index_cast %scan3A_37 : i32 to index
      %get3A_97 = arith.constant 64 : index
      %get3A_98 = tpu.vector_load %arg15[%get3A_96, %get3A_97] {strides = array<i32>} : memref<16x128xf32, #tpu.memory_space<vmem>>, vector<1x16xf32>,
      %get3A_99 = vector.shape_cast %get3A_98 : vector<1x16xf32> to vector<16xf32>
      %mul3A_100 = arith.mulf %get3A_95, %get3A_99 : vector<16xf32>
      %swap3A_101 = arith.index_cast %scan3A_37 : i32 to index
      %swap3A_102 = arith.constant 64 : index
      %swap3A_103 = tpu.vector_load %arg14[%swap3A_101, %swap3A_102] {strides = array<i32>} : memref<16x128xf32, #tpu.memory_space<vmem>>, vector<1x16xf32>,
      %swap3A_104 = vector.shape_cast %swap3A_103 : vector<1x16xf32> to vector<16xf32>
      %swap3A_105 = vector.shape_cast %mul3A_100 : vector<16xf32> to vector<1x16xf32>
      tpu.vector_store %arg14[%swap3A_101, %swap3A_102], %swap3A_105 {strides = array<i32>} : memref<16x128xf32, #tpu.memory_space<vmem>>, vector<1x16xf32>,
      %get3A_106 = arith.index_cast %scan3A_37 : i32 to index
      %get3A_107 = arith.constant 80 : index
      %get3A_108 = tpu.vector_load %arg14[%get3A_106, %get3A_107] {strides = array<i32>} : memref<16x128xf32, #tpu.memory_space<vmem>>, vector<1x16xf32>,
      %get3A_109 = vector.shape_cast %get3A_108 : vector<1x16xf32> to vector<16xf32>
      %get3A_110 = arith.index_cast %scan3A_37 : i32 to index
      %get3A_111 = arith.constant 80 : index
      %get3A_112 = tpu.vector_load %arg15[%get3A_110, %get3A_111] {strides = array<i32>} : memref<16x128xf32, #tpu.memory_space<vmem>>, vector<1x16xf32>,
      %get3A_113 = vector.shape_cast %get3A_112 : vector<1x16xf32> to vector<16xf32>
      %mul3A_114 = arith.mulf %get3A_109, %get3A_113 : vector<16xf32>
      %swap3A_115 = arith.index_cast %scan3A_37 : i32 to index
      %swap3A_116 = arith.constant 80 : index
      %swap3A_117 = tpu.vector_load %arg14[%swap3A_115, %swap3A_116] {strides = array<i32>} : memref<16x128xf32, #tpu.memory_space<vmem>>, vector<1x16xf32>,
      %swap3A_118 = vector.shape_cast %swap3A_117 : vector<1x16xf32> to vector<16xf32>
      %swap3A_119 = vector.shape_cast %mul3A_114 : vector<16xf32> to vector<1x16xf32>
      tpu.vector_store %arg14[%swap3A_115, %swap3A_116], %swap3A_119 {strides = array<i32>} : memref<16x128xf32, #tpu.memory_space<vmem>>, vector<1x16xf32>,
      %get3A_120 = arith.index_cast %scan3A_37 : i32 to index
      %get3A_121 = arith.constant 96 : index
      %get3A_122 = tpu.vector_load %arg14[%get3A_120, %get3A_121] {strides = array<i32>} : memref<16x128xf32, #tpu.memory_space<vmem>>, vector<1x16xf32>,
      %get3A_123 = vector.shape_cast %get3A_122 : vector<1x16xf32> to vector<16xf32>
      %get3A_124 = arith.index_cast %scan3A_37 : i32 to index
      %get3A_125 = arith.constant 96 : index
      %get3A_126 = tpu.vector_load %arg15[%get3A_124, %get3A_125] {strides = array<i32>} : memref<16x128xf32, #tpu.memory_space<vmem>>, vector<1x16xf32>,
      %get3A_127 = vector.shape_cast %get3A_126 : vector<1x16xf32> to vector<16xf32>
      %mul3A_128 = arith.mulf %get3A_123, %get3A_127 : vector<16xf32>
      %swap3A_129 = arith.index_cast %scan3A_37 : i32 to index
      %swap3A_130 = arith.constant 96 : index
      %swap3A_131 = tpu.vector_load %arg14[%swap3A_129, %swap3A_130] {strides = array<i32>} : memref<16x128xf32, #tpu.memory_space<vmem>>, vector<1x16xf32>,
      %swap3A_132 = vector.shape_cast %swap3A_131 : vector<1x16xf32> to vector<16xf32>
      %swap3A_133 = vector.shape_cast %mul3A_128 : vector<16xf32> to vector<1x16xf32>
      tpu.vector_store %arg14[%swap3A_129, %swap3A_130], %swap3A_133 {strides = array<i32>} : memref<16x128xf32, #tpu.memory_space<vmem>>, vector<1x16xf32>,
      %get3A_134 = arith.index_cast %scan3A_37 : i32 to index
      %get3A_135 = arith.constant 112 : index
      %get3A_136 = tpu.vector_load %arg14[%get3A_134, %get3A_135] {strides = array<i32>} : memref<16x128xf32, #tpu.memory_space<vmem>>, vector<1x16xf32>,
      %get3A_137 = vector.shape_cast %get3A_136 : vector<1x16xf32> to vector<16xf32>
      %get3A_138 = arith.index_cast %scan3A_37 : i32 to index
      %get3A_139 = arith.constant 112 : index
      %get3A_140 = tpu.vector_load %arg15[%get3A_138, %get3A_139] {strides = array<i32>} : memref<16x128xf32, #tpu.memory_space<vmem>>, vector<1x16xf32>,
      %get3A_141 = vector.shape_cast %get3A_140 : vector<1x16xf32> to vector<16xf32>
      %mul3A_142 = arith.mulf %get3A_137, %get3A_141 : vector<16xf32>
      %swap3A_143 = arith.index_cast %scan3A_37 : i32 to index
      %swap3A_144 = arith.constant 112 : index
      %swap3A_145 = tpu.vector_load %arg14[%swap3A_143, %swap3A_144] {strides = array<i32>} : memref<16x128xf32, #tpu.memory_space<vmem>>, vector<1x16xf32>,
      %swap3A_146 = vector.shape_cast %swap3A_145 : vector<1x16xf32> to vector<16xf32>
      %swap3A_147 = vector.shape_cast %mul3A_142 : vector<16xf32> to vector<1x16xf32>
      tpu.vector_store %arg14[%swap3A_143, %swap3A_144], %swap3A_147 {strides = array<i32>} : memref<16x128xf32, #tpu.memory_space<vmem>>, vector<1x16xf32>,
    }
    %scan3A_25 = arith.constant 16 : i32
    "tpu.region"() ({
      %run_scoped3A = tpu.sem_alloc : memref<!tpu.dma_semaphore, #tpu.memory_space<semaphore_mem>>
      %dma_start3A_37 = arith.constant 0 : i32
      %dma_start3A_38 = arith.constant 0 : i32
      %dma_start3A_39 = tpu.memref_slice %arg16[%dma_start3A_37, %dma_start3A_38] : memref<10000x128xf32, #tpu.memory_space<vmem_shared>> -> memref<10000x128xf32, #tpu.memory_space<vmem_shared>>
      tpu.enqueue_indirect_dma source(%arg14 : memref<16x128xf32, #tpu.memory_space<vmem>>) target(%dma_start3A_39 : memref<10000x128xf32, #tpu.memory_space<vmem_shared>>) offsets(%arg11 : memref<16xi32, #tpu.memory_space<vmem>>) semaphore(%run_scoped3A : memref<!tpu.dma_semaphore, #tpu.memory_space<semaphore_mem>>) {add = true}
      %dma_wait3A_40 = arith.constant 0 : i32
      %dma_wait3A_41 = arith.constant 0 : i32
      %dma_wait3A_42 = tpu.memref_slice %arg16[%dma_wait3A_40, %dma_wait3A_41] : memref<10000x128xf32, #tpu.memory_space<vmem_shared>> -> memref<10000x128xf32, #tpu.memory_space<vmem_shared>>
      tpu.wait_indirect_dma semaphore(%run_scoped3A : memref<!tpu.dma_semaphore, #tpu.memory_space<semaphore_mem>>) src(%arg14 : memref<16x128xf32, #tpu.memory_space<vmem>>) dst(%dma_wait3A_42 : memref<10000x128xf32, #tpu.memory_space<vmem_shared>>)
      tpu.yield
    }) : () -> ()
    %barrier3A_26 = arith.constant 0 : index
    tpu.barrier barrier_id(%barrier3A_26)
    %lt3A_27 = arith.constant 15 : i32
    %lt3A_28 = arith.cmpi slt, %arg1, %lt3A_27 : i32
    %convert_element_type3A_29 = arith.extui %lt3A_28 : i1 to i32
    %cond3A_30 = arith.constant 0 : i32
    %cond3A_31 = arith.cmpi ne, %convert_element_type3A_29, %cond3A_30 : i32
    scf.if %cond3A_31 {
      %mul3A_37 = arith.constant 640 : i32
      %mul3A_38 = arith.muli %arg1, %mul3A_37 : i32
      %mul3A_39 = arith.constant 640 : i32
      %mul3A_40 = arith.muli %arg1, %mul3A_39 : i32
      "tpu.region"() ({
        %run_scoped3A = tpu.sem_alloc : memref<!tpu.dma_semaphore, #tpu.memory_space<semaphore_mem>>
        %dma_start3A_41 = arith.constant 0 : i32
        %dma_start3A_42 = tpu.memref_slice %arg7[%arg0, %mul3A_40, %dma_start3A_41] : memref<2x10000x128xf32, #tpu.memory_space<hbm>> -> memref<1x640x128xf32, #tpu.memory_space<hbm>>
        %dma_start3A_43 = tpu.memref_squeeze %dma_start3A_42 : memref<1x640x128xf32, #tpu.memory_space<hbm>> -> memref<640x128xf32, #tpu.memory_space<hbm>>
        %dma_start3A_44 = arith.constant 0 : i32
        %dma_start3A_45 = tpu.memref_slice %arg16[%mul3A_38, %dma_start3A_44] : memref<10000x128xf32, #tpu.memory_space<vmem_shared>> -> memref<640x128xf32, #tpu.memory_space<vmem_shared>>
        tpu.enqueue_dma source(%dma_start3A_45 : memref<640x128xf32, #tpu.memory_space<vmem_shared>>) target(%dma_start3A_43 : memref<640x128xf32, #tpu.memory_space<hbm>>) target_semaphore(%run_scoped3A : memref<!tpu.dma_semaphore, #tpu.memory_space<semaphore_mem>>)
        %dma_wait3A_46 = arith.constant 0 : i32
        %dma_wait3A_47 = tpu.memref_slice %arg7[%arg0, %mul3A_40, %dma_wait3A_46] : memref<2x10000x128xf32, #tpu.memory_space<hbm>> -> memref<1x640x128xf32, #tpu.memory_space<hbm>>
        %dma_wait3A_48 = tpu.memref_squeeze %dma_wait3A_47 : memref<1x640x128xf32, #tpu.memory_space<hbm>> -> memref<640x128xf32, #tpu.memory_space<hbm>>
        %dma_wait3A_49 = arith.constant 0 : i32
        %dma_wait3A_50 = tpu.memref_slice %arg16[%mul3A_38, %dma_wait3A_49] : memref<10000x128xf32, #tpu.memory_space<vmem_shared>> -> memref<640x128xf32, #tpu.memory_space<vmem_shared>>
        tpu.wait_dma2 semaphore(%run_scoped3A : memref<!tpu.dma_semaphore, #tpu.memory_space<semaphore_mem>>) src(%dma_wait3A_50 : memref<640x128xf32, #tpu.memory_space<vmem_shared>>) dst(%dma_wait3A_48 : memref<640x128xf32, #tpu.memory_space<hbm>>)
        tpu.yield
      }) : () -> ()
    } else {
    }
    %eq3A_32 = arith.constant 15 : i32
    %eq3A_33 = arith.cmpi eq, %arg1, %eq3A_32 : i32
    %convert_element_type3A_34 = arith.extui %eq3A_33 : i1 to i32
    %cond3A_35 = arith.constant 0 : i32
    %cond3A_36 = arith.cmpi ne, %convert_element_type3A_34, %cond3A_35 : i32
    scf.if %cond3A_36 {
      "tpu.region"() ({
        %run_scoped3A = tpu.sem_alloc : memref<!tpu.dma_semaphore, #tpu.memory_space<semaphore_mem>>
        %dma_start3A_37 = arith.constant 9600 : i32
        %dma_start3A_38 = arith.constant 0 : i32
        %dma_start3A_39 = tpu.memref_slice %arg7[%arg0, %dma_start3A_37, %dma_start3A_38] : memref<2x10000x128xf32, #tpu.memory_space<hbm>> -> memref<1x400x128xf32, #tpu.memory_space<hbm>>
        %dma_start3A_40 = tpu.memref_squeeze %dma_start3A_39 : memref<1x400x128xf32, #tpu.memory_space<hbm>> -> memref<400x128xf32, #tpu.memory_space<hbm>>
        %dma_start3A_41 = arith.constant 9600 : i32
        %dma_start3A_42 = arith.constant 0 : i32
        %dma_start3A_43 = tpu.memref_slice %arg16[%dma_start3A_41, %dma_start3A_42] : memref<10000x128xf32, #tpu.memory_space<vmem_shared>> -> memref<400x128xf32, #tpu.memory_space<vmem_shared>>
        tpu.enqueue_dma source(%dma_start3A_43 : memref<400x128xf32, #tpu.memory_space<vmem_shared>>) target(%dma_start3A_40 : memref<400x128xf32, #tpu.memory_space<hbm>>) target_semaphore(%run_scoped3A : memref<!tpu.dma_semaphore, #tpu.memory_space<semaphore_mem>>)
        %dma_wait3A_44 = arith.constant 9600 : i32
        %dma_wait3A_45 = arith.constant 0 : i32
        %dma_wait3A_46 = tpu.memref_slice %arg7[%arg0, %dma_wait3A_44, %dma_wait3A_45] : memref<2x10000x128xf32, #tpu.memory_space<hbm>> -> memref<1x400x128xf32, #tpu.memory_space<hbm>>
        %dma_wait3A_47 = tpu.memref_squeeze %dma_wait3A_46 : memref<1x400x128xf32, #tpu.memory_space<hbm>> -> memref<400x128xf32, #tpu.memory_space<hbm>>
        %dma_wait3A_48 = arith.constant 9600 : i32
        %dma_wait3A_49 = arith.constant 0 : i32
        %dma_wait3A_50 = tpu.memref_slice %arg16[%dma_wait3A_48, %dma_wait3A_49] : memref<10000x128xf32, #tpu.memory_space<vmem_shared>> -> memref<400x128xf32, #tpu.memory_space<vmem_shared>>
        tpu.wait_dma2 semaphore(%run_scoped3A : memref<!tpu.dma_semaphore, #tpu.memory_space<semaphore_mem>>) src(%dma_wait3A_50 : memref<400x128xf32, #tpu.memory_space<vmem_shared>>) dst(%dma_wait3A_47 : memref<400x128xf32, #tpu.memory_space<hbm>>)
        tpu.yield
      }) : () -> ()
    } else {
    }
    return
  }
}

#map = affine_map<(d0, d1) -> (0, 0)>
#map1 = affine_map<(d0, d1) -> (0)>
#map2 = affine_map<(d0, d1) -> (0, 0, 0)>
module attributes {stable_mosaic.version = 14 : i64} {
  func.func @_edge_agg_body(%arg0: i32, %arg1: i32, %arg2: memref<10000x128xf32, #tpu.memory_space<hbm>>, %arg3: memref<320000xi32, #tpu.memory_space<hbm>>, %arg4: memref<320000xi32, #tpu.memory_space<hbm>>, %arg5: memref<320000x128xf32, #tpu.memory_space<hbm>>, %arg6: memref<10000x128xf32, #tpu.memory_space<hbm>>, %arg7: memref<2x10000x128xf32, #tpu.memory_space<hbm>>, %arg8: memref<128xi32, #tpu.memory_space<vmem>>, %arg9: memref<128xi32, #tpu.memory_space<vmem>>, %arg10: memref<16xi32, #tpu.memory_space<vmem>>, %arg11: memref<16xi32, #tpu.memory_space<vmem>>, %arg12: memref<128x128xf32, #tpu.memory_space<vmem>>, %arg13: memref<128x128xf32, #tpu.memory_space<vmem>>, %arg14: memref<16x128xf32, #tpu.memory_space<vmem>>, %arg15: memref<16x128xf32, #tpu.memory_space<vmem>>, %arg16: memref<10000x128xf32, #tpu.memory_space<vmem_shared>>, %arg17: memref<!tpu.dma_semaphore, #tpu.memory_space<semaphore_mem>>) attributes {dimension_semantics = [#tpu.dimension_semantics<core_parallel>, #tpu.dimension_semantics<subcore_parallel>], iteration_bounds = array<i64: 2, 16>, scalar_prefetch = 0 : i64, scratch_operands = 10 : i64, tpu.core_type = #tpu.core_type<sc_vector_subcore>, window_params = [{transform_indices = #map}, {transform_indices = #map1}, {transform_indices = #map1}, {transform_indices = #map}, {transform_indices = #map}, {transform_indices = #map2}]} {
    %mul3A = arith.constant 16 : i32
    %mul3A_0 = arith.muli %arg0, %mul3A : i32
    %add3A = arith.addi %mul3A_0, %arg1 : i32
    %lt3A = arith.constant 15 : i32
    %lt3A_1 = arith.cmpi slt, %arg1, %lt3A : i32
    %convert_element_type3A = arith.extui %lt3A_1 : i1 to i32
    %cond3A = arith.constant 0 : i32
    %cond3A_2 = arith.cmpi ne, %convert_element_type3A, %cond3A : i32
    scf.if %cond3A_2 {
      %mul3A_37 = arith.constant 640 : i32
      %mul3A_38 = arith.muli %arg1, %mul3A_37 : i32
      %mul3A_39 = arith.constant 640 : i32
      %mul3A_40 = arith.muli %arg1, %mul3A_39 : i32
      "tpu.region"() ({
        %run_scoped3A = tpu.sem_alloc : memref<!tpu.dma_semaphore, #tpu.memory_space<semaphore_mem>>
        %dma_start3A_41 = arith.constant 0 : i32
        %dma_start3A_42 = tpu.memref_slice %arg16[%mul3A_40, %dma_start3A_41] : memref<10000x128xf32, #tpu.memory_space<vmem_shared>> -> memref<640x128xf32, #tpu.memory_space<vmem_shared>>
        %dma_start3A_43 = arith.constant 0 : i32
        %dma_start3A_44 = tpu.memref_slice %arg6[%mul3A_38, %dma_start3A_43] : memref<10000x128xf32, #tpu.memory_space<hbm>> -> memref<640x128xf32, #tpu.memory_space<hbm>>
        tpu.enqueue_dma source(%dma_start3A_44 : memref<640x128xf32, #tpu.memory_space<hbm>>) target(%dma_start3A_42 : memref<640x128xf32, #tpu.memory_space<vmem_shared>>) target_semaphore(%run_scoped3A : memref<!tpu.dma_semaphore, #tpu.memory_space<semaphore_mem>>)
        %dma_wait3A_45 = arith.constant 0 : i32
        %dma_wait3A_46 = tpu.memref_slice %arg16[%mul3A_40, %dma_wait3A_45] : memref<10000x128xf32, #tpu.memory_space<vmem_shared>> -> memref<640x128xf32, #tpu.memory_space<vmem_shared>>
        %dma_wait3A_47 = arith.constant 0 : i32
        %dma_wait3A_48 = tpu.memref_slice %arg6[%mul3A_38, %dma_wait3A_47] : memref<10000x128xf32, #tpu.memory_space<hbm>> -> memref<640x128xf32, #tpu.memory_space<hbm>>
        tpu.wait_dma2 semaphore(%run_scoped3A : memref<!tpu.dma_semaphore, #tpu.memory_space<semaphore_mem>>) src(%dma_wait3A_48 : memref<640x128xf32, #tpu.memory_space<hbm>>) dst(%dma_wait3A_46 : memref<640x128xf32, #tpu.memory_space<vmem_shared>>)
        tpu.yield
      }) : () -> ()
    } else {
    }
    %eq3A = arith.constant 15 : i32
    %eq3A_3 = arith.cmpi eq, %arg1, %eq3A : i32
    %convert_element_type3A_4 = arith.extui %eq3A_3 : i1 to i32
    %cond3A_5 = arith.constant 0 : i32
    %cond3A_6 = arith.cmpi ne, %convert_element_type3A_4, %cond3A_5 : i32
    scf.if %cond3A_6 {
      "tpu.region"() ({
        %run_scoped3A = tpu.sem_alloc : memref<!tpu.dma_semaphore, #tpu.memory_space<semaphore_mem>>
        %dma_start3A_37 = arith.constant 9600 : i32
        %dma_start3A_38 = arith.constant 0 : i32
        %dma_start3A_39 = tpu.memref_slice %arg16[%dma_start3A_37, %dma_start3A_38] : memref<10000x128xf32, #tpu.memory_space<vmem_shared>> -> memref<400x128xf32, #tpu.memory_space<vmem_shared>>
        %dma_start3A_40 = arith.constant 9600 : i32
        %dma_start3A_41 = arith.constant 0 : i32
        %dma_start3A_42 = tpu.memref_slice %arg6[%dma_start3A_40, %dma_start3A_41] : memref<10000x128xf32, #tpu.memory_space<hbm>> -> memref<400x128xf32, #tpu.memory_space<hbm>>
        tpu.enqueue_dma source(%dma_start3A_42 : memref<400x128xf32, #tpu.memory_space<hbm>>) target(%dma_start3A_39 : memref<400x128xf32, #tpu.memory_space<vmem_shared>>) target_semaphore(%run_scoped3A : memref<!tpu.dma_semaphore, #tpu.memory_space<semaphore_mem>>)
        %dma_wait3A_43 = arith.constant 9600 : i32
        %dma_wait3A_44 = arith.constant 0 : i32
        %dma_wait3A_45 = tpu.memref_slice %arg16[%dma_wait3A_43, %dma_wait3A_44] : memref<10000x128xf32, #tpu.memory_space<vmem_shared>> -> memref<400x128xf32, #tpu.memory_space<vmem_shared>>
        %dma_wait3A_46 = arith.constant 9600 : i32
        %dma_wait3A_47 = arith.constant 0 : i32
        %dma_wait3A_48 = tpu.memref_slice %arg6[%dma_wait3A_46, %dma_wait3A_47] : memref<10000x128xf32, #tpu.memory_space<hbm>> -> memref<400x128xf32, #tpu.memory_space<hbm>>
        tpu.wait_dma2 semaphore(%run_scoped3A : memref<!tpu.dma_semaphore, #tpu.memory_space<semaphore_mem>>) src(%dma_wait3A_48 : memref<400x128xf32, #tpu.memory_space<hbm>>) dst(%dma_wait3A_45 : memref<400x128xf32, #tpu.memory_space<vmem_shared>>)
        tpu.yield
      }) : () -> ()
    } else {
    }
    %barrier3A = arith.constant 0 : index
    tpu.barrier barrier_id(%barrier3A)
    %mul3A_7 = arith.constant 10000 : i32
    %mul3A_8 = arith.muli %add3A, %mul3A_7 : i32
    %scan3A = arith.constant 0 : i32
    %scan3A_9 = arith.constant 0 : i32
    %scan3A_10 = arith.constant 78 : i32
    %scan3A_11 = arith.addi %scan3A_9, %scan3A_10 : i32
    %scan3A_12 = arith.constant 1 : i32
    scf.for %scan3A_37 = %scan3A_9 to %scan3A_11 step %scan3A_12  : i32 {
      %mul3A_38 = arith.constant 128 : i32
      %mul3A_39 = arith.muli %scan3A_37, %mul3A_38 : i32
      %add3A_40 = arith.addi %mul3A_8, %mul3A_39 : i32
      "tpu.region"() ({
        %run_scoped3A = tpu.sem_alloc : memref<!tpu.dma_semaphore, #tpu.memory_space<semaphore_mem>>
        %dma_start3A_53 = tpu.memref_slice %arg3[%add3A_40] : memref<320000xi32, #tpu.memory_space<hbm>> -> memref<128xi32, #tpu.memory_space<hbm>>
        %dma_start3A_54 = tpu.memref_slice %arg3[%add3A_40] : memref<320000xi32, #tpu.memory_space<hbm>> -> memref<128xi32, #tpu.memory_space<hbm>>
        tpu.enqueue_dma source(%dma_start3A_54 : memref<128xi32, #tpu.memory_space<hbm>>) target(%arg8 : memref<128xi32, #tpu.memory_space<vmem>>) target_semaphore(%run_scoped3A : memref<!tpu.dma_semaphore, #tpu.memory_space<semaphore_mem>>)
        %dma_wait3A_55 = tpu.memref_slice %arg3[%add3A_40] : memref<320000xi32, #tpu.memory_space<hbm>> -> memref<128xi32, #tpu.memory_space<hbm>>
        %dma_wait3A_56 = tpu.memref_slice %arg3[%add3A_40] : memref<320000xi32, #tpu.memory_space<hbm>> -> memref<128xi32, #tpu.memory_space<hbm>>
        tpu.wait_dma2 semaphore(%run_scoped3A : memref<!tpu.dma_semaphore, #tpu.memory_space<semaphore_mem>>) src(%dma_wait3A_56 : memref<128xi32, #tpu.memory_space<hbm>>) dst(%arg8 : memref<128xi32, #tpu.memory_space<vmem>>)
        tpu.yield
      }) : () -> ()
      "tpu.region"() ({
        %run_scoped3A = tpu.sem_alloc : memref<!tpu.dma_semaphore, #tpu.memory_space<semaphore_mem>>
        %dma_start3A_53 = tpu.memref_slice %arg4[%add3A_40] : memref<320000xi32, #tpu.memory_space<hbm>> -> memref<128xi32, #tpu.memory_space<hbm>>
        %dma_start3A_54 = tpu.memref_slice %arg4[%add3A_40] : memref<320000xi32, #tpu.memory_space<hbm>> -> memref<128xi32, #tpu.memory_space<hbm>>
        tpu.enqueue_dma source(%dma_start3A_54 : memref<128xi32, #tpu.memory_space<hbm>>) target(%arg9 : memref<128xi32, #tpu.memory_space<vmem>>) target_semaphore(%run_scoped3A : memref<!tpu.dma_semaphore, #tpu.memory_space<semaphore_mem>>)
        %dma_wait3A_55 = tpu.memref_slice %arg4[%add3A_40] : memref<320000xi32, #tpu.memory_space<hbm>> -> memref<128xi32, #tpu.memory_space<hbm>>
        %dma_wait3A_56 = tpu.memref_slice %arg4[%add3A_40] : memref<320000xi32, #tpu.memory_space<hbm>> -> memref<128xi32, #tpu.memory_space<hbm>>
        tpu.wait_dma2 semaphore(%run_scoped3A : memref<!tpu.dma_semaphore, #tpu.memory_space<semaphore_mem>>) src(%dma_wait3A_56 : memref<128xi32, #tpu.memory_space<hbm>>) dst(%arg9 : memref<128xi32, #tpu.memory_space<vmem>>)
        tpu.yield
      }) : () -> ()
      %dma_start3A_41 = arith.constant 0 : i32
      %dma_start3A_42 = arith.constant 0 : i32
      %dma_start3A_43 = tpu.memref_slice %arg2[%dma_start3A_41, %dma_start3A_42] : memref<10000x128xf32, #tpu.memory_space<hbm>> -> memref<10000x128xf32, #tpu.memory_space<hbm>>
      tpu.enqueue_indirect_dma source(%dma_start3A_43 : memref<10000x128xf32, #tpu.memory_space<hbm>>) target(%arg12 : memref<128x128xf32, #tpu.memory_space<vmem>>) offsets(%arg8 : memref<128xi32, #tpu.memory_space<vmem>>) semaphore(%arg17 : memref<!tpu.dma_semaphore, #tpu.memory_space<semaphore_mem>>)
      "tpu.region"() ({
        %run_scoped3A = tpu.sem_alloc : memref<!tpu.dma_semaphore, #tpu.memory_space<semaphore_mem>>
        %dma_start3A_53 = arith.constant 0 : i32
        %dma_start3A_54 = tpu.memref_slice %arg5[%add3A_40, %dma_start3A_53] : memref<320000x128xf32, #tpu.memory_space<hbm>> -> memref<128x128xf32, #tpu.memory_space<hbm>>
        %dma_start3A_55 = arith.constant 0 : i32
        %dma_start3A_56 = tpu.memref_slice %arg5[%add3A_40, %dma_start3A_55] : memref<320000x128xf32, #tpu.memory_space<hbm>> -> memref<128x128xf32, #tpu.memory_space<hbm>>
        tpu.enqueue_dma source(%dma_start3A_56 : memref<128x128xf32, #tpu.memory_space<hbm>>) target(%arg13 : memref<128x128xf32, #tpu.memory_space<vmem>>) target_semaphore(%run_scoped3A : memref<!tpu.dma_semaphore, #tpu.memory_space<semaphore_mem>>)
        %dma_wait3A_57 = arith.constant 0 : i32
        %dma_wait3A_58 = tpu.memref_slice %arg5[%add3A_40, %dma_wait3A_57] : memref<320000x128xf32, #tpu.memory_space<hbm>> -> memref<128x128xf32, #tpu.memory_space<hbm>>
        %dma_wait3A_59 = arith.constant 0 : i32
        %dma_wait3A_60 = tpu.memref_slice %arg5[%add3A_40, %dma_wait3A_59] : memref<320000x128xf32, #tpu.memory_space<hbm>> -> memref<128x128xf32, #tpu.memory_space<hbm>>
        tpu.wait_dma2 semaphore(%run_scoped3A : memref<!tpu.dma_semaphore, #tpu.memory_space<semaphore_mem>>) src(%dma_wait3A_60 : memref<128x128xf32, #tpu.memory_space<hbm>>) dst(%arg13 : memref<128x128xf32, #tpu.memory_space<vmem>>)
        tpu.yield
      }) : () -> ()
      %dma_wait3A_44 = arith.constant 0 : i32
      %dma_wait3A_45 = arith.constant 0 : i32
      %dma_wait3A_46 = tpu.memref_slice %arg2[%dma_wait3A_44, %dma_wait3A_45] : memref<10000x128xf32, #tpu.memory_space<hbm>> -> memref<10000x128xf32, #tpu.memory_space<hbm>>
      tpu.wait_indirect_dma semaphore(%arg17 : memref<!tpu.dma_semaphore, #tpu.memory_space<semaphore_mem>>) src(%dma_wait3A_46 : memref<10000x128xf32, #tpu.memory_space<hbm>>) dst(%arg12 : memref<128x128xf32, #tpu.memory_space<vmem>>)
      %scan3A_47 = arith.constant 0 : i32
      %scan3A_48 = arith.constant 0 : i32
      %scan3A_49 = arith.constant 128 : i32
      %scan3A_50 = arith.addi %scan3A_48, %scan3A_49 : i32
      %scan3A_51 = arith.constant 1 : i32
      scf.for %scan3A_53 = %scan3A_48 to %scan3A_50 step %scan3A_51  : i32 {
        %get3A = arith.index_cast %scan3A_53 : i32 to index
        %get3A_54 = arith.constant 0 : index
        %get3A_55 = tpu.vector_load %arg12[%get3A, %get3A_54] {strides = array<i32>} : memref<128x128xf32, #tpu.memory_space<vmem>>, vector<1x16xf32>,
        %get3A_56 = vector.shape_cast %get3A_55 : vector<1x16xf32> to vector<16xf32>
        %get3A_57 = arith.index_cast %scan3A_53 : i32 to index
        %get3A_58 = arith.constant 0 : index
        %get3A_59 = tpu.vector_load %arg13[%get3A_57, %get3A_58] {strides = array<i32>} : memref<128x128xf32, #tpu.memory_space<vmem>>, vector<1x16xf32>,
        %get3A_60 = vector.shape_cast %get3A_59 : vector<1x16xf32> to vector<16xf32>
        %mul3A_61 = arith.mulf %get3A_56, %get3A_60 : vector<16xf32>
        %swap3A = arith.index_cast %scan3A_53 : i32 to index
        %swap3A_62 = arith.constant 0 : index
        %swap3A_63 = tpu.vector_load %arg12[%swap3A, %swap3A_62] {strides = array<i32>} : memref<128x128xf32, #tpu.memory_space<vmem>>, vector<1x16xf32>,
        %swap3A_64 = vector.shape_cast %swap3A_63 : vector<1x16xf32> to vector<16xf32>
        %swap3A_65 = vector.shape_cast %mul3A_61 : vector<16xf32> to vector<1x16xf32>
        tpu.vector_store %arg12[%swap3A, %swap3A_62], %swap3A_65 {strides = array<i32>} : memref<128x128xf32, #tpu.memory_space<vmem>>, vector<1x16xf32>,
        %get3A_66 = arith.index_cast %scan3A_53 : i32 to index
        %get3A_67 = arith.constant 16 : index
        %get3A_68 = tpu.vector_load %arg12[%get3A_66, %get3A_67] {strides = array<i32>} : memref<128x128xf32, #tpu.memory_space<vmem>>, vector<1x16xf32>,
        %get3A_69 = vector.shape_cast %get3A_68 : vector<1x16xf32> to vector<16xf32>
        %get3A_70 = arith.index_cast %scan3A_53 : i32 to index
        %get3A_71 = arith.constant 16 : index
        %get3A_72 = tpu.vector_load %arg13[%get3A_70, %get3A_71] {strides = array<i32>} : memref<128x128xf32, #tpu.memory_space<vmem>>, vector<1x16xf32>,
        %get3A_73 = vector.shape_cast %get3A_72 : vector<1x16xf32> to vector<16xf32>
        %mul3A_74 = arith.mulf %get3A_69, %get3A_73 : vector<16xf32>
        %swap3A_75 = arith.index_cast %scan3A_53 : i32 to index
        %swap3A_76 = arith.constant 16 : index
        %swap3A_77 = tpu.vector_load %arg12[%swap3A_75, %swap3A_76] {strides = array<i32>} : memref<128x128xf32, #tpu.memory_space<vmem>>, vector<1x16xf32>,
        %swap3A_78 = vector.shape_cast %swap3A_77 : vector<1x16xf32> to vector<16xf32>
        %swap3A_79 = vector.shape_cast %mul3A_74 : vector<16xf32> to vector<1x16xf32>
        tpu.vector_store %arg12[%swap3A_75, %swap3A_76], %swap3A_79 {strides = array<i32>} : memref<128x128xf32, #tpu.memory_space<vmem>>, vector<1x16xf32>,
        %get3A_80 = arith.index_cast %scan3A_53 : i32 to index
        %get3A_81 = arith.constant 32 : index
        %get3A_82 = tpu.vector_load %arg12[%get3A_80, %get3A_81] {strides = array<i32>} : memref<128x128xf32, #tpu.memory_space<vmem>>, vector<1x16xf32>,
        %get3A_83 = vector.shape_cast %get3A_82 : vector<1x16xf32> to vector<16xf32>
        %get3A_84 = arith.index_cast %scan3A_53 : i32 to index
        %get3A_85 = arith.constant 32 : index
        %get3A_86 = tpu.vector_load %arg13[%get3A_84, %get3A_85] {strides = array<i32>} : memref<128x128xf32, #tpu.memory_space<vmem>>, vector<1x16xf32>,
        %get3A_87 = vector.shape_cast %get3A_86 : vector<1x16xf32> to vector<16xf32>
        %mul3A_88 = arith.mulf %get3A_83, %get3A_87 : vector<16xf32>
        %swap3A_89 = arith.index_cast %scan3A_53 : i32 to index
        %swap3A_90 = arith.constant 32 : index
        %swap3A_91 = tpu.vector_load %arg12[%swap3A_89, %swap3A_90] {strides = array<i32>} : memref<128x128xf32, #tpu.memory_space<vmem>>, vector<1x16xf32>,
        %swap3A_92 = vector.shape_cast %swap3A_91 : vector<1x16xf32> to vector<16xf32>
        %swap3A_93 = vector.shape_cast %mul3A_88 : vector<16xf32> to vector<1x16xf32>
        tpu.vector_store %arg12[%swap3A_89, %swap3A_90], %swap3A_93 {strides = array<i32>} : memref<128x128xf32, #tpu.memory_space<vmem>>, vector<1x16xf32>,
        %get3A_94 = arith.index_cast %scan3A_53 : i32 to index
        %get3A_95 = arith.constant 48 : index
        %get3A_96 = tpu.vector_load %arg12[%get3A_94, %get3A_95] {strides = array<i32>} : memref<128x128xf32, #tpu.memory_space<vmem>>, vector<1x16xf32>,
        %get3A_97 = vector.shape_cast %get3A_96 : vector<1x16xf32> to vector<16xf32>
        %get3A_98 = arith.index_cast %scan3A_53 : i32 to index
        %get3A_99 = arith.constant 48 : index
        %get3A_100 = tpu.vector_load %arg13[%get3A_98, %get3A_99] {strides = array<i32>} : memref<128x128xf32, #tpu.memory_space<vmem>>, vector<1x16xf32>,
        %get3A_101 = vector.shape_cast %get3A_100 : vector<1x16xf32> to vector<16xf32>
        %mul3A_102 = arith.mulf %get3A_97, %get3A_101 : vector<16xf32>
        %swap3A_103 = arith.index_cast %scan3A_53 : i32 to index
        %swap3A_104 = arith.constant 48 : index
        %swap3A_105 = tpu.vector_load %arg12[%swap3A_103, %swap3A_104] {strides = array<i32>} : memref<128x128xf32, #tpu.memory_space<vmem>>, vector<1x16xf32>,
        %swap3A_106 = vector.shape_cast %swap3A_105 : vector<1x16xf32> to vector<16xf32>
        %swap3A_107 = vector.shape_cast %mul3A_102 : vector<16xf32> to vector<1x16xf32>
        tpu.vector_store %arg12[%swap3A_103, %swap3A_104], %swap3A_107 {strides = array<i32>} : memref<128x128xf32, #tpu.memory_space<vmem>>, vector<1x16xf32>,
        %get3A_108 = arith.index_cast %scan3A_53 : i32 to index
        %get3A_109 = arith.constant 64 : index
        %get3A_110 = tpu.vector_load %arg12[%get3A_108, %get3A_109] {strides = array<i32>} : memref<128x128xf32, #tpu.memory_space<vmem>>, vector<1x16xf32>,
        %get3A_111 = vector.shape_cast %get3A_110 : vector<1x16xf32> to vector<16xf32>
        %get3A_112 = arith.index_cast %scan3A_53 : i32 to index
        %get3A_113 = arith.constant 64 : index
        %get3A_114 = tpu.vector_load %arg13[%get3A_112, %get3A_113] {strides = array<i32>} : memref<128x128xf32, #tpu.memory_space<vmem>>, vector<1x16xf32>,
        %get3A_115 = vector.shape_cast %get3A_114 : vector<1x16xf32> to vector<16xf32>
        %mul3A_116 = arith.mulf %get3A_111, %get3A_115 : vector<16xf32>
        %swap3A_117 = arith.index_cast %scan3A_53 : i32 to index
        %swap3A_118 = arith.constant 64 : index
        %swap3A_119 = tpu.vector_load %arg12[%swap3A_117, %swap3A_118] {strides = array<i32>} : memref<128x128xf32, #tpu.memory_space<vmem>>, vector<1x16xf32>,
        %swap3A_120 = vector.shape_cast %swap3A_119 : vector<1x16xf32> to vector<16xf32>
        %swap3A_121 = vector.shape_cast %mul3A_116 : vector<16xf32> to vector<1x16xf32>
        tpu.vector_store %arg12[%swap3A_117, %swap3A_118], %swap3A_121 {strides = array<i32>} : memref<128x128xf32, #tpu.memory_space<vmem>>, vector<1x16xf32>,
        %get3A_122 = arith.index_cast %scan3A_53 : i32 to index
        %get3A_123 = arith.constant 80 : index
        %get3A_124 = tpu.vector_load %arg12[%get3A_122, %get3A_123] {strides = array<i32>} : memref<128x128xf32, #tpu.memory_space<vmem>>, vector<1x16xf32>,
        %get3A_125 = vector.shape_cast %get3A_124 : vector<1x16xf32> to vector<16xf32>
        %get3A_126 = arith.index_cast %scan3A_53 : i32 to index
        %get3A_127 = arith.constant 80 : index
        %get3A_128 = tpu.vector_load %arg13[%get3A_126, %get3A_127] {strides = array<i32>} : memref<128x128xf32, #tpu.memory_space<vmem>>, vector<1x16xf32>,
        %get3A_129 = vector.shape_cast %get3A_128 : vector<1x16xf32> to vector<16xf32>
        %mul3A_130 = arith.mulf %get3A_125, %get3A_129 : vector<16xf32>
        %swap3A_131 = arith.index_cast %scan3A_53 : i32 to index
        %swap3A_132 = arith.constant 80 : index
        %swap3A_133 = tpu.vector_load %arg12[%swap3A_131, %swap3A_132] {strides = array<i32>} : memref<128x128xf32, #tpu.memory_space<vmem>>, vector<1x16xf32>,
        %swap3A_134 = vector.shape_cast %swap3A_133 : vector<1x16xf32> to vector<16xf32>
        %swap3A_135 = vector.shape_cast %mul3A_130 : vector<16xf32> to vector<1x16xf32>
        tpu.vector_store %arg12[%swap3A_131, %swap3A_132], %swap3A_135 {strides = array<i32>} : memref<128x128xf32, #tpu.memory_space<vmem>>, vector<1x16xf32>,
        %get3A_136 = arith.index_cast %scan3A_53 : i32 to index
        %get3A_137 = arith.constant 96 : index
        %get3A_138 = tpu.vector_load %arg12[%get3A_136, %get3A_137] {strides = array<i32>} : memref<128x128xf32, #tpu.memory_space<vmem>>, vector<1x16xf32>,
        %get3A_139 = vector.shape_cast %get3A_138 : vector<1x16xf32> to vector<16xf32>
        %get3A_140 = arith.index_cast %scan3A_53 : i32 to index
        %get3A_141 = arith.constant 96 : index
        %get3A_142 = tpu.vector_load %arg13[%get3A_140, %get3A_141] {strides = array<i32>} : memref<128x128xf32, #tpu.memory_space<vmem>>, vector<1x16xf32>,
        %get3A_143 = vector.shape_cast %get3A_142 : vector<1x16xf32> to vector<16xf32>
        %mul3A_144 = arith.mulf %get3A_139, %get3A_143 : vector<16xf32>
        %swap3A_145 = arith.index_cast %scan3A_53 : i32 to index
        %swap3A_146 = arith.constant 96 : index
        %swap3A_147 = tpu.vector_load %arg12[%swap3A_145, %swap3A_146] {strides = array<i32>} : memref<128x128xf32, #tpu.memory_space<vmem>>, vector<1x16xf32>,
        %swap3A_148 = vector.shape_cast %swap3A_147 : vector<1x16xf32> to vector<16xf32>
        %swap3A_149 = vector.shape_cast %mul3A_144 : vector<16xf32> to vector<1x16xf32>
        tpu.vector_store %arg12[%swap3A_145, %swap3A_146], %swap3A_149 {strides = array<i32>} : memref<128x128xf32, #tpu.memory_space<vmem>>, vector<1x16xf32>,
        %get3A_150 = arith.index_cast %scan3A_53 : i32 to index
        %get3A_151 = arith.constant 112 : index
        %get3A_152 = tpu.vector_load %arg12[%get3A_150, %get3A_151] {strides = array<i32>} : memref<128x128xf32, #tpu.memory_space<vmem>>, vector<1x16xf32>,
        %get3A_153 = vector.shape_cast %get3A_152 : vector<1x16xf32> to vector<16xf32>
        %get3A_154 = arith.index_cast %scan3A_53 : i32 to index
        %get3A_155 = arith.constant 112 : index
        %get3A_156 = tpu.vector_load %arg13[%get3A_154, %get3A_155] {strides = array<i32>} : memref<128x128xf32, #tpu.memory_space<vmem>>, vector<1x16xf32>,
        %get3A_157 = vector.shape_cast %get3A_156 : vector<1x16xf32> to vector<16xf32>
        %mul3A_158 = arith.mulf %get3A_153, %get3A_157 : vector<16xf32>
        %swap3A_159 = arith.index_cast %scan3A_53 : i32 to index
        %swap3A_160 = arith.constant 112 : index
        %swap3A_161 = tpu.vector_load %arg12[%swap3A_159, %swap3A_160] {strides = array<i32>} : memref<128x128xf32, #tpu.memory_space<vmem>>, vector<1x16xf32>,
        %swap3A_162 = vector.shape_cast %swap3A_161 : vector<1x16xf32> to vector<16xf32>
        %swap3A_163 = vector.shape_cast %mul3A_158 : vector<16xf32> to vector<1x16xf32>
        tpu.vector_store %arg12[%swap3A_159, %swap3A_160], %swap3A_163 {strides = array<i32>} : memref<128x128xf32, #tpu.memory_space<vmem>>, vector<1x16xf32>,
      }
      %scan3A_52 = arith.constant 128 : i32
      "tpu.region"() ({
        %run_scoped3A = tpu.sem_alloc : memref<!tpu.dma_semaphore, #tpu.memory_space<semaphore_mem>>
        %dma_start3A_53 = arith.constant 0 : i32
        %dma_start3A_54 = arith.constant 0 : i32
        %dma_start3A_55 = tpu.memref_slice %arg16[%dma_start3A_53, %dma_start3A_54] : memref<10000x128xf32, #tpu.memory_space<vmem_shared>> -> memref<10000x128xf32, #tpu.memory_space<vmem_shared>>
        tpu.enqueue_indirect_dma source(%arg12 : memref<128x128xf32, #tpu.memory_space<vmem>>) target(%dma_start3A_55 : memref<10000x128xf32, #tpu.memory_space<vmem_shared>>) offsets(%arg9 : memref<128xi32, #tpu.memory_space<vmem>>) semaphore(%run_scoped3A : memref<!tpu.dma_semaphore, #tpu.memory_space<semaphore_mem>>) {add = true}
        %dma_wait3A_56 = arith.constant 0 : i32
        %dma_wait3A_57 = arith.constant 0 : i32
        %dma_wait3A_58 = tpu.memref_slice %arg16[%dma_wait3A_56, %dma_wait3A_57] : memref<10000x128xf32, #tpu.memory_space<vmem_shared>> -> memref<10000x128xf32, #tpu.memory_space<vmem_shared>>
        tpu.wait_indirect_dma semaphore(%run_scoped3A : memref<!tpu.dma_semaphore, #tpu.memory_space<semaphore_mem>>) src(%arg12 : memref<128x128xf32, #tpu.memory_space<vmem>>) dst(%dma_wait3A_58 : memref<10000x128xf32, #tpu.memory_space<vmem_shared>>)
        tpu.yield
      }) : () -> ()
    }
    %scan3A_13 = arith.constant 78 : i32
    %add3A_14 = arith.constant 9984 : i32
    %add3A_15 = arith.addi %mul3A_8, %add3A_14 : i32
    "tpu.region"() ({
      %run_scoped3A = tpu.sem_alloc : memref<!tpu.dma_semaphore, #tpu.memory_space<semaphore_mem>>
      %dma_start3A_37 = tpu.memref_slice %arg3[%add3A_15] : memref<320000xi32, #tpu.memory_space<hbm>> -> memref<16xi32, #tpu.memory_space<hbm>>
      %dma_start3A_38 = tpu.memref_slice %arg3[%add3A_15] : memref<320000xi32, #tpu.memory_space<hbm>> -> memref<16xi32, #tpu.memory_space<hbm>>
      tpu.enqueue_dma source(%dma_start3A_38 : memref<16xi32, #tpu.memory_space<hbm>>) target(%arg10 : memref<16xi32, #tpu.memory_space<vmem>>) target_semaphore(%run_scoped3A : memref<!tpu.dma_semaphore, #tpu.memory_space<semaphore_mem>>)
      %dma_wait3A_39 = tpu.memref_slice %arg3[%add3A_15] : memref<320000xi32, #tpu.memory_space<hbm>> -> memref<16xi32, #tpu.memory_space<hbm>>
      %dma_wait3A_40 = tpu.memref_slice %arg3[%add3A_15] : memref<320000xi32, #tpu.memory_space<hbm>> -> memref<16xi32, #tpu.memory_space<hbm>>
      tpu.wait_dma2 semaphore(%run_scoped3A : memref<!tpu.dma_semaphore, #tpu.memory_space<semaphore_mem>>) src(%dma_wait3A_40 : memref<16xi32, #tpu.memory_space<hbm>>) dst(%arg10 : memref<16xi32, #tpu.memory_space<vmem>>)
      tpu.yield
    }) : () -> ()
    "tpu.region"() ({
      %run_scoped3A = tpu.sem_alloc : memref<!tpu.dma_semaphore, #tpu.memory_space<semaphore_mem>>
      %dma_start3A_37 = tpu.memref_slice %arg4[%add3A_15] : memref<320000xi32, #tpu.memory_space<hbm>> -> memref<16xi32, #tpu.memory_space<hbm>>
      %dma_start3A_38 = tpu.memref_slice %arg4[%add3A_15] : memref<320000xi32, #tpu.memory_space<hbm>> -> memref<16xi32, #tpu.memory_space<hbm>>
      tpu.enqueue_dma source(%dma_start3A_38 : memref<16xi32, #tpu.memory_space<hbm>>) target(%arg11 : memref<16xi32, #tpu.memory_space<vmem>>) target_semaphore(%run_scoped3A : memref<!tpu.dma_semaphore, #tpu.memory_space<semaphore_mem>>)
      %dma_wait3A_39 = tpu.memref_slice %arg4[%add3A_15] : memref<320000xi32, #tpu.memory_space<hbm>> -> memref<16xi32, #tpu.memory_space<hbm>>
      %dma_wait3A_40 = tpu.memref_slice %arg4[%add3A_15] : memref<320000xi32, #tpu.memory_space<hbm>> -> memref<16xi32, #tpu.memory_space<hbm>>
      tpu.wait_dma2 semaphore(%run_scoped3A : memref<!tpu.dma_semaphore, #tpu.memory_space<semaphore_mem>>) src(%dma_wait3A_40 : memref<16xi32, #tpu.memory_space<hbm>>) dst(%arg11 : memref<16xi32, #tpu.memory_space<vmem>>)
      tpu.yield
    }) : () -> ()
    %dma_start3A = arith.constant 0 : i32
    %dma_start3A_16 = arith.constant 0 : i32
    %dma_start3A_17 = tpu.memref_slice %arg2[%dma_start3A, %dma_start3A_16] : memref<10000x128xf32, #tpu.memory_space<hbm>> -> memref<10000x128xf32, #tpu.memory_space<hbm>>
    tpu.enqueue_indirect_dma source(%dma_start3A_17 : memref<10000x128xf32, #tpu.memory_space<hbm>>) target(%arg14 : memref<16x128xf32, #tpu.memory_space<vmem>>) offsets(%arg10 : memref<16xi32, #tpu.memory_space<vmem>>) semaphore(%arg17 : memref<!tpu.dma_semaphore, #tpu.memory_space<semaphore_mem>>)
    "tpu.region"() ({
      %run_scoped3A = tpu.sem_alloc : memref<!tpu.dma_semaphore, #tpu.memory_space<semaphore_mem>>
      %dma_start3A_37 = arith.constant 0 : i32
      %dma_start3A_38 = tpu.memref_slice %arg5[%add3A_15, %dma_start3A_37] : memref<320000x128xf32, #tpu.memory_space<hbm>> -> memref<16x128xf32, #tpu.memory_space<hbm>>
      %dma_start3A_39 = arith.constant 0 : i32
      %dma_start3A_40 = tpu.memref_slice %arg5[%add3A_15, %dma_start3A_39] : memref<320000x128xf32, #tpu.memory_space<hbm>> -> memref<16x128xf32, #tpu.memory_space<hbm>>
      tpu.enqueue_dma source(%dma_start3A_40 : memref<16x128xf32, #tpu.memory_space<hbm>>) target(%arg15 : memref<16x128xf32, #tpu.memory_space<vmem>>) target_semaphore(%run_scoped3A : memref<!tpu.dma_semaphore, #tpu.memory_space<semaphore_mem>>)
      %dma_wait3A_41 = arith.constant 0 : i32
      %dma_wait3A_42 = tpu.memref_slice %arg5[%add3A_15, %dma_wait3A_41] : memref<320000x128xf32, #tpu.memory_space<hbm>> -> memref<16x128xf32, #tpu.memory_space<hbm>>
      %dma_wait3A_43 = arith.constant 0 : i32
      %dma_wait3A_44 = tpu.memref_slice %arg5[%add3A_15, %dma_wait3A_43] : memref<320000x128xf32, #tpu.memory_space<hbm>> -> memref<16x128xf32, #tpu.memory_space<hbm>>
      tpu.wait_dma2 semaphore(%run_scoped3A : memref<!tpu.dma_semaphore, #tpu.memory_space<semaphore_mem>>) src(%dma_wait3A_44 : memref<16x128xf32, #tpu.memory_space<hbm>>) dst(%arg15 : memref<16x128xf32, #tpu.memory_space<vmem>>)
      tpu.yield
    }) : () -> ()
    %dma_wait3A = arith.constant 0 : i32
    %dma_wait3A_18 = arith.constant 0 : i32
    %dma_wait3A_19 = tpu.memref_slice %arg2[%dma_wait3A, %dma_wait3A_18] : memref<10000x128xf32, #tpu.memory_space<hbm>> -> memref<10000x128xf32, #tpu.memory_space<hbm>>
    tpu.wait_indirect_dma semaphore(%arg17 : memref<!tpu.dma_semaphore, #tpu.memory_space<semaphore_mem>>) src(%dma_wait3A_19 : memref<10000x128xf32, #tpu.memory_space<hbm>>) dst(%arg14 : memref<16x128xf32, #tpu.memory_space<vmem>>)
    %scan3A_20 = arith.constant 0 : i32
    %scan3A_21 = arith.constant 0 : i32
    %scan3A_22 = arith.constant 16 : i32
    %scan3A_23 = arith.addi %scan3A_21, %scan3A_22 : i32
    %scan3A_24 = arith.constant 1 : i32
    scf.for %scan3A_37 = %scan3A_21 to %scan3A_23 step %scan3A_24  : i32 {
      %get3A = arith.index_cast %scan3A_37 : i32 to index
      %get3A_38 = arith.constant 0 : index
      %get3A_39 = tpu.vector_load %arg14[%get3A, %get3A_38] {strides = array<i32>} : memref<16x128xf32, #tpu.memory_space<vmem>>, vector<1x16xf32>,
      %get3A_40 = vector.shape_cast %get3A_39 : vector<1x16xf32> to vector<16xf32>
      %get3A_41 = arith.index_cast %scan3A_37 : i32 to index
      %get3A_42 = arith.constant 0 : index
      %get3A_43 = tpu.vector_load %arg15[%get3A_41, %get3A_42] {strides = array<i32>} : memref<16x128xf32, #tpu.memory_space<vmem>>, vector<1x16xf32>,
      %get3A_44 = vector.shape_cast %get3A_43 : vector<1x16xf32> to vector<16xf32>
      %mul3A_45 = arith.mulf %get3A_40, %get3A_44 : vector<16xf32>
      %swap3A = arith.index_cast %scan3A_37 : i32 to index
      %swap3A_46 = arith.constant 0 : index
      %swap3A_47 = tpu.vector_load %arg14[%swap3A, %swap3A_46] {strides = array<i32>} : memref<16x128xf32, #tpu.memory_space<vmem>>, vector<1x16xf32>,
      %swap3A_48 = vector.shape_cast %swap3A_47 : vector<1x16xf32> to vector<16xf32>
      %swap3A_49 = vector.shape_cast %mul3A_45 : vector<16xf32> to vector<1x16xf32>
      tpu.vector_store %arg14[%swap3A, %swap3A_46], %swap3A_49 {strides = array<i32>} : memref<16x128xf32, #tpu.memory_space<vmem>>, vector<1x16xf32>,
      %get3A_50 = arith.index_cast %scan3A_37 : i32 to index
      %get3A_51 = arith.constant 16 : index
      %get3A_52 = tpu.vector_load %arg14[%get3A_50, %get3A_51] {strides = array<i32>} : memref<16x128xf32, #tpu.memory_space<vmem>>, vector<1x16xf32>,
      %get3A_53 = vector.shape_cast %get3A_52 : vector<1x16xf32> to vector<16xf32>
      %get3A_54 = arith.index_cast %scan3A_37 : i32 to index
      %get3A_55 = arith.constant 16 : index
      %get3A_56 = tpu.vector_load %arg15[%get3A_54, %get3A_55] {strides = array<i32>} : memref<16x128xf32, #tpu.memory_space<vmem>>, vector<1x16xf32>,
      %get3A_57 = vector.shape_cast %get3A_56 : vector<1x16xf32> to vector<16xf32>
      %mul3A_58 = arith.mulf %get3A_53, %get3A_57 : vector<16xf32>
      %swap3A_59 = arith.index_cast %scan3A_37 : i32 to index
      %swap3A_60 = arith.constant 16 : index
      %swap3A_61 = tpu.vector_load %arg14[%swap3A_59, %swap3A_60] {strides = array<i32>} : memref<16x128xf32, #tpu.memory_space<vmem>>, vector<1x16xf32>,
      %swap3A_62 = vector.shape_cast %swap3A_61 : vector<1x16xf32> to vector<16xf32>
      %swap3A_63 = vector.shape_cast %mul3A_58 : vector<16xf32> to vector<1x16xf32>
      tpu.vector_store %arg14[%swap3A_59, %swap3A_60], %swap3A_63 {strides = array<i32>} : memref<16x128xf32, #tpu.memory_space<vmem>>, vector<1x16xf32>,
      %get3A_64 = arith.index_cast %scan3A_37 : i32 to index
      %get3A_65 = arith.constant 32 : index
      %get3A_66 = tpu.vector_load %arg14[%get3A_64, %get3A_65] {strides = array<i32>} : memref<16x128xf32, #tpu.memory_space<vmem>>, vector<1x16xf32>,
      %get3A_67 = vector.shape_cast %get3A_66 : vector<1x16xf32> to vector<16xf32>
      %get3A_68 = arith.index_cast %scan3A_37 : i32 to index
      %get3A_69 = arith.constant 32 : index
      %get3A_70 = tpu.vector_load %arg15[%get3A_68, %get3A_69] {strides = array<i32>} : memref<16x128xf32, #tpu.memory_space<vmem>>, vector<1x16xf32>,
      %get3A_71 = vector.shape_cast %get3A_70 : vector<1x16xf32> to vector<16xf32>
      %mul3A_72 = arith.mulf %get3A_67, %get3A_71 : vector<16xf32>
      %swap3A_73 = arith.index_cast %scan3A_37 : i32 to index
      %swap3A_74 = arith.constant 32 : index
      %swap3A_75 = tpu.vector_load %arg14[%swap3A_73, %swap3A_74] {strides = array<i32>} : memref<16x128xf32, #tpu.memory_space<vmem>>, vector<1x16xf32>,
      %swap3A_76 = vector.shape_cast %swap3A_75 : vector<1x16xf32> to vector<16xf32>
      %swap3A_77 = vector.shape_cast %mul3A_72 : vector<16xf32> to vector<1x16xf32>
      tpu.vector_store %arg14[%swap3A_73, %swap3A_74], %swap3A_77 {strides = array<i32>} : memref<16x128xf32, #tpu.memory_space<vmem>>, vector<1x16xf32>,
      %get3A_78 = arith.index_cast %scan3A_37 : i32 to index
      %get3A_79 = arith.constant 48 : index
      %get3A_80 = tpu.vector_load %arg14[%get3A_78, %get3A_79] {strides = array<i32>} : memref<16x128xf32, #tpu.memory_space<vmem>>, vector<1x16xf32>,
      %get3A_81 = vector.shape_cast %get3A_80 : vector<1x16xf32> to vector<16xf32>
      %get3A_82 = arith.index_cast %scan3A_37 : i32 to index
      %get3A_83 = arith.constant 48 : index
      %get3A_84 = tpu.vector_load %arg15[%get3A_82, %get3A_83] {strides = array<i32>} : memref<16x128xf32, #tpu.memory_space<vmem>>, vector<1x16xf32>,
      %get3A_85 = vector.shape_cast %get3A_84 : vector<1x16xf32> to vector<16xf32>
      %mul3A_86 = arith.mulf %get3A_81, %get3A_85 : vector<16xf32>
      %swap3A_87 = arith.index_cast %scan3A_37 : i32 to index
      %swap3A_88 = arith.constant 48 : index
      %swap3A_89 = tpu.vector_load %arg14[%swap3A_87, %swap3A_88] {strides = array<i32>} : memref<16x128xf32, #tpu.memory_space<vmem>>, vector<1x16xf32>,
      %swap3A_90 = vector.shape_cast %swap3A_89 : vector<1x16xf32> to vector<16xf32>
      %swap3A_91 = vector.shape_cast %mul3A_86 : vector<16xf32> to vector<1x16xf32>
      tpu.vector_store %arg14[%swap3A_87, %swap3A_88], %swap3A_91 {strides = array<i32>} : memref<16x128xf32, #tpu.memory_space<vmem>>, vector<1x16xf32>,
      %get3A_92 = arith.index_cast %scan3A_37 : i32 to index
      %get3A_93 = arith.constant 64 : index
      %get3A_94 = tpu.vector_load %arg14[%get3A_92, %get3A_93] {strides = array<i32>} : memref<16x128xf32, #tpu.memory_space<vmem>>, vector<1x16xf32>,
      %get3A_95 = vector.shape_cast %get3A_94 : vector<1x16xf32> to vector<16xf32>
      %get3A_96 = arith.index_cast %scan3A_37 : i32 to index
      %get3A_97 = arith.constant 64 : index
      %get3A_98 = tpu.vector_load %arg15[%get3A_96, %get3A_97] {strides = array<i32>} : memref<16x128xf32, #tpu.memory_space<vmem>>, vector<1x16xf32>,
      %get3A_99 = vector.shape_cast %get3A_98 : vector<1x16xf32> to vector<16xf32>
      %mul3A_100 = arith.mulf %get3A_95, %get3A_99 : vector<16xf32>
      %swap3A_101 = arith.index_cast %scan3A_37 : i32 to index
      %swap3A_102 = arith.constant 64 : index
      %swap3A_103 = tpu.vector_load %arg14[%swap3A_101, %swap3A_102] {strides = array<i32>} : memref<16x128xf32, #tpu.memory_space<vmem>>, vector<1x16xf32>,
      %swap3A_104 = vector.shape_cast %swap3A_103 : vector<1x16xf32> to vector<16xf32>
      %swap3A_105 = vector.shape_cast %mul3A_100 : vector<16xf32> to vector<1x16xf32>
      tpu.vector_store %arg14[%swap3A_101, %swap3A_102], %swap3A_105 {strides = array<i32>} : memref<16x128xf32, #tpu.memory_space<vmem>>, vector<1x16xf32>,
      %get3A_106 = arith.index_cast %scan3A_37 : i32 to index
      %get3A_107 = arith.constant 80 : index
      %get3A_108 = tpu.vector_load %arg14[%get3A_106, %get3A_107] {strides = array<i32>} : memref<16x128xf32, #tpu.memory_space<vmem>>, vector<1x16xf32>,
      %get3A_109 = vector.shape_cast %get3A_108 : vector<1x16xf32> to vector<16xf32>
      %get3A_110 = arith.index_cast %scan3A_37 : i32 to index
      %get3A_111 = arith.constant 80 : index
      %get3A_112 = tpu.vector_load %arg15[%get3A_110, %get3A_111] {strides = array<i32>} : memref<16x128xf32, #tpu.memory_space<vmem>>, vector<1x16xf32>,
      %get3A_113 = vector.shape_cast %get3A_112 : vector<1x16xf32> to vector<16xf32>
      %mul3A_114 = arith.mulf %get3A_109, %get3A_113 : vector<16xf32>
      %swap3A_115 = arith.index_cast %scan3A_37 : i32 to index
      %swap3A_116 = arith.constant 80 : index
      %swap3A_117 = tpu.vector_load %arg14[%swap3A_115, %swap3A_116] {strides = array<i32>} : memref<16x128xf32, #tpu.memory_space<vmem>>, vector<1x16xf32>,
      %swap3A_118 = vector.shape_cast %swap3A_117 : vector<1x16xf32> to vector<16xf32>
      %swap3A_119 = vector.shape_cast %mul3A_114 : vector<16xf32> to vector<1x16xf32>
      tpu.vector_store %arg14[%swap3A_115, %swap3A_116], %swap3A_119 {strides = array<i32>} : memref<16x128xf32, #tpu.memory_space<vmem>>, vector<1x16xf32>,
      %get3A_120 = arith.index_cast %scan3A_37 : i32 to index
      %get3A_121 = arith.constant 96 : index
      %get3A_122 = tpu.vector_load %arg14[%get3A_120, %get3A_121] {strides = array<i32>} : memref<16x128xf32, #tpu.memory_space<vmem>>, vector<1x16xf32>,
      %get3A_123 = vector.shape_cast %get3A_122 : vector<1x16xf32> to vector<16xf32>
      %get3A_124 = arith.index_cast %scan3A_37 : i32 to index
      %get3A_125 = arith.constant 96 : index
      %get3A_126 = tpu.vector_load %arg15[%get3A_124, %get3A_125] {strides = array<i32>} : memref<16x128xf32, #tpu.memory_space<vmem>>, vector<1x16xf32>,
      %get3A_127 = vector.shape_cast %get3A_126 : vector<1x16xf32> to vector<16xf32>
      %mul3A_128 = arith.mulf %get3A_123, %get3A_127 : vector<16xf32>
      %swap3A_129 = arith.index_cast %scan3A_37 : i32 to index
      %swap3A_130 = arith.constant 96 : index
      %swap3A_131 = tpu.vector_load %arg14[%swap3A_129, %swap3A_130] {strides = array<i32>} : memref<16x128xf32, #tpu.memory_space<vmem>>, vector<1x16xf32>,
      %swap3A_132 = vector.shape_cast %swap3A_131 : vector<1x16xf32> to vector<16xf32>
      %swap3A_133 = vector.shape_cast %mul3A_128 : vector<16xf32> to vector<1x16xf32>
      tpu.vector_store %arg14[%swap3A_129, %swap3A_130], %swap3A_133 {strides = array<i32>} : memref<16x128xf32, #tpu.memory_space<vmem>>, vector<1x16xf32>,
      %get3A_134 = arith.index_cast %scan3A_37 : i32 to index
      %get3A_135 = arith.constant 112 : index
      %get3A_136 = tpu.vector_load %arg14[%get3A_134, %get3A_135] {strides = array<i32>} : memref<16x128xf32, #tpu.memory_space<vmem>>, vector<1x16xf32>,
      %get3A_137 = vector.shape_cast %get3A_136 : vector<1x16xf32> to vector<16xf32>
      %get3A_138 = arith.index_cast %scan3A_37 : i32 to index
      %get3A_139 = arith.constant 112 : index
      %get3A_140 = tpu.vector_load %arg15[%get3A_138, %get3A_139] {strides = array<i32>} : memref<16x128xf32, #tpu.memory_space<vmem>>, vector<1x16xf32>,
      %get3A_141 = vector.shape_cast %get3A_140 : vector<1x16xf32> to vector<16xf32>
      %mul3A_142 = arith.mulf %get3A_137, %get3A_141 : vector<16xf32>
      %swap3A_143 = arith.index_cast %scan3A_37 : i32 to index
      %swap3A_144 = arith.constant 112 : index
      %swap3A_145 = tpu.vector_load %arg14[%swap3A_143, %swap3A_144] {strides = array<i32>} : memref<16x128xf32, #tpu.memory_space<vmem>>, vector<1x16xf32>,
      %swap3A_146 = vector.shape_cast %swap3A_145 : vector<1x16xf32> to vector<16xf32>
      %swap3A_147 = vector.shape_cast %mul3A_142 : vector<16xf32> to vector<1x16xf32>
      tpu.vector_store %arg14[%swap3A_143, %swap3A_144], %swap3A_147 {strides = array<i32>} : memref<16x128xf32, #tpu.memory_space<vmem>>, vector<1x16xf32>,
    }
    %scan3A_25 = arith.constant 16 : i32
    "tpu.region"() ({
      %run_scoped3A = tpu.sem_alloc : memref<!tpu.dma_semaphore, #tpu.memory_space<semaphore_mem>>
      %dma_start3A_37 = arith.constant 0 : i32
      %dma_start3A_38 = arith.constant 0 : i32
      %dma_start3A_39 = tpu.memref_slice %arg16[%dma_start3A_37, %dma_start3A_38] : memref<10000x128xf32, #tpu.memory_space<vmem_shared>> -> memref<10000x128xf32, #tpu.memory_space<vmem_shared>>
      tpu.enqueue_indirect_dma source(%arg14 : memref<16x128xf32, #tpu.memory_space<vmem>>) target(%dma_start3A_39 : memref<10000x128xf32, #tpu.memory_space<vmem_shared>>) offsets(%arg11 : memref<16xi32, #tpu.memory_space<vmem>>) semaphore(%run_scoped3A : memref<!tpu.dma_semaphore, #tpu.memory_space<semaphore_mem>>) {add = true}
      %dma_wait3A_40 = arith.constant 0 : i32
      %dma_wait3A_41 = arith.constant 0 : i32
      %dma_wait3A_42 = tpu.memref_slice %arg16[%dma_wait3A_40, %dma_wait3A_41] : memref<10000x128xf32, #tpu.memory_space<vmem_shared>> -> memref<10000x128xf32, #tpu.memory_space<vmem_shared>>
      tpu.wait_indirect_dma semaphore(%run_scoped3A : memref<!tpu.dma_semaphore, #tpu.memory_space<semaphore_mem>>) src(%arg14 : memref<16x128xf32, #tpu.memory_space<vmem>>) dst(%dma_wait3A_42 : memref<10000x128xf32, #tpu.memory_space<vmem_shared>>)
      tpu.yield
    }) : () -> ()
    %barrier3A_26 = arith.constant 0 : index
    tpu.barrier barrier_id(%barrier3A_26)
    %lt3A_27 = arith.constant 15 : i32
    %lt3A_28 = arith.cmpi slt, %arg1, %lt3A_27 : i32
    %convert_element_type3A_29 = arith.extui %lt3A_28 : i1 to i32
    %cond3A_30 = arith.constant 0 : i32
    %cond3A_31 = arith.cmpi ne, %convert_element_type3A_29, %cond3A_30 : i32
    scf.if %cond3A_31 {
      %mul3A_37 = arith.constant 640 : i32
      %mul3A_38 = arith.muli %arg1, %mul3A_37 : i32
      %mul3A_39 = arith.constant 640 : i32
      %mul3A_40 = arith.muli %arg1, %mul3A_39 : i32
      "tpu.region"() ({
        %run_scoped3A = tpu.sem_alloc : memref<!tpu.dma_semaphore, #tpu.memory_space<semaphore_mem>>
        %dma_start3A_41 = arith.constant 0 : i32
        %dma_start3A_42 = tpu.memref_slice %arg7[%arg0, %mul3A_40, %dma_start3A_41] : memref<2x10000x128xf32, #tpu.memory_space<hbm>> -> memref<1x640x128xf32, #tpu.memory_space<hbm>>
        %dma_start3A_43 = tpu.memref_squeeze %dma_start3A_42 : memref<1x640x128xf32, #tpu.memory_space<hbm>> -> memref<640x128xf32, #tpu.memory_space<hbm>>
        %dma_start3A_44 = arith.constant 0 : i32
        %dma_start3A_45 = tpu.memref_slice %arg16[%mul3A_38, %dma_start3A_44] : memref<10000x128xf32, #tpu.memory_space<vmem_shared>> -> memref<640x128xf32, #tpu.memory_space<vmem_shared>>
        tpu.enqueue_dma source(%dma_start3A_45 : memref<640x128xf32, #tpu.memory_space<vmem_shared>>) target(%dma_start3A_43 : memref<640x128xf32, #tpu.memory_space<hbm>>) target_semaphore(%run_scoped3A : memref<!tpu.dma_semaphore, #tpu.memory_space<semaphore_mem>>)
        %dma_wait3A_46 = arith.constant 0 : i32
        %dma_wait3A_47 = tpu.memref_slice %arg7[%arg0, %mul3A_40, %dma_wait3A_46] : memref<2x10000x128xf32, #tpu.memory_space<hbm>> -> memref<1x640x128xf32, #tpu.memory_space<hbm>>
        %dma_wait3A_48 = tpu.memref_squeeze %dma_wait3A_47 : memref<1x640x128xf32, #tpu.memory_space<hbm>> -> memref<640x128xf32, #tpu.memory_space<hbm>>
        %dma_wait3A_49 = arith.constant 0 : i32
        %dma_wait3A_50 = tpu.memref_slice %arg16[%mul3A_38, %dma_wait3A_49] : memref<10000x128xf32, #tpu.memory_space<vmem_shared>> -> memref<640x128xf32, #tpu.memory_space<vmem_shared>>
        tpu.wait_dma2 semaphore(%run_scoped3A : memref<!tpu.dma_semaphore, #tpu.memory_space<semaphore_mem>>) src(%dma_wait3A_50 : memref<640x128xf32, #tpu.memory_space<vmem_shared>>) dst(%dma_wait3A_48 : memref<640x128xf32, #tpu.memory_space<hbm>>)
        tpu.yield
      }) : () -> ()
    } else {
    }
    %eq3A_32 = arith.constant 15 : i32
    %eq3A_33 = arith.cmpi eq, %arg1, %eq3A_32 : i32
    %convert_element_type3A_34 = arith.extui %eq3A_33 : i1 to i32
    %cond3A_35 = arith.constant 0 : i32
    %cond3A_36 = arith.cmpi ne, %convert_element_type3A_34, %cond3A_35 : i32
    scf.if %cond3A_36 {
      "tpu.region"() ({
        %run_scoped3A = tpu.sem_alloc : memref<!tpu.dma_semaphore, #tpu.memory_space<semaphore_mem>>
        %dma_start3A_37 = arith.constant 9600 : i32
        %dma_start3A_38 = arith.constant 0 : i32
        %dma_start3A_39 = tpu.memref_slice %arg7[%arg0, %dma_start3A_37, %dma_start3A_38] : memref<2x10000x128xf32, #tpu.memory_space<hbm>> -> memref<1x400x128xf32, #tpu.memory_space<hbm>>
        %dma_start3A_40 = tpu.memref_squeeze %dma_start3A_39 : memref<1x400x128xf32, #tpu.memory_space<hbm>> -> memref<400x128xf32, #tpu.memory_space<hbm>>
        %dma_start3A_41 = arith.constant 9600 : i32
        %dma_start3A_42 = arith.constant 0 : i32
        %dma_start3A_43 = tpu.memref_slice %arg16[%dma_start3A_41, %dma_start3A_42] : memref<10000x128xf32, #tpu.memory_space<vmem_shared>> -> memref<400x128xf32, #tpu.memory_space<vmem_shared>>
        tpu.enqueue_dma source(%dma_start3A_43 : memref<400x128xf32, #tpu.memory_space<vmem_shared>>) target(%dma_start3A_40 : memref<400x128xf32, #tpu.memory_space<hbm>>) target_semaphore(%run_scoped3A : memref<!tpu.dma_semaphore, #tpu.memory_space<semaphore_mem>>)
        %dma_wait3A_44 = arith.constant 9600 : i32
        %dma_wait3A_45 = arith.constant 0 : i32
        %dma_wait3A_46 = tpu.memref_slice %arg7[%arg0, %dma_wait3A_44, %dma_wait3A_45] : memref<2x10000x128xf32, #tpu.memory_space<hbm>> -> memref<1x400x128xf32, #tpu.memory_space<hbm>>
        %dma_wait3A_47 = tpu.memref_squeeze %dma_wait3A_46 : memref<1x400x128xf32, #tpu.memory_space<hbm>> -> memref<400x128xf32, #tpu.memory_space<hbm>>
        %dma_wait3A_48 = arith.constant 9600 : i32
        %dma_wait3A_49 = arith.constant 0 : i32
        %dma_wait3A_50 = tpu.memref_slice %arg16[%dma_wait3A_48, %dma_wait3A_49] : memref<10000x128xf32, #tpu.memory_space<vmem_shared>> -> memref<400x128xf32, #tpu.memory_space<vmem_shared>>
        tpu.wait_dma2 semaphore(%run_scoped3A : memref<!tpu.dma_semaphore, #tpu.memory_space<semaphore_mem>>) src(%dma_wait3A_50 : memref<400x128xf32, #tpu.memory_space<vmem_shared>>) dst(%dma_wait3A_47 : memref<400x128xf32, #tpu.memory_space<hbm>>)
        tpu.yield
      }) : () -> ()
    } else {
    }
    return
  }
}

#map = affine_map<(d0, d1) -> (0, 0)>
#map1 = affine_map<(d0, d1) -> (0)>
#map2 = affine_map<(d0, d1) -> (0, 0, 0)>
module attributes {stable_mosaic.version = 14 : i64} {
  func.func @_edge_agg_body(%arg0: i32, %arg1: i32, %arg2: memref<10000x128xf32, #tpu.memory_space<hbm>>, %arg3: memref<320000xi32, #tpu.memory_space<hbm>>, %arg4: memref<320000xi32, #tpu.memory_space<hbm>>, %arg5: memref<320000x128xf32, #tpu.memory_space<hbm>>, %arg6: memref<10000x128xf32, #tpu.memory_space<hbm>>, %arg7: memref<2x10000x128xf32, #tpu.memory_space<hbm>>, %arg8: memref<128xi32, #tpu.memory_space<vmem>>, %arg9: memref<128xi32, #tpu.memory_space<vmem>>, %arg10: memref<16xi32, #tpu.memory_space<vmem>>, %arg11: memref<16xi32, #tpu.memory_space<vmem>>, %arg12: memref<128x128xf32, #tpu.memory_space<vmem>>, %arg13: memref<128x128xf32, #tpu.memory_space<vmem>>, %arg14: memref<16x128xf32, #tpu.memory_space<vmem>>, %arg15: memref<16x128xf32, #tpu.memory_space<vmem>>, %arg16: memref<10000x128xf32, #tpu.memory_space<vmem_shared>>, %arg17: memref<!tpu.dma_semaphore, #tpu.memory_space<semaphore_mem>>) attributes {dimension_semantics = [#tpu.dimension_semantics<core_parallel>, #tpu.dimension_semantics<subcore_parallel>], iteration_bounds = array<i64: 2, 16>, scalar_prefetch = 0 : i64, scratch_operands = 10 : i64, tpu.core_type = #tpu.core_type<sc_vector_subcore>, window_params = [{transform_indices = #map}, {transform_indices = #map1}, {transform_indices = #map1}, {transform_indices = #map}, {transform_indices = #map}, {transform_indices = #map2}]} {
    %mul3A = arith.constant 16 : i32
    %mul3A_0 = arith.muli %arg0, %mul3A : i32
    %add3A = arith.addi %mul3A_0, %arg1 : i32
    %lt3A = arith.constant 15 : i32
    %lt3A_1 = arith.cmpi slt, %arg1, %lt3A : i32
    %convert_element_type3A = arith.extui %lt3A_1 : i1 to i32
    %cond3A = arith.constant 0 : i32
    %cond3A_2 = arith.cmpi ne, %convert_element_type3A, %cond3A : i32
    scf.if %cond3A_2 {
      %mul3A_37 = arith.constant 640 : i32
      %mul3A_38 = arith.muli %arg1, %mul3A_37 : i32
      %mul3A_39 = arith.constant 640 : i32
      %mul3A_40 = arith.muli %arg1, %mul3A_39 : i32
      "tpu.region"() ({
        %run_scoped3A = tpu.sem_alloc : memref<!tpu.dma_semaphore, #tpu.memory_space<semaphore_mem>>
        %dma_start3A_41 = arith.constant 0 : i32
        %dma_start3A_42 = tpu.memref_slice %arg16[%mul3A_40, %dma_start3A_41] : memref<10000x128xf32, #tpu.memory_space<vmem_shared>> -> memref<640x128xf32, #tpu.memory_space<vmem_shared>>
        %dma_start3A_43 = arith.constant 0 : i32
        %dma_start3A_44 = tpu.memref_slice %arg6[%mul3A_38, %dma_start3A_43] : memref<10000x128xf32, #tpu.memory_space<hbm>> -> memref<640x128xf32, #tpu.memory_space<hbm>>
        tpu.enqueue_dma source(%dma_start3A_44 : memref<640x128xf32, #tpu.memory_space<hbm>>) target(%dma_start3A_42 : memref<640x128xf32, #tpu.memory_space<vmem_shared>>) target_semaphore(%run_scoped3A : memref<!tpu.dma_semaphore, #tpu.memory_space<semaphore_mem>>)
        %dma_wait3A_45 = arith.constant 0 : i32
        %dma_wait3A_46 = tpu.memref_slice %arg16[%mul3A_40, %dma_wait3A_45] : memref<10000x128xf32, #tpu.memory_space<vmem_shared>> -> memref<640x128xf32, #tpu.memory_space<vmem_shared>>
        %dma_wait3A_47 = arith.constant 0 : i32
        %dma_wait3A_48 = tpu.memref_slice %arg6[%mul3A_38, %dma_wait3A_47] : memref<10000x128xf32, #tpu.memory_space<hbm>> -> memref<640x128xf32, #tpu.memory_space<hbm>>
        tpu.wait_dma2 semaphore(%run_scoped3A : memref<!tpu.dma_semaphore, #tpu.memory_space<semaphore_mem>>) src(%dma_wait3A_48 : memref<640x128xf32, #tpu.memory_space<hbm>>) dst(%dma_wait3A_46 : memref<640x128xf32, #tpu.memory_space<vmem_shared>>)
        tpu.yield
      }) : () -> ()
    } else {
    }
    %eq3A = arith.constant 15 : i32
    %eq3A_3 = arith.cmpi eq, %arg1, %eq3A : i32
    %convert_element_type3A_4 = arith.extui %eq3A_3 : i1 to i32
    %cond3A_5 = arith.constant 0 : i32
    %cond3A_6 = arith.cmpi ne, %convert_element_type3A_4, %cond3A_5 : i32
    scf.if %cond3A_6 {
      "tpu.region"() ({
        %run_scoped3A = tpu.sem_alloc : memref<!tpu.dma_semaphore, #tpu.memory_space<semaphore_mem>>
        %dma_start3A_37 = arith.constant 9600 : i32
        %dma_start3A_38 = arith.constant 0 : i32
        %dma_start3A_39 = tpu.memref_slice %arg16[%dma_start3A_37, %dma_start3A_38] : memref<10000x128xf32, #tpu.memory_space<vmem_shared>> -> memref<400x128xf32, #tpu.memory_space<vmem_shared>>
        %dma_start3A_40 = arith.constant 9600 : i32
        %dma_start3A_41 = arith.constant 0 : i32
        %dma_start3A_42 = tpu.memref_slice %arg6[%dma_start3A_40, %dma_start3A_41] : memref<10000x128xf32, #tpu.memory_space<hbm>> -> memref<400x128xf32, #tpu.memory_space<hbm>>
        tpu.enqueue_dma source(%dma_start3A_42 : memref<400x128xf32, #tpu.memory_space<hbm>>) target(%dma_start3A_39 : memref<400x128xf32, #tpu.memory_space<vmem_shared>>) target_semaphore(%run_scoped3A : memref<!tpu.dma_semaphore, #tpu.memory_space<semaphore_mem>>)
        %dma_wait3A_43 = arith.constant 9600 : i32
        %dma_wait3A_44 = arith.constant 0 : i32
        %dma_wait3A_45 = tpu.memref_slice %arg16[%dma_wait3A_43, %dma_wait3A_44] : memref<10000x128xf32, #tpu.memory_space<vmem_shared>> -> memref<400x128xf32, #tpu.memory_space<vmem_shared>>
        %dma_wait3A_46 = arith.constant 9600 : i32
        %dma_wait3A_47 = arith.constant 0 : i32
        %dma_wait3A_48 = tpu.memref_slice %arg6[%dma_wait3A_46, %dma_wait3A_47] : memref<10000x128xf32, #tpu.memory_space<hbm>> -> memref<400x128xf32, #tpu.memory_space<hbm>>
        tpu.wait_dma2 semaphore(%run_scoped3A : memref<!tpu.dma_semaphore, #tpu.memory_space<semaphore_mem>>) src(%dma_wait3A_48 : memref<400x128xf32, #tpu.memory_space<hbm>>) dst(%dma_wait3A_45 : memref<400x128xf32, #tpu.memory_space<vmem_shared>>)
        tpu.yield
      }) : () -> ()
    } else {
    }
    %barrier3A = arith.constant 0 : index
    tpu.barrier barrier_id(%barrier3A)
    %mul3A_7 = arith.constant 10000 : i32
    %mul3A_8 = arith.muli %add3A, %mul3A_7 : i32
    %scan3A = arith.constant 0 : i32
    %scan3A_9 = arith.constant 0 : i32
    %scan3A_10 = arith.constant 78 : i32
    %scan3A_11 = arith.addi %scan3A_9, %scan3A_10 : i32
    %scan3A_12 = arith.constant 1 : i32
    scf.for %scan3A_37 = %scan3A_9 to %scan3A_11 step %scan3A_12  : i32 {
      %mul3A_38 = arith.constant 128 : i32
      %mul3A_39 = arith.muli %scan3A_37, %mul3A_38 : i32
      %add3A_40 = arith.addi %mul3A_8, %mul3A_39 : i32
      "tpu.region"() ({
        %run_scoped3A = tpu.sem_alloc : memref<!tpu.dma_semaphore, #tpu.memory_space<semaphore_mem>>
        %dma_start3A_53 = tpu.memref_slice %arg3[%add3A_40] : memref<320000xi32, #tpu.memory_space<hbm>> -> memref<128xi32, #tpu.memory_space<hbm>>
        %dma_start3A_54 = tpu.memref_slice %arg3[%add3A_40] : memref<320000xi32, #tpu.memory_space<hbm>> -> memref<128xi32, #tpu.memory_space<hbm>>
        tpu.enqueue_dma source(%dma_start3A_54 : memref<128xi32, #tpu.memory_space<hbm>>) target(%arg8 : memref<128xi32, #tpu.memory_space<vmem>>) target_semaphore(%run_scoped3A : memref<!tpu.dma_semaphore, #tpu.memory_space<semaphore_mem>>)
        %dma_wait3A_55 = tpu.memref_slice %arg3[%add3A_40] : memref<320000xi32, #tpu.memory_space<hbm>> -> memref<128xi32, #tpu.memory_space<hbm>>
        %dma_wait3A_56 = tpu.memref_slice %arg3[%add3A_40] : memref<320000xi32, #tpu.memory_space<hbm>> -> memref<128xi32, #tpu.memory_space<hbm>>
        tpu.wait_dma2 semaphore(%run_scoped3A : memref<!tpu.dma_semaphore, #tpu.memory_space<semaphore_mem>>) src(%dma_wait3A_56 : memref<128xi32, #tpu.memory_space<hbm>>) dst(%arg8 : memref<128xi32, #tpu.memory_space<vmem>>)
        tpu.yield
      }) : () -> ()
      "tpu.region"() ({
        %run_scoped3A = tpu.sem_alloc : memref<!tpu.dma_semaphore, #tpu.memory_space<semaphore_mem>>
        %dma_start3A_53 = tpu.memref_slice %arg4[%add3A_40] : memref<320000xi32, #tpu.memory_space<hbm>> -> memref<128xi32, #tpu.memory_space<hbm>>
        %dma_start3A_54 = tpu.memref_slice %arg4[%add3A_40] : memref<320000xi32, #tpu.memory_space<hbm>> -> memref<128xi32, #tpu.memory_space<hbm>>
        tpu.enqueue_dma source(%dma_start3A_54 : memref<128xi32, #tpu.memory_space<hbm>>) target(%arg9 : memref<128xi32, #tpu.memory_space<vmem>>) target_semaphore(%run_scoped3A : memref<!tpu.dma_semaphore, #tpu.memory_space<semaphore_mem>>)
        %dma_wait3A_55 = tpu.memref_slice %arg4[%add3A_40] : memref<320000xi32, #tpu.memory_space<hbm>> -> memref<128xi32, #tpu.memory_space<hbm>>
        %dma_wait3A_56 = tpu.memref_slice %arg4[%add3A_40] : memref<320000xi32, #tpu.memory_space<hbm>> -> memref<128xi32, #tpu.memory_space<hbm>>
        tpu.wait_dma2 semaphore(%run_scoped3A : memref<!tpu.dma_semaphore, #tpu.memory_space<semaphore_mem>>) src(%dma_wait3A_56 : memref<128xi32, #tpu.memory_space<hbm>>) dst(%arg9 : memref<128xi32, #tpu.memory_space<vmem>>)
        tpu.yield
      }) : () -> ()
      %dma_start3A_41 = arith.constant 0 : i32
      %dma_start3A_42 = arith.constant 0 : i32
      %dma_start3A_43 = tpu.memref_slice %arg2[%dma_start3A_41, %dma_start3A_42] : memref<10000x128xf32, #tpu.memory_space<hbm>> -> memref<10000x128xf32, #tpu.memory_space<hbm>>
      tpu.enqueue_indirect_dma source(%dma_start3A_43 : memref<10000x128xf32, #tpu.memory_space<hbm>>) target(%arg12 : memref<128x128xf32, #tpu.memory_space<vmem>>) offsets(%arg8 : memref<128xi32, #tpu.memory_space<vmem>>) semaphore(%arg17 : memref<!tpu.dma_semaphore, #tpu.memory_space<semaphore_mem>>)
      "tpu.region"() ({
        %run_scoped3A = tpu.sem_alloc : memref<!tpu.dma_semaphore, #tpu.memory_space<semaphore_mem>>
        %dma_start3A_53 = arith.constant 0 : i32
        %dma_start3A_54 = tpu.memref_slice %arg5[%add3A_40, %dma_start3A_53] : memref<320000x128xf32, #tpu.memory_space<hbm>> -> memref<128x128xf32, #tpu.memory_space<hbm>>
        %dma_start3A_55 = arith.constant 0 : i32
        %dma_start3A_56 = tpu.memref_slice %arg5[%add3A_40, %dma_start3A_55] : memref<320000x128xf32, #tpu.memory_space<hbm>> -> memref<128x128xf32, #tpu.memory_space<hbm>>
        tpu.enqueue_dma source(%dma_start3A_56 : memref<128x128xf32, #tpu.memory_space<hbm>>) target(%arg13 : memref<128x128xf32, #tpu.memory_space<vmem>>) target_semaphore(%run_scoped3A : memref<!tpu.dma_semaphore, #tpu.memory_space<semaphore_mem>>)
        %dma_wait3A_57 = arith.constant 0 : i32
        %dma_wait3A_58 = tpu.memref_slice %arg5[%add3A_40, %dma_wait3A_57] : memref<320000x128xf32, #tpu.memory_space<hbm>> -> memref<128x128xf32, #tpu.memory_space<hbm>>
        %dma_wait3A_59 = arith.constant 0 : i32
        %dma_wait3A_60 = tpu.memref_slice %arg5[%add3A_40, %dma_wait3A_59] : memref<320000x128xf32, #tpu.memory_space<hbm>> -> memref<128x128xf32, #tpu.memory_space<hbm>>
        tpu.wait_dma2 semaphore(%run_scoped3A : memref<!tpu.dma_semaphore, #tpu.memory_space<semaphore_mem>>) src(%dma_wait3A_60 : memref<128x128xf32, #tpu.memory_space<hbm>>) dst(%arg13 : memref<128x128xf32, #tpu.memory_space<vmem>>)
        tpu.yield
      }) : () -> ()
      %dma_wait3A_44 = arith.constant 0 : i32
      %dma_wait3A_45 = arith.constant 0 : i32
      %dma_wait3A_46 = tpu.memref_slice %arg2[%dma_wait3A_44, %dma_wait3A_45] : memref<10000x128xf32, #tpu.memory_space<hbm>> -> memref<10000x128xf32, #tpu.memory_space<hbm>>
      tpu.wait_indirect_dma semaphore(%arg17 : memref<!tpu.dma_semaphore, #tpu.memory_space<semaphore_mem>>) src(%dma_wait3A_46 : memref<10000x128xf32, #tpu.memory_space<hbm>>) dst(%arg12 : memref<128x128xf32, #tpu.memory_space<vmem>>)
      %scan3A_47 = arith.constant 0 : i32
      %scan3A_48 = arith.constant 0 : i32
      %scan3A_49 = arith.constant 128 : i32
      %scan3A_50 = arith.addi %scan3A_48, %scan3A_49 : i32
      %scan3A_51 = arith.constant 1 : i32
      scf.for %scan3A_53 = %scan3A_48 to %scan3A_50 step %scan3A_51  : i32 {
        %get3A = arith.index_cast %scan3A_53 : i32 to index
        %get3A_54 = arith.constant 0 : index
        %get3A_55 = tpu.vector_load %arg12[%get3A, %get3A_54] {strides = array<i32>} : memref<128x128xf32, #tpu.memory_space<vmem>>, vector<1x16xf32>,
        %get3A_56 = vector.shape_cast %get3A_55 : vector<1x16xf32> to vector<16xf32>
        %get3A_57 = arith.index_cast %scan3A_53 : i32 to index
        %get3A_58 = arith.constant 0 : index
        %get3A_59 = tpu.vector_load %arg13[%get3A_57, %get3A_58] {strides = array<i32>} : memref<128x128xf32, #tpu.memory_space<vmem>>, vector<1x16xf32>,
        %get3A_60 = vector.shape_cast %get3A_59 : vector<1x16xf32> to vector<16xf32>
        %mul3A_61 = arith.mulf %get3A_56, %get3A_60 : vector<16xf32>
        %swap3A = arith.index_cast %scan3A_53 : i32 to index
        %swap3A_62 = arith.constant 0 : index
        %swap3A_63 = tpu.vector_load %arg12[%swap3A, %swap3A_62] {strides = array<i32>} : memref<128x128xf32, #tpu.memory_space<vmem>>, vector<1x16xf32>,
        %swap3A_64 = vector.shape_cast %swap3A_63 : vector<1x16xf32> to vector<16xf32>
        %swap3A_65 = vector.shape_cast %mul3A_61 : vector<16xf32> to vector<1x16xf32>
        tpu.vector_store %arg12[%swap3A, %swap3A_62], %swap3A_65 {strides = array<i32>} : memref<128x128xf32, #tpu.memory_space<vmem>>, vector<1x16xf32>,
        %get3A_66 = arith.index_cast %scan3A_53 : i32 to index
        %get3A_67 = arith.constant 16 : index
        %get3A_68 = tpu.vector_load %arg12[%get3A_66, %get3A_67] {strides = array<i32>} : memref<128x128xf32, #tpu.memory_space<vmem>>, vector<1x16xf32>,
        %get3A_69 = vector.shape_cast %get3A_68 : vector<1x16xf32> to vector<16xf32>
        %get3A_70 = arith.index_cast %scan3A_53 : i32 to index
        %get3A_71 = arith.constant 16 : index
        %get3A_72 = tpu.vector_load %arg13[%get3A_70, %get3A_71] {strides = array<i32>} : memref<128x128xf32, #tpu.memory_space<vmem>>, vector<1x16xf32>,
        %get3A_73 = vector.shape_cast %get3A_72 : vector<1x16xf32> to vector<16xf32>
        %mul3A_74 = arith.mulf %get3A_69, %get3A_73 : vector<16xf32>
        %swap3A_75 = arith.index_cast %scan3A_53 : i32 to index
        %swap3A_76 = arith.constant 16 : index
        %swap3A_77 = tpu.vector_load %arg12[%swap3A_75, %swap3A_76] {strides = array<i32>} : memref<128x128xf32, #tpu.memory_space<vmem>>, vector<1x16xf32>,
        %swap3A_78 = vector.shape_cast %swap3A_77 : vector<1x16xf32> to vector<16xf32>
        %swap3A_79 = vector.shape_cast %mul3A_74 : vector<16xf32> to vector<1x16xf32>
        tpu.vector_store %arg12[%swap3A_75, %swap3A_76], %swap3A_79 {strides = array<i32>} : memref<128x128xf32, #tpu.memory_space<vmem>>, vector<1x16xf32>,
        %get3A_80 = arith.index_cast %scan3A_53 : i32 to index
        %get3A_81 = arith.constant 32 : index
        %get3A_82 = tpu.vector_load %arg12[%get3A_80, %get3A_81] {strides = array<i32>} : memref<128x128xf32, #tpu.memory_space<vmem>>, vector<1x16xf32>,
        %get3A_83 = vector.shape_cast %get3A_82 : vector<1x16xf32> to vector<16xf32>
        %get3A_84 = arith.index_cast %scan3A_53 : i32 to index
        %get3A_85 = arith.constant 32 : index
        %get3A_86 = tpu.vector_load %arg13[%get3A_84, %get3A_85] {strides = array<i32>} : memref<128x128xf32, #tpu.memory_space<vmem>>, vector<1x16xf32>,
        %get3A_87 = vector.shape_cast %get3A_86 : vector<1x16xf32> to vector<16xf32>
        %mul3A_88 = arith.mulf %get3A_83, %get3A_87 : vector<16xf32>
        %swap3A_89 = arith.index_cast %scan3A_53 : i32 to index
        %swap3A_90 = arith.constant 32 : index
        %swap3A_91 = tpu.vector_load %arg12[%swap3A_89, %swap3A_90] {strides = array<i32>} : memref<128x128xf32, #tpu.memory_space<vmem>>, vector<1x16xf32>,
        %swap3A_92 = vector.shape_cast %swap3A_91 : vector<1x16xf32> to vector<16xf32>
        %swap3A_93 = vector.shape_cast %mul3A_88 : vector<16xf32> to vector<1x16xf32>
        tpu.vector_store %arg12[%swap3A_89, %swap3A_90], %swap3A_93 {strides = array<i32>} : memref<128x128xf32, #tpu.memory_space<vmem>>, vector<1x16xf32>,
        %get3A_94 = arith.index_cast %scan3A_53 : i32 to index
        %get3A_95 = arith.constant 48 : index
        %get3A_96 = tpu.vector_load %arg12[%get3A_94, %get3A_95] {strides = array<i32>} : memref<128x128xf32, #tpu.memory_space<vmem>>, vector<1x16xf32>,
        %get3A_97 = vector.shape_cast %get3A_96 : vector<1x16xf32> to vector<16xf32>
        %get3A_98 = arith.index_cast %scan3A_53 : i32 to index
        %get3A_99 = arith.constant 48 : index
        %get3A_100 = tpu.vector_load %arg13[%get3A_98, %get3A_99] {strides = array<i32>} : memref<128x128xf32, #tpu.memory_space<vmem>>, vector<1x16xf32>,
        %get3A_101 = vector.shape_cast %get3A_100 : vector<1x16xf32> to vector<16xf32>
        %mul3A_102 = arith.mulf %get3A_97, %get3A_101 : vector<16xf32>
        %swap3A_103 = arith.index_cast %scan3A_53 : i32 to index
        %swap3A_104 = arith.constant 48 : index
        %swap3A_105 = tpu.vector_load %arg12[%swap3A_103, %swap3A_104] {strides = array<i32>} : memref<128x128xf32, #tpu.memory_space<vmem>>, vector<1x16xf32>,
        %swap3A_106 = vector.shape_cast %swap3A_105 : vector<1x16xf32> to vector<16xf32>
        %swap3A_107 = vector.shape_cast %mul3A_102 : vector<16xf32> to vector<1x16xf32>
        tpu.vector_store %arg12[%swap3A_103, %swap3A_104], %swap3A_107 {strides = array<i32>} : memref<128x128xf32, #tpu.memory_space<vmem>>, vector<1x16xf32>,
        %get3A_108 = arith.index_cast %scan3A_53 : i32 to index
        %get3A_109 = arith.constant 64 : index
        %get3A_110 = tpu.vector_load %arg12[%get3A_108, %get3A_109] {strides = array<i32>} : memref<128x128xf32, #tpu.memory_space<vmem>>, vector<1x16xf32>,
        %get3A_111 = vector.shape_cast %get3A_110 : vector<1x16xf32> to vector<16xf32>
        %get3A_112 = arith.index_cast %scan3A_53 : i32 to index
        %get3A_113 = arith.constant 64 : index
        %get3A_114 = tpu.vector_load %arg13[%get3A_112, %get3A_113] {strides = array<i32>} : memref<128x128xf32, #tpu.memory_space<vmem>>, vector<1x16xf32>,
        %get3A_115 = vector.shape_cast %get3A_114 : vector<1x16xf32> to vector<16xf32>
        %mul3A_116 = arith.mulf %get3A_111, %get3A_115 : vector<16xf32>
        %swap3A_117 = arith.index_cast %scan3A_53 : i32 to index
        %swap3A_118 = arith.constant 64 : index
        %swap3A_119 = tpu.vector_load %arg12[%swap3A_117, %swap3A_118] {strides = array<i32>} : memref<128x128xf32, #tpu.memory_space<vmem>>, vector<1x16xf32>,
        %swap3A_120 = vector.shape_cast %swap3A_119 : vector<1x16xf32> to vector<16xf32>
        %swap3A_121 = vector.shape_cast %mul3A_116 : vector<16xf32> to vector<1x16xf32>
        tpu.vector_store %arg12[%swap3A_117, %swap3A_118], %swap3A_121 {strides = array<i32>} : memref<128x128xf32, #tpu.memory_space<vmem>>, vector<1x16xf32>,
        %get3A_122 = arith.index_cast %scan3A_53 : i32 to index
        %get3A_123 = arith.constant 80 : index
        %get3A_124 = tpu.vector_load %arg12[%get3A_122, %get3A_123] {strides = array<i32>} : memref<128x128xf32, #tpu.memory_space<vmem>>, vector<1x16xf32>,
        %get3A_125 = vector.shape_cast %get3A_124 : vector<1x16xf32> to vector<16xf32>
        %get3A_126 = arith.index_cast %scan3A_53 : i32 to index
        %get3A_127 = arith.constant 80 : index
        %get3A_128 = tpu.vector_load %arg13[%get3A_126, %get3A_127] {strides = array<i32>} : memref<128x128xf32, #tpu.memory_space<vmem>>, vector<1x16xf32>,
        %get3A_129 = vector.shape_cast %get3A_128 : vector<1x16xf32> to vector<16xf32>
        %mul3A_130 = arith.mulf %get3A_125, %get3A_129 : vector<16xf32>
        %swap3A_131 = arith.index_cast %scan3A_53 : i32 to index
        %swap3A_132 = arith.constant 80 : index
        %swap3A_133 = tpu.vector_load %arg12[%swap3A_131, %swap3A_132] {strides = array<i32>} : memref<128x128xf32, #tpu.memory_space<vmem>>, vector<1x16xf32>,
        %swap3A_134 = vector.shape_cast %swap3A_133 : vector<1x16xf32> to vector<16xf32>
        %swap3A_135 = vector.shape_cast %mul3A_130 : vector<16xf32> to vector<1x16xf32>
        tpu.vector_store %arg12[%swap3A_131, %swap3A_132], %swap3A_135 {strides = array<i32>} : memref<128x128xf32, #tpu.memory_space<vmem>>, vector<1x16xf32>,
        %get3A_136 = arith.index_cast %scan3A_53 : i32 to index
        %get3A_137 = arith.constant 96 : index
        %get3A_138 = tpu.vector_load %arg12[%get3A_136, %get3A_137] {strides = array<i32>} : memref<128x128xf32, #tpu.memory_space<vmem>>, vector<1x16xf32>,
        %get3A_139 = vector.shape_cast %get3A_138 : vector<1x16xf32> to vector<16xf32>
        %get3A_140 = arith.index_cast %scan3A_53 : i32 to index
        %get3A_141 = arith.constant 96 : index
        %get3A_142 = tpu.vector_load %arg13[%get3A_140, %get3A_141] {strides = array<i32>} : memref<128x128xf32, #tpu.memory_space<vmem>>, vector<1x16xf32>,
        %get3A_143 = vector.shape_cast %get3A_142 : vector<1x16xf32> to vector<16xf32>
        %mul3A_144 = arith.mulf %get3A_139, %get3A_143 : vector<16xf32>
        %swap3A_145 = arith.index_cast %scan3A_53 : i32 to index
        %swap3A_146 = arith.constant 96 : index
        %swap3A_147 = tpu.vector_load %arg12[%swap3A_145, %swap3A_146] {strides = array<i32>} : memref<128x128xf32, #tpu.memory_space<vmem>>, vector<1x16xf32>,
        %swap3A_148 = vector.shape_cast %swap3A_147 : vector<1x16xf32> to vector<16xf32>
        %swap3A_149 = vector.shape_cast %mul3A_144 : vector<16xf32> to vector<1x16xf32>
        tpu.vector_store %arg12[%swap3A_145, %swap3A_146], %swap3A_149 {strides = array<i32>} : memref<128x128xf32, #tpu.memory_space<vmem>>, vector<1x16xf32>,
        %get3A_150 = arith.index_cast %scan3A_53 : i32 to index
        %get3A_151 = arith.constant 112 : index
        %get3A_152 = tpu.vector_load %arg12[%get3A_150, %get3A_151] {strides = array<i32>} : memref<128x128xf32, #tpu.memory_space<vmem>>, vector<1x16xf32>,
        %get3A_153 = vector.shape_cast %get3A_152 : vector<1x16xf32> to vector<16xf32>
        %get3A_154 = arith.index_cast %scan3A_53 : i32 to index
        %get3A_155 = arith.constant 112 : index
        %get3A_156 = tpu.vector_load %arg13[%get3A_154, %get3A_155] {strides = array<i32>} : memref<128x128xf32, #tpu.memory_space<vmem>>, vector<1x16xf32>,
        %get3A_157 = vector.shape_cast %get3A_156 : vector<1x16xf32> to vector<16xf32>
        %mul3A_158 = arith.mulf %get3A_153, %get3A_157 : vector<16xf32>
        %swap3A_159 = arith.index_cast %scan3A_53 : i32 to index
        %swap3A_160 = arith.constant 112 : index
        %swap3A_161 = tpu.vector_load %arg12[%swap3A_159, %swap3A_160] {strides = array<i32>} : memref<128x128xf32, #tpu.memory_space<vmem>>, vector<1x16xf32>,
        %swap3A_162 = vector.shape_cast %swap3A_161 : vector<1x16xf32> to vector<16xf32>
        %swap3A_163 = vector.shape_cast %mul3A_158 : vector<16xf32> to vector<1x16xf32>
        tpu.vector_store %arg12[%swap3A_159, %swap3A_160], %swap3A_163 {strides = array<i32>} : memref<128x128xf32, #tpu.memory_space<vmem>>, vector<1x16xf32>,
      }
      %scan3A_52 = arith.constant 128 : i32
      "tpu.region"() ({
        %run_scoped3A = tpu.sem_alloc : memref<!tpu.dma_semaphore, #tpu.memory_space<semaphore_mem>>
        %dma_start3A_53 = arith.constant 0 : i32
        %dma_start3A_54 = arith.constant 0 : i32
        %dma_start3A_55 = tpu.memref_slice %arg16[%dma_start3A_53, %dma_start3A_54] : memref<10000x128xf32, #tpu.memory_space<vmem_shared>> -> memref<10000x128xf32, #tpu.memory_space<vmem_shared>>
        tpu.enqueue_indirect_dma source(%arg12 : memref<128x128xf32, #tpu.memory_space<vmem>>) target(%dma_start3A_55 : memref<10000x128xf32, #tpu.memory_space<vmem_shared>>) offsets(%arg9 : memref<128xi32, #tpu.memory_space<vmem>>) semaphore(%run_scoped3A : memref<!tpu.dma_semaphore, #tpu.memory_space<semaphore_mem>>) {add = true}
        %dma_wait3A_56 = arith.constant 0 : i32
        %dma_wait3A_57 = arith.constant 0 : i32
        %dma_wait3A_58 = tpu.memref_slice %arg16[%dma_wait3A_56, %dma_wait3A_57] : memref<10000x128xf32, #tpu.memory_space<vmem_shared>> -> memref<10000x128xf32, #tpu.memory_space<vmem_shared>>
        tpu.wait_indirect_dma semaphore(%run_scoped3A : memref<!tpu.dma_semaphore, #tpu.memory_space<semaphore_mem>>) src(%arg12 : memref<128x128xf32, #tpu.memory_space<vmem>>) dst(%dma_wait3A_58 : memref<10000x128xf32, #tpu.memory_space<vmem_shared>>)
        tpu.yield
      }) : () -> ()
    }
    %scan3A_13 = arith.constant 78 : i32
    %add3A_14 = arith.constant 9984 : i32
    %add3A_15 = arith.addi %mul3A_8, %add3A_14 : i32
    "tpu.region"() ({
      %run_scoped3A = tpu.sem_alloc : memref<!tpu.dma_semaphore, #tpu.memory_space<semaphore_mem>>
      %dma_start3A_37 = tpu.memref_slice %arg3[%add3A_15] : memref<320000xi32, #tpu.memory_space<hbm>> -> memref<16xi32, #tpu.memory_space<hbm>>
      %dma_start3A_38 = tpu.memref_slice %arg3[%add3A_15] : memref<320000xi32, #tpu.memory_space<hbm>> -> memref<16xi32, #tpu.memory_space<hbm>>
      tpu.enqueue_dma source(%dma_start3A_38 : memref<16xi32, #tpu.memory_space<hbm>>) target(%arg10 : memref<16xi32, #tpu.memory_space<vmem>>) target_semaphore(%run_scoped3A : memref<!tpu.dma_semaphore, #tpu.memory_space<semaphore_mem>>)
      %dma_wait3A_39 = tpu.memref_slice %arg3[%add3A_15] : memref<320000xi32, #tpu.memory_space<hbm>> -> memref<16xi32, #tpu.memory_space<hbm>>
      %dma_wait3A_40 = tpu.memref_slice %arg3[%add3A_15] : memref<320000xi32, #tpu.memory_space<hbm>> -> memref<16xi32, #tpu.memory_space<hbm>>
      tpu.wait_dma2 semaphore(%run_scoped3A : memref<!tpu.dma_semaphore, #tpu.memory_space<semaphore_mem>>) src(%dma_wait3A_40 : memref<16xi32, #tpu.memory_space<hbm>>) dst(%arg10 : memref<16xi32, #tpu.memory_space<vmem>>)
      tpu.yield
    }) : () -> ()
    "tpu.region"() ({
      %run_scoped3A = tpu.sem_alloc : memref<!tpu.dma_semaphore, #tpu.memory_space<semaphore_mem>>
      %dma_start3A_37 = tpu.memref_slice %arg4[%add3A_15] : memref<320000xi32, #tpu.memory_space<hbm>> -> memref<16xi32, #tpu.memory_space<hbm>>
      %dma_start3A_38 = tpu.memref_slice %arg4[%add3A_15] : memref<320000xi32, #tpu.memory_space<hbm>> -> memref<16xi32, #tpu.memory_space<hbm>>
      tpu.enqueue_dma source(%dma_start3A_38 : memref<16xi32, #tpu.memory_space<hbm>>) target(%arg11 : memref<16xi32, #tpu.memory_space<vmem>>) target_semaphore(%run_scoped3A : memref<!tpu.dma_semaphore, #tpu.memory_space<semaphore_mem>>)
      %dma_wait3A_39 = tpu.memref_slice %arg4[%add3A_15] : memref<320000xi32, #tpu.memory_space<hbm>> -> memref<16xi32, #tpu.memory_space<hbm>>
      %dma_wait3A_40 = tpu.memref_slice %arg4[%add3A_15] : memref<320000xi32, #tpu.memory_space<hbm>> -> memref<16xi32, #tpu.memory_space<hbm>>
      tpu.wait_dma2 semaphore(%run_scoped3A : memref<!tpu.dma_semaphore, #tpu.memory_space<semaphore_mem>>) src(%dma_wait3A_40 : memref<16xi32, #tpu.memory_space<hbm>>) dst(%arg11 : memref<16xi32, #tpu.memory_space<vmem>>)
      tpu.yield
    }) : () -> ()
    %dma_start3A = arith.constant 0 : i32
    %dma_start3A_16 = arith.constant 0 : i32
    %dma_start3A_17 = tpu.memref_slice %arg2[%dma_start3A, %dma_start3A_16] : memref<10000x128xf32, #tpu.memory_space<hbm>> -> memref<10000x128xf32, #tpu.memory_space<hbm>>
    tpu.enqueue_indirect_dma source(%dma_start3A_17 : memref<10000x128xf32, #tpu.memory_space<hbm>>) target(%arg14 : memref<16x128xf32, #tpu.memory_space<vmem>>) offsets(%arg10 : memref<16xi32, #tpu.memory_space<vmem>>) semaphore(%arg17 : memref<!tpu.dma_semaphore, #tpu.memory_space<semaphore_mem>>)
    "tpu.region"() ({
      %run_scoped3A = tpu.sem_alloc : memref<!tpu.dma_semaphore, #tpu.memory_space<semaphore_mem>>
      %dma_start3A_37 = arith.constant 0 : i32
      %dma_start3A_38 = tpu.memref_slice %arg5[%add3A_15, %dma_start3A_37] : memref<320000x128xf32, #tpu.memory_space<hbm>> -> memref<16x128xf32, #tpu.memory_space<hbm>>
      %dma_start3A_39 = arith.constant 0 : i32
      %dma_start3A_40 = tpu.memref_slice %arg5[%add3A_15, %dma_start3A_39] : memref<320000x128xf32, #tpu.memory_space<hbm>> -> memref<16x128xf32, #tpu.memory_space<hbm>>
      tpu.enqueue_dma source(%dma_start3A_40 : memref<16x128xf32, #tpu.memory_space<hbm>>) target(%arg15 : memref<16x128xf32, #tpu.memory_space<vmem>>) target_semaphore(%run_scoped3A : memref<!tpu.dma_semaphore, #tpu.memory_space<semaphore_mem>>)
      %dma_wait3A_41 = arith.constant 0 : i32
      %dma_wait3A_42 = tpu.memref_slice %arg5[%add3A_15, %dma_wait3A_41] : memref<320000x128xf32, #tpu.memory_space<hbm>> -> memref<16x128xf32, #tpu.memory_space<hbm>>
      %dma_wait3A_43 = arith.constant 0 : i32
      %dma_wait3A_44 = tpu.memref_slice %arg5[%add3A_15, %dma_wait3A_43] : memref<320000x128xf32, #tpu.memory_space<hbm>> -> memref<16x128xf32, #tpu.memory_space<hbm>>
      tpu.wait_dma2 semaphore(%run_scoped3A : memref<!tpu.dma_semaphore, #tpu.memory_space<semaphore_mem>>) src(%dma_wait3A_44 : memref<16x128xf32, #tpu.memory_space<hbm>>) dst(%arg15 : memref<16x128xf32, #tpu.memory_space<vmem>>)
      tpu.yield
    }) : () -> ()
    %dma_wait3A = arith.constant 0 : i32
    %dma_wait3A_18 = arith.constant 0 : i32
    %dma_wait3A_19 = tpu.memref_slice %arg2[%dma_wait3A, %dma_wait3A_18] : memref<10000x128xf32, #tpu.memory_space<hbm>> -> memref<10000x128xf32, #tpu.memory_space<hbm>>
    tpu.wait_indirect_dma semaphore(%arg17 : memref<!tpu.dma_semaphore, #tpu.memory_space<semaphore_mem>>) src(%dma_wait3A_19 : memref<10000x128xf32, #tpu.memory_space<hbm>>) dst(%arg14 : memref<16x128xf32, #tpu.memory_space<vmem>>)
    %scan3A_20 = arith.constant 0 : i32
    %scan3A_21 = arith.constant 0 : i32
    %scan3A_22 = arith.constant 16 : i32
    %scan3A_23 = arith.addi %scan3A_21, %scan3A_22 : i32
    %scan3A_24 = arith.constant 1 : i32
    scf.for %scan3A_37 = %scan3A_21 to %scan3A_23 step %scan3A_24  : i32 {
      %get3A = arith.index_cast %scan3A_37 : i32 to index
      %get3A_38 = arith.constant 0 : index
      %get3A_39 = tpu.vector_load %arg14[%get3A, %get3A_38] {strides = array<i32>} : memref<16x128xf32, #tpu.memory_space<vmem>>, vector<1x16xf32>,
      %get3A_40 = vector.shape_cast %get3A_39 : vector<1x16xf32> to vector<16xf32>
      %get3A_41 = arith.index_cast %scan3A_37 : i32 to index
      %get3A_42 = arith.constant 0 : index
      %get3A_43 = tpu.vector_load %arg15[%get3A_41, %get3A_42] {strides = array<i32>} : memref<16x128xf32, #tpu.memory_space<vmem>>, vector<1x16xf32>,
      %get3A_44 = vector.shape_cast %get3A_43 : vector<1x16xf32> to vector<16xf32>
      %mul3A_45 = arith.mulf %get3A_40, %get3A_44 : vector<16xf32>
      %swap3A = arith.index_cast %scan3A_37 : i32 to index
      %swap3A_46 = arith.constant 0 : index
      %swap3A_47 = tpu.vector_load %arg14[%swap3A, %swap3A_46] {strides = array<i32>} : memref<16x128xf32, #tpu.memory_space<vmem>>, vector<1x16xf32>,
      %swap3A_48 = vector.shape_cast %swap3A_47 : vector<1x16xf32> to vector<16xf32>
      %swap3A_49 = vector.shape_cast %mul3A_45 : vector<16xf32> to vector<1x16xf32>
      tpu.vector_store %arg14[%swap3A, %swap3A_46], %swap3A_49 {strides = array<i32>} : memref<16x128xf32, #tpu.memory_space<vmem>>, vector<1x16xf32>,
      %get3A_50 = arith.index_cast %scan3A_37 : i32 to index
      %get3A_51 = arith.constant 16 : index
      %get3A_52 = tpu.vector_load %arg14[%get3A_50, %get3A_51] {strides = array<i32>} : memref<16x128xf32, #tpu.memory_space<vmem>>, vector<1x16xf32>,
      %get3A_53 = vector.shape_cast %get3A_52 : vector<1x16xf32> to vector<16xf32>
      %get3A_54 = arith.index_cast %scan3A_37 : i32 to index
      %get3A_55 = arith.constant 16 : index
      %get3A_56 = tpu.vector_load %arg15[%get3A_54, %get3A_55] {strides = array<i32>} : memref<16x128xf32, #tpu.memory_space<vmem>>, vector<1x16xf32>,
      %get3A_57 = vector.shape_cast %get3A_56 : vector<1x16xf32> to vector<16xf32>
      %mul3A_58 = arith.mulf %get3A_53, %get3A_57 : vector<16xf32>
      %swap3A_59 = arith.index_cast %scan3A_37 : i32 to index
      %swap3A_60 = arith.constant 16 : index
      %swap3A_61 = tpu.vector_load %arg14[%swap3A_59, %swap3A_60] {strides = array<i32>} : memref<16x128xf32, #tpu.memory_space<vmem>>, vector<1x16xf32>,
      %swap3A_62 = vector.shape_cast %swap3A_61 : vector<1x16xf32> to vector<16xf32>
      %swap3A_63 = vector.shape_cast %mul3A_58 : vector<16xf32> to vector<1x16xf32>
      tpu.vector_store %arg14[%swap3A_59, %swap3A_60], %swap3A_63 {strides = array<i32>} : memref<16x128xf32, #tpu.memory_space<vmem>>, vector<1x16xf32>,
      %get3A_64 = arith.index_cast %scan3A_37 : i32 to index
      %get3A_65 = arith.constant 32 : index
      %get3A_66 = tpu.vector_load %arg14[%get3A_64, %get3A_65] {strides = array<i32>} : memref<16x128xf32, #tpu.memory_space<vmem>>, vector<1x16xf32>,
      %get3A_67 = vector.shape_cast %get3A_66 : vector<1x16xf32> to vector<16xf32>
      %get3A_68 = arith.index_cast %scan3A_37 : i32 to index
      %get3A_69 = arith.constant 32 : index
      %get3A_70 = tpu.vector_load %arg15[%get3A_68, %get3A_69] {strides = array<i32>} : memref<16x128xf32, #tpu.memory_space<vmem>>, vector<1x16xf32>,
      %get3A_71 = vector.shape_cast %get3A_70 : vector<1x16xf32> to vector<16xf32>
      %mul3A_72 = arith.mulf %get3A_67, %get3A_71 : vector<16xf32>
      %swap3A_73 = arith.index_cast %scan3A_37 : i32 to index
      %swap3A_74 = arith.constant 32 : index
      %swap3A_75 = tpu.vector_load %arg14[%swap3A_73, %swap3A_74] {strides = array<i32>} : memref<16x128xf32, #tpu.memory_space<vmem>>, vector<1x16xf32>,
      %swap3A_76 = vector.shape_cast %swap3A_75 : vector<1x16xf32> to vector<16xf32>
      %swap3A_77 = vector.shape_cast %mul3A_72 : vector<16xf32> to vector<1x16xf32>
      tpu.vector_store %arg14[%swap3A_73, %swap3A_74], %swap3A_77 {strides = array<i32>} : memref<16x128xf32, #tpu.memory_space<vmem>>, vector<1x16xf32>,
      %get3A_78 = arith.index_cast %scan3A_37 : i32 to index
      %get3A_79 = arith.constant 48 : index
      %get3A_80 = tpu.vector_load %arg14[%get3A_78, %get3A_79] {strides = array<i32>} : memref<16x128xf32, #tpu.memory_space<vmem>>, vector<1x16xf32>,
      %get3A_81 = vector.shape_cast %get3A_80 : vector<1x16xf32> to vector<16xf32>
      %get3A_82 = arith.index_cast %scan3A_37 : i32 to index
      %get3A_83 = arith.constant 48 : index
      %get3A_84 = tpu.vector_load %arg15[%get3A_82, %get3A_83] {strides = array<i32>} : memref<16x128xf32, #tpu.memory_space<vmem>>, vector<1x16xf32>,
      %get3A_85 = vector.shape_cast %get3A_84 : vector<1x16xf32> to vector<16xf32>
      %mul3A_86 = arith.mulf %get3A_81, %get3A_85 : vector<16xf32>
      %swap3A_87 = arith.index_cast %scan3A_37 : i32 to index
      %swap3A_88 = arith.constant 48 : index
      %swap3A_89 = tpu.vector_load %arg14[%swap3A_87, %swap3A_88] {strides = array<i32>} : memref<16x128xf32, #tpu.memory_space<vmem>>, vector<1x16xf32>,
      %swap3A_90 = vector.shape_cast %swap3A_89 : vector<1x16xf32> to vector<16xf32>
      %swap3A_91 = vector.shape_cast %mul3A_86 : vector<16xf32> to vector<1x16xf32>
      tpu.vector_store %arg14[%swap3A_87, %swap3A_88], %swap3A_91 {strides = array<i32>} : memref<16x128xf32, #tpu.memory_space<vmem>>, vector<1x16xf32>,
      %get3A_92 = arith.index_cast %scan3A_37 : i32 to index
      %get3A_93 = arith.constant 64 : index
      %get3A_94 = tpu.vector_load %arg14[%get3A_92, %get3A_93] {strides = array<i32>} : memref<16x128xf32, #tpu.memory_space<vmem>>, vector<1x16xf32>,
      %get3A_95 = vector.shape_cast %get3A_94 : vector<1x16xf32> to vector<16xf32>
      %get3A_96 = arith.index_cast %scan3A_37 : i32 to index
      %get3A_97 = arith.constant 64 : index
      %get3A_98 = tpu.vector_load %arg15[%get3A_96, %get3A_97] {strides = array<i32>} : memref<16x128xf32, #tpu.memory_space<vmem>>, vector<1x16xf32>,
      %get3A_99 = vector.shape_cast %get3A_98 : vector<1x16xf32> to vector<16xf32>
      %mul3A_100 = arith.mulf %get3A_95, %get3A_99 : vector<16xf32>
      %swap3A_101 = arith.index_cast %scan3A_37 : i32 to index
      %swap3A_102 = arith.constant 64 : index
      %swap3A_103 = tpu.vector_load %arg14[%swap3A_101, %swap3A_102] {strides = array<i32>} : memref<16x128xf32, #tpu.memory_space<vmem>>, vector<1x16xf32>,
      %swap3A_104 = vector.shape_cast %swap3A_103 : vector<1x16xf32> to vector<16xf32>
      %swap3A_105 = vector.shape_cast %mul3A_100 : vector<16xf32> to vector<1x16xf32>
      tpu.vector_store %arg14[%swap3A_101, %swap3A_102], %swap3A_105 {strides = array<i32>} : memref<16x128xf32, #tpu.memory_space<vmem>>, vector<1x16xf32>,
      %get3A_106 = arith.index_cast %scan3A_37 : i32 to index
      %get3A_107 = arith.constant 80 : index
      %get3A_108 = tpu.vector_load %arg14[%get3A_106, %get3A_107] {strides = array<i32>} : memref<16x128xf32, #tpu.memory_space<vmem>>, vector<1x16xf32>,
      %get3A_109 = vector.shape_cast %get3A_108 : vector<1x16xf32> to vector<16xf32>
      %get3A_110 = arith.index_cast %scan3A_37 : i32 to index
      %get3A_111 = arith.constant 80 : index
      %get3A_112 = tpu.vector_load %arg15[%get3A_110, %get3A_111] {strides = array<i32>} : memref<16x128xf32, #tpu.memory_space<vmem>>, vector<1x16xf32>,
      %get3A_113 = vector.shape_cast %get3A_112 : vector<1x16xf32> to vector<16xf32>
      %mul3A_114 = arith.mulf %get3A_109, %get3A_113 : vector<16xf32>
      %swap3A_115 = arith.index_cast %scan3A_37 : i32 to index
      %swap3A_116 = arith.constant 80 : index
      %swap3A_117 = tpu.vector_load %arg14[%swap3A_115, %swap3A_116] {strides = array<i32>} : memref<16x128xf32, #tpu.memory_space<vmem>>, vector<1x16xf32>,
      %swap3A_118 = vector.shape_cast %swap3A_117 : vector<1x16xf32> to vector<16xf32>
      %swap3A_119 = vector.shape_cast %mul3A_114 : vector<16xf32> to vector<1x16xf32>
      tpu.vector_store %arg14[%swap3A_115, %swap3A_116], %swap3A_119 {strides = array<i32>} : memref<16x128xf32, #tpu.memory_space<vmem>>, vector<1x16xf32>,
      %get3A_120 = arith.index_cast %scan3A_37 : i32 to index
      %get3A_121 = arith.constant 96 : index
      %get3A_122 = tpu.vector_load %arg14[%get3A_120, %get3A_121] {strides = array<i32>} : memref<16x128xf32, #tpu.memory_space<vmem>>, vector<1x16xf32>,
      %get3A_123 = vector.shape_cast %get3A_122 : vector<1x16xf32> to vector<16xf32>
      %get3A_124 = arith.index_cast %scan3A_37 : i32 to index
      %get3A_125 = arith.constant 96 : index
      %get3A_126 = tpu.vector_load %arg15[%get3A_124, %get3A_125] {strides = array<i32>} : memref<16x128xf32, #tpu.memory_space<vmem>>, vector<1x16xf32>,
      %get3A_127 = vector.shape_cast %get3A_126 : vector<1x16xf32> to vector<16xf32>
      %mul3A_128 = arith.mulf %get3A_123, %get3A_127 : vector<16xf32>
      %swap3A_129 = arith.index_cast %scan3A_37 : i32 to index
      %swap3A_130 = arith.constant 96 : index
      %swap3A_131 = tpu.vector_load %arg14[%swap3A_129, %swap3A_130] {strides = array<i32>} : memref<16x128xf32, #tpu.memory_space<vmem>>, vector<1x16xf32>,
      %swap3A_132 = vector.shape_cast %swap3A_131 : vector<1x16xf32> to vector<16xf32>
      %swap3A_133 = vector.shape_cast %mul3A_128 : vector<16xf32> to vector<1x16xf32>
      tpu.vector_store %arg14[%swap3A_129, %swap3A_130], %swap3A_133 {strides = array<i32>} : memref<16x128xf32, #tpu.memory_space<vmem>>, vector<1x16xf32>,
      %get3A_134 = arith.index_cast %scan3A_37 : i32 to index
      %get3A_135 = arith.constant 112 : index
      %get3A_136 = tpu.vector_load %arg14[%get3A_134, %get3A_135] {strides = array<i32>} : memref<16x128xf32, #tpu.memory_space<vmem>>, vector<1x16xf32>,
      %get3A_137 = vector.shape_cast %get3A_136 : vector<1x16xf32> to vector<16xf32>
      %get3A_138 = arith.index_cast %scan3A_37 : i32 to index
      %get3A_139 = arith.constant 112 : index
      %get3A_140 = tpu.vector_load %arg15[%get3A_138, %get3A_139] {strides = array<i32>} : memref<16x128xf32, #tpu.memory_space<vmem>>, vector<1x16xf32>,
      %get3A_141 = vector.shape_cast %get3A_140 : vector<1x16xf32> to vector<16xf32>
      %mul3A_142 = arith.mulf %get3A_137, %get3A_141 : vector<16xf32>
      %swap3A_143 = arith.index_cast %scan3A_37 : i32 to index
      %swap3A_144 = arith.constant 112 : index
      %swap3A_145 = tpu.vector_load %arg14[%swap3A_143, %swap3A_144] {strides = array<i32>} : memref<16x128xf32, #tpu.memory_space<vmem>>, vector<1x16xf32>,
      %swap3A_146 = vector.shape_cast %swap3A_145 : vector<1x16xf32> to vector<16xf32>
      %swap3A_147 = vector.shape_cast %mul3A_142 : vector<16xf32> to vector<1x16xf32>
      tpu.vector_store %arg14[%swap3A_143, %swap3A_144], %swap3A_147 {strides = array<i32>} : memref<16x128xf32, #tpu.memory_space<vmem>>, vector<1x16xf32>,
    }
    %scan3A_25 = arith.constant 16 : i32
    "tpu.region"() ({
      %run_scoped3A = tpu.sem_alloc : memref<!tpu.dma_semaphore, #tpu.memory_space<semaphore_mem>>
      %dma_start3A_37 = arith.constant 0 : i32
      %dma_start3A_38 = arith.constant 0 : i32
      %dma_start3A_39 = tpu.memref_slice %arg16[%dma_start3A_37, %dma_start3A_38] : memref<10000x128xf32, #tpu.memory_space<vmem_shared>> -> memref<10000x128xf32, #tpu.memory_space<vmem_shared>>
      tpu.enqueue_indirect_dma source(%arg14 : memref<16x128xf32, #tpu.memory_space<vmem>>) target(%dma_start3A_39 : memref<10000x128xf32, #tpu.memory_space<vmem_shared>>) offsets(%arg11 : memref<16xi32, #tpu.memory_space<vmem>>) semaphore(%run_scoped3A : memref<!tpu.dma_semaphore, #tpu.memory_space<semaphore_mem>>) {add = true}
      %dma_wait3A_40 = arith.constant 0 : i32
      %dma_wait3A_41 = arith.constant 0 : i32
      %dma_wait3A_42 = tpu.memref_slice %arg16[%dma_wait3A_40, %dma_wait3A_41] : memref<10000x128xf32, #tpu.memory_space<vmem_shared>> -> memref<10000x128xf32, #tpu.memory_space<vmem_shared>>
      tpu.wait_indirect_dma semaphore(%run_scoped3A : memref<!tpu.dma_semaphore, #tpu.memory_space<semaphore_mem>>) src(%arg14 : memref<16x128xf32, #tpu.memory_space<vmem>>) dst(%dma_wait3A_42 : memref<10000x128xf32, #tpu.memory_space<vmem_shared>>)
      tpu.yield
    }) : () -> ()
    %barrier3A_26 = arith.constant 0 : index
    tpu.barrier barrier_id(%barrier3A_26)
    %lt3A_27 = arith.constant 15 : i32
    %lt3A_28 = arith.cmpi slt, %arg1, %lt3A_27 : i32
    %convert_element_type3A_29 = arith.extui %lt3A_28 : i1 to i32
    %cond3A_30 = arith.constant 0 : i32
    %cond3A_31 = arith.cmpi ne, %convert_element_type3A_29, %cond3A_30 : i32
    scf.if %cond3A_31 {
      %mul3A_37 = arith.constant 640 : i32
      %mul3A_38 = arith.muli %arg1, %mul3A_37 : i32
      %mul3A_39 = arith.constant 640 : i32
      %mul3A_40 = arith.muli %arg1, %mul3A_39 : i32
      "tpu.region"() ({
        %run_scoped3A = tpu.sem_alloc : memref<!tpu.dma_semaphore, #tpu.memory_space<semaphore_mem>>
        %dma_start3A_41 = arith.constant 0 : i32
        %dma_start3A_42 = tpu.memref_slice %arg7[%arg0, %mul3A_40, %dma_start3A_41] : memref<2x10000x128xf32, #tpu.memory_space<hbm>> -> memref<1x640x128xf32, #tpu.memory_space<hbm>>
        %dma_start3A_43 = tpu.memref_squeeze %dma_start3A_42 : memref<1x640x128xf32, #tpu.memory_space<hbm>> -> memref<640x128xf32, #tpu.memory_space<hbm>>
        %dma_start3A_44 = arith.constant 0 : i32
        %dma_start3A_45 = tpu.memref_slice %arg16[%mul3A_38, %dma_start3A_44] : memref<10000x128xf32, #tpu.memory_space<vmem_shared>> -> memref<640x128xf32, #tpu.memory_space<vmem_shared>>
        tpu.enqueue_dma source(%dma_start3A_45 : memref<640x128xf32, #tpu.memory_space<vmem_shared>>) target(%dma_start3A_43 : memref<640x128xf32, #tpu.memory_space<hbm>>) target_semaphore(%run_scoped3A : memref<!tpu.dma_semaphore, #tpu.memory_space<semaphore_mem>>)
        %dma_wait3A_46 = arith.constant 0 : i32
        %dma_wait3A_47 = tpu.memref_slice %arg7[%arg0, %mul3A_40, %dma_wait3A_46] : memref<2x10000x128xf32, #tpu.memory_space<hbm>> -> memref<1x640x128xf32, #tpu.memory_space<hbm>>
        %dma_wait3A_48 = tpu.memref_squeeze %dma_wait3A_47 : memref<1x640x128xf32, #tpu.memory_space<hbm>> -> memref<640x128xf32, #tpu.memory_space<hbm>>
        %dma_wait3A_49 = arith.constant 0 : i32
        %dma_wait3A_50 = tpu.memref_slice %arg16[%mul3A_38, %dma_wait3A_49] : memref<10000x128xf32, #tpu.memory_space<vmem_shared>> -> memref<640x128xf32, #tpu.memory_space<vmem_shared>>
        tpu.wait_dma2 semaphore(%run_scoped3A : memref<!tpu.dma_semaphore, #tpu.memory_space<semaphore_mem>>) src(%dma_wait3A_50 : memref<640x128xf32, #tpu.memory_space<vmem_shared>>) dst(%dma_wait3A_48 : memref<640x128xf32, #tpu.memory_space<hbm>>)
        tpu.yield
      }) : () -> ()
    } else {
    }
    %eq3A_32 = arith.constant 15 : i32
    %eq3A_33 = arith.cmpi eq, %arg1, %eq3A_32 : i32
    %convert_element_type3A_34 = arith.extui %eq3A_33 : i1 to i32
    %cond3A_35 = arith.constant 0 : i32
    %cond3A_36 = arith.cmpi ne, %convert_element_type3A_34, %cond3A_35 : i32
    scf.if %cond3A_36 {
      "tpu.region"() ({
        %run_scoped3A = tpu.sem_alloc : memref<!tpu.dma_semaphore, #tpu.memory_space<semaphore_mem>>
        %dma_start3A_37 = arith.constant 9600 : i32
        %dma_start3A_38 = arith.constant 0 : i32
        %dma_start3A_39 = tpu.memref_slice %arg7[%arg0, %dma_start3A_37, %dma_start3A_38] : memref<2x10000x128xf32, #tpu.memory_space<hbm>> -> memref<1x400x128xf32, #tpu.memory_space<hbm>>
        %dma_start3A_40 = tpu.memref_squeeze %dma_start3A_39 : memref<1x400x128xf32, #tpu.memory_space<hbm>> -> memref<400x128xf32, #tpu.memory_space<hbm>>
        %dma_start3A_41 = arith.constant 9600 : i32
        %dma_start3A_42 = arith.constant 0 : i32
        %dma_start3A_43 = tpu.memref_slice %arg16[%dma_start3A_41, %dma_start3A_42] : memref<10000x128xf32, #tpu.memory_space<vmem_shared>> -> memref<400x128xf32, #tpu.memory_space<vmem_shared>>
        tpu.enqueue_dma source(%dma_start3A_43 : memref<400x128xf32, #tpu.memory_space<vmem_shared>>) target(%dma_start3A_40 : memref<400x128xf32, #tpu.memory_space<hbm>>) target_semaphore(%run_scoped3A : memref<!tpu.dma_semaphore, #tpu.memory_space<semaphore_mem>>)
        %dma_wait3A_44 = arith.constant 9600 : i32
        %dma_wait3A_45 = arith.constant 0 : i32
        %dma_wait3A_46 = tpu.memref_slice %arg7[%arg0, %dma_wait3A_44, %dma_wait3A_45] : memref<2x10000x128xf32, #tpu.memory_space<hbm>> -> memref<1x400x128xf32, #tpu.memory_space<hbm>>
        %dma_wait3A_47 = tpu.memref_squeeze %dma_wait3A_46 : memref<1x400x128xf32, #tpu.memory_space<hbm>> -> memref<400x128xf32, #tpu.memory_space<hbm>>
        %dma_wait3A_48 = arith.constant 9600 : i32
        %dma_wait3A_49 = arith.constant 0 : i32
        %dma_wait3A_50 = tpu.memref_slice %arg16[%dma_wait3A_48, %dma_wait3A_49] : memref<10000x128xf32, #tpu.memory_space<vmem_shared>> -> memref<400x128xf32, #tpu.memory_space<vmem_shared>>
        tpu.wait_dma2 semaphore(%run_scoped3A : memref<!tpu.dma_semaphore, #tpu.memory_space<semaphore_mem>>) src(%dma_wait3A_50 : memref<400x128xf32, #tpu.memory_space<vmem_shared>>) dst(%dma_wait3A_47 : memref<400x128xf32, #tpu.memory_space<hbm>>)
        tpu.yield
      }) : () -> ()
    } else {
    }
    return
  }
}

#map = affine_map<(d0, d1) -> (0, 0)>
#map1 = affine_map<(d0, d1) -> (0)>
#map2 = affine_map<(d0, d1) -> (0, 0, 0)>
module attributes {stable_mosaic.version = 14 : i64} {
  func.func @_edge_agg_body(%arg0: i32, %arg1: i32, %arg2: memref<10000x128xf32, #tpu.memory_space<hbm>>, %arg3: memref<320000xi32, #tpu.memory_space<hbm>>, %arg4: memref<320000xi32, #tpu.memory_space<hbm>>, %arg5: memref<320000x128xf32, #tpu.memory_space<hbm>>, %arg6: memref<10000x128xf32, #tpu.memory_space<hbm>>, %arg7: memref<2x10000x128xf32, #tpu.memory_space<hbm>>, %arg8: memref<128xi32, #tpu.memory_space<vmem>>, %arg9: memref<128xi32, #tpu.memory_space<vmem>>, %arg10: memref<16xi32, #tpu.memory_space<vmem>>, %arg11: memref<16xi32, #tpu.memory_space<vmem>>, %arg12: memref<128x128xf32, #tpu.memory_space<vmem>>, %arg13: memref<128x128xf32, #tpu.memory_space<vmem>>, %arg14: memref<16x128xf32, #tpu.memory_space<vmem>>, %arg15: memref<16x128xf32, #tpu.memory_space<vmem>>, %arg16: memref<10000x128xf32, #tpu.memory_space<vmem_shared>>, %arg17: memref<!tpu.dma_semaphore, #tpu.memory_space<semaphore_mem>>) attributes {dimension_semantics = [#tpu.dimension_semantics<core_parallel>, #tpu.dimension_semantics<subcore_parallel>], iteration_bounds = array<i64: 2, 16>, scalar_prefetch = 0 : i64, scratch_operands = 10 : i64, tpu.core_type = #tpu.core_type<sc_vector_subcore>, window_params = [{transform_indices = #map}, {transform_indices = #map1}, {transform_indices = #map1}, {transform_indices = #map}, {transform_indices = #map}, {transform_indices = #map2}]} {
    %mul3A = arith.constant 16 : i32
    %mul3A_0 = arith.muli %arg0, %mul3A : i32
    %add3A = arith.addi %mul3A_0, %arg1 : i32
    %lt3A = arith.constant 15 : i32
    %lt3A_1 = arith.cmpi slt, %arg1, %lt3A : i32
    %convert_element_type3A = arith.extui %lt3A_1 : i1 to i32
    %cond3A = arith.constant 0 : i32
    %cond3A_2 = arith.cmpi ne, %convert_element_type3A, %cond3A : i32
    scf.if %cond3A_2 {
      %mul3A_37 = arith.constant 640 : i32
      %mul3A_38 = arith.muli %arg1, %mul3A_37 : i32
      %mul3A_39 = arith.constant 640 : i32
      %mul3A_40 = arith.muli %arg1, %mul3A_39 : i32
      "tpu.region"() ({
        %run_scoped3A = tpu.sem_alloc : memref<!tpu.dma_semaphore, #tpu.memory_space<semaphore_mem>>
        %dma_start3A_41 = arith.constant 0 : i32
        %dma_start3A_42 = tpu.memref_slice %arg16[%mul3A_40, %dma_start3A_41] : memref<10000x128xf32, #tpu.memory_space<vmem_shared>> -> memref<640x128xf32, #tpu.memory_space<vmem_shared>>
        %dma_start3A_43 = arith.constant 0 : i32
        %dma_start3A_44 = tpu.memref_slice %arg6[%mul3A_38, %dma_start3A_43] : memref<10000x128xf32, #tpu.memory_space<hbm>> -> memref<640x128xf32, #tpu.memory_space<hbm>>
        tpu.enqueue_dma source(%dma_start3A_44 : memref<640x128xf32, #tpu.memory_space<hbm>>) target(%dma_start3A_42 : memref<640x128xf32, #tpu.memory_space<vmem_shared>>) target_semaphore(%run_scoped3A : memref<!tpu.dma_semaphore, #tpu.memory_space<semaphore_mem>>)
        %dma_wait3A_45 = arith.constant 0 : i32
        %dma_wait3A_46 = tpu.memref_slice %arg16[%mul3A_40, %dma_wait3A_45] : memref<10000x128xf32, #tpu.memory_space<vmem_shared>> -> memref<640x128xf32, #tpu.memory_space<vmem_shared>>
        %dma_wait3A_47 = arith.constant 0 : i32
        %dma_wait3A_48 = tpu.memref_slice %arg6[%mul3A_38, %dma_wait3A_47] : memref<10000x128xf32, #tpu.memory_space<hbm>> -> memref<640x128xf32, #tpu.memory_space<hbm>>
        tpu.wait_dma2 semaphore(%run_scoped3A : memref<!tpu.dma_semaphore, #tpu.memory_space<semaphore_mem>>) src(%dma_wait3A_48 : memref<640x128xf32, #tpu.memory_space<hbm>>) dst(%dma_wait3A_46 : memref<640x128xf32, #tpu.memory_space<vmem_shared>>)
        tpu.yield
      }) : () -> ()
    } else {
    }
    %eq3A = arith.constant 15 : i32
    %eq3A_3 = arith.cmpi eq, %arg1, %eq3A : i32
    %convert_element_type3A_4 = arith.extui %eq3A_3 : i1 to i32
    %cond3A_5 = arith.constant 0 : i32
    %cond3A_6 = arith.cmpi ne, %convert_element_type3A_4, %cond3A_5 : i32
    scf.if %cond3A_6 {
      "tpu.region"() ({
        %run_scoped3A = tpu.sem_alloc : memref<!tpu.dma_semaphore, #tpu.memory_space<semaphore_mem>>
        %dma_start3A_37 = arith.constant 9600 : i32
        %dma_start3A_38 = arith.constant 0 : i32
        %dma_start3A_39 = tpu.memref_slice %arg16[%dma_start3A_37, %dma_start3A_38] : memref<10000x128xf32, #tpu.memory_space<vmem_shared>> -> memref<400x128xf32, #tpu.memory_space<vmem_shared>>
        %dma_start3A_40 = arith.constant 9600 : i32
        %dma_start3A_41 = arith.constant 0 : i32
        %dma_start3A_42 = tpu.memref_slice %arg6[%dma_start3A_40, %dma_start3A_41] : memref<10000x128xf32, #tpu.memory_space<hbm>> -> memref<400x128xf32, #tpu.memory_space<hbm>>
        tpu.enqueue_dma source(%dma_start3A_42 : memref<400x128xf32, #tpu.memory_space<hbm>>) target(%dma_start3A_39 : memref<400x128xf32, #tpu.memory_space<vmem_shared>>) target_semaphore(%run_scoped3A : memref<!tpu.dma_semaphore, #tpu.memory_space<semaphore_mem>>)
        %dma_wait3A_43 = arith.constant 9600 : i32
        %dma_wait3A_44 = arith.constant 0 : i32
        %dma_wait3A_45 = tpu.memref_slice %arg16[%dma_wait3A_43, %dma_wait3A_44] : memref<10000x128xf32, #tpu.memory_space<vmem_shared>> -> memref<400x128xf32, #tpu.memory_space<vmem_shared>>
        %dma_wait3A_46 = arith.constant 9600 : i32
        %dma_wait3A_47 = arith.constant 0 : i32
        %dma_wait3A_48 = tpu.memref_slice %arg6[%dma_wait3A_46, %dma_wait3A_47] : memref<10000x128xf32, #tpu.memory_space<hbm>> -> memref<400x128xf32, #tpu.memory_space<hbm>>
        tpu.wait_dma2 semaphore(%run_scoped3A : memref<!tpu.dma_semaphore, #tpu.memory_space<semaphore_mem>>) src(%dma_wait3A_48 : memref<400x128xf32, #tpu.memory_space<hbm>>) dst(%dma_wait3A_45 : memref<400x128xf32, #tpu.memory_space<vmem_shared>>)
        tpu.yield
      }) : () -> ()
    } else {
    }
    %barrier3A = arith.constant 0 : index
    tpu.barrier barrier_id(%barrier3A)
    %mul3A_7 = arith.constant 10000 : i32
    %mul3A_8 = arith.muli %add3A, %mul3A_7 : i32
    %scan3A = arith.constant 0 : i32
    %scan3A_9 = arith.constant 0 : i32
    %scan3A_10 = arith.constant 78 : i32
    %scan3A_11 = arith.addi %scan3A_9, %scan3A_10 : i32
    %scan3A_12 = arith.constant 1 : i32
    scf.for %scan3A_37 = %scan3A_9 to %scan3A_11 step %scan3A_12  : i32 {
      %mul3A_38 = arith.constant 128 : i32
      %mul3A_39 = arith.muli %scan3A_37, %mul3A_38 : i32
      %add3A_40 = arith.addi %mul3A_8, %mul3A_39 : i32
      "tpu.region"() ({
        %run_scoped3A = tpu.sem_alloc : memref<!tpu.dma_semaphore, #tpu.memory_space<semaphore_mem>>
        %dma_start3A_53 = tpu.memref_slice %arg3[%add3A_40] : memref<320000xi32, #tpu.memory_space<hbm>> -> memref<128xi32, #tpu.memory_space<hbm>>
        %dma_start3A_54 = tpu.memref_slice %arg3[%add3A_40] : memref<320000xi32, #tpu.memory_space<hbm>> -> memref<128xi32, #tpu.memory_space<hbm>>
        tpu.enqueue_dma source(%dma_start3A_54 : memref<128xi32, #tpu.memory_space<hbm>>) target(%arg8 : memref<128xi32, #tpu.memory_space<vmem>>) target_semaphore(%run_scoped3A : memref<!tpu.dma_semaphore, #tpu.memory_space<semaphore_mem>>)
        %dma_wait3A_55 = tpu.memref_slice %arg3[%add3A_40] : memref<320000xi32, #tpu.memory_space<hbm>> -> memref<128xi32, #tpu.memory_space<hbm>>
        %dma_wait3A_56 = tpu.memref_slice %arg3[%add3A_40] : memref<320000xi32, #tpu.memory_space<hbm>> -> memref<128xi32, #tpu.memory_space<hbm>>
        tpu.wait_dma2 semaphore(%run_scoped3A : memref<!tpu.dma_semaphore, #tpu.memory_space<semaphore_mem>>) src(%dma_wait3A_56 : memref<128xi32, #tpu.memory_space<hbm>>) dst(%arg8 : memref<128xi32, #tpu.memory_space<vmem>>)
        tpu.yield
      }) : () -> ()
      "tpu.region"() ({
        %run_scoped3A = tpu.sem_alloc : memref<!tpu.dma_semaphore, #tpu.memory_space<semaphore_mem>>
        %dma_start3A_53 = tpu.memref_slice %arg4[%add3A_40] : memref<320000xi32, #tpu.memory_space<hbm>> -> memref<128xi32, #tpu.memory_space<hbm>>
        %dma_start3A_54 = tpu.memref_slice %arg4[%add3A_40] : memref<320000xi32, #tpu.memory_space<hbm>> -> memref<128xi32, #tpu.memory_space<hbm>>
        tpu.enqueue_dma source(%dma_start3A_54 : memref<128xi32, #tpu.memory_space<hbm>>) target(%arg9 : memref<128xi32, #tpu.memory_space<vmem>>) target_semaphore(%run_scoped3A : memref<!tpu.dma_semaphore, #tpu.memory_space<semaphore_mem>>)
        %dma_wait3A_55 = tpu.memref_slice %arg4[%add3A_40] : memref<320000xi32, #tpu.memory_space<hbm>> -> memref<128xi32, #tpu.memory_space<hbm>>
        %dma_wait3A_56 = tpu.memref_slice %arg4[%add3A_40] : memref<320000xi32, #tpu.memory_space<hbm>> -> memref<128xi32, #tpu.memory_space<hbm>>
        tpu.wait_dma2 semaphore(%run_scoped3A : memref<!tpu.dma_semaphore, #tpu.memory_space<semaphore_mem>>) src(%dma_wait3A_56 : memref<128xi32, #tpu.memory_space<hbm>>) dst(%arg9 : memref<128xi32, #tpu.memory_space<vmem>>)
        tpu.yield
      }) : () -> ()
      %dma_start3A_41 = arith.constant 0 : i32
      %dma_start3A_42 = arith.constant 0 : i32
      %dma_start3A_43 = tpu.memref_slice %arg2[%dma_start3A_41, %dma_start3A_42] : memref<10000x128xf32, #tpu.memory_space<hbm>> -> memref<10000x128xf32, #tpu.memory_space<hbm>>
      tpu.enqueue_indirect_dma source(%dma_start3A_43 : memref<10000x128xf32, #tpu.memory_space<hbm>>) target(%arg12 : memref<128x128xf32, #tpu.memory_space<vmem>>) offsets(%arg8 : memref<128xi32, #tpu.memory_space<vmem>>) semaphore(%arg17 : memref<!tpu.dma_semaphore, #tpu.memory_space<semaphore_mem>>)
      "tpu.region"() ({
        %run_scoped3A = tpu.sem_alloc : memref<!tpu.dma_semaphore, #tpu.memory_space<semaphore_mem>>
        %dma_start3A_53 = arith.constant 0 : i32
        %dma_start3A_54 = tpu.memref_slice %arg5[%add3A_40, %dma_start3A_53] : memref<320000x128xf32, #tpu.memory_space<hbm>> -> memref<128x128xf32, #tpu.memory_space<hbm>>
        %dma_start3A_55 = arith.constant 0 : i32
        %dma_start3A_56 = tpu.memref_slice %arg5[%add3A_40, %dma_start3A_55] : memref<320000x128xf32, #tpu.memory_space<hbm>> -> memref<128x128xf32, #tpu.memory_space<hbm>>
        tpu.enqueue_dma source(%dma_start3A_56 : memref<128x128xf32, #tpu.memory_space<hbm>>) target(%arg13 : memref<128x128xf32, #tpu.memory_space<vmem>>) target_semaphore(%run_scoped3A : memref<!tpu.dma_semaphore, #tpu.memory_space<semaphore_mem>>)
        %dma_wait3A_57 = arith.constant 0 : i32
        %dma_wait3A_58 = tpu.memref_slice %arg5[%add3A_40, %dma_wait3A_57] : memref<320000x128xf32, #tpu.memory_space<hbm>> -> memref<128x128xf32, #tpu.memory_space<hbm>>
        %dma_wait3A_59 = arith.constant 0 : i32
        %dma_wait3A_60 = tpu.memref_slice %arg5[%add3A_40, %dma_wait3A_59] : memref<320000x128xf32, #tpu.memory_space<hbm>> -> memref<128x128xf32, #tpu.memory_space<hbm>>
        tpu.wait_dma2 semaphore(%run_scoped3A : memref<!tpu.dma_semaphore, #tpu.memory_space<semaphore_mem>>) src(%dma_wait3A_60 : memref<128x128xf32, #tpu.memory_space<hbm>>) dst(%arg13 : memref<128x128xf32, #tpu.memory_space<vmem>>)
        tpu.yield
      }) : () -> ()
      %dma_wait3A_44 = arith.constant 0 : i32
      %dma_wait3A_45 = arith.constant 0 : i32
      %dma_wait3A_46 = tpu.memref_slice %arg2[%dma_wait3A_44, %dma_wait3A_45] : memref<10000x128xf32, #tpu.memory_space<hbm>> -> memref<10000x128xf32, #tpu.memory_space<hbm>>
      tpu.wait_indirect_dma semaphore(%arg17 : memref<!tpu.dma_semaphore, #tpu.memory_space<semaphore_mem>>) src(%dma_wait3A_46 : memref<10000x128xf32, #tpu.memory_space<hbm>>) dst(%arg12 : memref<128x128xf32, #tpu.memory_space<vmem>>)
      %scan3A_47 = arith.constant 0 : i32
      %scan3A_48 = arith.constant 0 : i32
      %scan3A_49 = arith.constant 128 : i32
      %scan3A_50 = arith.addi %scan3A_48, %scan3A_49 : i32
      %scan3A_51 = arith.constant 1 : i32
      scf.for %scan3A_53 = %scan3A_48 to %scan3A_50 step %scan3A_51  : i32 {
        %get3A = arith.index_cast %scan3A_53 : i32 to index
        %get3A_54 = arith.constant 0 : index
        %get3A_55 = tpu.vector_load %arg12[%get3A, %get3A_54] {strides = array<i32>} : memref<128x128xf32, #tpu.memory_space<vmem>>, vector<1x16xf32>,
        %get3A_56 = vector.shape_cast %get3A_55 : vector<1x16xf32> to vector<16xf32>
        %get3A_57 = arith.index_cast %scan3A_53 : i32 to index
        %get3A_58 = arith.constant 0 : index
        %get3A_59 = tpu.vector_load %arg13[%get3A_57, %get3A_58] {strides = array<i32>} : memref<128x128xf32, #tpu.memory_space<vmem>>, vector<1x16xf32>,
        %get3A_60 = vector.shape_cast %get3A_59 : vector<1x16xf32> to vector<16xf32>
        %mul3A_61 = arith.mulf %get3A_56, %get3A_60 : vector<16xf32>
        %swap3A = arith.index_cast %scan3A_53 : i32 to index
        %swap3A_62 = arith.constant 0 : index
        %swap3A_63 = tpu.vector_load %arg12[%swap3A, %swap3A_62] {strides = array<i32>} : memref<128x128xf32, #tpu.memory_space<vmem>>, vector<1x16xf32>,
        %swap3A_64 = vector.shape_cast %swap3A_63 : vector<1x16xf32> to vector<16xf32>
        %swap3A_65 = vector.shape_cast %mul3A_61 : vector<16xf32> to vector<1x16xf32>
        tpu.vector_store %arg12[%swap3A, %swap3A_62], %swap3A_65 {strides = array<i32>} : memref<128x128xf32, #tpu.memory_space<vmem>>, vector<1x16xf32>,
        %get3A_66 = arith.index_cast %scan3A_53 : i32 to index
        %get3A_67 = arith.constant 16 : index
        %get3A_68 = tpu.vector_load %arg12[%get3A_66, %get3A_67] {strides = array<i32>} : memref<128x128xf32, #tpu.memory_space<vmem>>, vector<1x16xf32>,
        %get3A_69 = vector.shape_cast %get3A_68 : vector<1x16xf32> to vector<16xf32>
        %get3A_70 = arith.index_cast %scan3A_53 : i32 to index
        %get3A_71 = arith.constant 16 : index
        %get3A_72 = tpu.vector_load %arg13[%get3A_70, %get3A_71] {strides = array<i32>} : memref<128x128xf32, #tpu.memory_space<vmem>>, vector<1x16xf32>,
        %get3A_73 = vector.shape_cast %get3A_72 : vector<1x16xf32> to vector<16xf32>
        %mul3A_74 = arith.mulf %get3A_69, %get3A_73 : vector<16xf32>
        %swap3A_75 = arith.index_cast %scan3A_53 : i32 to index
        %swap3A_76 = arith.constant 16 : index
        %swap3A_77 = tpu.vector_load %arg12[%swap3A_75, %swap3A_76] {strides = array<i32>} : memref<128x128xf32, #tpu.memory_space<vmem>>, vector<1x16xf32>,
        %swap3A_78 = vector.shape_cast %swap3A_77 : vector<1x16xf32> to vector<16xf32>
        %swap3A_79 = vector.shape_cast %mul3A_74 : vector<16xf32> to vector<1x16xf32>
        tpu.vector_store %arg12[%swap3A_75, %swap3A_76], %swap3A_79 {strides = array<i32>} : memref<128x128xf32, #tpu.memory_space<vmem>>, vector<1x16xf32>,
        %get3A_80 = arith.index_cast %scan3A_53 : i32 to index
        %get3A_81 = arith.constant 32 : index
        %get3A_82 = tpu.vector_load %arg12[%get3A_80, %get3A_81] {strides = array<i32>} : memref<128x128xf32, #tpu.memory_space<vmem>>, vector<1x16xf32>,
        %get3A_83 = vector.shape_cast %get3A_82 : vector<1x16xf32> to vector<16xf32>
        %get3A_84 = arith.index_cast %scan3A_53 : i32 to index
        %get3A_85 = arith.constant 32 : index
        %get3A_86 = tpu.vector_load %arg13[%get3A_84, %get3A_85] {strides = array<i32>} : memref<128x128xf32, #tpu.memory_space<vmem>>, vector<1x16xf32>,
        %get3A_87 = vector.shape_cast %get3A_86 : vector<1x16xf32> to vector<16xf32>
        %mul3A_88 = arith.mulf %get3A_83, %get3A_87 : vector<16xf32>
        %swap3A_89 = arith.index_cast %scan3A_53 : i32 to index
        %swap3A_90 = arith.constant 32 : index
        %swap3A_91 = tpu.vector_load %arg12[%swap3A_89, %swap3A_90] {strides = array<i32>} : memref<128x128xf32, #tpu.memory_space<vmem>>, vector<1x16xf32>,
        %swap3A_92 = vector.shape_cast %swap3A_91 : vector<1x16xf32> to vector<16xf32>
        %swap3A_93 = vector.shape_cast %mul3A_88 : vector<16xf32> to vector<1x16xf32>
        tpu.vector_store %arg12[%swap3A_89, %swap3A_90], %swap3A_93 {strides = array<i32>} : memref<128x128xf32, #tpu.memory_space<vmem>>, vector<1x16xf32>,
        %get3A_94 = arith.index_cast %scan3A_53 : i32 to index
        %get3A_95 = arith.constant 48 : index
        %get3A_96 = tpu.vector_load %arg12[%get3A_94, %get3A_95] {strides = array<i32>} : memref<128x128xf32, #tpu.memory_space<vmem>>, vector<1x16xf32>,
        %get3A_97 = vector.shape_cast %get3A_96 : vector<1x16xf32> to vector<16xf32>
        %get3A_98 = arith.index_cast %scan3A_53 : i32 to index
        %get3A_99 = arith.constant 48 : index
        %get3A_100 = tpu.vector_load %arg13[%get3A_98, %get3A_99] {strides = array<i32>} : memref<128x128xf32, #tpu.memory_space<vmem>>, vector<1x16xf32>,
        %get3A_101 = vector.shape_cast %get3A_100 : vector<1x16xf32> to vector<16xf32>
        %mul3A_102 = arith.mulf %get3A_97, %get3A_101 : vector<16xf32>
        %swap3A_103 = arith.index_cast %scan3A_53 : i32 to index
        %swap3A_104 = arith.constant 48 : index
        %swap3A_105 = tpu.vector_load %arg12[%swap3A_103, %swap3A_104] {strides = array<i32>} : memref<128x128xf32, #tpu.memory_space<vmem>>, vector<1x16xf32>,
        %swap3A_106 = vector.shape_cast %swap3A_105 : vector<1x16xf32> to vector<16xf32>
        %swap3A_107 = vector.shape_cast %mul3A_102 : vector<16xf32> to vector<1x16xf32>
        tpu.vector_store %arg12[%swap3A_103, %swap3A_104], %swap3A_107 {strides = array<i32>} : memref<128x128xf32, #tpu.memory_space<vmem>>, vector<1x16xf32>,
        %get3A_108 = arith.index_cast %scan3A_53 : i32 to index
        %get3A_109 = arith.constant 64 : index
        %get3A_110 = tpu.vector_load %arg12[%get3A_108, %get3A_109] {strides = array<i32>} : memref<128x128xf32, #tpu.memory_space<vmem>>, vector<1x16xf32>,
        %get3A_111 = vector.shape_cast %get3A_110 : vector<1x16xf32> to vector<16xf32>
        %get3A_112 = arith.index_cast %scan3A_53 : i32 to index
        %get3A_113 = arith.constant 64 : index
        %get3A_114 = tpu.vector_load %arg13[%get3A_112, %get3A_113] {strides = array<i32>} : memref<128x128xf32, #tpu.memory_space<vmem>>, vector<1x16xf32>,
        %get3A_115 = vector.shape_cast %get3A_114 : vector<1x16xf32> to vector<16xf32>
        %mul3A_116 = arith.mulf %get3A_111, %get3A_115 : vector<16xf32>
        %swap3A_117 = arith.index_cast %scan3A_53 : i32 to index
        %swap3A_118 = arith.constant 64 : index
        %swap3A_119 = tpu.vector_load %arg12[%swap3A_117, %swap3A_118] {strides = array<i32>} : memref<128x128xf32, #tpu.memory_space<vmem>>, vector<1x16xf32>,
        %swap3A_120 = vector.shape_cast %swap3A_119 : vector<1x16xf32> to vector<16xf32>
        %swap3A_121 = vector.shape_cast %mul3A_116 : vector<16xf32> to vector<1x16xf32>
        tpu.vector_store %arg12[%swap3A_117, %swap3A_118], %swap3A_121 {strides = array<i32>} : memref<128x128xf32, #tpu.memory_space<vmem>>, vector<1x16xf32>,
        %get3A_122 = arith.index_cast %scan3A_53 : i32 to index
        %get3A_123 = arith.constant 80 : index
        %get3A_124 = tpu.vector_load %arg12[%get3A_122, %get3A_123] {strides = array<i32>} : memref<128x128xf32, #tpu.memory_space<vmem>>, vector<1x16xf32>,
        %get3A_125 = vector.shape_cast %get3A_124 : vector<1x16xf32> to vector<16xf32>
        %get3A_126 = arith.index_cast %scan3A_53 : i32 to index
        %get3A_127 = arith.constant 80 : index
        %get3A_128 = tpu.vector_load %arg13[%get3A_126, %get3A_127] {strides = array<i32>} : memref<128x128xf32, #tpu.memory_space<vmem>>, vector<1x16xf32>,
        %get3A_129 = vector.shape_cast %get3A_128 : vector<1x16xf32> to vector<16xf32>
        %mul3A_130 = arith.mulf %get3A_125, %get3A_129 : vector<16xf32>
        %swap3A_131 = arith.index_cast %scan3A_53 : i32 to index
        %swap3A_132 = arith.constant 80 : index
        %swap3A_133 = tpu.vector_load %arg12[%swap3A_131, %swap3A_132] {strides = array<i32>} : memref<128x128xf32, #tpu.memory_space<vmem>>, vector<1x16xf32>,
        %swap3A_134 = vector.shape_cast %swap3A_133 : vector<1x16xf32> to vector<16xf32>
        %swap3A_135 = vector.shape_cast %mul3A_130 : vector<16xf32> to vector<1x16xf32>
        tpu.vector_store %arg12[%swap3A_131, %swap3A_132], %swap3A_135 {strides = array<i32>} : memref<128x128xf32, #tpu.memory_space<vmem>>, vector<1x16xf32>,
        %get3A_136 = arith.index_cast %scan3A_53 : i32 to index
        %get3A_137 = arith.constant 96 : index
        %get3A_138 = tpu.vector_load %arg12[%get3A_136, %get3A_137] {strides = array<i32>} : memref<128x128xf32, #tpu.memory_space<vmem>>, vector<1x16xf32>,
        %get3A_139 = vector.shape_cast %get3A_138 : vector<1x16xf32> to vector<16xf32>
        %get3A_140 = arith.index_cast %scan3A_53 : i32 to index
        %get3A_141 = arith.constant 96 : index
        %get3A_142 = tpu.vector_load %arg13[%get3A_140, %get3A_141] {strides = array<i32>} : memref<128x128xf32, #tpu.memory_space<vmem>>, vector<1x16xf32>,
        %get3A_143 = vector.shape_cast %get3A_142 : vector<1x16xf32> to vector<16xf32>
        %mul3A_144 = arith.mulf %get3A_139, %get3A_143 : vector<16xf32>
        %swap3A_145 = arith.index_cast %scan3A_53 : i32 to index
        %swap3A_146 = arith.constant 96 : index
        %swap3A_147 = tpu.vector_load %arg12[%swap3A_145, %swap3A_146] {strides = array<i32>} : memref<128x128xf32, #tpu.memory_space<vmem>>, vector<1x16xf32>,
        %swap3A_148 = vector.shape_cast %swap3A_147 : vector<1x16xf32> to vector<16xf32>
        %swap3A_149 = vector.shape_cast %mul3A_144 : vector<16xf32> to vector<1x16xf32>
        tpu.vector_store %arg12[%swap3A_145, %swap3A_146], %swap3A_149 {strides = array<i32>} : memref<128x128xf32, #tpu.memory_space<vmem>>, vector<1x16xf32>,
        %get3A_150 = arith.index_cast %scan3A_53 : i32 to index
        %get3A_151 = arith.constant 112 : index
        %get3A_152 = tpu.vector_load %arg12[%get3A_150, %get3A_151] {strides = array<i32>} : memref<128x128xf32, #tpu.memory_space<vmem>>, vector<1x16xf32>,
        %get3A_153 = vector.shape_cast %get3A_152 : vector<1x16xf32> to vector<16xf32>
        %get3A_154 = arith.index_cast %scan3A_53 : i32 to index
        %get3A_155 = arith.constant 112 : index
        %get3A_156 = tpu.vector_load %arg13[%get3A_154, %get3A_155] {strides = array<i32>} : memref<128x128xf32, #tpu.memory_space<vmem>>, vector<1x16xf32>,
        %get3A_157 = vector.shape_cast %get3A_156 : vector<1x16xf32> to vector<16xf32>
        %mul3A_158 = arith.mulf %get3A_153, %get3A_157 : vector<16xf32>
        %swap3A_159 = arith.index_cast %scan3A_53 : i32 to index
        %swap3A_160 = arith.constant 112 : index
        %swap3A_161 = tpu.vector_load %arg12[%swap3A_159, %swap3A_160] {strides = array<i32>} : memref<128x128xf32, #tpu.memory_space<vmem>>, vector<1x16xf32>,
        %swap3A_162 = vector.shape_cast %swap3A_161 : vector<1x16xf32> to vector<16xf32>
        %swap3A_163 = vector.shape_cast %mul3A_158 : vector<16xf32> to vector<1x16xf32>
        tpu.vector_store %arg12[%swap3A_159, %swap3A_160], %swap3A_163 {strides = array<i32>} : memref<128x128xf32, #tpu.memory_space<vmem>>, vector<1x16xf32>,
      }
      %scan3A_52 = arith.constant 128 : i32
      "tpu.region"() ({
        %run_scoped3A = tpu.sem_alloc : memref<!tpu.dma_semaphore, #tpu.memory_space<semaphore_mem>>
        %dma_start3A_53 = arith.constant 0 : i32
        %dma_start3A_54 = arith.constant 0 : i32
        %dma_start3A_55 = tpu.memref_slice %arg16[%dma_start3A_53, %dma_start3A_54] : memref<10000x128xf32, #tpu.memory_space<vmem_shared>> -> memref<10000x128xf32, #tpu.memory_space<vmem_shared>>
        tpu.enqueue_indirect_dma source(%arg12 : memref<128x128xf32, #tpu.memory_space<vmem>>) target(%dma_start3A_55 : memref<10000x128xf32, #tpu.memory_space<vmem_shared>>) offsets(%arg9 : memref<128xi32, #tpu.memory_space<vmem>>) semaphore(%run_scoped3A : memref<!tpu.dma_semaphore, #tpu.memory_space<semaphore_mem>>) {add = true}
        %dma_wait3A_56 = arith.constant 0 : i32
        %dma_wait3A_57 = arith.constant 0 : i32
        %dma_wait3A_58 = tpu.memref_slice %arg16[%dma_wait3A_56, %dma_wait3A_57] : memref<10000x128xf32, #tpu.memory_space<vmem_shared>> -> memref<10000x128xf32, #tpu.memory_space<vmem_shared>>
        tpu.wait_indirect_dma semaphore(%run_scoped3A : memref<!tpu.dma_semaphore, #tpu.memory_space<semaphore_mem>>) src(%arg12 : memref<128x128xf32, #tpu.memory_space<vmem>>) dst(%dma_wait3A_58 : memref<10000x128xf32, #tpu.memory_space<vmem_shared>>)
        tpu.yield
      }) : () -> ()
    }
    %scan3A_13 = arith.constant 78 : i32
    %add3A_14 = arith.constant 9984 : i32
    %add3A_15 = arith.addi %mul3A_8, %add3A_14 : i32
    "tpu.region"() ({
      %run_scoped3A = tpu.sem_alloc : memref<!tpu.dma_semaphore, #tpu.memory_space<semaphore_mem>>
      %dma_start3A_37 = tpu.memref_slice %arg3[%add3A_15] : memref<320000xi32, #tpu.memory_space<hbm>> -> memref<16xi32, #tpu.memory_space<hbm>>
      %dma_start3A_38 = tpu.memref_slice %arg3[%add3A_15] : memref<320000xi32, #tpu.memory_space<hbm>> -> memref<16xi32, #tpu.memory_space<hbm>>
      tpu.enqueue_dma source(%dma_start3A_38 : memref<16xi32, #tpu.memory_space<hbm>>) target(%arg10 : memref<16xi32, #tpu.memory_space<vmem>>) target_semaphore(%run_scoped3A : memref<!tpu.dma_semaphore, #tpu.memory_space<semaphore_mem>>)
      %dma_wait3A_39 = tpu.memref_slice %arg3[%add3A_15] : memref<320000xi32, #tpu.memory_space<hbm>> -> memref<16xi32, #tpu.memory_space<hbm>>
      %dma_wait3A_40 = tpu.memref_slice %arg3[%add3A_15] : memref<320000xi32, #tpu.memory_space<hbm>> -> memref<16xi32, #tpu.memory_space<hbm>>
      tpu.wait_dma2 semaphore(%run_scoped3A : memref<!tpu.dma_semaphore, #tpu.memory_space<semaphore_mem>>) src(%dma_wait3A_40 : memref<16xi32, #tpu.memory_space<hbm>>) dst(%arg10 : memref<16xi32, #tpu.memory_space<vmem>>)
      tpu.yield
    }) : () -> ()
    "tpu.region"() ({
      %run_scoped3A = tpu.sem_alloc : memref<!tpu.dma_semaphore, #tpu.memory_space<semaphore_mem>>
      %dma_start3A_37 = tpu.memref_slice %arg4[%add3A_15] : memref<320000xi32, #tpu.memory_space<hbm>> -> memref<16xi32, #tpu.memory_space<hbm>>
      %dma_start3A_38 = tpu.memref_slice %arg4[%add3A_15] : memref<320000xi32, #tpu.memory_space<hbm>> -> memref<16xi32, #tpu.memory_space<hbm>>
      tpu.enqueue_dma source(%dma_start3A_38 : memref<16xi32, #tpu.memory_space<hbm>>) target(%arg11 : memref<16xi32, #tpu.memory_space<vmem>>) target_semaphore(%run_scoped3A : memref<!tpu.dma_semaphore, #tpu.memory_space<semaphore_mem>>)
      %dma_wait3A_39 = tpu.memref_slice %arg4[%add3A_15] : memref<320000xi32, #tpu.memory_space<hbm>> -> memref<16xi32, #tpu.memory_space<hbm>>
      %dma_wait3A_40 = tpu.memref_slice %arg4[%add3A_15] : memref<320000xi32, #tpu.memory_space<hbm>> -> memref<16xi32, #tpu.memory_space<hbm>>
      tpu.wait_dma2 semaphore(%run_scoped3A : memref<!tpu.dma_semaphore, #tpu.memory_space<semaphore_mem>>) src(%dma_wait3A_40 : memref<16xi32, #tpu.memory_space<hbm>>) dst(%arg11 : memref<16xi32, #tpu.memory_space<vmem>>)
      tpu.yield
    }) : () -> ()
    %dma_start3A = arith.constant 0 : i32
    %dma_start3A_16 = arith.constant 0 : i32
    %dma_start3A_17 = tpu.memref_slice %arg2[%dma_start3A, %dma_start3A_16] : memref<10000x128xf32, #tpu.memory_space<hbm>> -> memref<10000x128xf32, #tpu.memory_space<hbm>>
    tpu.enqueue_indirect_dma source(%dma_start3A_17 : memref<10000x128xf32, #tpu.memory_space<hbm>>) target(%arg14 : memref<16x128xf32, #tpu.memory_space<vmem>>) offsets(%arg10 : memref<16xi32, #tpu.memory_space<vmem>>) semaphore(%arg17 : memref<!tpu.dma_semaphore, #tpu.memory_space<semaphore_mem>>)
    "tpu.region"() ({
      %run_scoped3A = tpu.sem_alloc : memref<!tpu.dma_semaphore, #tpu.memory_space<semaphore_mem>>
      %dma_start3A_37 = arith.constant 0 : i32
      %dma_start3A_38 = tpu.memref_slice %arg5[%add3A_15, %dma_start3A_37] : memref<320000x128xf32, #tpu.memory_space<hbm>> -> memref<16x128xf32, #tpu.memory_space<hbm>>
      %dma_start3A_39 = arith.constant 0 : i32
      %dma_start3A_40 = tpu.memref_slice %arg5[%add3A_15, %dma_start3A_39] : memref<320000x128xf32, #tpu.memory_space<hbm>> -> memref<16x128xf32, #tpu.memory_space<hbm>>
      tpu.enqueue_dma source(%dma_start3A_40 : memref<16x128xf32, #tpu.memory_space<hbm>>) target(%arg15 : memref<16x128xf32, #tpu.memory_space<vmem>>) target_semaphore(%run_scoped3A : memref<!tpu.dma_semaphore, #tpu.memory_space<semaphore_mem>>)
      %dma_wait3A_41 = arith.constant 0 : i32
      %dma_wait3A_42 = tpu.memref_slice %arg5[%add3A_15, %dma_wait3A_41] : memref<320000x128xf32, #tpu.memory_space<hbm>> -> memref<16x128xf32, #tpu.memory_space<hbm>>
      %dma_wait3A_43 = arith.constant 0 : i32
      %dma_wait3A_44 = tpu.memref_slice %arg5[%add3A_15, %dma_wait3A_43] : memref<320000x128xf32, #tpu.memory_space<hbm>> -> memref<16x128xf32, #tpu.memory_space<hbm>>
      tpu.wait_dma2 semaphore(%run_scoped3A : memref<!tpu.dma_semaphore, #tpu.memory_space<semaphore_mem>>) src(%dma_wait3A_44 : memref<16x128xf32, #tpu.memory_space<hbm>>) dst(%arg15 : memref<16x128xf32, #tpu.memory_space<vmem>>)
      tpu.yield
    }) : () -> ()
    %dma_wait3A = arith.constant 0 : i32
    %dma_wait3A_18 = arith.constant 0 : i32
    %dma_wait3A_19 = tpu.memref_slice %arg2[%dma_wait3A, %dma_wait3A_18] : memref<10000x128xf32, #tpu.memory_space<hbm>> -> memref<10000x128xf32, #tpu.memory_space<hbm>>
    tpu.wait_indirect_dma semaphore(%arg17 : memref<!tpu.dma_semaphore, #tpu.memory_space<semaphore_mem>>) src(%dma_wait3A_19 : memref<10000x128xf32, #tpu.memory_space<hbm>>) dst(%arg14 : memref<16x128xf32, #tpu.memory_space<vmem>>)
    %scan3A_20 = arith.constant 0 : i32
    %scan3A_21 = arith.constant 0 : i32
    %scan3A_22 = arith.constant 16 : i32
    %scan3A_23 = arith.addi %scan3A_21, %scan3A_22 : i32
    %scan3A_24 = arith.constant 1 : i32
    scf.for %scan3A_37 = %scan3A_21 to %scan3A_23 step %scan3A_24  : i32 {
      %get3A = arith.index_cast %scan3A_37 : i32 to index
      %get3A_38 = arith.constant 0 : index
      %get3A_39 = tpu.vector_load %arg14[%get3A, %get3A_38] {strides = array<i32>} : memref<16x128xf32, #tpu.memory_space<vmem>>, vector<1x16xf32>,
      %get3A_40 = vector.shape_cast %get3A_39 : vector<1x16xf32> to vector<16xf32>
      %get3A_41 = arith.index_cast %scan3A_37 : i32 to index
      %get3A_42 = arith.constant 0 : index
      %get3A_43 = tpu.vector_load %arg15[%get3A_41, %get3A_42] {strides = array<i32>} : memref<16x128xf32, #tpu.memory_space<vmem>>, vector<1x16xf32>,
      %get3A_44 = vector.shape_cast %get3A_43 : vector<1x16xf32> to vector<16xf32>
      %mul3A_45 = arith.mulf %get3A_40, %get3A_44 : vector<16xf32>
      %swap3A = arith.index_cast %scan3A_37 : i32 to index
      %swap3A_46 = arith.constant 0 : index
      %swap3A_47 = tpu.vector_load %arg14[%swap3A, %swap3A_46] {strides = array<i32>} : memref<16x128xf32, #tpu.memory_space<vmem>>, vector<1x16xf32>,
      %swap3A_48 = vector.shape_cast %swap3A_47 : vector<1x16xf32> to vector<16xf32>
      %swap3A_49 = vector.shape_cast %mul3A_45 : vector<16xf32> to vector<1x16xf32>
      tpu.vector_store %arg14[%swap3A, %swap3A_46], %swap3A_49 {strides = array<i32>} : memref<16x128xf32, #tpu.memory_space<vmem>>, vector<1x16xf32>,
      %get3A_50 = arith.index_cast %scan3A_37 : i32 to index
      %get3A_51 = arith.constant 16 : index
      %get3A_52 = tpu.vector_load %arg14[%get3A_50, %get3A_51] {strides = array<i32>} : memref<16x128xf32, #tpu.memory_space<vmem>>, vector<1x16xf32>,
      %get3A_53 = vector.shape_cast %get3A_52 : vector<1x16xf32> to vector<16xf32>
      %get3A_54 = arith.index_cast %scan3A_37 : i32 to index
      %get3A_55 = arith.constant 16 : index
      %get3A_56 = tpu.vector_load %arg15[%get3A_54, %get3A_55] {strides = array<i32>} : memref<16x128xf32, #tpu.memory_space<vmem>>, vector<1x16xf32>,
      %get3A_57 = vector.shape_cast %get3A_56 : vector<1x16xf32> to vector<16xf32>
      %mul3A_58 = arith.mulf %get3A_53, %get3A_57 : vector<16xf32>
      %swap3A_59 = arith.index_cast %scan3A_37 : i32 to index
      %swap3A_60 = arith.constant 16 : index
      %swap3A_61 = tpu.vector_load %arg14[%swap3A_59, %swap3A_60] {strides = array<i32>} : memref<16x128xf32, #tpu.memory_space<vmem>>, vector<1x16xf32>,
      %swap3A_62 = vector.shape_cast %swap3A_61 : vector<1x16xf32> to vector<16xf32>
      %swap3A_63 = vector.shape_cast %mul3A_58 : vector<16xf32> to vector<1x16xf32>
      tpu.vector_store %arg14[%swap3A_59, %swap3A_60], %swap3A_63 {strides = array<i32>} : memref<16x128xf32, #tpu.memory_space<vmem>>, vector<1x16xf32>,
      %get3A_64 = arith.index_cast %scan3A_37 : i32 to index
      %get3A_65 = arith.constant 32 : index
      %get3A_66 = tpu.vector_load %arg14[%get3A_64, %get3A_65] {strides = array<i32>} : memref<16x128xf32, #tpu.memory_space<vmem>>, vector<1x16xf32>,
      %get3A_67 = vector.shape_cast %get3A_66 : vector<1x16xf32> to vector<16xf32>
      %get3A_68 = arith.index_cast %scan3A_37 : i32 to index
      %get3A_69 = arith.constant 32 : index
      %get3A_70 = tpu.vector_load %arg15[%get3A_68, %get3A_69] {strides = array<i32>} : memref<16x128xf32, #tpu.memory_space<vmem>>, vector<1x16xf32>,
      %get3A_71 = vector.shape_cast %get3A_70 : vector<1x16xf32> to vector<16xf32>
      %mul3A_72 = arith.mulf %get3A_67, %get3A_71 : vector<16xf32>
      %swap3A_73 = arith.index_cast %scan3A_37 : i32 to index
      %swap3A_74 = arith.constant 32 : index
      %swap3A_75 = tpu.vector_load %arg14[%swap3A_73, %swap3A_74] {strides = array<i32>} : memref<16x128xf32, #tpu.memory_space<vmem>>, vector<1x16xf32>,
      %swap3A_76 = vector.shape_cast %swap3A_75 : vector<1x16xf32> to vector<16xf32>
      %swap3A_77 = vector.shape_cast %mul3A_72 : vector<16xf32> to vector<1x16xf32>
      tpu.vector_store %arg14[%swap3A_73, %swap3A_74], %swap3A_77 {strides = array<i32>} : memref<16x128xf32, #tpu.memory_space<vmem>>, vector<1x16xf32>,
      %get3A_78 = arith.index_cast %scan3A_37 : i32 to index
      %get3A_79 = arith.constant 48 : index
      %get3A_80 = tpu.vector_load %arg14[%get3A_78, %get3A_79] {strides = array<i32>} : memref<16x128xf32, #tpu.memory_space<vmem>>, vector<1x16xf32>,
      %get3A_81 = vector.shape_cast %get3A_80 : vector<1x16xf32> to vector<16xf32>
      %get3A_82 = arith.index_cast %scan3A_37 : i32 to index
      %get3A_83 = arith.constant 48 : index
      %get3A_84 = tpu.vector_load %arg15[%get3A_82, %get3A_83] {strides = array<i32>} : memref<16x128xf32, #tpu.memory_space<vmem>>, vector<1x16xf32>,
      %get3A_85 = vector.shape_cast %get3A_84 : vector<1x16xf32> to vector<16xf32>
      %mul3A_86 = arith.mulf %get3A_81, %get3A_85 : vector<16xf32>
      %swap3A_87 = arith.index_cast %scan3A_37 : i32 to index
      %swap3A_88 = arith.constant 48 : index
      %swap3A_89 = tpu.vector_load %arg14[%swap3A_87, %swap3A_88] {strides = array<i32>} : memref<16x128xf32, #tpu.memory_space<vmem>>, vector<1x16xf32>,
      %swap3A_90 = vector.shape_cast %swap3A_89 : vector<1x16xf32> to vector<16xf32>
      %swap3A_91 = vector.shape_cast %mul3A_86 : vector<16xf32> to vector<1x16xf32>
      tpu.vector_store %arg14[%swap3A_87, %swap3A_88], %swap3A_91 {strides = array<i32>} : memref<16x128xf32, #tpu.memory_space<vmem>>, vector<1x16xf32>,
      %get3A_92 = arith.index_cast %scan3A_37 : i32 to index
      %get3A_93 = arith.constant 64 : index
      %get3A_94 = tpu.vector_load %arg14[%get3A_92, %get3A_93] {strides = array<i32>} : memref<16x128xf32, #tpu.memory_space<vmem>>, vector<1x16xf32>,
      %get3A_95 = vector.shape_cast %get3A_94 : vector<1x16xf32> to vector<16xf32>
      %get3A_96 = arith.index_cast %scan3A_37 : i32 to index
      %get3A_97 = arith.constant 64 : index
      %get3A_98 = tpu.vector_load %arg15[%get3A_96, %get3A_97] {strides = array<i32>} : memref<16x128xf32, #tpu.memory_space<vmem>>, vector<1x16xf32>,
      %get3A_99 = vector.shape_cast %get3A_98 : vector<1x16xf32> to vector<16xf32>
      %mul3A_100 = arith.mulf %get3A_95, %get3A_99 : vector<16xf32>
      %swap3A_101 = arith.index_cast %scan3A_37 : i32 to index
      %swap3A_102 = arith.constant 64 : index
      %swap3A_103 = tpu.vector_load %arg14[%swap3A_101, %swap3A_102] {strides = array<i32>} : memref<16x128xf32, #tpu.memory_space<vmem>>, vector<1x16xf32>,
      %swap3A_104 = vector.shape_cast %swap3A_103 : vector<1x16xf32> to vector<16xf32>
      %swap3A_105 = vector.shape_cast %mul3A_100 : vector<16xf32> to vector<1x16xf32>
      tpu.vector_store %arg14[%swap3A_101, %swap3A_102], %swap3A_105 {strides = array<i32>} : memref<16x128xf32, #tpu.memory_space<vmem>>, vector<1x16xf32>,
      %get3A_106 = arith.index_cast %scan3A_37 : i32 to index
      %get3A_107 = arith.constant 80 : index
      %get3A_108 = tpu.vector_load %arg14[%get3A_106, %get3A_107] {strides = array<i32>} : memref<16x128xf32, #tpu.memory_space<vmem>>, vector<1x16xf32>,
      %get3A_109 = vector.shape_cast %get3A_108 : vector<1x16xf32> to vector<16xf32>
      %get3A_110 = arith.index_cast %scan3A_37 : i32 to index
      %get3A_111 = arith.constant 80 : index
      %get3A_112 = tpu.vector_load %arg15[%get3A_110, %get3A_111] {strides = array<i32>} : memref<16x128xf32, #tpu.memory_space<vmem>>, vector<1x16xf32>,
      %get3A_113 = vector.shape_cast %get3A_112 : vector<1x16xf32> to vector<16xf32>
      %mul3A_114 = arith.mulf %get3A_109, %get3A_113 : vector<16xf32>
      %swap3A_115 = arith.index_cast %scan3A_37 : i32 to index
      %swap3A_116 = arith.constant 80 : index
      %swap3A_117 = tpu.vector_load %arg14[%swap3A_115, %swap3A_116] {strides = array<i32>} : memref<16x128xf32, #tpu.memory_space<vmem>>, vector<1x16xf32>,
      %swap3A_118 = vector.shape_cast %swap3A_117 : vector<1x16xf32> to vector<16xf32>
      %swap3A_119 = vector.shape_cast %mul3A_114 : vector<16xf32> to vector<1x16xf32>
      tpu.vector_store %arg14[%swap3A_115, %swap3A_116], %swap3A_119 {strides = array<i32>} : memref<16x128xf32, #tpu.memory_space<vmem>>, vector<1x16xf32>,
      %get3A_120 = arith.index_cast %scan3A_37 : i32 to index
      %get3A_121 = arith.constant 96 : index
      %get3A_122 = tpu.vector_load %arg14[%get3A_120, %get3A_121] {strides = array<i32>} : memref<16x128xf32, #tpu.memory_space<vmem>>, vector<1x16xf32>,
      %get3A_123 = vector.shape_cast %get3A_122 : vector<1x16xf32> to vector<16xf32>
      %get3A_124 = arith.index_cast %scan3A_37 : i32 to index
      %get3A_125 = arith.constant 96 : index
      %get3A_126 = tpu.vector_load %arg15[%get3A_124, %get3A_125] {strides = array<i32>} : memref<16x128xf32, #tpu.memory_space<vmem>>, vector<1x16xf32>,
      %get3A_127 = vector.shape_cast %get3A_126 : vector<1x16xf32> to vector<16xf32>
      %mul3A_128 = arith.mulf %get3A_123, %get3A_127 : vector<16xf32>
      %swap3A_129 = arith.index_cast %scan3A_37 : i32 to index
      %swap3A_130 = arith.constant 96 : index
      %swap3A_131 = tpu.vector_load %arg14[%swap3A_129, %swap3A_130] {strides = array<i32>} : memref<16x128xf32, #tpu.memory_space<vmem>>, vector<1x16xf32>,
      %swap3A_132 = vector.shape_cast %swap3A_131 : vector<1x16xf32> to vector<16xf32>
      %swap3A_133 = vector.shape_cast %mul3A_128 : vector<16xf32> to vector<1x16xf32>
      tpu.vector_store %arg14[%swap3A_129, %swap3A_130], %swap3A_133 {strides = array<i32>} : memref<16x128xf32, #tpu.memory_space<vmem>>, vector<1x16xf32>,
      %get3A_134 = arith.index_cast %scan3A_37 : i32 to index
      %get3A_135 = arith.constant 112 : index
      %get3A_136 = tpu.vector_load %arg14[%get3A_134, %get3A_135] {strides = array<i32>} : memref<16x128xf32, #tpu.memory_space<vmem>>, vector<1x16xf32>,
      %get3A_137 = vector.shape_cast %get3A_136 : vector<1x16xf32> to vector<16xf32>
      %get3A_138 = arith.index_cast %scan3A_37 : i32 to index
      %get3A_139 = arith.constant 112 : index
      %get3A_140 = tpu.vector_load %arg15[%get3A_138, %get3A_139] {strides = array<i32>} : memref<16x128xf32, #tpu.memory_space<vmem>>, vector<1x16xf32>,
      %get3A_141 = vector.shape_cast %get3A_140 : vector<1x16xf32> to vector<16xf32>
      %mul3A_142 = arith.mulf %get3A_137, %get3A_141 : vector<16xf32>
      %swap3A_143 = arith.index_cast %scan3A_37 : i32 to index
      %swap3A_144 = arith.constant 112 : index
      %swap3A_145 = tpu.vector_load %arg14[%swap3A_143, %swap3A_144] {strides = array<i32>} : memref<16x128xf32, #tpu.memory_space<vmem>>, vector<1x16xf32>,
      %swap3A_146 = vector.shape_cast %swap3A_145 : vector<1x16xf32> to vector<16xf32>
      %swap3A_147 = vector.shape_cast %mul3A_142 : vector<16xf32> to vector<1x16xf32>
      tpu.vector_store %arg14[%swap3A_143, %swap3A_144], %swap3A_147 {strides = array<i32>} : memref<16x128xf32, #tpu.memory_space<vmem>>, vector<1x16xf32>,
    }
    %scan3A_25 = arith.constant 16 : i32
    "tpu.region"() ({
      %run_scoped3A = tpu.sem_alloc : memref<!tpu.dma_semaphore, #tpu.memory_space<semaphore_mem>>
      %dma_start3A_37 = arith.constant 0 : i32
      %dma_start3A_38 = arith.constant 0 : i32
      %dma_start3A_39 = tpu.memref_slice %arg16[%dma_start3A_37, %dma_start3A_38] : memref<10000x128xf32, #tpu.memory_space<vmem_shared>> -> memref<10000x128xf32, #tpu.memory_space<vmem_shared>>
      tpu.enqueue_indirect_dma source(%arg14 : memref<16x128xf32, #tpu.memory_space<vmem>>) target(%dma_start3A_39 : memref<10000x128xf32, #tpu.memory_space<vmem_shared>>) offsets(%arg11 : memref<16xi32, #tpu.memory_space<vmem>>) semaphore(%run_scoped3A : memref<!tpu.dma_semaphore, #tpu.memory_space<semaphore_mem>>) {add = true}
      %dma_wait3A_40 = arith.constant 0 : i32
      %dma_wait3A_41 = arith.constant 0 : i32
      %dma_wait3A_42 = tpu.memref_slice %arg16[%dma_wait3A_40, %dma_wait3A_41] : memref<10000x128xf32, #tpu.memory_space<vmem_shared>> -> memref<10000x128xf32, #tpu.memory_space<vmem_shared>>
      tpu.wait_indirect_dma semaphore(%run_scoped3A : memref<!tpu.dma_semaphore, #tpu.memory_space<semaphore_mem>>) src(%arg14 : memref<16x128xf32, #tpu.memory_space<vmem>>) dst(%dma_wait3A_42 : memref<10000x128xf32, #tpu.memory_space<vmem_shared>>)
      tpu.yield
    }) : () -> ()
    %barrier3A_26 = arith.constant 0 : index
    tpu.barrier barrier_id(%barrier3A_26)
    %lt3A_27 = arith.constant 15 : i32
    %lt3A_28 = arith.cmpi slt, %arg1, %lt3A_27 : i32
    %convert_element_type3A_29 = arith.extui %lt3A_28 : i1 to i32
    %cond3A_30 = arith.constant 0 : i32
    %cond3A_31 = arith.cmpi ne, %convert_element_type3A_29, %cond3A_30 : i32
    scf.if %cond3A_31 {
      %mul3A_37 = arith.constant 640 : i32
      %mul3A_38 = arith.muli %arg1, %mul3A_37 : i32
      %mul3A_39 = arith.constant 640 : i32
      %mul3A_40 = arith.muli %arg1, %mul3A_39 : i32
      "tpu.region"() ({
        %run_scoped3A = tpu.sem_alloc : memref<!tpu.dma_semaphore, #tpu.memory_space<semaphore_mem>>
        %dma_start3A_41 = arith.constant 0 : i32
        %dma_start3A_42 = tpu.memref_slice %arg7[%arg0, %mul3A_40, %dma_start3A_41] : memref<2x10000x128xf32, #tpu.memory_space<hbm>> -> memref<1x640x128xf32, #tpu.memory_space<hbm>>
        %dma_start3A_43 = tpu.memref_squeeze %dma_start3A_42 : memref<1x640x128xf32, #tpu.memory_space<hbm>> -> memref<640x128xf32, #tpu.memory_space<hbm>>
        %dma_start3A_44 = arith.constant 0 : i32
        %dma_start3A_45 = tpu.memref_slice %arg16[%mul3A_38, %dma_start3A_44] : memref<10000x128xf32, #tpu.memory_space<vmem_shared>> -> memref<640x128xf32, #tpu.memory_space<vmem_shared>>
        tpu.enqueue_dma source(%dma_start3A_45 : memref<640x128xf32, #tpu.memory_space<vmem_shared>>) target(%dma_start3A_43 : memref<640x128xf32, #tpu.memory_space<hbm>>) target_semaphore(%run_scoped3A : memref<!tpu.dma_semaphore, #tpu.memory_space<semaphore_mem>>)
        %dma_wait3A_46 = arith.constant 0 : i32
        %dma_wait3A_47 = tpu.memref_slice %arg7[%arg0, %mul3A_40, %dma_wait3A_46] : memref<2x10000x128xf32, #tpu.memory_space<hbm>> -> memref<1x640x128xf32, #tpu.memory_space<hbm>>
        %dma_wait3A_48 = tpu.memref_squeeze %dma_wait3A_47 : memref<1x640x128xf32, #tpu.memory_space<hbm>> -> memref<640x128xf32, #tpu.memory_space<hbm>>
        %dma_wait3A_49 = arith.constant 0 : i32
        %dma_wait3A_50 = tpu.memref_slice %arg16[%mul3A_38, %dma_wait3A_49] : memref<10000x128xf32, #tpu.memory_space<vmem_shared>> -> memref<640x128xf32, #tpu.memory_space<vmem_shared>>
        tpu.wait_dma2 semaphore(%run_scoped3A : memref<!tpu.dma_semaphore, #tpu.memory_space<semaphore_mem>>) src(%dma_wait3A_50 : memref<640x128xf32, #tpu.memory_space<vmem_shared>>) dst(%dma_wait3A_48 : memref<640x128xf32, #tpu.memory_space<hbm>>)
        tpu.yield
      }) : () -> ()
    } else {
    }
    %eq3A_32 = arith.constant 15 : i32
    %eq3A_33 = arith.cmpi eq, %arg1, %eq3A_32 : i32
    %convert_element_type3A_34 = arith.extui %eq3A_33 : i1 to i32
    %cond3A_35 = arith.constant 0 : i32
    %cond3A_36 = arith.cmpi ne, %convert_element_type3A_34, %cond3A_35 : i32
    scf.if %cond3A_36 {
      "tpu.region"() ({
        %run_scoped3A = tpu.sem_alloc : memref<!tpu.dma_semaphore, #tpu.memory_space<semaphore_mem>>
        %dma_start3A_37 = arith.constant 9600 : i32
        %dma_start3A_38 = arith.constant 0 : i32
        %dma_start3A_39 = tpu.memref_slice %arg7[%arg0, %dma_start3A_37, %dma_start3A_38] : memref<2x10000x128xf32, #tpu.memory_space<hbm>> -> memref<1x400x128xf32, #tpu.memory_space<hbm>>
        %dma_start3A_40 = tpu.memref_squeeze %dma_start3A_39 : memref<1x400x128xf32, #tpu.memory_space<hbm>> -> memref<400x128xf32, #tpu.memory_space<hbm>>
        %dma_start3A_41 = arith.constant 9600 : i32
        %dma_start3A_42 = arith.constant 0 : i32
        %dma_start3A_43 = tpu.memref_slice %arg16[%dma_start3A_41, %dma_start3A_42] : memref<10000x128xf32, #tpu.memory_space<vmem_shared>> -> memref<400x128xf32, #tpu.memory_space<vmem_shared>>
        tpu.enqueue_dma source(%dma_start3A_43 : memref<400x128xf32, #tpu.memory_space<vmem_shared>>) target(%dma_start3A_40 : memref<400x128xf32, #tpu.memory_space<hbm>>) target_semaphore(%run_scoped3A : memref<!tpu.dma_semaphore, #tpu.memory_space<semaphore_mem>>)
        %dma_wait3A_44 = arith.constant 9600 : i32
        %dma_wait3A_45 = arith.constant 0 : i32
        %dma_wait3A_46 = tpu.memref_slice %arg7[%arg0, %dma_wait3A_44, %dma_wait3A_45] : memref<2x10000x128xf32, #tpu.memory_space<hbm>> -> memref<1x400x128xf32, #tpu.memory_space<hbm>>
        %dma_wait3A_47 = tpu.memref_squeeze %dma_wait3A_46 : memref<1x400x128xf32, #tpu.memory_space<hbm>> -> memref<400x128xf32, #tpu.memory_space<hbm>>
        %dma_wait3A_48 = arith.constant 9600 : i32
        %dma_wait3A_49 = arith.constant 0 : i32
        %dma_wait3A_50 = tpu.memref_slice %arg16[%dma_wait3A_48, %dma_wait3A_49] : memref<10000x128xf32, #tpu.memory_space<vmem_shared>> -> memref<400x128xf32, #tpu.memory_space<vmem_shared>>
        tpu.wait_dma2 semaphore(%run_scoped3A : memref<!tpu.dma_semaphore, #tpu.memory_space<semaphore_mem>>) src(%dma_wait3A_50 : memref<400x128xf32, #tpu.memory_space<vmem_shared>>) dst(%dma_wait3A_47 : memref<400x128xf32, #tpu.memory_space<hbm>>)
        tpu.yield
      }) : () -> ()
    } else {
    }
    return
  }
}

module attributes {stable_mosaic.version = 14 : i64} {
  func.func @_edge_mlp_body(%arg0: i32, %arg1: i32, %arg2: memref<8000x16xf32, #tpu.memory_space<vmem>>, %arg3: memref<1x16x128xf32, #tpu.memory_space<vmem>>, %arg4: memref<1x1x128xf32, #tpu.memory_space<vmem>>, %arg5: memref<1x128x128xf32, #tpu.memory_space<vmem>>, %arg6: memref<1x1x128xf32, #tpu.memory_space<vmem>>, %arg7: memref<1x8000x128xf32, #tpu.memory_space<vmem>>) attributes {dimension_semantics = [#tpu.dimension_semantics<arbitrary>, #tpu.dimension_semantics<arbitrary>], iteration_bounds = array<i64: 4, 40>, scalar_prefetch = 0 : i64, scratch_operands = 0 : i64, tpu.core_type = #tpu.core_type<tc>, window_params = [{transform_indices = @transform_0, window_bounds = array<i64: 8000, 16>}, {transform_indices = @transform_1, window_bounds = array<i64: 1, 16, 128>}, {transform_indices = @transform_2, window_bounds = array<i64: 1, 1, 128>}, {transform_indices = @transform_3, window_bounds = array<i64: 1, 128, 128>}, {transform_indices = @transform_4, window_bounds = array<i64: 1, 1, 128>}, {transform_indices = @transform_5, window_bounds = array<i64: 1, 8000, 128>}]} {
    %get3A = arith.constant 0 : index
    %get3A_0 = arith.constant 0 : index
    %get3A_1 = vector.load %arg2[%get3A, %get3A_0] : memref<8000x16xf32, #tpu.memory_space<vmem>>, vector<8000x16xf32>
    %get3A_2 = arith.constant 0 : index
    %get3A_3 = arith.constant 0 : index
    %get3A_4 = arith.constant 0 : index
    %get3A_5 = vector.load %arg3[%get3A_2, %get3A_3, %get3A_4] : memref<1x16x128xf32, #tpu.memory_space<vmem>>, vector<1x16x128xf32>
    %get3A_6 = vector.shape_cast %get3A_5 : vector<1x16x128xf32> to vector<16x128xf32>
    %dot_general3A = arith.constant dense<0.000000e+00> : vector<8000x128xf32>
    %dot_general3A_7 = tpu.matmul %get3A_1, %get3A_6, %dot_general3A {dimension_numbers = #tpu.dot_dimension_numbers<[1], [0], [0], [1], [0, 0, 1, 1], [], []>, transpose_lhs_hint = false} : vector<8000x16xf32>, vector<16x128xf32>, vector<8000x128xf32> -> vector<8000x128xf32>
    %get3A_8 = arith.constant 0 : index
    %get3A_9 = arith.constant 0 : index
    %get3A_10 = arith.constant 0 : index
    %get3A_11 = vector.load %arg4[%get3A_8, %get3A_9, %get3A_10] : memref<1x1x128xf32, #tpu.memory_space<vmem>>, vector<1x1x128xf32>
    %get3A_12 = vector.shape_cast %get3A_11 : vector<1x1x128xf32> to vector<1x128xf32>
    %add3A = vector.broadcast %get3A_12 : vector<1x128xf32> to vector<8000x128xf32>
    %add3A_13 = arith.addf %dot_general3A_7, %add3A : vector<8000x128xf32>
    %gt3A = arith.constant 0.000000e+00 : f32
    %gt3A_14 = vector.broadcast %gt3A : f32 to vector<8000x128xf32>
    %gt3A_15 = arith.cmpf ogt, %add3A_13, %gt3A_14 : vector<8000x128xf32>
    %mul3A = arith.constant 0.00999999977 : f32
    %mul3A_16 = vector.broadcast %mul3A : f32 to vector<8000x128xf32>
    %mul3A_17 = arith.mulf %mul3A_16, %add3A_13 : vector<8000x128xf32>
    %select_n3A = arith.select %gt3A_15, %add3A_13, %mul3A_17 : vector<8000x128xi1>, vector<8000x128xf32>
    %get3A_18 = arith.constant 0 : index
    %get3A_19 = arith.constant 0 : index
    %get3A_20 = arith.constant 0 : index
    %get3A_21 = vector.load %arg5[%get3A_18, %get3A_19, %get3A_20] : memref<1x128x128xf32, #tpu.memory_space<vmem>>, vector<1x128x128xf32>
    %get3A_22 = vector.shape_cast %get3A_21 : vector<1x128x128xf32> to vector<128x128xf32>
    %dot_general3A_23 = arith.constant dense<0.000000e+00> : vector<8000x128xf32>
    %dot_general3A_24 = tpu.matmul %select_n3A, %get3A_22, %dot_general3A_23 {dimension_numbers = #tpu.dot_dimension_numbers<[1], [0], [0], [1], [0, 0, 1, 1], [], []>, transpose_lhs_hint = false} : vector<8000x128xf32>, vector<128x128xf32>, vector<8000x128xf32> -> vector<8000x128xf32>
    %get3A_25 = arith.constant 0 : index
    %get3A_26 = arith.constant 0 : index
    %get3A_27 = arith.constant 0 : index
    %get3A_28 = vector.load %arg6[%get3A_25, %get3A_26, %get3A_27] : memref<1x1x128xf32, #tpu.memory_space<vmem>>, vector<1x1x128xf32>
    %get3A_29 = vector.shape_cast %get3A_28 : vector<1x1x128xf32> to vector<1x128xf32>
    %add3A_30 = vector.broadcast %get3A_29 : vector<1x128xf32> to vector<8000x128xf32>
    %add3A_31 = arith.addf %dot_general3A_24, %add3A_30 : vector<8000x128xf32>
    %gt3A_32 = arith.constant 0.000000e+00 : f32
    %gt3A_33 = vector.broadcast %gt3A_32 : f32 to vector<8000x128xf32>
    %gt3A_34 = arith.cmpf ogt, %add3A_31, %gt3A_33 : vector<8000x128xf32>
    %exp3A = math.exp %add3A_31 : vector<8000x128xf32>
    %sub3A = arith.constant 1.000000e+00 : f32
    %sub3A_35 = vector.broadcast %sub3A : f32 to vector<8000x128xf32>
    %sub3A_36 = arith.subf %exp3A, %sub3A_35 : vector<8000x128xf32>
    %select_n3A_37 = arith.select %gt3A_34, %add3A_31, %sub3A_36 : vector<8000x128xi1>, vector<8000x128xf32>
    %swap3A = arith.constant 0 : index
    %swap3A_38 = arith.constant 0 : index
    %swap3A_39 = arith.constant 0 : index
    %swap3A_40 = vector.load %arg7[%swap3A, %swap3A_38, %swap3A_39] : memref<1x8000x128xf32, #tpu.memory_space<vmem>>, vector<1x8000x128xf32>
    %swap3A_41 = vector.shape_cast %swap3A_40 : vector<1x8000x128xf32> to vector<8000x128xf32>
    %swap3A_42 = vector.shape_cast %select_n3A_37 : vector<8000x128xf32> to vector<1x8000x128xf32>
    tpu.vector_store %arg7[%swap3A, %swap3A_38, %swap3A_39], %swap3A_42 {strides = array<i32>} : memref<1x8000x128xf32, #tpu.memory_space<vmem>>, vector<1x8000x128xf32>,
    return
  }
  func.func @transform_0(%arg0: i32, %arg1: i32) -> (i32, i32) {
    %c0_i32 = arith.constant 0 : i32
    %c0_i32_0 = arith.constant 0 : i32
    return %arg1, %c0_i32 : i32, i32
  }
  func.func @transform_1(%arg0: i32, %arg1: i32) -> (i32, i32, i32) {
    %c0_i32 = arith.constant 0 : i32
    %c0_i32_0 = arith.constant 0 : i32
    %c0_i32_1 = arith.constant 0 : i32
    return %arg0, %c0_i32, %c0_i32_0 : i32, i32, i32
  }
  func.func @transform_2(%arg0: i32, %arg1: i32) -> (i32, i32, i32) {
    %c0_i32 = arith.constant 0 : i32
    %c0_i32_0 = arith.constant 0 : i32
    %c0_i32_1 = arith.constant 0 : i32
    return %arg0, %c0_i32, %c0_i32_0 : i32, i32, i32
  }
  func.func @transform_3(%arg0: i32, %arg1: i32) -> (i32, i32, i32) {
    %c0_i32 = arith.constant 0 : i32
    %c0_i32_0 = arith.constant 0 : i32
    %c0_i32_1 = arith.constant 0 : i32
    return %arg0, %c0_i32, %c0_i32_0 : i32, i32, i32
  }
  func.func @transform_4(%arg0: i32, %arg1: i32) -> (i32, i32, i32) {
    %c0_i32 = arith.constant 0 : i32
    %c0_i32_0 = arith.constant 0 : i32
    %c0_i32_1 = arith.constant 0 : i32
    return %arg0, %c0_i32, %c0_i32_0 : i32, i32, i32
  }
  func.func @transform_5(%arg0: i32, %arg1: i32) -> (i32, i32, i32) {
    %c0_i32 = arith.constant 0 : i32
    %c0_i32_0 = arith.constant 0 : i32
    return %arg0, %arg1, %c0_i32 : i32, i32, i32
  }
}

module attributes {stable_mosaic.version = 14 : i64} {
  func.func @_node_body(%arg0: i32, %arg1: memref<2x2000x128xf32, #tpu.memory_space<vmem>>, %arg2: memref<2000x128xf32, #tpu.memory_space<vmem>>, %arg3: memref<1x128xf32, #tpu.memory_space<vmem>>, %arg4: memref<128x128xf32, #tpu.memory_space<vmem>>, %arg5: memref<1x128xf32, #tpu.memory_space<vmem>>, %arg6: memref<128x128xf32, #tpu.memory_space<vmem>>, %arg7: memref<1x128xf32, #tpu.memory_space<vmem>>, %arg8: memref<2000x128xf32, #tpu.memory_space<vmem>>, %arg9: memref<1x8x128xf32, #tpu.memory_space<vmem>>) attributes {dimension_semantics = [#tpu.dimension_semantics<arbitrary>], iteration_bounds = array<i64: 5>, scalar_prefetch = 0 : i64, scratch_operands = 0 : i64, tpu.core_type = #tpu.core_type<tc>, window_params = [{transform_indices = @transform_0, window_bounds = array<i64: 2, 2000, 128>}, {transform_indices = @transform_1, window_bounds = array<i64: 2000, 128>}, {pipeline_mode = #tpu.pipeline_mode<synchronous>, transform_indices = @transform_2, window_bounds = array<i64: 1, 128>}, {pipeline_mode = #tpu.pipeline_mode<synchronous>, transform_indices = @transform_3, window_bounds = array<i64: 128, 128>}, {pipeline_mode = #tpu.pipeline_mode<synchronous>, transform_indices = @transform_4, window_bounds = array<i64: 1, 128>}, {pipeline_mode = #tpu.pipeline_mode<synchronous>, transform_indices = @transform_5, window_bounds = array<i64: 128, 128>}, {pipeline_mode = #tpu.pipeline_mode<synchronous>, transform_indices = @transform_6, window_bounds = array<i64: 1, 128>}, {transform_indices = @transform_7, window_bounds = array<i64: 2000, 128>}, {transform_indices = @transform_8, window_bounds = array<i64: 1, 8, 128>}]} {
    %get3A = arith.constant 0 : index
    %get3A_0 = arith.constant 0 : index
    %get3A_1 = arith.constant 0 : index
    %get3A_2 = vector.load %arg1[%get3A, %get3A_0, %get3A_1] : memref<2x2000x128xf32, #tpu.memory_space<vmem>>, vector<1x2000x128xf32>
    %get3A_3 = vector.shape_cast %get3A_2 : vector<1x2000x128xf32> to vector<2000x128xf32>
    %get3A_4 = arith.constant 1 : index
    %get3A_5 = arith.constant 0 : index
    %get3A_6 = arith.constant 0 : index
    %get3A_7 = vector.load %arg1[%get3A_4, %get3A_5, %get3A_6] : memref<2x2000x128xf32, #tpu.memory_space<vmem>>, vector<1x2000x128xf32>
    %get3A_8 = vector.shape_cast %get3A_7 : vector<1x2000x128xf32> to vector<2000x128xf32>
    %add3A = arith.addf %get3A_3, %get3A_8 : vector<2000x128xf32>
    %get3A_9 = arith.constant 0 : index
    %get3A_10 = arith.constant 0 : index
    %get3A_11 = vector.load %arg3[%get3A_9, %get3A_10] : memref<1x128xf32, #tpu.memory_space<vmem>>, vector<1x128xf32>
    %get3A_12 = vector.shape_cast %get3A_11 : vector<1x128xf32> to vector<128xf32>
    %get3A_13 = arith.constant 0 : index
    %get3A_14 = arith.constant 0 : index
    %get3A_15 = vector.load %arg2[%get3A_13, %get3A_14] : memref<2000x128xf32, #tpu.memory_space<vmem>>, vector<2000x128xf32>
    %broadcast_in_dim3A = vector.shape_cast %get3A_12 : vector<128xf32> to vector<1x128xf32>
    %mul3A = vector.broadcast %broadcast_in_dim3A : vector<1x128xf32> to vector<2000x128xf32>
    %mul3A_16 = arith.mulf %mul3A, %get3A_15 : vector<2000x128xf32>
    %add3A_17 = arith.addf %add3A, %mul3A_16 : vector<2000x128xf32>
    %get3A_18 = arith.constant 0 : index
    %get3A_19 = arith.constant 0 : index
    %get3A_20 = vector.load %arg4[%get3A_18, %get3A_19] : memref<128x128xf32, #tpu.memory_space<vmem>>, vector<128x128xf32>
    %dot_general3A = arith.constant dense<0.000000e+00> : vector<2000x128xf32>
    %dot_general3A_21 = tpu.matmul %add3A_17, %get3A_20, %dot_general3A {dimension_numbers = #tpu.dot_dimension_numbers<[1], [0], [0], [1], [0, 0, 1, 1], [], []>, transpose_lhs_hint = false} : vector<2000x128xf32>, vector<128x128xf32>, vector<2000x128xf32> -> vector<2000x128xf32>
    %get3A_22 = arith.constant 0 : index
    %get3A_23 = arith.constant 0 : index
    %get3A_24 = vector.load %arg5[%get3A_22, %get3A_23] : memref<1x128xf32, #tpu.memory_space<vmem>>, vector<1x128xf32>
    %get3A_25 = vector.shape_cast %get3A_24 : vector<1x128xf32> to vector<128xf32>
    %broadcast_in_dim3A_26 = vector.shape_cast %get3A_25 : vector<128xf32> to vector<1x128xf32>
    %add3A_27 = vector.broadcast %broadcast_in_dim3A_26 : vector<1x128xf32> to vector<2000x128xf32>
    %add3A_28 = arith.addf %dot_general3A_21, %add3A_27 : vector<2000x128xf32>
    %gt3A = arith.constant 0.000000e+00 : f32
    %gt3A_29 = vector.broadcast %gt3A : f32 to vector<2000x128xf32>
    %gt3A_30 = arith.cmpf ogt, %add3A_28, %gt3A_29 : vector<2000x128xf32>
    %mul3A_31 = arith.constant 0.00999999977 : f32
    %mul3A_32 = vector.broadcast %mul3A_31 : f32 to vector<2000x128xf32>
    %mul3A_33 = arith.mulf %mul3A_32, %add3A_28 : vector<2000x128xf32>
    %select_n3A = arith.select %gt3A_30, %add3A_28, %mul3A_33 : vector<2000x128xi1>, vector<2000x128xf32>
    %get3A_34 = arith.constant 0 : index
    %get3A_35 = arith.constant 0 : index
    %get3A_36 = vector.load %arg6[%get3A_34, %get3A_35] : memref<128x128xf32, #tpu.memory_space<vmem>>, vector<128x128xf32>
    %dot_general3A_37 = arith.constant dense<0.000000e+00> : vector<2000x128xf32>
    %dot_general3A_38 = tpu.matmul %select_n3A, %get3A_36, %dot_general3A_37 {dimension_numbers = #tpu.dot_dimension_numbers<[1], [0], [0], [1], [0, 0, 1, 1], [], []>, transpose_lhs_hint = false} : vector<2000x128xf32>, vector<128x128xf32>, vector<2000x128xf32> -> vector<2000x128xf32>
    %get3A_39 = arith.constant 0 : index
    %get3A_40 = arith.constant 0 : index
    %get3A_41 = vector.load %arg7[%get3A_39, %get3A_40] : memref<1x128xf32, #tpu.memory_space<vmem>>, vector<1x128xf32>
    %get3A_42 = vector.shape_cast %get3A_41 : vector<1x128xf32> to vector<128xf32>
    %broadcast_in_dim3A_43 = vector.shape_cast %get3A_42 : vector<128xf32> to vector<1x128xf32>
    %add3A_44 = vector.broadcast %broadcast_in_dim3A_43 : vector<1x128xf32> to vector<2000x128xf32>
    %add3A_45 = arith.addf %dot_general3A_38, %add3A_44 : vector<2000x128xf32>
    %gt3A_46 = arith.constant 0.000000e+00 : f32
    %gt3A_47 = vector.broadcast %gt3A_46 : f32 to vector<2000x128xf32>
    %gt3A_48 = arith.cmpf ogt, %add3A_45, %gt3A_47 : vector<2000x128xf32>
    %mul3A_49 = arith.constant 0.00999999977 : f32
    %mul3A_50 = vector.broadcast %mul3A_49 : f32 to vector<2000x128xf32>
    %mul3A_51 = arith.mulf %mul3A_50, %add3A_45 : vector<2000x128xf32>
    %select_n3A_52 = arith.select %gt3A_48, %add3A_45, %mul3A_51 : vector<2000x128xi1>, vector<2000x128xf32>
    %swap3A = arith.constant 0 : index
    %swap3A_53 = arith.constant 0 : index
    %swap3A_54 = vector.load %arg8[%swap3A, %swap3A_53] : memref<2000x128xf32, #tpu.memory_space<vmem>>, vector<2000x128xf32>
    tpu.vector_store %arg8[%swap3A, %swap3A_53], %select_n3A_52 {strides = array<i32>} : memref<2000x128xf32, #tpu.memory_space<vmem>>, vector<2000x128xf32>,
    %reduce_sum3A = arith.constant dense<0.000000e+00> : vector<128xf32>
    %reduce_sum3A_55 = vector.multi_reduction <add>, %select_n3A_52, %reduce_sum3A [0] : vector<2000x128xf32> to vector<128xf32>
    %broadcast_in_dim3A_56 = vector.shape_cast %reduce_sum3A_55 : vector<128xf32> to vector<1x128xf32>
    %mul3A_57 = arith.mulf %select_n3A_52, %select_n3A_52 : vector<2000x128xf32>
    %reduce_sum3A_58 = arith.constant dense<0.000000e+00> : vector<128xf32>
    %reduce_sum3A_59 = vector.multi_reduction <add>, %mul3A_57, %reduce_sum3A_58 [0] : vector<2000x128xf32> to vector<128xf32>
    %broadcast_in_dim3A_60 = vector.shape_cast %reduce_sum3A_59 : vector<128xf32> to vector<1x128xf32>
    %broadcast_in_dim3A_61 = arith.constant 0.000000e+00 : f32
    %broadcast_in_dim3A_62 = vector.broadcast %broadcast_in_dim3A_61 : f32 to vector<6x128xf32>
    %concatenate3A = tpu.concatenate %broadcast_in_dim3A_56, %broadcast_in_dim3A_60, %broadcast_in_dim3A_62 in 0 : vector<1x128xf32>, vector<1x128xf32>, vector<6x128xf32> -> vector<8x128xf32>
    %broadcast_in_dim3A_63 = vector.shape_cast %concatenate3A : vector<8x128xf32> to vector<1x8x128xf32>
    %swap3A_64 = arith.constant 0 : index
    %swap3A_65 = arith.constant 0 : index
    %swap3A_66 = arith.constant 0 : index
    %swap3A_67 = vector.load %arg9[%swap3A_64, %swap3A_65, %swap3A_66] : memref<1x8x128xf32, #tpu.memory_space<vmem>>, vector<1x8x128xf32>
    tpu.vector_store %arg9[%swap3A_64, %swap3A_65, %swap3A_66], %broadcast_in_dim3A_63 {strides = array<i32>} : memref<1x8x128xf32, #tpu.memory_space<vmem>>, vector<1x8x128xf32>,
    return
  }
  func.func @transform_0(%arg0: i32) -> (i32, i32, i32) {
    %c0_i32 = arith.constant 0 : i32
    %c0_i32_0 = arith.constant 0 : i32
    %c0_i32_1 = arith.constant 0 : i32
    return %c0_i32, %arg0, %c0_i32_0 : i32, i32, i32
  }
  func.func @transform_1(%arg0: i32) -> (i32, i32) {
    %c0_i32 = arith.constant 0 : i32
    %c0_i32_0 = arith.constant 0 : i32
    return %arg0, %c0_i32 : i32, i32
  }
  func.func @transform_2(%arg0: i32) -> (i32, i32) {
    %c0_i32 = arith.constant 0 : i32
    %c0_i32_0 = arith.constant 0 : i32
    %c0_i32_1 = arith.constant 0 : i32
    return %c0_i32, %c0_i32_0 : i32, i32
  }
  func.func @transform_3(%arg0: i32) -> (i32, i32) {
    %c0_i32 = arith.constant 0 : i32
    %c0_i32_0 = arith.constant 0 : i32
    %c0_i32_1 = arith.constant 0 : i32
    return %c0_i32, %c0_i32_0 : i32, i32
  }
  func.func @transform_4(%arg0: i32) -> (i32, i32) {
    %c0_i32 = arith.constant 0 : i32
    %c0_i32_0 = arith.constant 0 : i32
    %c0_i32_1 = arith.constant 0 : i32
    return %c0_i32, %c0_i32_0 : i32, i32
  }
  func.func @transform_5(%arg0: i32) -> (i32, i32) {
    %c0_i32 = arith.constant 0 : i32
    %c0_i32_0 = arith.constant 0 : i32
    %c0_i32_1 = arith.constant 0 : i32
    return %c0_i32, %c0_i32_0 : i32, i32
  }
  func.func @transform_6(%arg0: i32) -> (i32, i32) {
    %c0_i32 = arith.constant 0 : i32
    %c0_i32_0 = arith.constant 0 : i32
    %c0_i32_1 = arith.constant 0 : i32
    return %c0_i32, %c0_i32_0 : i32, i32
  }
  func.func @transform_7(%arg0: i32) -> (i32, i32) {
    %c0_i32 = arith.constant 0 : i32
    %c0_i32_0 = arith.constant 0 : i32
    return %arg0, %c0_i32 : i32, i32
  }
  func.func @transform_8(%arg0: i32) -> (i32, i32, i32) {
    %c0_i32 = arith.constant 0 : i32
    %c0_i32_0 = arith.constant 0 : i32
    %c0_i32_1 = arith.constant 0 : i32
    return %arg0, %c0_i32, %c0_i32_0 : i32, i32, i32
  }
}

module attributes {stable_mosaic.version = 14 : i64} {
  func.func @_bn_body(%arg0: i32, %arg1: memref<2000x128xf32, #tpu.memory_space<vmem>>, %arg2: memref<5x8x128xf32, #tpu.memory_space<vmem>>, %arg3: memref<1x128xf32, #tpu.memory_space<vmem>>, %arg4: memref<1x128xf32, #tpu.memory_space<vmem>>, %arg5: memref<2000x128xf32, #tpu.memory_space<vmem>>) attributes {dimension_semantics = [#tpu.dimension_semantics<arbitrary>], iteration_bounds = array<i64: 5>, scalar_prefetch = 0 : i64, scratch_operands = 0 : i64, tpu.core_type = #tpu.core_type<tc>, window_params = [{transform_indices = @transform_0, window_bounds = array<i64: 2000, 128>}, {pipeline_mode = #tpu.pipeline_mode<synchronous>, transform_indices = @transform_1, window_bounds = array<i64: 5, 8, 128>}, {pipeline_mode = #tpu.pipeline_mode<synchronous>, transform_indices = @transform_2, window_bounds = array<i64: 1, 128>}, {pipeline_mode = #tpu.pipeline_mode<synchronous>, transform_indices = @transform_3, window_bounds = array<i64: 1, 128>}, {transform_indices = @transform_4, window_bounds = array<i64: 2000, 128>}]} {
    %get3A = arith.constant 0 : index
    %get3A_0 = arith.constant 0 : index
    %get3A_1 = arith.constant 0 : index
    %get3A_2 = vector.load %arg2[%get3A, %get3A_0, %get3A_1] : memref<5x8x128xf32, #tpu.memory_space<vmem>>, vector<5x1x128xf32>
    %get3A_3 = vector.shape_cast %get3A_2 : vector<5x1x128xf32> to vector<5x128xf32>
    %reduce_sum3A = arith.constant dense<0.000000e+00> : vector<128xf32>
    %reduce_sum3A_4 = vector.multi_reduction <add>, %get3A_3, %reduce_sum3A [0] : vector<5x128xf32> to vector<128xf32>
    %get3A_5 = arith.constant 0 : index
    %get3A_6 = arith.constant 1 : index
    %get3A_7 = arith.constant 0 : index
    %get3A_8 = vector.load %arg2[%get3A_5, %get3A_6, %get3A_7] : memref<5x8x128xf32, #tpu.memory_space<vmem>>, vector<5x1x128xf32>
    %get3A_9 = vector.shape_cast %get3A_8 : vector<5x1x128xf32> to vector<5x128xf32>
    %reduce_sum3A_10 = arith.constant dense<0.000000e+00> : vector<128xf32>
    %reduce_sum3A_11 = vector.multi_reduction <add>, %get3A_9, %reduce_sum3A_10 [0] : vector<5x128xf32> to vector<128xf32>
    %div3A = arith.constant 1.000000e+04 : f32
    %div3A_12 = vector.broadcast %div3A : f32 to vector<128xf32>
    %div3A_13 = arith.divf %reduce_sum3A_4, %div3A_12 : vector<128xf32>
    %div3A_14 = arith.constant 1.000000e+04 : f32
    %div3A_15 = vector.broadcast %div3A_14 : f32 to vector<128xf32>
    %div3A_16 = arith.divf %reduce_sum3A_11, %div3A_15 : vector<128xf32>
    %mul3A = arith.mulf %div3A_13, %div3A_13 : vector<128xf32>
    %sub3A = arith.subf %div3A_16, %mul3A : vector<128xf32>
    %get3A_17 = arith.constant 0 : index
    %get3A_18 = arith.constant 0 : index
    %get3A_19 = vector.load %arg3[%get3A_17, %get3A_18] : memref<1x128xf32, #tpu.memory_space<vmem>>, vector<1x128xf32>
    %get3A_20 = vector.shape_cast %get3A_19 : vector<1x128xf32> to vector<128xf32>
    %add3A = arith.constant 9.99999974E-6 : f32
    %add3A_21 = vector.broadcast %add3A : f32 to vector<128xf32>
    %add3A_22 = arith.addf %sub3A, %add3A_21 : vector<128xf32>
    %rsqrt3A = math.rsqrt %add3A_22 : vector<128xf32>
    %mul3A_23 = arith.mulf %get3A_20, %rsqrt3A : vector<128xf32>
    %get3A_24 = arith.constant 0 : index
    %get3A_25 = arith.constant 0 : index
    %get3A_26 = vector.load %arg1[%get3A_24, %get3A_25] : memref<2000x128xf32, #tpu.memory_space<vmem>>, vector<2000x128xf32>
    %broadcast_in_dim3A = vector.shape_cast %mul3A_23 : vector<128xf32> to vector<1x128xf32>
    %mul3A_27 = vector.broadcast %broadcast_in_dim3A : vector<1x128xf32> to vector<2000x128xf32>
    %mul3A_28 = arith.mulf %get3A_26, %mul3A_27 : vector<2000x128xf32>
    %get3A_29 = arith.constant 0 : index
    %get3A_30 = arith.constant 0 : index
    %get3A_31 = vector.load %arg4[%get3A_29, %get3A_30] : memref<1x128xf32, #tpu.memory_space<vmem>>, vector<1x128xf32>
    %get3A_32 = vector.shape_cast %get3A_31 : vector<1x128xf32> to vector<128xf32>
    %mul3A_33 = arith.mulf %div3A_13, %mul3A_23 : vector<128xf32>
    %sub3A_34 = arith.subf %get3A_32, %mul3A_33 : vector<128xf32>
    %broadcast_in_dim3A_35 = vector.shape_cast %sub3A_34 : vector<128xf32> to vector<1x128xf32>
    %add3A_36 = vector.broadcast %broadcast_in_dim3A_35 : vector<1x128xf32> to vector<2000x128xf32>
    %add3A_37 = arith.addf %mul3A_28, %add3A_36 : vector<2000x128xf32>
    %swap3A = arith.constant 0 : index
    %swap3A_38 = arith.constant 0 : index
    %swap3A_39 = vector.load %arg5[%swap3A, %swap3A_38] : memref<2000x128xf32, #tpu.memory_space<vmem>>, vector<2000x128xf32>
    tpu.vector_store %arg5[%swap3A, %swap3A_38], %add3A_37 {strides = array<i32>} : memref<2000x128xf32, #tpu.memory_space<vmem>>, vector<2000x128xf32>,
    return
  }
  func.func @transform_0(%arg0: i32) -> (i32, i32) {
    %c0_i32 = arith.constant 0 : i32
    %c0_i32_0 = arith.constant 0 : i32
    return %arg0, %c0_i32 : i32, i32
  }
  func.func @transform_1(%arg0: i32) -> (i32, i32, i32) {
    %c0_i32 = arith.constant 0 : i32
    %c0_i32_0 = arith.constant 0 : i32
    %c0_i32_1 = arith.constant 0 : i32
    %c0_i32_2 = arith.constant 0 : i32
    return %c0_i32, %c0_i32_0, %c0_i32_1 : i32, i32, i32
  }
  func.func @transform_2(%arg0: i32) -> (i32, i32) {
    %c0_i32 = arith.constant 0 : i32
    %c0_i32_0 = arith.constant 0 : i32
    %c0_i32_1 = arith.constant 0 : i32
    return %c0_i32, %c0_i32_0 : i32, i32
  }
  func.func @transform_3(%arg0: i32) -> (i32, i32) {
    %c0_i32 = arith.constant 0 : i32
    %c0_i32_0 = arith.constant 0 : i32
    %c0_i32_1 = arith.constant 0 : i32
    return %c0_i32, %c0_i32_0 : i32, i32
  }
  func.func @transform_4(%arg0: i32) -> (i32, i32) {
    %c0_i32 = arith.constant 0 : i32
    %c0_i32_0 = arith.constant 0 : i32
    return %arg0, %c0_i32 : i32, i32
  }
}

module attributes {stable_mosaic.version = 14 : i64} {
  func.func @_set2set_body(%arg0: memref<10000x128xf32, #tpu.memory_space<vmem>>, %arg1: memref<10000x128xf32, #tpu.memory_space<vmem>>, %arg2: memref<10000x1xi32, #tpu.memory_space<vmem>>, %arg3: memref<512x256xf32, #tpu.memory_space<vmem>>, %arg4: memref<512x128xf32, #tpu.memory_space<vmem>>, %arg5: memref<1x512xf32, #tpu.memory_space<vmem>>, %arg6: memref<1x512xf32, #tpu.memory_space<vmem>>, %arg7: memref<512x128xf32, #tpu.memory_space<vmem>>, %arg8: memref<512x128xf32, #tpu.memory_space<vmem>>, %arg9: memref<1x512xf32, #tpu.memory_space<vmem>>, %arg10: memref<1x512xf32, #tpu.memory_space<vmem>>, %arg11: memref<256x10xf32, #tpu.memory_space<vmem>>, %arg12: memref<1x10xf32, #tpu.memory_space<vmem>>, %arg13: memref<64x10xf32, #tpu.memory_space<vmem>>) attributes {dimension_semantics = [], scalar_prefetch = 0 : i64, scratch_operands = 0 : i64, tpu.core_type = #tpu.core_type<tc>} {
    %get3A = arith.constant 0 : index
    %get3A_0 = arith.constant 0 : index
    %get3A_1 = vector.load %arg0[%get3A, %get3A_0] : memref<10000x128xf32, #tpu.memory_space<vmem>>, vector<10000x128xf32>
    %get3A_2 = arith.constant 0 : index
    %get3A_3 = arith.constant 0 : index
    %get3A_4 = vector.load %arg1[%get3A_2, %get3A_3] : memref<10000x128xf32, #tpu.memory_space<vmem>>, vector<10000x128xf32>
    %add3A = arith.addf %get3A_1, %get3A_4 : vector<10000x128xf32>
    %get3A_5 = arith.constant 0 : index
    %get3A_6 = arith.constant 0 : index
    %get3A_7 = vector.load %arg2[%get3A_5, %get3A_6] : memref<10000x1xi32, #tpu.memory_space<vmem>>, vector<10000x1xi32>
    %iota3A = tpu.iota {dimensions = array<i32: 1>} : vector<10000x64xi32>
    %eq3A = vector.broadcast %get3A_7 : vector<10000x1xi32> to vector<10000x64xi32>
    %eq3A_8 = arith.cmpi eq, %eq3A, %iota3A : vector<10000x64xi32>
    %broadcast_in_dim3A = arith.constant 0.000000e+00 : f32
    %broadcast_in_dim3A_9 = vector.broadcast %broadcast_in_dim3A : f32 to vector<64x256xf32>
    %broadcast_in_dim3A_10 = arith.constant 0.000000e+00 : f32
    %broadcast_in_dim3A_11 = vector.broadcast %broadcast_in_dim3A_10 : f32 to vector<64x128xf32>
    %broadcast_in_dim3A_12 = arith.constant 0.000000e+00 : f32
    %broadcast_in_dim3A_13 = vector.broadcast %broadcast_in_dim3A_12 : f32 to vector<64x128xf32>
    %broadcast_in_dim3A_14 = arith.constant 0.000000e+00 : f32
    %broadcast_in_dim3A_15 = vector.broadcast %broadcast_in_dim3A_14 : f32 to vector<64x128xf32>
    %broadcast_in_dim3A_16 = arith.constant 0.000000e+00 : f32
    %broadcast_in_dim3A_17 = vector.broadcast %broadcast_in_dim3A_16 : f32 to vector<64x128xf32>
    %get3A_18 = arith.constant 0 : index
    %get3A_19 = arith.constant 0 : index
    %get3A_20 = vector.load %arg3[%get3A_18, %get3A_19] : memref<512x256xf32, #tpu.memory_space<vmem>>, vector<512x256xf32>
    %dot_general3A = arith.constant dense<0.000000e+00> : vector<64x512xf32>
    %dot_general3A_21 = tpu.matmul %broadcast_in_dim3A_9, %get3A_20, %dot_general3A {dimension_numbers = #tpu.dot_dimension_numbers<[1], [1], [0], [0], [0, 0, 1, 0], [], []>, transpose_lhs_hint = false} : vector<64x256xf32>, vector<512x256xf32>, vector<64x512xf32> -> vector<64x512xf32>
    %get3A_22 = arith.constant 0 : index
    %get3A_23 = arith.constant 0 : index
    %get3A_24 = vector.load %arg5[%get3A_22, %get3A_23] : memref<1x512xf32, #tpu.memory_space<vmem>>, vector<1x512xf32>
    %get3A_25 = vector.shape_cast %get3A_24 : vector<1x512xf32> to vector<512xf32>
    %broadcast_in_dim3A_26 = vector.shape_cast %get3A_25 : vector<512xf32> to vector<1x512xf32>
    %add3A_27 = vector.broadcast %broadcast_in_dim3A_26 : vector<1x512xf32> to vector<64x512xf32>
    %add3A_28 = arith.addf %dot_general3A_21, %add3A_27 : vector<64x512xf32>
    %get3A_29 = arith.constant 0 : index
    %get3A_30 = arith.constant 0 : index
    %get3A_31 = vector.load %arg4[%get3A_29, %get3A_30] : memref<512x128xf32, #tpu.memory_space<vmem>>, vector<512x128xf32>
    %dot_general3A_32 = arith.constant dense<0.000000e+00> : vector<64x512xf32>
    %dot_general3A_33 = tpu.matmul %broadcast_in_dim3A_11, %get3A_31, %dot_general3A_32 {dimension_numbers = #tpu.dot_dimension_numbers<[1], [1], [0], [0], [0, 0, 1, 0], [], []>, transpose_lhs_hint = false} : vector<64x128xf32>, vector<512x128xf32>, vector<64x512xf32> -> vector<64x512xf32>
    %add3A_34 = arith.addf %add3A_28, %dot_general3A_33 : vector<64x512xf32>
    %get3A_35 = arith.constant 0 : index
    %get3A_36 = arith.constant 0 : index
    %get3A_37 = vector.load %arg6[%get3A_35, %get3A_36] : memref<1x512xf32, #tpu.memory_space<vmem>>, vector<1x512xf32>
    %get3A_38 = vector.shape_cast %get3A_37 : vector<1x512xf32> to vector<512xf32>
    %broadcast_in_dim3A_39 = vector.shape_cast %get3A_38 : vector<512xf32> to vector<1x512xf32>
    %add3A_40 = vector.broadcast %broadcast_in_dim3A_39 : vector<1x512xf32> to vector<64x512xf32>
    %add3A_41 = arith.addf %add3A_34, %add3A_40 : vector<64x512xf32>
    %slice3A = vector.extract_strided_slice %add3A_41 {offsets = [0, 0], sizes = [64, 128], strides = [1, 1]} : vector<64x512xf32> to vector<64x128xf32>
    %slice3A_42 = vector.extract_strided_slice %add3A_41 {offsets = [0, 128], sizes = [64, 128], strides = [1, 1]} : vector<64x512xf32> to vector<64x128xf32>
    %slice3A_43 = vector.extract_strided_slice %add3A_41 {offsets = [0, 256], sizes = [64, 128], strides = [1, 1]} : vector<64x512xf32> to vector<64x128xf32>
    %slice3A_44 = vector.extract_strided_slice %add3A_41 {offsets = [0, 384], sizes = [64, 128], strides = [1, 1]} : vector<64x512xf32> to vector<64x128xf32>
    %logistic3A = arith.negf %slice3A_42 : vector<64x128xf32>
    %logistic3A_45 = math.exp %logistic3A : vector<64x128xf32>
    %logistic3A_46 = arith.constant 1.000000e+00 : f32
    %logistic3A_47 = vector.broadcast %logistic3A_46 : f32 to vector<64x128xf32>
    %logistic3A_48 = arith.addf %logistic3A_47, %logistic3A_45 : vector<64x128xf32>
    %logistic3A_49 = arith.divf %logistic3A_47, %logistic3A_48 : vector<64x128xf32>
    %mul3A = arith.mulf %logistic3A_49, %broadcast_in_dim3A_15 : vector<64x128xf32>
    %logistic3A_50 = arith.negf %slice3A : vector<64x128xf32>
    %logistic3A_51 = math.exp %logistic3A_50 : vector<64x128xf32>
    %logistic3A_52 = arith.constant 1.000000e+00 : f32
    %logistic3A_53 = vector.broadcast %logistic3A_52 : f32 to vector<64x128xf32>
    %logistic3A_54 = arith.addf %logistic3A_53, %logistic3A_51 : vector<64x128xf32>
    %logistic3A_55 = arith.divf %logistic3A_53, %logistic3A_54 : vector<64x128xf32>
    %tanh3A = math.tanh %slice3A_43 : vector<64x128xf32>
    %mul3A_56 = arith.mulf %logistic3A_55, %tanh3A : vector<64x128xf32>
    %add3A_57 = arith.addf %mul3A, %mul3A_56 : vector<64x128xf32>
    %logistic3A_58 = arith.negf %slice3A_44 : vector<64x128xf32>
    %logistic3A_59 = math.exp %logistic3A_58 : vector<64x128xf32>
    %logistic3A_60 = arith.constant 1.000000e+00 : f32
    %logistic3A_61 = vector.broadcast %logistic3A_60 : f32 to vector<64x128xf32>
    %logistic3A_62 = arith.addf %logistic3A_61, %logistic3A_59 : vector<64x128xf32>
    %logistic3A_63 = arith.divf %logistic3A_61, %logistic3A_62 : vector<64x128xf32>
    %tanh3A_64 = math.tanh %add3A_57 : vector<64x128xf32>
    %mul3A_65 = arith.mulf %logistic3A_63, %tanh3A_64 : vector<64x128xf32>
    %get3A_66 = arith.constant 0 : index
    %get3A_67 = arith.constant 0 : index
    %get3A_68 = vector.load %arg7[%get3A_66, %get3A_67] : memref<512x128xf32, #tpu.memory_space<vmem>>, vector<512x128xf32>
    %dot_general3A_69 = arith.constant dense<0.000000e+00> : vector<64x512xf32>
    %dot_general3A_70 = tpu.matmul %mul3A_65, %get3A_68, %dot_general3A_69 {dimension_numbers = #tpu.dot_dimension_numbers<[1], [1], [0], [0], [0, 0, 1, 0], [], []>, transpose_lhs_hint = false} : vector<64x128xf32>, vector<512x128xf32>, vector<64x512xf32> -> vector<64x512xf32>
    %get3A_71 = arith.constant 0 : index
    %get3A_72 = arith.constant 0 : index
    %get3A_73 = vector.load %arg9[%get3A_71, %get3A_72] : memref<1x512xf32, #tpu.memory_space<vmem>>, vector<1x512xf32>
    %get3A_74 = vector.shape_cast %get3A_73 : vector<1x512xf32> to vector<512xf32>
    %broadcast_in_dim3A_75 = vector.shape_cast %get3A_74 : vector<512xf32> to vector<1x512xf32>
    %add3A_76 = vector.broadcast %broadcast_in_dim3A_75 : vector<1x512xf32> to vector<64x512xf32>
    %add3A_77 = arith.addf %dot_general3A_70, %add3A_76 : vector<64x512xf32>
    %get3A_78 = arith.constant 0 : index
    %get3A_79 = arith.constant 0 : index
    %get3A_80 = vector.load %arg8[%get3A_78, %get3A_79] : memref<512x128xf32, #tpu.memory_space<vmem>>, vector<512x128xf32>
    %dot_general3A_81 = arith.constant dense<0.000000e+00> : vector<64x512xf32>
    %dot_general3A_82 = tpu.matmul %broadcast_in_dim3A_13, %get3A_80, %dot_general3A_81 {dimension_numbers = #tpu.dot_dimension_numbers<[1], [1], [0], [0], [0, 0, 1, 0], [], []>, transpose_lhs_hint = false} : vector<64x128xf32>, vector<512x128xf32>, vector<64x512xf32> -> vector<64x512xf32>
    %add3A_83 = arith.addf %add3A_77, %dot_general3A_82 : vector<64x512xf32>
    %get3A_84 = arith.constant 0 : index
    %get3A_85 = arith.constant 0 : index
    %get3A_86 = vector.load %arg10[%get3A_84, %get3A_85] : memref<1x512xf32, #tpu.memory_space<vmem>>, vector<1x512xf32>
    %get3A_87 = vector.shape_cast %get3A_86 : vector<1x512xf32> to vector<512xf32>
    %broadcast_in_dim3A_88 = vector.shape_cast %get3A_87 : vector<512xf32> to vector<1x512xf32>
    %add3A_89 = vector.broadcast %broadcast_in_dim3A_88 : vector<1x512xf32> to vector<64x512xf32>
    %add3A_90 = arith.addf %add3A_83, %add3A_89 : vector<64x512xf32>
    %slice3A_91 = vector.extract_strided_slice %add3A_90 {offsets = [0, 0], sizes = [64, 128], strides = [1, 1]} : vector<64x512xf32> to vector<64x128xf32>
    %slice3A_92 = vector.extract_strided_slice %add3A_90 {offsets = [0, 128], sizes = [64, 128], strides = [1, 1]} : vector<64x512xf32> to vector<64x128xf32>
    %slice3A_93 = vector.extract_strided_slice %add3A_90 {offsets = [0, 256], sizes = [64, 128], strides = [1, 1]} : vector<64x512xf32> to vector<64x128xf32>
    %slice3A_94 = vector.extract_strided_slice %add3A_90 {offsets = [0, 384], sizes = [64, 128], strides = [1, 1]} : vector<64x512xf32> to vector<64x128xf32>
    %logistic3A_95 = arith.negf %slice3A_92 : vector<64x128xf32>
    %logistic3A_96 = math.exp %logistic3A_95 : vector<64x128xf32>
    %logistic3A_97 = arith.constant 1.000000e+00 : f32
    %logistic3A_98 = vector.broadcast %logistic3A_97 : f32 to vector<64x128xf32>
    %logistic3A_99 = arith.addf %logistic3A_98, %logistic3A_96 : vector<64x128xf32>
    %logistic3A_100 = arith.divf %logistic3A_98, %logistic3A_99 : vector<64x128xf32>
    %mul3A_101 = arith.mulf %logistic3A_100, %broadcast_in_dim3A_17 : vector<64x128xf32>
    %logistic3A_102 = arith.negf %slice3A_91 : vector<64x128xf32>
    %logistic3A_103 = math.exp %logistic3A_102 : vector<64x128xf32>
    %logistic3A_104 = arith.constant 1.000000e+00 : f32
    %logistic3A_105 = vector.broadcast %logistic3A_104 : f32 to vector<64x128xf32>
    %logistic3A_106 = arith.addf %logistic3A_105, %logistic3A_103 : vector<64x128xf32>
    %logistic3A_107 = arith.divf %logistic3A_105, %logistic3A_106 : vector<64x128xf32>
    %tanh3A_108 = math.tanh %slice3A_93 : vector<64x128xf32>
    %mul3A_109 = arith.mulf %logistic3A_107, %tanh3A_108 : vector<64x128xf32>
    %add3A_110 = arith.addf %mul3A_101, %mul3A_109 : vector<64x128xf32>
    %logistic3A_111 = arith.negf %slice3A_94 : vector<64x128xf32>
    %logistic3A_112 = math.exp %logistic3A_111 : vector<64x128xf32>
    %logistic3A_113 = arith.constant 1.000000e+00 : f32
    %logistic3A_114 = vector.broadcast %logistic3A_113 : f32 to vector<64x128xf32>
    %logistic3A_115 = arith.addf %logistic3A_114, %logistic3A_112 : vector<64x128xf32>
    %logistic3A_116 = arith.divf %logistic3A_114, %logistic3A_115 : vector<64x128xf32>
    %tanh3A_117 = math.tanh %add3A_110 : vector<64x128xf32>
    %mul3A_118 = arith.mulf %logistic3A_116, %tanh3A_117 : vector<64x128xf32>
    %dot_general3A_119 = arith.constant dense<0.000000e+00> : vector<10000x64xf32>
    %dot_general3A_120 = tpu.matmul %add3A, %mul3A_118, %dot_general3A_119 {dimension_numbers = #tpu.dot_dimension_numbers<[1], [1], [0], [0], [0, 0, 1, 0], [], []>, transpose_lhs_hint = false} : vector<10000x128xf32>, vector<64x128xf32>, vector<10000x64xf32> -> vector<10000x64xf32>
    %jit3A = arith.constant -1.000000e+30 : f32
    %broadcast_in_dim3A_121 = vector.broadcast %jit3A : f32 to vector<10000x64xf32>
    %select_n3A = arith.select %eq3A_8, %dot_general3A_120, %broadcast_in_dim3A_121 : vector<10000x64xi1>, vector<10000x64xf32>
    %reduce_max3A = arith.constant dense<0xFF800000> : vector<64xf32>
    %reduce_max3A_122 = vector.multi_reduction <maximumf>, %select_n3A, %reduce_max3A [0] : vector<10000x64xf32> to vector<64xf32>
    %gt3A = arith.constant -1.000000e+29 : f32
    %gt3A_123 = vector.broadcast %gt3A : f32 to vector<64xf32>
    %gt3A_124 = arith.cmpf ogt, %reduce_max3A_122, %gt3A_123 : vector<64xf32>
    %jit3A_125 = arith.constant 0.000000e+00 : f32
    %broadcast_in_dim3A_126 = vector.broadcast %jit3A_125 : f32 to vector<64xf32>
    %select_n3A_127 = arith.select %gt3A_124, %reduce_max3A_122, %broadcast_in_dim3A_126 : vector<64xi1>, vector<64xf32>
    %broadcast_in_dim3A_128 = vector.shape_cast %select_n3A_127 : vector<64xf32> to vector<1x64xf32>
    %sub3A = vector.broadcast %broadcast_in_dim3A_128 : vector<1x64xf32> to vector<10000x64xf32>
    %sub3A_129 = arith.subf %dot_general3A_120, %sub3A : vector<10000x64xf32>
    %jit3A_130 = arith.constant -1.000000e+30 : f32
    %broadcast_in_dim3A_131 = vector.broadcast %jit3A_130 : f32 to vector<10000x64xf32>
    %select_n3A_132 = arith.select %eq3A_8, %sub3A_129, %broadcast_in_dim3A_131 : vector<10000x64xi1>, vector<10000x64xf32>
    %exp3A = math.exp %select_n3A_132 : vector<10000x64xf32>
    %reduce_sum3A = arith.constant dense<0.000000e+00> : vector<64xf32>
    %reduce_sum3A_133 = vector.multi_reduction <add>, %exp3A, %reduce_sum3A [0] : vector<10000x64xf32> to vector<64xf32>
    %broadcast_in_dim3A_134 = vector.shape_cast %reduce_sum3A_133 : vector<64xf32> to vector<1x64xf32>
    %add3A_135 = arith.constant 1.000000e-16 : f32
    %add3A_136 = vector.broadcast %add3A_135 : f32 to vector<1x64xf32>
    %add3A_137 = arith.addf %broadcast_in_dim3A_134, %add3A_136 : vector<1x64xf32>
    %div3A = vector.broadcast %add3A_137 : vector<1x64xf32> to vector<10000x64xf32>
    %div3A_138 = arith.divf %exp3A, %div3A : vector<10000x64xf32>
    %dot_general3A_139 = arith.constant dense<0.000000e+00> : vector<64x128xf32>
    %dot_general3A_140 = tpu.matmul %div3A_138, %add3A, %dot_general3A_139 {dimension_numbers = #tpu.dot_dimension_numbers<[0], [0], [1], [1], [0, 1, 1, 1], [], []>, transpose_lhs_hint = false} : vector<10000x64xf32>, vector<10000x128xf32>, vector<64x128xf32> -> vector<64x128xf32>
    %concatenate3A = tpu.concatenate %mul3A_118, %dot_general3A_140 in 1 : vector<64x128xf32>, vector<64x128xf32> -> vector<64x256xf32>
    %get3A_141 = arith.constant 0 : index
    %get3A_142 = arith.constant 0 : index
    %get3A_143 = vector.load %arg3[%get3A_141, %get3A_142] : memref<512x256xf32, #tpu.memory_space<vmem>>, vector<512x256xf32>
    %dot_general3A_144 = arith.constant dense<0.000000e+00> : vector<64x512xf32>
    %dot_general3A_145 = tpu.matmul %concatenate3A, %get3A_143, %dot_general3A_144 {dimension_numbers = #tpu.dot_dimension_numbers<[1], [1], [0], [0], [0, 0, 1, 0], [], []>, transpose_lhs_hint = false} : vector<64x256xf32>, vector<512x256xf32>, vector<64x512xf32> -> vector<64x512xf32>
    %get3A_146 = arith.constant 0 : index
    %get3A_147 = arith.constant 0 : index
    %get3A_148 = vector.load %arg5[%get3A_146, %get3A_147] : memref<1x512xf32, #tpu.memory_space<vmem>>, vector<1x512xf32>
    %get3A_149 = vector.shape_cast %get3A_148 : vector<1x512xf32> to vector<512xf32>
    %broadcast_in_dim3A_150 = vector.shape_cast %get3A_149 : vector<512xf32> to vector<1x512xf32>
    %add3A_151 = vector.broadcast %broadcast_in_dim3A_150 : vector<1x512xf32> to vector<64x512xf32>
    %add3A_152 = arith.addf %dot_general3A_145, %add3A_151 : vector<64x512xf32>
    %get3A_153 = arith.constant 0 : index
    %get3A_154 = arith.constant 0 : index
    %get3A_155 = vector.load %arg4[%get3A_153, %get3A_154] : memref<512x128xf32, #tpu.memory_space<vmem>>, vector<512x128xf32>
    %dot_general3A_156 = arith.constant dense<0.000000e+00> : vector<64x512xf32>
    %dot_general3A_157 = tpu.matmul %mul3A_65, %get3A_155, %dot_general3A_156 {dimension_numbers = #tpu.dot_dimension_numbers<[1], [1], [0], [0], [0, 0, 1, 0], [], []>, transpose_lhs_hint = false} : vector<64x128xf32>, vector<512x128xf32>, vector<64x512xf32> -> vector<64x512xf32>
    %add3A_158 = arith.addf %add3A_152, %dot_general3A_157 : vector<64x512xf32>
    %get3A_159 = arith.constant 0 : index
    %get3A_160 = arith.constant 0 : index
    %get3A_161 = vector.load %arg6[%get3A_159, %get3A_160] : memref<1x512xf32, #tpu.memory_space<vmem>>, vector<1x512xf32>
    %get3A_162 = vector.shape_cast %get3A_161 : vector<1x512xf32> to vector<512xf32>
    %broadcast_in_dim3A_163 = vector.shape_cast %get3A_162 : vector<512xf32> to vector<1x512xf32>
    %add3A_164 = vector.broadcast %broadcast_in_dim3A_163 : vector<1x512xf32> to vector<64x512xf32>
    %add3A_165 = arith.addf %add3A_158, %add3A_164 : vector<64x512xf32>
    %slice3A_166 = vector.extract_strided_slice %add3A_165 {offsets = [0, 0], sizes = [64, 128], strides = [1, 1]} : vector<64x512xf32> to vector<64x128xf32>
    %slice3A_167 = vector.extract_strided_slice %add3A_165 {offsets = [0, 128], sizes = [64, 128], strides = [1, 1]} : vector<64x512xf32> to vector<64x128xf32>
    %slice3A_168 = vector.extract_strided_slice %add3A_165 {offsets = [0, 256], sizes = [64, 128], strides = [1, 1]} : vector<64x512xf32> to vector<64x128xf32>
    %slice3A_169 = vector.extract_strided_slice %add3A_165 {offsets = [0, 384], sizes = [64, 128], strides = [1, 1]} : vector<64x512xf32> to vector<64x128xf32>
    %logistic3A_170 = arith.negf %slice3A_167 : vector<64x128xf32>
    %logistic3A_171 = math.exp %logistic3A_170 : vector<64x128xf32>
    %logistic3A_172 = arith.constant 1.000000e+00 : f32
    %logistic3A_173 = vector.broadcast %logistic3A_172 : f32 to vector<64x128xf32>
    %logistic3A_174 = arith.addf %logistic3A_173, %logistic3A_171 : vector<64x128xf32>
    %logistic3A_175 = arith.divf %logistic3A_173, %logistic3A_174 : vector<64x128xf32>
    %mul3A_176 = arith.mulf %logistic3A_175, %add3A_57 : vector<64x128xf32>
    %logistic3A_177 = arith.negf %slice3A_166 : vector<64x128xf32>
    %logistic3A_178 = math.exp %logistic3A_177 : vector<64x128xf32>
    %logistic3A_179 = arith.constant 1.000000e+00 : f32
    %logistic3A_180 = vector.broadcast %logistic3A_179 : f32 to vector<64x128xf32>
    %logistic3A_181 = arith.addf %logistic3A_180, %logistic3A_178 : vector<64x128xf32>
    %logistic3A_182 = arith.divf %logistic3A_180, %logistic3A_181 : vector<64x128xf32>
    %tanh3A_183 = math.tanh %slice3A_168 : vector<64x128xf32>
    %mul3A_184 = arith.mulf %logistic3A_182, %tanh3A_183 : vector<64x128xf32>
    %add3A_185 = arith.addf %mul3A_176, %mul3A_184 : vector<64x128xf32>
    %logistic3A_186 = arith.negf %slice3A_169 : vector<64x128xf32>
    %logistic3A_187 = math.exp %logistic3A_186 : vector<64x128xf32>
    %logistic3A_188 = arith.constant 1.000000e+00 : f32
    %logistic3A_189 = vector.broadcast %logistic3A_188 : f32 to vector<64x128xf32>
    %logistic3A_190 = arith.addf %logistic3A_189, %logistic3A_187 : vector<64x128xf32>
    %logistic3A_191 = arith.divf %logistic3A_189, %logistic3A_190 : vector<64x128xf32>
    %tanh3A_192 = math.tanh %add3A_185 : vector<64x128xf32>
    %mul3A_193 = arith.mulf %logistic3A_191, %tanh3A_192 : vector<64x128xf32>
    %get3A_194 = arith.constant 0 : index
    %get3A_195 = arith.constant 0 : index
    %get3A_196 = vector.load %arg7[%get3A_194, %get3A_195] : memref<512x128xf32, #tpu.memory_space<vmem>>, vector<512x128xf32>
    %dot_general3A_197 = arith.constant dense<0.000000e+00> : vector<64x512xf32>
    %dot_general3A_198 = tpu.matmul %mul3A_193, %get3A_196, %dot_general3A_197 {dimension_numbers = #tpu.dot_dimension_numbers<[1], [1], [0], [0], [0, 0, 1, 0], [], []>, transpose_lhs_hint = false} : vector<64x128xf32>, vector<512x128xf32>, vector<64x512xf32> -> vector<64x512xf32>
    %get3A_199 = arith.constant 0 : index
    %get3A_200 = arith.constant 0 : index
    %get3A_201 = vector.load %arg9[%get3A_199, %get3A_200] : memref<1x512xf32, #tpu.memory_space<vmem>>, vector<1x512xf32>
    %get3A_202 = vector.shape_cast %get3A_201 : vector<1x512xf32> to vector<512xf32>
    %broadcast_in_dim3A_203 = vector.shape_cast %get3A_202 : vector<512xf32> to vector<1x512xf32>
    %add3A_204 = vector.broadcast %broadcast_in_dim3A_203 : vector<1x512xf32> to vector<64x512xf32>
    %add3A_205 = arith.addf %dot_general3A_198, %add3A_204 : vector<64x512xf32>
    %get3A_206 = arith.constant 0 : index
    %get3A_207 = arith.constant 0 : index
    %get3A_208 = vector.load %arg8[%get3A_206, %get3A_207] : memref<512x128xf32, #tpu.memory_space<vmem>>, vector<512x128xf32>
    %dot_general3A_209 = arith.constant dense<0.000000e+00> : vector<64x512xf32>
    %dot_general3A_210 = tpu.matmul %mul3A_118, %get3A_208, %dot_general3A_209 {dimension_numbers = #tpu.dot_dimension_numbers<[1], [1], [0], [0], [0, 0, 1, 0], [], []>, transpose_lhs_hint = false} : vector<64x128xf32>, vector<512x128xf32>, vector<64x512xf32> -> vector<64x512xf32>
    %add3A_211 = arith.addf %add3A_205, %dot_general3A_210 : vector<64x512xf32>
    %get3A_212 = arith.constant 0 : index
    %get3A_213 = arith.constant 0 : index
    %get3A_214 = vector.load %arg10[%get3A_212, %get3A_213] : memref<1x512xf32, #tpu.memory_space<vmem>>, vector<1x512xf32>
    %get3A_215 = vector.shape_cast %get3A_214 : vector<1x512xf32> to vector<512xf32>
    %broadcast_in_dim3A_216 = vector.shape_cast %get3A_215 : vector<512xf32> to vector<1x512xf32>
    %add3A_217 = vector.broadcast %broadcast_in_dim3A_216 : vector<1x512xf32> to vector<64x512xf32>
    %add3A_218 = arith.addf %add3A_211, %add3A_217 : vector<64x512xf32>
    %slice3A_219 = vector.extract_strided_slice %add3A_218 {offsets = [0, 0], sizes = [64, 128], strides = [1, 1]} : vector<64x512xf32> to vector<64x128xf32>
    %slice3A_220 = vector.extract_strided_slice %add3A_218 {offsets = [0, 128], sizes = [64, 128], strides = [1, 1]} : vector<64x512xf32> to vector<64x128xf32>
    %slice3A_221 = vector.extract_strided_slice %add3A_218 {offsets = [0, 256], sizes = [64, 128], strides = [1, 1]} : vector<64x512xf32> to vector<64x128xf32>
    %slice3A_222 = vector.extract_strided_slice %add3A_218 {offsets = [0, 384], sizes = [64, 128], strides = [1, 1]} : vector<64x512xf32> to vector<64x128xf32>
    %logistic3A_223 = arith.negf %slice3A_220 : vector<64x128xf32>
    %logistic3A_224 = math.exp %logistic3A_223 : vector<64x128xf32>
    %logistic3A_225 = arith.constant 1.000000e+00 : f32
    %logistic3A_226 = vector.broadcast %logistic3A_225 : f32 to vector<64x128xf32>
    %logistic3A_227 = arith.addf %logistic3A_226, %logistic3A_224 : vector<64x128xf32>
    %logistic3A_228 = arith.divf %logistic3A_226, %logistic3A_227 : vector<64x128xf32>
    %mul3A_229 = arith.mulf %logistic3A_228, %add3A_110 : vector<64x128xf32>
    %logistic3A_230 = arith.negf %slice3A_219 : vector<64x128xf32>
    %logistic3A_231 = math.exp %logistic3A_230 : vector<64x128xf32>
    %logistic3A_232 = arith.constant 1.000000e+00 : f32
    %logistic3A_233 = vector.broadcast %logistic3A_232 : f32 to vector<64x128xf32>
    %logistic3A_234 = arith.addf %logistic3A_233, %logistic3A_231 : vector<64x128xf32>
    %logistic3A_235 = arith.divf %logistic3A_233, %logistic3A_234 : vector<64x128xf32>
    %tanh3A_236 = math.tanh %slice3A_221 : vector<64x128xf32>
    %mul3A_237 = arith.mulf %logistic3A_235, %tanh3A_236 : vector<64x128xf32>
    %add3A_238 = arith.addf %mul3A_229, %mul3A_237 : vector<64x128xf32>
    %logistic3A_239 = arith.negf %slice3A_222 : vector<64x128xf32>
    %logistic3A_240 = math.exp %logistic3A_239 : vector<64x128xf32>
    %logistic3A_241 = arith.constant 1.000000e+00 : f32
    %logistic3A_242 = vector.broadcast %logistic3A_241 : f32 to vector<64x128xf32>
    %logistic3A_243 = arith.addf %logistic3A_242, %logistic3A_240 : vector<64x128xf32>
    %logistic3A_244 = arith.divf %logistic3A_242, %logistic3A_243 : vector<64x128xf32>
    %tanh3A_245 = math.tanh %add3A_238 : vector<64x128xf32>
    %mul3A_246 = arith.mulf %logistic3A_244, %tanh3A_245 : vector<64x128xf32>
    %dot_general3A_247 = arith.constant dense<0.000000e+00> : vector<10000x64xf32>
    %dot_general3A_248 = tpu.matmul %add3A, %mul3A_246, %dot_general3A_247 {dimension_numbers = #tpu.dot_dimension_numbers<[1], [1], [0], [0], [0, 0, 1, 0], [], []>, transpose_lhs_hint = false} : vector<10000x128xf32>, vector<64x128xf32>, vector<10000x64xf32> -> vector<10000x64xf32>
    %jit3A_249 = arith.constant -1.000000e+30 : f32
    %broadcast_in_dim3A_250 = vector.broadcast %jit3A_249 : f32 to vector<10000x64xf32>
    %select_n3A_251 = arith.select %eq3A_8, %dot_general3A_248, %broadcast_in_dim3A_250 : vector<10000x64xi1>, vector<10000x64xf32>
    %reduce_max3A_252 = arith.constant dense<0xFF800000> : vector<64xf32>
    %reduce_max3A_253 = vector.multi_reduction <maximumf>, %select_n3A_251, %reduce_max3A_252 [0] : vector<10000x64xf32> to vector<64xf32>
    %gt3A_254 = arith.constant -1.000000e+29 : f32
    %gt3A_255 = vector.broadcast %gt3A_254 : f32 to vector<64xf32>
    %gt3A_256 = arith.cmpf ogt, %reduce_max3A_253, %gt3A_255 : vector<64xf32>
    %jit3A_257 = arith.constant 0.000000e+00 : f32
    %broadcast_in_dim3A_258 = vector.broadcast %jit3A_257 : f32 to vector<64xf32>
    %select_n3A_259 = arith.select %gt3A_256, %reduce_max3A_253, %broadcast_in_dim3A_258 : vector<64xi1>, vector<64xf32>
    %broadcast_in_dim3A_260 = vector.shape_cast %select_n3A_259 : vector<64xf32> to vector<1x64xf32>
    %sub3A_261 = vector.broadcast %broadcast_in_dim3A_260 : vector<1x64xf32> to vector<10000x64xf32>
    %sub3A_262 = arith.subf %dot_general3A_248, %sub3A_261 : vector<10000x64xf32>
    %jit3A_263 = arith.constant -1.000000e+30 : f32
    %broadcast_in_dim3A_264 = vector.broadcast %jit3A_263 : f32 to vector<10000x64xf32>
    %select_n3A_265 = arith.select %eq3A_8, %sub3A_262, %broadcast_in_dim3A_264 : vector<10000x64xi1>, vector<10000x64xf32>
    %exp3A_266 = math.exp %select_n3A_265 : vector<10000x64xf32>
    %reduce_sum3A_267 = arith.constant dense<0.000000e+00> : vector<64xf32>
    %reduce_sum3A_268 = vector.multi_reduction <add>, %exp3A_266, %reduce_sum3A_267 [0] : vector<10000x64xf32> to vector<64xf32>
    %broadcast_in_dim3A_269 = vector.shape_cast %reduce_sum3A_268 : vector<64xf32> to vector<1x64xf32>
    %add3A_270 = arith.constant 1.000000e-16 : f32
    %add3A_271 = vector.broadcast %add3A_270 : f32 to vector<1x64xf32>
    %add3A_272 = arith.addf %broadcast_in_dim3A_269, %add3A_271 : vector<1x64xf32>
    %div3A_273 = vector.broadcast %add3A_272 : vector<1x64xf32> to vector<10000x64xf32>
    %div3A_274 = arith.divf %exp3A_266, %div3A_273 : vector<10000x64xf32>
    %dot_general3A_275 = arith.constant dense<0.000000e+00> : vector<64x128xf32>
    %dot_general3A_276 = tpu.matmul %div3A_274, %add3A, %dot_general3A_275 {dimension_numbers = #tpu.dot_dimension_numbers<[0], [0], [1], [1], [0, 1, 1, 1], [], []>, transpose_lhs_hint = false} : vector<10000x64xf32>, vector<10000x128xf32>, vector<64x128xf32> -> vector<64x128xf32>
    %concatenate3A_277 = tpu.concatenate %mul3A_246, %dot_general3A_276 in 1 : vector<64x128xf32>, vector<64x128xf32> -> vector<64x256xf32>
    %get3A_278 = arith.constant 0 : index
    %get3A_279 = arith.constant 0 : index
    %get3A_280 = vector.load %arg3[%get3A_278, %get3A_279] : memref<512x256xf32, #tpu.memory_space<vmem>>, vector<512x256xf32>
    %dot_general3A_281 = arith.constant dense<0.000000e+00> : vector<64x512xf32>
    %dot_general3A_282 = tpu.matmul %concatenate3A_277, %get3A_280, %dot_general3A_281 {dimension_numbers = #tpu.dot_dimension_numbers<[1], [1], [0], [0], [0, 0, 1, 0], [], []>, transpose_lhs_hint = false} : vector<64x256xf32>, vector<512x256xf32>, vector<64x512xf32> -> vector<64x512xf32>
    %get3A_283 = arith.constant 0 : index
    %get3A_284 = arith.constant 0 : index
    %get3A_285 = vector.load %arg5[%get3A_283, %get3A_284] : memref<1x512xf32, #tpu.memory_space<vmem>>, vector<1x512xf32>
    %get3A_286 = vector.shape_cast %get3A_285 : vector<1x512xf32> to vector<512xf32>
    %broadcast_in_dim3A_287 = vector.shape_cast %get3A_286 : vector<512xf32> to vector<1x512xf32>
    %add3A_288 = vector.broadcast %broadcast_in_dim3A_287 : vector<1x512xf32> to vector<64x512xf32>
    %add3A_289 = arith.addf %dot_general3A_282, %add3A_288 : vector<64x512xf32>
    %get3A_290 = arith.constant 0 : index
    %get3A_291 = arith.constant 0 : index
    %get3A_292 = vector.load %arg4[%get3A_290, %get3A_291] : memref<512x128xf32, #tpu.memory_space<vmem>>, vector<512x128xf32>
    %dot_general3A_293 = arith.constant dense<0.000000e+00> : vector<64x512xf32>
    %dot_general3A_294 = tpu.matmul %mul3A_193, %get3A_292, %dot_general3A_293 {dimension_numbers = #tpu.dot_dimension_numbers<[1], [1], [0], [0], [0, 0, 1, 0], [], []>, transpose_lhs_hint = false} : vector<64x128xf32>, vector<512x128xf32>, vector<64x512xf32> -> vector<64x512xf32>
    %add3A_295 = arith.addf %add3A_289, %dot_general3A_294 : vector<64x512xf32>
    %get3A_296 = arith.constant 0 : index
    %get3A_297 = arith.constant 0 : index
    %get3A_298 = vector.load %arg6[%get3A_296, %get3A_297] : memref<1x512xf32, #tpu.memory_space<vmem>>, vector<1x512xf32>
    %get3A_299 = vector.shape_cast %get3A_298 : vector<1x512xf32> to vector<512xf32>
    %broadcast_in_dim3A_300 = vector.shape_cast %get3A_299 : vector<512xf32> to vector<1x512xf32>
    %add3A_301 = vector.broadcast %broadcast_in_dim3A_300 : vector<1x512xf32> to vector<64x512xf32>
    %add3A_302 = arith.addf %add3A_295, %add3A_301 : vector<64x512xf32>
    %slice3A_303 = vector.extract_strided_slice %add3A_302 {offsets = [0, 0], sizes = [64, 128], strides = [1, 1]} : vector<64x512xf32> to vector<64x128xf32>
    %slice3A_304 = vector.extract_strided_slice %add3A_302 {offsets = [0, 128], sizes = [64, 128], strides = [1, 1]} : vector<64x512xf32> to vector<64x128xf32>
    %slice3A_305 = vector.extract_strided_slice %add3A_302 {offsets = [0, 256], sizes = [64, 128], strides = [1, 1]} : vector<64x512xf32> to vector<64x128xf32>
    %slice3A_306 = vector.extract_strided_slice %add3A_302 {offsets = [0, 384], sizes = [64, 128], strides = [1, 1]} : vector<64x512xf32> to vector<64x128xf32>
    %logistic3A_307 = arith.negf %slice3A_304 : vector<64x128xf32>
    %logistic3A_308 = math.exp %logistic3A_307 : vector<64x128xf32>
    %logistic3A_309 = arith.constant 1.000000e+00 : f32
    %logistic3A_310 = vector.broadcast %logistic3A_309 : f32 to vector<64x128xf32>
    %logistic3A_311 = arith.addf %logistic3A_310, %logistic3A_308 : vector<64x128xf32>
    %logistic3A_312 = arith.divf %logistic3A_310, %logistic3A_311 : vector<64x128xf32>
    %mul3A_313 = arith.mulf %logistic3A_312, %add3A_185 : vector<64x128xf32>
    %logistic3A_314 = arith.negf %slice3A_303 : vector<64x128xf32>
    %logistic3A_315 = math.exp %logistic3A_314 : vector<64x128xf32>
    %logistic3A_316 = arith.constant 1.000000e+00 : f32
    %logistic3A_317 = vector.broadcast %logistic3A_316 : f32 to vector<64x128xf32>
    %logistic3A_318 = arith.addf %logistic3A_317, %logistic3A_315 : vector<64x128xf32>
    %logistic3A_319 = arith.divf %logistic3A_317, %logistic3A_318 : vector<64x128xf32>
    %tanh3A_320 = math.tanh %slice3A_305 : vector<64x128xf32>
    %mul3A_321 = arith.mulf %logistic3A_319, %tanh3A_320 : vector<64x128xf32>
    %add3A_322 = arith.addf %mul3A_313, %mul3A_321 : vector<64x128xf32>
    %logistic3A_323 = arith.negf %slice3A_306 : vector<64x128xf32>
    %logistic3A_324 = math.exp %logistic3A_323 : vector<64x128xf32>
    %logistic3A_325 = arith.constant 1.000000e+00 : f32
    %logistic3A_326 = vector.broadcast %logistic3A_325 : f32 to vector<64x128xf32>
    %logistic3A_327 = arith.addf %logistic3A_326, %logistic3A_324 : vector<64x128xf32>
    %logistic3A_328 = arith.divf %logistic3A_326, %logistic3A_327 : vector<64x128xf32>
    %tanh3A_329 = math.tanh %add3A_322 : vector<64x128xf32>
    %mul3A_330 = arith.mulf %logistic3A_328, %tanh3A_329 : vector<64x128xf32>
    %get3A_331 = arith.constant 0 : index
    %get3A_332 = arith.constant 0 : index
    %get3A_333 = vector.load %arg7[%get3A_331, %get3A_332] : memref<512x128xf32, #tpu.memory_space<vmem>>, vector<512x128xf32>
    %dot_general3A_334 = arith.constant dense<0.000000e+00> : vector<64x512xf32>
    %dot_general3A_335 = tpu.matmul %mul3A_330, %get3A_333, %dot_general3A_334 {dimension_numbers = #tpu.dot_dimension_numbers<[1], [1], [0], [0], [0, 0, 1, 0], [], []>, transpose_lhs_hint = false} : vector<64x128xf32>, vector<512x128xf32>, vector<64x512xf32> -> vector<64x512xf32>
    %get3A_336 = arith.constant 0 : index
    %get3A_337 = arith.constant 0 : index
    %get3A_338 = vector.load %arg9[%get3A_336, %get3A_337] : memref<1x512xf32, #tpu.memory_space<vmem>>, vector<1x512xf32>
    %get3A_339 = vector.shape_cast %get3A_338 : vector<1x512xf32> to vector<512xf32>
    %broadcast_in_dim3A_340 = vector.shape_cast %get3A_339 : vector<512xf32> to vector<1x512xf32>
    %add3A_341 = vector.broadcast %broadcast_in_dim3A_340 : vector<1x512xf32> to vector<64x512xf32>
    %add3A_342 = arith.addf %dot_general3A_335, %add3A_341 : vector<64x512xf32>
    %get3A_343 = arith.constant 0 : index
    %get3A_344 = arith.constant 0 : index
    %get3A_345 = vector.load %arg8[%get3A_343, %get3A_344] : memref<512x128xf32, #tpu.memory_space<vmem>>, vector<512x128xf32>
    %dot_general3A_346 = arith.constant dense<0.000000e+00> : vector<64x512xf32>
    %dot_general3A_347 = tpu.matmul %mul3A_246, %get3A_345, %dot_general3A_346 {dimension_numbers = #tpu.dot_dimension_numbers<[1], [1], [0], [0], [0, 0, 1, 0], [], []>, transpose_lhs_hint = false} : vector<64x128xf32>, vector<512x128xf32>, vector<64x512xf32> -> vector<64x512xf32>
    %add3A_348 = arith.addf %add3A_342, %dot_general3A_347 : vector<64x512xf32>
    %get3A_349 = arith.constant 0 : index
    %get3A_350 = arith.constant 0 : index
    %get3A_351 = vector.load %arg10[%get3A_349, %get3A_350] : memref<1x512xf32, #tpu.memory_space<vmem>>, vector<1x512xf32>
    %get3A_352 = vector.shape_cast %get3A_351 : vector<1x512xf32> to vector<512xf32>
    %broadcast_in_dim3A_353 = vector.shape_cast %get3A_352 : vector<512xf32> to vector<1x512xf32>
    %add3A_354 = vector.broadcast %broadcast_in_dim3A_353 : vector<1x512xf32> to vector<64x512xf32>
    %add3A_355 = arith.addf %add3A_348, %add3A_354 : vector<64x512xf32>
    %slice3A_356 = vector.extract_strided_slice %add3A_355 {offsets = [0, 0], sizes = [64, 128], strides = [1, 1]} : vector<64x512xf32> to vector<64x128xf32>
    %slice3A_357 = vector.extract_strided_slice %add3A_355 {offsets = [0, 128], sizes = [64, 128], strides = [1, 1]} : vector<64x512xf32> to vector<64x128xf32>
    %slice3A_358 = vector.extract_strided_slice %add3A_355 {offsets = [0, 256], sizes = [64, 128], strides = [1, 1]} : vector<64x512xf32> to vector<64x128xf32>
    %slice3A_359 = vector.extract_strided_slice %add3A_355 {offsets = [0, 384], sizes = [64, 128], strides = [1, 1]} : vector<64x512xf32> to vector<64x128xf32>
    %logistic3A_360 = arith.negf %slice3A_357 : vector<64x128xf32>
    %logistic3A_361 = math.exp %logistic3A_360 : vector<64x128xf32>
    %logistic3A_362 = arith.constant 1.000000e+00 : f32
    %logistic3A_363 = vector.broadcast %logistic3A_362 : f32 to vector<64x128xf32>
    %logistic3A_364 = arith.addf %logistic3A_363, %logistic3A_361 : vector<64x128xf32>
    %logistic3A_365 = arith.divf %logistic3A_363, %logistic3A_364 : vector<64x128xf32>
    %mul3A_366 = arith.mulf %logistic3A_365, %add3A_238 : vector<64x128xf32>
    %logistic3A_367 = arith.negf %slice3A_356 : vector<64x128xf32>
    %logistic3A_368 = math.exp %logistic3A_367 : vector<64x128xf32>
    %logistic3A_369 = arith.constant 1.000000e+00 : f32
    %logistic3A_370 = vector.broadcast %logistic3A_369 : f32 to vector<64x128xf32>
    %logistic3A_371 = arith.addf %logistic3A_370, %logistic3A_368 : vector<64x128xf32>
    %logistic3A_372 = arith.divf %logistic3A_370, %logistic3A_371 : vector<64x128xf32>
    %tanh3A_373 = math.tanh %slice3A_358 : vector<64x128xf32>
    %mul3A_374 = arith.mulf %logistic3A_372, %tanh3A_373 : vector<64x128xf32>
    %add3A_375 = arith.addf %mul3A_366, %mul3A_374 : vector<64x128xf32>
    %logistic3A_376 = arith.negf %slice3A_359 : vector<64x128xf32>
    %logistic3A_377 = math.exp %logistic3A_376 : vector<64x128xf32>
    %logistic3A_378 = arith.constant 1.000000e+00 : f32
    %logistic3A_379 = vector.broadcast %logistic3A_378 : f32 to vector<64x128xf32>
    %logistic3A_380 = arith.addf %logistic3A_379, %logistic3A_377 : vector<64x128xf32>
    %logistic3A_381 = arith.divf %logistic3A_379, %logistic3A_380 : vector<64x128xf32>
    %tanh3A_382 = math.tanh %add3A_375 : vector<64x128xf32>
    %mul3A_383 = arith.mulf %logistic3A_381, %tanh3A_382 : vector<64x128xf32>
    %dot_general3A_384 = arith.constant dense<0.000000e+00> : vector<10000x64xf32>
    %dot_general3A_385 = tpu.matmul %add3A, %mul3A_383, %dot_general3A_384 {dimension_numbers = #tpu.dot_dimension_numbers<[1], [1], [0], [0], [0, 0, 1, 0], [], []>, transpose_lhs_hint = false} : vector<10000x128xf32>, vector<64x128xf32>, vector<10000x64xf32> -> vector<10000x64xf32>
    %jit3A_386 = arith.constant -1.000000e+30 : f32
    %broadcast_in_dim3A_387 = vector.broadcast %jit3A_386 : f32 to vector<10000x64xf32>
    %select_n3A_388 = arith.select %eq3A_8, %dot_general3A_385, %broadcast_in_dim3A_387 : vector<10000x64xi1>, vector<10000x64xf32>
    %reduce_max3A_389 = arith.constant dense<0xFF800000> : vector<64xf32>
    %reduce_max3A_390 = vector.multi_reduction <maximumf>, %select_n3A_388, %reduce_max3A_389 [0] : vector<10000x64xf32> to vector<64xf32>
    %gt3A_391 = arith.constant -1.000000e+29 : f32
    %gt3A_392 = vector.broadcast %gt3A_391 : f32 to vector<64xf32>
    %gt3A_393 = arith.cmpf ogt, %reduce_max3A_390, %gt3A_392 : vector<64xf32>
    %jit3A_394 = arith.constant 0.000000e+00 : f32
    %broadcast_in_dim3A_395 = vector.broadcast %jit3A_394 : f32 to vector<64xf32>
    %select_n3A_396 = arith.select %gt3A_393, %reduce_max3A_390, %broadcast_in_dim3A_395 : vector<64xi1>, vector<64xf32>
    %broadcast_in_dim3A_397 = vector.shape_cast %select_n3A_396 : vector<64xf32> to vector<1x64xf32>
    %sub3A_398 = vector.broadcast %broadcast_in_dim3A_397 : vector<1x64xf32> to vector<10000x64xf32>
    %sub3A_399 = arith.subf %dot_general3A_385, %sub3A_398 : vector<10000x64xf32>
    %jit3A_400 = arith.constant -1.000000e+30 : f32
    %broadcast_in_dim3A_401 = vector.broadcast %jit3A_400 : f32 to vector<10000x64xf32>
    %select_n3A_402 = arith.select %eq3A_8, %sub3A_399, %broadcast_in_dim3A_401 : vector<10000x64xi1>, vector<10000x64xf32>
    %exp3A_403 = math.exp %select_n3A_402 : vector<10000x64xf32>
    %reduce_sum3A_404 = arith.constant dense<0.000000e+00> : vector<64xf32>
    %reduce_sum3A_405 = vector.multi_reduction <add>, %exp3A_403, %reduce_sum3A_404 [0] : vector<10000x64xf32> to vector<64xf32>
    %broadcast_in_dim3A_406 = vector.shape_cast %reduce_sum3A_405 : vector<64xf32> to vector<1x64xf32>
    %add3A_407 = arith.constant 1.000000e-16 : f32
    %add3A_408 = vector.broadcast %add3A_407 : f32 to vector<1x64xf32>
    %add3A_409 = arith.addf %broadcast_in_dim3A_406, %add3A_408 : vector<1x64xf32>
    %div3A_410 = vector.broadcast %add3A_409 : vector<1x64xf32> to vector<10000x64xf32>
    %div3A_411 = arith.divf %exp3A_403, %div3A_410 : vector<10000x64xf32>
    %dot_general3A_412 = arith.constant dense<0.000000e+00> : vector<64x128xf32>
    %dot_general3A_413 = tpu.matmul %div3A_411, %add3A, %dot_general3A_412 {dimension_numbers = #tpu.dot_dimension_numbers<[0], [0], [1], [1], [0, 1, 1, 1], [], []>, transpose_lhs_hint = false} : vector<10000x64xf32>, vector<10000x128xf32>, vector<64x128xf32> -> vector<64x128xf32>
    %concatenate3A_414 = tpu.concatenate %mul3A_383, %dot_general3A_413 in 1 : vector<64x128xf32>, vector<64x128xf32> -> vector<64x256xf32>
    %get3A_415 = arith.constant 0 : index
    %get3A_416 = arith.constant 0 : index
    %get3A_417 = vector.load %arg3[%get3A_415, %get3A_416] : memref<512x256xf32, #tpu.memory_space<vmem>>, vector<512x256xf32>
    %dot_general3A_418 = arith.constant dense<0.000000e+00> : vector<64x512xf32>
    %dot_general3A_419 = tpu.matmul %concatenate3A_414, %get3A_417, %dot_general3A_418 {dimension_numbers = #tpu.dot_dimension_numbers<[1], [1], [0], [0], [0, 0, 1, 0], [], []>, transpose_lhs_hint = false} : vector<64x256xf32>, vector<512x256xf32>, vector<64x512xf32> -> vector<64x512xf32>
    %get3A_420 = arith.constant 0 : index
    %get3A_421 = arith.constant 0 : index
    %get3A_422 = vector.load %arg5[%get3A_420, %get3A_421] : memref<1x512xf32, #tpu.memory_space<vmem>>, vector<1x512xf32>
    %get3A_423 = vector.shape_cast %get3A_422 : vector<1x512xf32> to vector<512xf32>
    %broadcast_in_dim3A_424 = vector.shape_cast %get3A_423 : vector<512xf32> to vector<1x512xf32>
    %add3A_425 = vector.broadcast %broadcast_in_dim3A_424 : vector<1x512xf32> to vector<64x512xf32>
    %add3A_426 = arith.addf %dot_general3A_419, %add3A_425 : vector<64x512xf32>
    %get3A_427 = arith.constant 0 : index
    %get3A_428 = arith.constant 0 : index
    %get3A_429 = vector.load %arg4[%get3A_427, %get3A_428] : memref<512x128xf32, #tpu.memory_space<vmem>>, vector<512x128xf32>
    %dot_general3A_430 = arith.constant dense<0.000000e+00> : vector<64x512xf32>
    %dot_general3A_431 = tpu.matmul %mul3A_330, %get3A_429, %dot_general3A_430 {dimension_numbers = #tpu.dot_dimension_numbers<[1], [1], [0], [0], [0, 0, 1, 0], [], []>, transpose_lhs_hint = false} : vector<64x128xf32>, vector<512x128xf32>, vector<64x512xf32> -> vector<64x512xf32>
    %add3A_432 = arith.addf %add3A_426, %dot_general3A_431 : vector<64x512xf32>
    %get3A_433 = arith.constant 0 : index
    %get3A_434 = arith.constant 0 : index
    %get3A_435 = vector.load %arg6[%get3A_433, %get3A_434] : memref<1x512xf32, #tpu.memory_space<vmem>>, vector<1x512xf32>
    %get3A_436 = vector.shape_cast %get3A_435 : vector<1x512xf32> to vector<512xf32>
    %broadcast_in_dim3A_437 = vector.shape_cast %get3A_436 : vector<512xf32> to vector<1x512xf32>
    %add3A_438 = vector.broadcast %broadcast_in_dim3A_437 : vector<1x512xf32> to vector<64x512xf32>
    %add3A_439 = arith.addf %add3A_432, %add3A_438 : vector<64x512xf32>
    %slice3A_440 = vector.extract_strided_slice %add3A_439 {offsets = [0, 0], sizes = [64, 128], strides = [1, 1]} : vector<64x512xf32> to vector<64x128xf32>
    %slice3A_441 = vector.extract_strided_slice %add3A_439 {offsets = [0, 128], sizes = [64, 128], strides = [1, 1]} : vector<64x512xf32> to vector<64x128xf32>
    %slice3A_442 = vector.extract_strided_slice %add3A_439 {offsets = [0, 256], sizes = [64, 128], strides = [1, 1]} : vector<64x512xf32> to vector<64x128xf32>
    %slice3A_443 = vector.extract_strided_slice %add3A_439 {offsets = [0, 384], sizes = [64, 128], strides = [1, 1]} : vector<64x512xf32> to vector<64x128xf32>
    %logistic3A_444 = arith.negf %slice3A_441 : vector<64x128xf32>
    %logistic3A_445 = math.exp %logistic3A_444 : vector<64x128xf32>
    %logistic3A_446 = arith.constant 1.000000e+00 : f32
    %logistic3A_447 = vector.broadcast %logistic3A_446 : f32 to vector<64x128xf32>
    %logistic3A_448 = arith.addf %logistic3A_447, %logistic3A_445 : vector<64x128xf32>
    %logistic3A_449 = arith.divf %logistic3A_447, %logistic3A_448 : vector<64x128xf32>
    %mul3A_450 = arith.mulf %logistic3A_449, %add3A_322 : vector<64x128xf32>
    %logistic3A_451 = arith.negf %slice3A_440 : vector<64x128xf32>
    %logistic3A_452 = math.exp %logistic3A_451 : vector<64x128xf32>
    %logistic3A_453 = arith.constant 1.000000e+00 : f32
    %logistic3A_454 = vector.broadcast %logistic3A_453 : f32 to vector<64x128xf32>
    %logistic3A_455 = arith.addf %logistic3A_454, %logistic3A_452 : vector<64x128xf32>
    %logistic3A_456 = arith.divf %logistic3A_454, %logistic3A_455 : vector<64x128xf32>
    %tanh3A_457 = math.tanh %slice3A_442 : vector<64x128xf32>
    %mul3A_458 = arith.mulf %logistic3A_456, %tanh3A_457 : vector<64x128xf32>
    %add3A_459 = arith.addf %mul3A_450, %mul3A_458 : vector<64x128xf32>
    %logistic3A_460 = arith.negf %slice3A_443 : vector<64x128xf32>
    %logistic3A_461 = math.exp %logistic3A_460 : vector<64x128xf32>
    %logistic3A_462 = arith.constant 1.000000e+00 : f32
    %logistic3A_463 = vector.broadcast %logistic3A_462 : f32 to vector<64x128xf32>
    %logistic3A_464 = arith.addf %logistic3A_463, %logistic3A_461 : vector<64x128xf32>
    %logistic3A_465 = arith.divf %logistic3A_463, %logistic3A_464 : vector<64x128xf32>
    %tanh3A_466 = math.tanh %add3A_459 : vector<64x128xf32>
    %mul3A_467 = arith.mulf %logistic3A_465, %tanh3A_466 : vector<64x128xf32>
    %get3A_468 = arith.constant 0 : index
    %get3A_469 = arith.constant 0 : index
    %get3A_470 = vector.load %arg7[%get3A_468, %get3A_469] : memref<512x128xf32, #tpu.memory_space<vmem>>, vector<512x128xf32>
    %dot_general3A_471 = arith.constant dense<0.000000e+00> : vector<64x512xf32>
    %dot_general3A_472 = tpu.matmul %mul3A_467, %get3A_470, %dot_general3A_471 {dimension_numbers = #tpu.dot_dimension_numbers<[1], [1], [0], [0], [0, 0, 1, 0], [], []>, transpose_lhs_hint = false} : vector<64x128xf32>, vector<512x128xf32>, vector<64x512xf32> -> vector<64x512xf32>
    %get3A_473 = arith.constant 0 : index
    %get3A_474 = arith.constant 0 : index
    %get3A_475 = vector.load %arg9[%get3A_473, %get3A_474] : memref<1x512xf32, #tpu.memory_space<vmem>>, vector<1x512xf32>
    %get3A_476 = vector.shape_cast %get3A_475 : vector<1x512xf32> to vector<512xf32>
    %broadcast_in_dim3A_477 = vector.shape_cast %get3A_476 : vector<512xf32> to vector<1x512xf32>
    %add3A_478 = vector.broadcast %broadcast_in_dim3A_477 : vector<1x512xf32> to vector<64x512xf32>
    %add3A_479 = arith.addf %dot_general3A_472, %add3A_478 : vector<64x512xf32>
    %get3A_480 = arith.constant 0 : index
    %get3A_481 = arith.constant 0 : index
    %get3A_482 = vector.load %arg8[%get3A_480, %get3A_481] : memref<512x128xf32, #tpu.memory_space<vmem>>, vector<512x128xf32>
    %dot_general3A_483 = arith.constant dense<0.000000e+00> : vector<64x512xf32>
    %dot_general3A_484 = tpu.matmul %mul3A_383, %get3A_482, %dot_general3A_483 {dimension_numbers = #tpu.dot_dimension_numbers<[1], [1], [0], [0], [0, 0, 1, 0], [], []>, transpose_lhs_hint = false} : vector<64x128xf32>, vector<512x128xf32>, vector<64x512xf32> -> vector<64x512xf32>
    %add3A_485 = arith.addf %add3A_479, %dot_general3A_484 : vector<64x512xf32>
    %get3A_486 = arith.constant 0 : index
    %get3A_487 = arith.constant 0 : index
    %get3A_488 = vector.load %arg10[%get3A_486, %get3A_487] : memref<1x512xf32, #tpu.memory_space<vmem>>, vector<1x512xf32>
    %get3A_489 = vector.shape_cast %get3A_488 : vector<1x512xf32> to vector<512xf32>
    %broadcast_in_dim3A_490 = vector.shape_cast %get3A_489 : vector<512xf32> to vector<1x512xf32>
    %add3A_491 = vector.broadcast %broadcast_in_dim3A_490 : vector<1x512xf32> to vector<64x512xf32>
    %add3A_492 = arith.addf %add3A_485, %add3A_491 : vector<64x512xf32>
    %slice3A_493 = vector.extract_strided_slice %add3A_492 {offsets = [0, 0], sizes = [64, 128], strides = [1, 1]} : vector<64x512xf32> to vector<64x128xf32>
    %slice3A_494 = vector.extract_strided_slice %add3A_492 {offsets = [0, 128], sizes = [64, 128], strides = [1, 1]} : vector<64x512xf32> to vector<64x128xf32>
    %slice3A_495 = vector.extract_strided_slice %add3A_492 {offsets = [0, 256], sizes = [64, 128], strides = [1, 1]} : vector<64x512xf32> to vector<64x128xf32>
    %slice3A_496 = vector.extract_strided_slice %add3A_492 {offsets = [0, 384], sizes = [64, 128], strides = [1, 1]} : vector<64x512xf32> to vector<64x128xf32>
    %logistic3A_497 = arith.negf %slice3A_494 : vector<64x128xf32>
    %logistic3A_498 = math.exp %logistic3A_497 : vector<64x128xf32>
    %logistic3A_499 = arith.constant 1.000000e+00 : f32
    %logistic3A_500 = vector.broadcast %logistic3A_499 : f32 to vector<64x128xf32>
    %logistic3A_501 = arith.addf %logistic3A_500, %logistic3A_498 : vector<64x128xf32>
    %logistic3A_502 = arith.divf %logistic3A_500, %logistic3A_501 : vector<64x128xf32>
    %mul3A_503 = arith.mulf %logistic3A_502, %add3A_375 : vector<64x128xf32>
    %logistic3A_504 = arith.negf %slice3A_493 : vector<64x128xf32>
    %logistic3A_505 = math.exp %logistic3A_504 : vector<64x128xf32>
    %logistic3A_506 = arith.constant 1.000000e+00 : f32
    %logistic3A_507 = vector.broadcast %logistic3A_506 : f32 to vector<64x128xf32>
    %logistic3A_508 = arith.addf %logistic3A_507, %logistic3A_505 : vector<64x128xf32>
    %logistic3A_509 = arith.divf %logistic3A_507, %logistic3A_508 : vector<64x128xf32>
    %tanh3A_510 = math.tanh %slice3A_495 : vector<64x128xf32>
    %mul3A_511 = arith.mulf %logistic3A_509, %tanh3A_510 : vector<64x128xf32>
    %add3A_512 = arith.addf %mul3A_503, %mul3A_511 : vector<64x128xf32>
    %logistic3A_513 = arith.negf %slice3A_496 : vector<64x128xf32>
    %logistic3A_514 = math.exp %logistic3A_513 : vector<64x128xf32>
    %logistic3A_515 = arith.constant 1.000000e+00 : f32
    %logistic3A_516 = vector.broadcast %logistic3A_515 : f32 to vector<64x128xf32>
    %logistic3A_517 = arith.addf %logistic3A_516, %logistic3A_514 : vector<64x128xf32>
    %logistic3A_518 = arith.divf %logistic3A_516, %logistic3A_517 : vector<64x128xf32>
    %tanh3A_519 = math.tanh %add3A_512 : vector<64x128xf32>
    %mul3A_520 = arith.mulf %logistic3A_518, %tanh3A_519 : vector<64x128xf32>
    %dot_general3A_521 = arith.constant dense<0.000000e+00> : vector<10000x64xf32>
    %dot_general3A_522 = tpu.matmul %add3A, %mul3A_520, %dot_general3A_521 {dimension_numbers = #tpu.dot_dimension_numbers<[1], [1], [0], [0], [0, 0, 1, 0], [], []>, transpose_lhs_hint = false} : vector<10000x128xf32>, vector<64x128xf32>, vector<10000x64xf32> -> vector<10000x64xf32>
    %jit3A_523 = arith.constant -1.000000e+30 : f32
    %broadcast_in_dim3A_524 = vector.broadcast %jit3A_523 : f32 to vector<10000x64xf32>
    %select_n3A_525 = arith.select %eq3A_8, %dot_general3A_522, %broadcast_in_dim3A_524 : vector<10000x64xi1>, vector<10000x64xf32>
    %reduce_max3A_526 = arith.constant dense<0xFF800000> : vector<64xf32>
    %reduce_max3A_527 = vector.multi_reduction <maximumf>, %select_n3A_525, %reduce_max3A_526 [0] : vector<10000x64xf32> to vector<64xf32>
    %gt3A_528 = arith.constant -1.000000e+29 : f32
    %gt3A_529 = vector.broadcast %gt3A_528 : f32 to vector<64xf32>
    %gt3A_530 = arith.cmpf ogt, %reduce_max3A_527, %gt3A_529 : vector<64xf32>
    %jit3A_531 = arith.constant 0.000000e+00 : f32
    %broadcast_in_dim3A_532 = vector.broadcast %jit3A_531 : f32 to vector<64xf32>
    %select_n3A_533 = arith.select %gt3A_530, %reduce_max3A_527, %broadcast_in_dim3A_532 : vector<64xi1>, vector<64xf32>
    %broadcast_in_dim3A_534 = vector.shape_cast %select_n3A_533 : vector<64xf32> to vector<1x64xf32>
    %sub3A_535 = vector.broadcast %broadcast_in_dim3A_534 : vector<1x64xf32> to vector<10000x64xf32>
    %sub3A_536 = arith.subf %dot_general3A_522, %sub3A_535 : vector<10000x64xf32>
    %jit3A_537 = arith.constant -1.000000e+30 : f32
    %broadcast_in_dim3A_538 = vector.broadcast %jit3A_537 : f32 to vector<10000x64xf32>
    %select_n3A_539 = arith.select %eq3A_8, %sub3A_536, %broadcast_in_dim3A_538 : vector<10000x64xi1>, vector<10000x64xf32>
    %exp3A_540 = math.exp %select_n3A_539 : vector<10000x64xf32>
    %reduce_sum3A_541 = arith.constant dense<0.000000e+00> : vector<64xf32>
    %reduce_sum3A_542 = vector.multi_reduction <add>, %exp3A_540, %reduce_sum3A_541 [0] : vector<10000x64xf32> to vector<64xf32>
    %broadcast_in_dim3A_543 = vector.shape_cast %reduce_sum3A_542 : vector<64xf32> to vector<1x64xf32>
    %add3A_544 = arith.constant 1.000000e-16 : f32
    %add3A_545 = vector.broadcast %add3A_544 : f32 to vector<1x64xf32>
    %add3A_546 = arith.addf %broadcast_in_dim3A_543, %add3A_545 : vector<1x64xf32>
    %div3A_547 = vector.broadcast %add3A_546 : vector<1x64xf32> to vector<10000x64xf32>
    %div3A_548 = arith.divf %exp3A_540, %div3A_547 : vector<10000x64xf32>
    %dot_general3A_549 = arith.constant dense<0.000000e+00> : vector<64x128xf32>
    %dot_general3A_550 = tpu.matmul %div3A_548, %add3A, %dot_general3A_549 {dimension_numbers = #tpu.dot_dimension_numbers<[0], [0], [1], [1], [0, 1, 1, 1], [], []>, transpose_lhs_hint = false} : vector<10000x64xf32>, vector<10000x128xf32>, vector<64x128xf32> -> vector<64x128xf32>
    %concatenate3A_551 = tpu.concatenate %mul3A_520, %dot_general3A_550 in 1 : vector<64x128xf32>, vector<64x128xf32> -> vector<64x256xf32>
    %get3A_552 = arith.constant 0 : index
    %get3A_553 = arith.constant 0 : index
    %get3A_554 = vector.load %arg3[%get3A_552, %get3A_553] : memref<512x256xf32, #tpu.memory_space<vmem>>, vector<512x256xf32>
    %dot_general3A_555 = arith.constant dense<0.000000e+00> : vector<64x512xf32>
    %dot_general3A_556 = tpu.matmul %concatenate3A_551, %get3A_554, %dot_general3A_555 {dimension_numbers = #tpu.dot_dimension_numbers<[1], [1], [0], [0], [0, 0, 1, 0], [], []>, transpose_lhs_hint = false} : vector<64x256xf32>, vector<512x256xf32>, vector<64x512xf32> -> vector<64x512xf32>
    %get3A_557 = arith.constant 0 : index
    %get3A_558 = arith.constant 0 : index
    %get3A_559 = vector.load %arg5[%get3A_557, %get3A_558] : memref<1x512xf32, #tpu.memory_space<vmem>>, vector<1x512xf32>
    %get3A_560 = vector.shape_cast %get3A_559 : vector<1x512xf32> to vector<512xf32>
    %broadcast_in_dim3A_561 = vector.shape_cast %get3A_560 : vector<512xf32> to vector<1x512xf32>
    %add3A_562 = vector.broadcast %broadcast_in_dim3A_561 : vector<1x512xf32> to vector<64x512xf32>
    %add3A_563 = arith.addf %dot_general3A_556, %add3A_562 : vector<64x512xf32>
    %get3A_564 = arith.constant 0 : index
    %get3A_565 = arith.constant 0 : index
    %get3A_566 = vector.load %arg4[%get3A_564, %get3A_565] : memref<512x128xf32, #tpu.memory_space<vmem>>, vector<512x128xf32>
    %dot_general3A_567 = arith.constant dense<0.000000e+00> : vector<64x512xf32>
    %dot_general3A_568 = tpu.matmul %mul3A_467, %get3A_566, %dot_general3A_567 {dimension_numbers = #tpu.dot_dimension_numbers<[1], [1], [0], [0], [0, 0, 1, 0], [], []>, transpose_lhs_hint = false} : vector<64x128xf32>, vector<512x128xf32>, vector<64x512xf32> -> vector<64x512xf32>
    %add3A_569 = arith.addf %add3A_563, %dot_general3A_568 : vector<64x512xf32>
    %get3A_570 = arith.constant 0 : index
    %get3A_571 = arith.constant 0 : index
    %get3A_572 = vector.load %arg6[%get3A_570, %get3A_571] : memref<1x512xf32, #tpu.memory_space<vmem>>, vector<1x512xf32>
    %get3A_573 = vector.shape_cast %get3A_572 : vector<1x512xf32> to vector<512xf32>
    %broadcast_in_dim3A_574 = vector.shape_cast %get3A_573 : vector<512xf32> to vector<1x512xf32>
    %add3A_575 = vector.broadcast %broadcast_in_dim3A_574 : vector<1x512xf32> to vector<64x512xf32>
    %add3A_576 = arith.addf %add3A_569, %add3A_575 : vector<64x512xf32>
    %slice3A_577 = vector.extract_strided_slice %add3A_576 {offsets = [0, 0], sizes = [64, 128], strides = [1, 1]} : vector<64x512xf32> to vector<64x128xf32>
    %slice3A_578 = vector.extract_strided_slice %add3A_576 {offsets = [0, 128], sizes = [64, 128], strides = [1, 1]} : vector<64x512xf32> to vector<64x128xf32>
    %slice3A_579 = vector.extract_strided_slice %add3A_576 {offsets = [0, 256], sizes = [64, 128], strides = [1, 1]} : vector<64x512xf32> to vector<64x128xf32>
    %slice3A_580 = vector.extract_strided_slice %add3A_576 {offsets = [0, 384], sizes = [64, 128], strides = [1, 1]} : vector<64x512xf32> to vector<64x128xf32>
    %logistic3A_581 = arith.negf %slice3A_578 : vector<64x128xf32>
    %logistic3A_582 = math.exp %logistic3A_581 : vector<64x128xf32>
    %logistic3A_583 = arith.constant 1.000000e+00 : f32
    %logistic3A_584 = vector.broadcast %logistic3A_583 : f32 to vector<64x128xf32>
    %logistic3A_585 = arith.addf %logistic3A_584, %logistic3A_582 : vector<64x128xf32>
    %logistic3A_586 = arith.divf %logistic3A_584, %logistic3A_585 : vector<64x128xf32>
    %mul3A_587 = arith.mulf %logistic3A_586, %add3A_459 : vector<64x128xf32>
    %logistic3A_588 = arith.negf %slice3A_577 : vector<64x128xf32>
    %logistic3A_589 = math.exp %logistic3A_588 : vector<64x128xf32>
    %logistic3A_590 = arith.constant 1.000000e+00 : f32
    %logistic3A_591 = vector.broadcast %logistic3A_590 : f32 to vector<64x128xf32>
    %logistic3A_592 = arith.addf %logistic3A_591, %logistic3A_589 : vector<64x128xf32>
    %logistic3A_593 = arith.divf %logistic3A_591, %logistic3A_592 : vector<64x128xf32>
    %tanh3A_594 = math.tanh %slice3A_579 : vector<64x128xf32>
    %mul3A_595 = arith.mulf %logistic3A_593, %tanh3A_594 : vector<64x128xf32>
    %add3A_596 = arith.addf %mul3A_587, %mul3A_595 : vector<64x128xf32>
    %logistic3A_597 = arith.negf %slice3A_580 : vector<64x128xf32>
    %logistic3A_598 = math.exp %logistic3A_597 : vector<64x128xf32>
    %logistic3A_599 = arith.constant 1.000000e+00 : f32
    %logistic3A_600 = vector.broadcast %logistic3A_599 : f32 to vector<64x128xf32>
    %logistic3A_601 = arith.addf %logistic3A_600, %logistic3A_598 : vector<64x128xf32>
    %logistic3A_602 = arith.divf %logistic3A_600, %logistic3A_601 : vector<64x128xf32>
    %tanh3A_603 = math.tanh %add3A_596 : vector<64x128xf32>
    %mul3A_604 = arith.mulf %logistic3A_602, %tanh3A_603 : vector<64x128xf32>
    %get3A_605 = arith.constant 0 : index
    %get3A_606 = arith.constant 0 : index
    %get3A_607 = vector.load %arg7[%get3A_605, %get3A_606] : memref<512x128xf32, #tpu.memory_space<vmem>>, vector<512x128xf32>
    %dot_general3A_608 = arith.constant dense<0.000000e+00> : vector<64x512xf32>
    %dot_general3A_609 = tpu.matmul %mul3A_604, %get3A_607, %dot_general3A_608 {dimension_numbers = #tpu.dot_dimension_numbers<[1], [1], [0], [0], [0, 0, 1, 0], [], []>, transpose_lhs_hint = false} : vector<64x128xf32>, vector<512x128xf32>, vector<64x512xf32> -> vector<64x512xf32>
    %get3A_610 = arith.constant 0 : index
    %get3A_611 = arith.constant 0 : index
    %get3A_612 = vector.load %arg9[%get3A_610, %get3A_611] : memref<1x512xf32, #tpu.memory_space<vmem>>, vector<1x512xf32>
    %get3A_613 = vector.shape_cast %get3A_612 : vector<1x512xf32> to vector<512xf32>
    %broadcast_in_dim3A_614 = vector.shape_cast %get3A_613 : vector<512xf32> to vector<1x512xf32>
    %add3A_615 = vector.broadcast %broadcast_in_dim3A_614 : vector<1x512xf32> to vector<64x512xf32>
    %add3A_616 = arith.addf %dot_general3A_609, %add3A_615 : vector<64x512xf32>
    %get3A_617 = arith.constant 0 : index
    %get3A_618 = arith.constant 0 : index
    %get3A_619 = vector.load %arg8[%get3A_617, %get3A_618] : memref<512x128xf32, #tpu.memory_space<vmem>>, vector<512x128xf32>
    %dot_general3A_620 = arith.constant dense<0.000000e+00> : vector<64x512xf32>
    %dot_general3A_621 = tpu.matmul %mul3A_520, %get3A_619, %dot_general3A_620 {dimension_numbers = #tpu.dot_dimension_numbers<[1], [1], [0], [0], [0, 0, 1, 0], [], []>, transpose_lhs_hint = false} : vector<64x128xf32>, vector<512x128xf32>, vector<64x512xf32> -> vector<64x512xf32>
    %add3A_622 = arith.addf %add3A_616, %dot_general3A_621 : vector<64x512xf32>
    %get3A_623 = arith.constant 0 : index
    %get3A_624 = arith.constant 0 : index
    %get3A_625 = vector.load %arg10[%get3A_623, %get3A_624] : memref<1x512xf32, #tpu.memory_space<vmem>>, vector<1x512xf32>
    %get3A_626 = vector.shape_cast %get3A_625 : vector<1x512xf32> to vector<512xf32>
    %broadcast_in_dim3A_627 = vector.shape_cast %get3A_626 : vector<512xf32> to vector<1x512xf32>
    %add3A_628 = vector.broadcast %broadcast_in_dim3A_627 : vector<1x512xf32> to vector<64x512xf32>
    %add3A_629 = arith.addf %add3A_622, %add3A_628 : vector<64x512xf32>
    %slice3A_630 = vector.extract_strided_slice %add3A_629 {offsets = [0, 0], sizes = [64, 128], strides = [1, 1]} : vector<64x512xf32> to vector<64x128xf32>
    %slice3A_631 = vector.extract_strided_slice %add3A_629 {offsets = [0, 128], sizes = [64, 128], strides = [1, 1]} : vector<64x512xf32> to vector<64x128xf32>
    %slice3A_632 = vector.extract_strided_slice %add3A_629 {offsets = [0, 256], sizes = [64, 128], strides = [1, 1]} : vector<64x512xf32> to vector<64x128xf32>
    %slice3A_633 = vector.extract_strided_slice %add3A_629 {offsets = [0, 384], sizes = [64, 128], strides = [1, 1]} : vector<64x512xf32> to vector<64x128xf32>
    %logistic3A_634 = arith.negf %slice3A_631 : vector<64x128xf32>
    %logistic3A_635 = math.exp %logistic3A_634 : vector<64x128xf32>
    %logistic3A_636 = arith.constant 1.000000e+00 : f32
    %logistic3A_637 = vector.broadcast %logistic3A_636 : f32 to vector<64x128xf32>
    %logistic3A_638 = arith.addf %logistic3A_637, %logistic3A_635 : vector<64x128xf32>
    %logistic3A_639 = arith.divf %logistic3A_637, %logistic3A_638 : vector<64x128xf32>
    %mul3A_640 = arith.mulf %logistic3A_639, %add3A_512 : vector<64x128xf32>
    %logistic3A_641 = arith.negf %slice3A_630 : vector<64x128xf32>
    %logistic3A_642 = math.exp %logistic3A_641 : vector<64x128xf32>
    %logistic3A_643 = arith.constant 1.000000e+00 : f32
    %logistic3A_644 = vector.broadcast %logistic3A_643 : f32 to vector<64x128xf32>
    %logistic3A_645 = arith.addf %logistic3A_644, %logistic3A_642 : vector<64x128xf32>
    %logistic3A_646 = arith.divf %logistic3A_644, %logistic3A_645 : vector<64x128xf32>
    %tanh3A_647 = math.tanh %slice3A_632 : vector<64x128xf32>
    %mul3A_648 = arith.mulf %logistic3A_646, %tanh3A_647 : vector<64x128xf32>
    %add3A_649 = arith.addf %mul3A_640, %mul3A_648 : vector<64x128xf32>
    %logistic3A_650 = arith.negf %slice3A_633 : vector<64x128xf32>
    %logistic3A_651 = math.exp %logistic3A_650 : vector<64x128xf32>
    %logistic3A_652 = arith.constant 1.000000e+00 : f32
    %logistic3A_653 = vector.broadcast %logistic3A_652 : f32 to vector<64x128xf32>
    %logistic3A_654 = arith.addf %logistic3A_653, %logistic3A_651 : vector<64x128xf32>
    %logistic3A_655 = arith.divf %logistic3A_653, %logistic3A_654 : vector<64x128xf32>
    %tanh3A_656 = math.tanh %add3A_649 : vector<64x128xf32>
    %mul3A_657 = arith.mulf %logistic3A_655, %tanh3A_656 : vector<64x128xf32>
    %dot_general3A_658 = arith.constant dense<0.000000e+00> : vector<10000x64xf32>
    %dot_general3A_659 = tpu.matmul %add3A, %mul3A_657, %dot_general3A_658 {dimension_numbers = #tpu.dot_dimension_numbers<[1], [1], [0], [0], [0, 0, 1, 0], [], []>, transpose_lhs_hint = false} : vector<10000x128xf32>, vector<64x128xf32>, vector<10000x64xf32> -> vector<10000x64xf32>
    %jit3A_660 = arith.constant -1.000000e+30 : f32
    %broadcast_in_dim3A_661 = vector.broadcast %jit3A_660 : f32 to vector<10000x64xf32>
    %select_n3A_662 = arith.select %eq3A_8, %dot_general3A_659, %broadcast_in_dim3A_661 : vector<10000x64xi1>, vector<10000x64xf32>
    %reduce_max3A_663 = arith.constant dense<0xFF800000> : vector<64xf32>
    %reduce_max3A_664 = vector.multi_reduction <maximumf>, %select_n3A_662, %reduce_max3A_663 [0] : vector<10000x64xf32> to vector<64xf32>
    %gt3A_665 = arith.constant -1.000000e+29 : f32
    %gt3A_666 = vector.broadcast %gt3A_665 : f32 to vector<64xf32>
    %gt3A_667 = arith.cmpf ogt, %reduce_max3A_664, %gt3A_666 : vector<64xf32>
    %jit3A_668 = arith.constant 0.000000e+00 : f32
    %broadcast_in_dim3A_669 = vector.broadcast %jit3A_668 : f32 to vector<64xf32>
    %select_n3A_670 = arith.select %gt3A_667, %reduce_max3A_664, %broadcast_in_dim3A_669 : vector<64xi1>, vector<64xf32>
    %broadcast_in_dim3A_671 = vector.shape_cast %select_n3A_670 : vector<64xf32> to vector<1x64xf32>
    %sub3A_672 = vector.broadcast %broadcast_in_dim3A_671 : vector<1x64xf32> to vector<10000x64xf32>
    %sub3A_673 = arith.subf %dot_general3A_659, %sub3A_672 : vector<10000x64xf32>
    %jit3A_674 = arith.constant -1.000000e+30 : f32
    %broadcast_in_dim3A_675 = vector.broadcast %jit3A_674 : f32 to vector<10000x64xf32>
    %select_n3A_676 = arith.select %eq3A_8, %sub3A_673, %broadcast_in_dim3A_675 : vector<10000x64xi1>, vector<10000x64xf32>
    %exp3A_677 = math.exp %select_n3A_676 : vector<10000x64xf32>
    %reduce_sum3A_678 = arith.constant dense<0.000000e+00> : vector<64xf32>
    %reduce_sum3A_679 = vector.multi_reduction <add>, %exp3A_677, %reduce_sum3A_678 [0] : vector<10000x64xf32> to vector<64xf32>
    %broadcast_in_dim3A_680 = vector.shape_cast %reduce_sum3A_679 : vector<64xf32> to vector<1x64xf32>
    %add3A_681 = arith.constant 1.000000e-16 : f32
    %add3A_682 = vector.broadcast %add3A_681 : f32 to vector<1x64xf32>
    %add3A_683 = arith.addf %broadcast_in_dim3A_680, %add3A_682 : vector<1x64xf32>
    %div3A_684 = vector.broadcast %add3A_683 : vector<1x64xf32> to vector<10000x64xf32>
    %div3A_685 = arith.divf %exp3A_677, %div3A_684 : vector<10000x64xf32>
    %dot_general3A_686 = arith.constant dense<0.000000e+00> : vector<64x128xf32>
    %dot_general3A_687 = tpu.matmul %div3A_685, %add3A, %dot_general3A_686 {dimension_numbers = #tpu.dot_dimension_numbers<[0], [0], [1], [1], [0, 1, 1, 1], [], []>, transpose_lhs_hint = false} : vector<10000x64xf32>, vector<10000x128xf32>, vector<64x128xf32> -> vector<64x128xf32>
    %concatenate3A_688 = tpu.concatenate %mul3A_657, %dot_general3A_687 in 1 : vector<64x128xf32>, vector<64x128xf32> -> vector<64x256xf32>
    %get3A_689 = arith.constant 0 : index
    %get3A_690 = arith.constant 0 : index
    %get3A_691 = vector.load %arg11[%get3A_689, %get3A_690] : memref<256x10xf32, #tpu.memory_space<vmem>>, vector<256x10xf32>
    %dot_general3A_692 = arith.constant dense<0.000000e+00> : vector<64x10xf32>
    %dot_general3A_693 = tpu.matmul %concatenate3A_688, %get3A_691, %dot_general3A_692 {dimension_numbers = #tpu.dot_dimension_numbers<[1], [0], [0], [1], [0, 0, 1, 1], [], []>, transpose_lhs_hint = false} : vector<64x256xf32>, vector<256x10xf32>, vector<64x10xf32> -> vector<64x10xf32>
    %get3A_694 = arith.constant 0 : index
    %get3A_695 = arith.constant 0 : index
    %get3A_696 = vector.load %arg12[%get3A_694, %get3A_695] : memref<1x10xf32, #tpu.memory_space<vmem>>, vector<1x10xf32>
    %get3A_697 = vector.shape_cast %get3A_696 : vector<1x10xf32> to vector<10xf32>
    %broadcast_in_dim3A_698 = vector.shape_cast %get3A_697 : vector<10xf32> to vector<1x10xf32>
    %add3A_699 = vector.broadcast %broadcast_in_dim3A_698 : vector<1x10xf32> to vector<64x10xf32>
    %add3A_700 = arith.addf %dot_general3A_693, %add3A_699 : vector<64x10xf32>
    %reduce_max3A_701 = arith.constant dense<0xFF800000> : vector<64xf32>
    %reduce_max3A_702 = vector.multi_reduction <maximumf>, %add3A_700, %reduce_max3A_701 [1] : vector<64x10xf32> to vector<64xf32>
    %broadcast_in_dim3A_703 = vector.shape_cast %reduce_max3A_702 : vector<64xf32> to vector<64x1xf32>
    %sub3A_704 = vector.broadcast %broadcast_in_dim3A_703 : vector<64x1xf32> to vector<64x10xf32>
    %sub3A_705 = arith.subf %add3A_700, %sub3A_704 : vector<64x10xf32>
    %exp3A_706 = math.exp %sub3A_705 : vector<64x10xf32>
    %reduce_sum3A_707 = arith.constant dense<0.000000e+00> : vector<64xf32>
    %reduce_sum3A_708 = vector.multi_reduction <add>, %exp3A_706, %reduce_sum3A_707 [1] : vector<64x10xf32> to vector<64xf32>
    %broadcast_in_dim3A_709 = vector.shape_cast %reduce_sum3A_708 : vector<64xf32> to vector<64x1xf32>
    %log3A = math.log %broadcast_in_dim3A_709 : vector<64x1xf32>
    %add3A_710 = arith.addf %broadcast_in_dim3A_703, %log3A : vector<64x1xf32>
    %sub3A_711 = vector.broadcast %add3A_710 : vector<64x1xf32> to vector<64x10xf32>
    %sub3A_712 = arith.subf %add3A_700, %sub3A_711 : vector<64x10xf32>
    %swap3A = arith.constant 0 : index
    %swap3A_713 = arith.constant 0 : index
    %swap3A_714 = vector.load %arg13[%swap3A, %swap3A_713] : memref<64x10xf32, #tpu.memory_space<vmem>>, vector<64x10xf32>
    tpu.vector_store %arg13[%swap3A, %swap3A_713], %sub3A_712 {strides = array<i32>} : memref<64x10xf32, #tpu.memory_space<vmem>>, vector<64x10xf32>,
    return
  }
}

</mosaic_0001>

<sc_bundles>
// kernel: kernel.16.cloned.1.call-start
scs
__scs_entry_jumppad:
0x0: {  	(pc) =	sbr.rel $0x88, $3  }
0x1: {  	(tag) =	ssettag $0x0;
	lr =	simm.s32 $0x1  }
0x2: {  	[smem:$0x3F67] =	sst lr;
	_ =	strace $0xD0000000  }
0x3: {  	_ = 	snop  }
0x4: {  	_ = 	snop  }
0x5: {  	_ = 	snop  }
0x6: {  	_ = 	snop  }
0x7: {  	_ = 	snop  }
__scs_overlays_trampoline_lowered:
0x8: {  	[smem:$0x3F76] =	sst s0  }
0x9: {  	[smem:$0x3F77] =	sst s1  }
0xa: {  	[smem:$0x3F78] =	sst s2  }
0xb: {  	[smem:$0x3F79] =	sst s3  }
0xc: {  	[smem:$0x3F7A] =	sst s4  }
0xd: {  	[smem:$0x3F7B] =	sst s5  }
0xe: {  	[smem:$0x3F7C] =	sst s6  }
0xf: {  	[smem:$0x3F7D] =	sst s7  }
0x10: {  	[smem:$0x3F7E] =	sst s8  }
0x11: {  	[smem:$0x3F7F] =	sst s9;
	s0 =	simm.s32 @!p0 $0x0  }
0x12: {  	s1 =	sld [smem:$0x3F65];
	s0 =	simm.s32 @p0 $0x1  }
0x13: {  	[smem:$0x3F80] =	sst s0;
	s0 =	simm.s32 @!p1 $0x0  }
0x14: {  	s2 =	sld [smem:$0x3F64];
	s0 =	simm.s32 @p1 $0x1  }
0x15: {  	[smem:$0x3F81] =	sst s0;
	s0 =	simm.s32 @!p2 $0x0  }
0x16: {  	s3 =	sld [smem:$0x3FDB];
	s0 =	simm.s32 @p2 $0x1  }
0x17: {  	s4 =	simm.s32 $0x1BF5;
	[smem:$0x3F83] =	sst s0  }
0x18: {  	s0 =	sld [smem:$0x3F66];
	_ =	swait.ge [sflag:s4], $0x0  }
0x19: {  	s7 =	sld [smem:$0x3F67]  }
0x1a: {  	s8 =	sadd.s32 $0xFFFFE003, lr  }
0x1b: {  	s9 =	sadd.s32 $0xFFFFFEF7, lr;
	s5 =	simm.s32 $0xFFFFFFFF;
	p2 =	slt.u32 s8, $0xFFFFF086  }
0x1c: {  	p1 =	slt.u32 s9, $0xF7A;
	s5 =	simm.s32 @!p2 $0x0  }
0x1d: {  	s5 =	simm.s32 @p1 $0x1;
	p0 =	seq.s32 s7, s2  }
0x1e: {  	s7 =	smul.u32 @!p0 $0xF7A, s2;
	p2 =	seq.s32 @!p0 s5, $0x0  }
0x1f: {  	s9 =	smul.u32 $0xF7A, s1;
	s8 =	simm.s32 @!p0 $0x1BF5;
	p2 =	por !p2, p0  }
0x20: {  	[sflag:s8] =	ssyncset.s32 @!p0 $0xFFFFF086;
	s6 =	sadd.s32 @!p0 s3, s7;
	s7 =	simm.s32 @!p0 $0x108  }
0x21: {  	s3 =	sadd.s32 s3, s9;
	s6 =	sadd.s32 @!p0 $0x88, s6;
	s7 =	simm.s32 @p2 $0x1082  }
0x22: {  	[simem:s7], [sflag:s8] =	dma.local @!p0 [hbm:s6], $0xF7A  }
0x23: {  	s9 =	sor.u32 $0xD0000000, s2;
	s6 =	simm.s32 $0x108;
	_ =	swait.ge @!p0 [sflag:s8], $0x0  }
0x24: {  	s3 =	sadd.s32 $0x88, s3;
	s6 =	simm.s32 @!p1 $0x1082;
	[sflag:s4] =	ssyncset.s32 $0xFFFFF086  }
0x25: {  	[simem:s6], [sflag:s4] =	dma.local [hbm:s3], $0xF7A  }
0x26: {  	[smem:$0x3F67] =	sst s1;
	(tag) =	ssettag s2;
	_ =	strace s9  }
0x27: {  	s1 =	sld [smem:$0x3F77]  }
0x28: {  	s2 =	sld [smem:$0x3F78]  }
0x29: {  	s4 =	sld [smem:$0x3F7A]  }
0x2a: {  	p0 =	seq.s32 s5, $0x0;
	s5 =	sld [smem:$0x3F7B]  }
0x2b: {  	s6 =	sld [smem:$0x3F7C]  }
0x2c: {  	s7 =	sld [smem:$0x3F7D]  }
0x2d: {  	s3 =	simm.s32 $0x108;
	s8 =	sld [smem:$0x3F7E]  }
0x2e: {  	s3 =	simm.s32 @!p0 $0x1082;
	s9 =	sld [smem:$0x3F7F]  }
0x2f: {  	lr =	sadd.s32 s0, s3;
	s0 =	sld [smem:$0x3F76]  }
0x30: {  	s3 =	sld [smem:$0x3F79]  }
0x31: {  	[smem:$0x3F82] =	sst s10  }
0x32: {  	s10 =	sld [smem:$0x3F80];
	_ =	sdelay $0x3  }
0x33: {  	p0 =	seq.s32 s10, $0x1;
	s10 =	sld [smem:$0x3F82];
	_ =	sdelay $0x3  }
0x34: {  	[smem:$0x3F82] =	sst s10  }
0x35: {  	s10 =	sld [smem:$0x3F81];
	_ =	sdelay $0x3  }
0x36: {  	p1 =	seq.s32 s10, $0x1;
	s10 =	sld [smem:$0x3F82];
	_ =	sdelay $0x3  }
0x37: {  	[smem:$0x3F82] =	sst s10  }
0x38: {  	s10 =	sld [smem:$0x3F83]  }
0x39: {  	_ = 	snop;
	(pc) =	sbr.ind lr, $3  }
0x3a: {  	_ = 	snop  }
0x3b: {  	_ = 	snop  }
0x3c: {  	p2 =	seq.s32 s10, $0x1;
	s10 =	sld [smem:$0x3F82]  }
0x3d: {  	_ =	shalt  }
0x3e: {  	_ =	shalt  }
0x3f: {  	_ =	shalt  }
0x40: {  	_ =	shalt  }
0x41: {  	_ =	shalt  }
0x42: {  	_ =	shalt  }
0x43: {  	_ =	shalt  }
0x44: {  	_ =	shalt  }
0x45: {  	_ =	shalt  }
0x46: {  	_ =	shalt  }
0x47: {  	_ =	shalt  }
0x48: {  	_ =	shalt  }
0x49: {  	_ =	shalt  }
0x4a: {  	_ =	shalt  }
0x4b: {  	_ =	shalt  }
0x4c: {  	_ =	shalt  }
0x4d: {  	_ =	shalt  }
0x4e: {  	_ =	shalt  }
0x4f: {  	_ =	shalt  }
0x50: {  	_ =	shalt  }
0x51: {  	_ =	shalt  }
0x52: {  	_ =	shalt  }
0x53: {  	_ =	shalt  }
0x54: {  	_ =	shalt  }
0x55: {  	_ =	shalt  }
0x56: {  	_ =	shalt  }
0x57: {  	_ =	shalt  }
0x58: {  	_ =	shalt  }
0x59: {  	_ =	shalt  }
0x5a: {  	_ =	shalt  }
0x5b: {  	_ =	shalt  }
0x5c: {  	_ =	shalt  }
0x5d: {  	_ =	shalt  }
0x5e: {  	_ =	shalt  }
0x5f: {  	_ =	shalt  }
0x60: {  	_ =	shalt  }
0x61: {  	_ =	shalt  }
0x62: {  	_ =	shalt  }
0x63: {  	_ =	shalt  }
0x64: {  	_ =	shalt  }
0x65: {  	_ =	shalt  }
0x66: {  	_ =	shalt  }
0x67: {  	_ =	shalt  }
0x68: {  	_ =	shalt  }
0x69: {  	_ =	shalt  }
0x6a: {  	_ =	shalt  }
0x6b: {  	_ =	shalt  }
0x6c: {  	_ =	shalt  }
0x6d: {  	_ =	shalt  }
0x6e: {  	_ =	shalt  }
0x6f: {  	_ =	shalt  }
0x70: {  	_ =	shalt  }
0x71: {  	_ =	shalt  }
0x72: {  	_ =	shalt  }
0x73: {  	_ =	shalt  }
0x74: {  	_ =	shalt  }
0x75: {  	_ =	shalt  }
0x76: {  	_ =	shalt  }
0x77: {  	_ =	shalt  }
0x78: {  	_ =	shalt  }
0x79: {  	_ =	shalt  }
0x7a: {  	_ =	shalt  }
0x7b: {  	_ =	shalt  }
0x7c: {  	_ =	shalt  }
0x7d: {  	_ =	shalt  }
0x7e: {  	_ =	shalt  }
0x7f: {  	_ =	shalt  }
0x80: {  	_ =	shalt  }
0x81: {  	_ =	shalt  }
0x82: {  	_ =	shalt  }
0x83: {  	_ =	shalt  }
0x84: {  	_ =	shalt  }
0x85: {  	_ =	shalt  }
0x86: {  	_ =	shalt  }
0x87: {  	_ =	shalt  }
.Lfunc_end0:
.L_simem_size_0:
called_computation_lowered:
.L_overlay_start_0:
0x88: {  	s2 =	sld [smem:$0x3FD9]  }
0x89: {  	s3 =	sld [smem:$0x3FFE];
	_ =	sdelay $0x1  }
0x8a: {  	s1 =	srdreg.scid  }
0x8b: {  	s0 =	sand.u32 $0x1, s1  }
0x8c: {  	s17 =	sshll.u32 s0, $0xA;
	s2 =	sadd.s32 s3, s2  }
0x8d: {  	s2 =	sadd.s32 s2, s17  }
0x8e: {  	[smem:$0x3F8E] =	sst s2  }
0x8f: {  	_ = 	snop  }
0x90: {  	s2 =	sld [smem:$0x3FC9];
	(tm) =	ssettm $0x1  }
0x91: {  	s18 =	sld [smem:$0x3FFB];
	_ =	sdelay $0x3  }
0x92: {  	_ =	strace s18  }
0x93: {  	s3 =	sld [smem:$0x3FFC];
	_ =	sdelay $0x3  }
0x94: {  	_ =	strace s3  }
0x95: {  	s3 =	sld [smem:$0x3FFD];
	_ =	sdelay $0x3  }
0x96: {  	_ =	strace s3  }
0x97: {  	_ =	strace $0x8FFFFFFF  }
0x98: {  	s19 =	sld [smem:$0x3FDB];
	_ =	sdelay $0x1  }
0x99: {  	s4 =	simm.s32 $_scs_section_size  }
0x9a: {  	s5 =	simm.s32 $_size__tile_overlayer_lowered;
	s6 =	simm.s32 $_tile_overlayer_lowered  }
0x9b: {  	s22 =	simm.s32 $0x1BFF;
	s21 =	sshll.u32 s6, $0x1;
	s3 =	sadd.s32 s4, s19  }
0x9c: {  	s7 =	simm.s32 $0x0;
	s20 =	sshll.u32 s5, $0x1;
	s5 =	sadd.s32 s21, s3  }
0x9d: {  	[timem:s7], [sflag:s22] =	dma.local [hbm:s5], s20  }
0x9e: {  	_ =	swait.ge [sflag:s22], s20  }
0x9f: {  	s4 =	ssub.s32 $0x0, s20;
	[sflag:s22] =	ssyncset.done $0x0  }
0xa0: {  	[sflag:s22] =	ssyncadd.s32 s4;
	_ =	sdelay $0x1  }
0xa1: {  	s23 =	simm.s32 $0x1B8B  }
0xa2: {  	_ =	swait.ge [sflag:s23], $0x1  }
0xa3: {  	[sflag:s23] =	ssyncset.done $0x0  }
0xa4: {  	s25 =	simm.s32 $0x1B8E;
	s24 =	sld [smem:$0x3FFE];
	[sflag:s23] =	ssyncadd.s32 $0xFFFFFFFF  }
0xa5: {  	s26 =	simm.s32 $execute0_lowered;
	[smem:$0x3FD2] =	sst s25  }
0xa6: {  	s5 =	sshll.u32 s26, $0x1;
	_ =	strace $0x80000046;
	[dreg:$0x1] =	wrdreg $0xFFFFFFFF  }
0xa7: {  	s28 =	simm.s32 $_size_execute0_lowered;
	s3 =	sadd.s32 s3, s5;
	[dreg:$0x0] =	wrdreg $0x0  }
0xa8: {  	s5 =	sshll.u32 s28, $0x1;
	[dreg:$0x2] =	wrdreg s3  }
0xa9: {  	[dreg:$0x3] =	wrdreg s5  }
0xaa: {  	[dreg:$0x4] =	wrdreg $0xC0  }
0xab: {  	_ =	task [dreg:s7], $0x5FFFF  }
0xac: {  	[dreg:$0x1] =	wrdreg $0xFFFFFFFF  }
0xad: {  	[dreg:$0x0] =	wrdreg $0x60  }
0xae: {  	[dreg:$0x2] =	wrdreg s2  }
0xaf: {  	[dreg:$0x3] =	wrdreg s24  }
0xb0: {  	[dreg:$0x4] =	wrdreg $0x92000  }
0xb1: {  	[dreg:$0x5] =	wrdreg $0x9  }
0xb2: {  	_ =	task.clear_ibuf [dreg:s7], $0x6FFFF;
	_ =	strace $0x90000046  }
0xb3: {  	s29 =	simm.s32 $0x9;
	_ =	strace $0x80000048  }
0xb4: {  	_ =	swait.ge [sflag:s29], $0x1  }
0xb5: {  	[sflag:s29] =	ssyncadd.s32 $0xFFFFFFFF  }
0xb6: {  	_ =	strace $0x90000048  }
0xb7: {  	_ =	sfence  }
0xb8: {  	s30 =	sld [smem:$0x0];
	_ =	sdelay $0x2  }
0xb9: {  	s31 =	sshll.u32 s1, $0xD;
	s1 =	sshrl.u32 s1, $0x2  }
0xba: {  	s3 =	sand.u32 $0x4000, s31;
	s1 =	sadd.s32 s1, s30  }
0xbb: {  	s0 =	sor.u32 s3, s0;
	s1 =	sshll.u32 s1, $0x11  }
0xbc: {  	s0 =	sor.u32 s1, s0  }
0xbd: {  	s0 =	sadd.s32 $0x8F2B, s0  }
0xbe: {  	[sflag:s0] =	ssyncadd.remote.s32 $0x1  }
0xbf: {  	_ =	sfence.sel $0xFFFF  }
0xc0: {  	[dreg:$0x0] =	wrdreg $0xFFFFFFFF;
	(pc) =	sbr.abs _section_cstart, $3  }
0xc1: {  	[dreg:$0x1] =	wrdreg $0xFFFFFFFF  }
0xc2: {  	_ =	task.clear_ibuf [dreg:s7], $0x2FFFF;
	_ =	strace $0x9FFFFFFF  }
0xc3: {  	(tm) =	ssettm $0x7FFFFFFF  }
tec
execute0_lowered:
.L_overlay_start_1:
0x0: {  	(tag) =	ssettag $0x1  }
0x1: {  	s1 =	rddreg [dreg:$0x0]  }
0x2: {  	s0 =	rddreg [dreg:$0x1]  }
0x3: {  	s3 =	rddreg [dreg:$0x2]  }
0x4: {  	s4 =	simm.s32 $0x0;
	s19 =	stileid.u32;
	s7 =	srdreg.scid  }
0x5: {  	s20 =	simm.s32 $0x2;
	s21 =	simm.s32 $0x80;
	s22 =	simm.s32 $0x200  }
0x6: {  	s23 =	simm.s32 $0x4200;
	s24 =	simm.s32 $0x1;
	s25 =	simm.s32 $0x100  }
0x7: {  	s29 =	simm.s32 $0x8200;
	[smem:$0x7FF] =	sst s4;
	s2 =	smul.u32 $0x2800, s19  }
0x8: {  	s28 =	simm.s32 $0x10;
	s5 =	sadd.s32 $0x4F5800, s0;
	s6 =	sadd.s32 $0x4EBA00, s0  }
0x9: {  	s10 =	sand.u32 $0x1, s7;
	s7 =	sadd.s32 $0x9A00, s0;
	s11 =	smul.u32 $0x50000, s19  }
0xa: {  	s14 =	sadd.s32 $0x526800, s0;
	s17 =	sadd.s32 $0x12C000, s3;
	s18 =	smul.u32 $0x14000, s19  }
0xb: {  	p0 =	seq.s32 s19, $0xF;
	_ =	strace $0x80000047;
	s8 =	sshll.u32 s10, $0x4  }
0xc: {  	s9 =	ssub.s32 $0x2, s10;
	s15 =	smul.u32 $0x138800, s10;
	s10 =	sadd.s32 $0x524E00, s0  }
0xd: {  	s17 =	sshrl.u32 @p0 s17, $0x3;
	s2 =	sadd.s32 s2, s0;
	s8 =	sor.u32 s19, s8  }
0xe: {  	s12 =	sshrl.u32 s9, $0x1;
	s11 =	sshrl.u32 s11, $0x2;
	s0 =	sshll.u32 @!p0 s19, $0x6  }
0xf: {  	s8 =	smul.u32 $0x2710, s8;
	s16 =	ssub.s32 s9, s12;
	s2 =	sadd.s32 $0x4FF600, s2  }
0x10: {  	s18 =	sadd.s32 s18, s15;
	s15 =	sshrl.u32 s15, $0x3;
	[dreg:$0x4] =	wrdreg s2  }
0x11: {  	s2 =	sadd.s32 s11, s3;
	s31 =	sshrl.u32 s18, $0x3;
	s15 =	sadd.s32 s14, s15  }
0x12: {  	s16 =	smax.u32 s16, $0x1;
	s18 =	sor.u32 @!p0 $0x1C02, s0;
	s13 =	sadd.s32 $0x2700, s8  }
0x13: {  	s14 =	sadd.s32 s14, s31;
	s15 =	sadd.s32 $0x25800, s15;
	s26 =	sshrl.u32 s13, $0x3  }
0x14: {  	s19 =	sshrl.u32 @!p0 s2, $0x3;
	s30 =	sshll.u32 s13, $0x4;
	s11 =	sadd.s32 s5, s26  }
0x15: {  	s12 =	sadd.s32 s6, s26;
	s13 =	sadd.s32 s7, s30;
	s26 =	simm.s32 $0x180  }
.LBB2_1:
0x16: {  	s0 =	simm.s32 @p0 $0x1FC2  }
0x17: {  	[spmem:s17], [sflag:s0] =	dma.local @p0 [hbm:s10], $0x1900  }
0x18: {  	s0 =	simm.s32 @p0 $0x2  }
0x19: {  	_ =	swait.ge @p0 [sflag:s0], $0x1900  }
0x1a: {  	[sflag:s0] =	ssyncset.done @p0 $0x0  }
0x1b: {  	[sflag:s0] =	ssyncadd.s32 @p0 $0xFFFFE700;
	s0 =	rddreg [dreg:$0x4]  }
0x1c: {  	[spmem:s19], [sflag:s18] =	dma.local @!p0 [hbm:s0], $0x2800  }
0x1d: {  	s0 =	simm.s32 @!p0 $0x2  }
0x1e: {  	_ =	swait.ge @!p0 [sflag:s0], $0x2800  }
0x1f: {  	[sflag:s0] =	ssyncset.done @!p0 $0x0  }
0x20: {  	[sflag:s0] =	ssyncadd.s32 @!p0 $0xFFFFD800  }
0x21: {  	s31 =	simm.s32 $0x0;
	[bflag:$0x0] =	sbarrier.arrive $0xFFFF  }
.LBB2_2:
0x22: {  	s0 =	sshll.u32 s31, $0x7  }
0x23: {  	s0 =	sadd.s32 s8, s0  }
0x24: {  	s2 =	sshrl.u32 s0, $0x3  }
0x25: {  	s9 =	simm.s32 $0x0;
	s30 =	sadd.s32 s5, s2  }
0x26: {  	[tilespmem:s9], [sflag:$0x2] =	stream.linear.gather [hbm4b:s30+s9], $0x80, $0x38;
	[tilespmem:$0x1CA80] =	vst v63  }
0x27: {  	_ =	swait.ge [sflag:s20], $0x80  }
0x28: {  	[sflag:s20] =	ssyncset.done $0x0  }
0x29: {  	s2 =	sadd.s32 s6, s2;
	[sflag:s20] =	ssyncadd.s32 $0xFFFFFF80  }
0x2a: {  	[tilespmem:s21], [sflag:$0x2] =	stream.linear.gather [hbm4b:s2+s9], $0x80, $0x38;
	[tilespmem:$0x1CA80] =	vst v63  }
0x2b: {  	_ =	swait.ge [sflag:s20], $0x80  }
0x2c: {  	[sflag:s20] =	ssyncset.done $0x0  }
0x2d: {  	s0 =	sshll.u32 s0, $0x4;
	[sflag:s20] =	ssyncadd.s32 $0xFFFFFF80  }
0x2e: {  	[tilespmem:s22], [sflag:$0x1] =	stream.indirect.gather [hbm4b:s1+s21], $0x80, s9, s21, $0xb8;
	[tilespmem:$0x1CA80] =	vst v63  }
0x2f: {  	s0 =	sadd.s32 s7, s0  }
0x30: {  	[tilespmem:s23], [sflag:$0x2] =	stream.linear.gather [hbm4b:s0+s9], $0x4000, $0x38;
	[tilespmem:$0x1CA80] =	vst v63  }
0x31: {  	_ =	swait.ge [sflag:s20], $0x4000  }
0x32: {  	[sflag:s20] =	ssyncset.done $0x0  }
0x33: {  	[sflag:s20] =	ssyncadd.s32 $0xFFFFC000  }
0x34: {  	_ =	swait.ge [sflag:s24], $0x4000  }
0x35: {  	[sflag:s24] =	ssyncset.done $0x0  }
0x36: {  	s0 =	simm.s32 $0x0;
	[sflag:s24] =	ssyncadd.s32 $0xFFFFC000  }
0x37: {  	v7 =	vld [tilespmem:s0+$0x4200]  }
0x38: {  	v11 =	vld [tilespmem:s0+$0x4210]  }
0x39: {  	v5 =	vld [tilespmem:s0+$0x4220]  }
0x3a: {  	v4 =	vld [tilespmem:s0+$0x4230]  }
0x3b: {  	v3 =	vld [tilespmem:s0+$0x4240]  }
0x3c: {  	v2 =	vld [tilespmem:s0+$0x4250]  }
0x3d: {  	v1 =	vld [tilespmem:s0+$0x4260]  }
0x3e: {  	v0 =	vld [tilespmem:s0+$0x4270]  }
0x3f: {  	v12 =	vld [tilespmem:s0+$0x200]  }
0x40: {  	v13 =	vld [tilespmem:s0+$0x210]  }
0x41: {  	v10 =	vld [tilespmem:s0+$0x220]  }
0x42: {  	v9 =	vld [tilespmem:s0+$0x230]  }
0x43: {  	v8 =	vld [tilespmem:s0+$0x240]  }
0x44: {  	v6 =	vld [tilespmem:s0+$0x250];
	v12 =	vmul.f32 v7, v12  }
0x45: {  	s2 =	simm.s32 $0x200;
	v11 =	vmul.f32 v11, v13;
	v7 =	vld [tilespmem:s0+$0x260]  }
.LBB2_3:
0x46: {  	s9 =	sshra.s32 s2, $0x2;
	p1 =	sne.s32 s2, $0xFE00;
	[tilespmem:s0+$0x200] =	vst v12;
	v5 =	vmul.f32 v5, v10;
	v10 =	vld [tilespmem:s0+$0x270]  }
0x47: {  	v12 =	vld [tilespmem:s9+$0x4200];
	[tilespmem:s0+$0x210] =	vst v11;
	v4 =	vmul.f32 v4, v9  }
0x48: {  	v11 =	vld [tilespmem:s9+$0x4210];
	[tilespmem:s0+$0x220] =	vst v5;
	v3 =	vmul.f32 v3, v8  }
0x49: {  	v5 =	vld [tilespmem:s9+$0x4220];
	[tilespmem:s0+$0x230] =	vst v4;
	v2 =	vmul.f32 v2, v6  }
0x4a: {  	v4 =	vld [tilespmem:s9+$0x4230];
	[tilespmem:s0+$0x240] =	vst v3;
	v1 =	vmul.f32 v1, v7  }
0x4b: {  	v3 =	vld [tilespmem:s9+$0x4240];
	[tilespmem:s0+$0x250] =	vst v2;
	v0 =	vmul.f32 v0, v10  }
0x4c: {  	v2 =	vld [tilespmem:s9+$0x4250];
	[tilespmem:s0+$0x260] =	vst v1  }
0x4d: {  	v1 =	vld [tilespmem:s9+$0x4260];
	[tilespmem:s0+$0x270] =	vst v0;
	s0 =	smov.u32 s9  }
0x4e: {  	v0 =	vld [tilespmem:s0+$0x4270]  }
0x4f: {  	v6 =	vld [tilespmem:s0+$0x200]  }
0x50: {  	v7 =	vld [tilespmem:s0+$0x210]  }
.Ltmp0:
0x51: {  	v10 =	vld [tilespmem:s0+$0x220];
	(pc) =	sbr.rel @p1 .LBB2_3-.Ltmp0, $4  }
0x52: {  	v9 =	vld [tilespmem:s0+$0x230]  }
0x53: {  	v8 =	vld [tilespmem:s0+$0x240]  }
0x54: {  	v12 =	vmul.f32 v12, v6;
	v6 =	vld [tilespmem:s0+$0x250]  }
0x55: {  	s2 =	sadd.s32 $0x200, s2;
	v11 =	vmul.f32 v11, v7;
	v7 =	vld [tilespmem:s0+$0x260]  }
0x56: {  	[tilespmem:s0+$0x200] =	vst v12;
	v5 =	vmul.f32 v5, v10;
	v63 =	vld [tilespmem:s0+$0x270]  }
0x57: {  	[tilespmem:s0+$0x210] =	vst v11;
	v4 =	vmul.f32 v4, v9  }
0x58: {  	[tilespmem:s0+$0x220] =	vst v5;
	v3 =	vmul.f32 v3, v8  }
0x59: {  	[tilespmem:s0+$0x230] =	vst v4;
	v2 =	vmul.f32 v2, v6  }
0x5a: {  	[tilespmem:s0+$0x240] =	vst v3;
	v1 =	vmul.f32 v1, v7  }
0x5b: {  	s31 =	sadd.s32 $0x1, s31;
	[tilespmem:s0+$0x250] =	vst v2;
	v0 =	vmul.f32 v0, v63  }
0x5c: {  	p1 =	sne.s32 s31, $0x4E;
	[tilespmem:s0+$0x260] =	vst v1  }
.Ltmp1:
0x5d: {  	[tilespmem:s0+$0x270] =	vst v0;
	(pc) =	sbr.rel @p1 .LBB2_2-.Ltmp1, $4  }
0x5e: {  	[spmem:s3] =	stream.indirect.scatter.add.f32 [tilespmem:s22], [sflag:$0x2], $0x80, s21, s21, $0xb8;
	[tilespmem:$0x1CA80] =	vst v63  }
0x5f: {  	_ =	swait.ge [sflag:s20], $0x4000  }
0x60: {  	[sflag:s20] =	ssyncset.done $0x0  }
0x61: {  	[sflag:s20] =	ssyncadd.s32 $0xFFFFC000  }
0x62: {  	s0 =	simm.s32 $0x0  }
0x63: {  	[tilespmem:s25], [sflag:$0x2] =	stream.linear.gather [hbm4b:s11+s0], $0x10, $0x38;
	[tilespmem:$0x1CA80] =	vst v63  }
0x64: {  	_ =	swait.ge [sflag:s20], $0x10  }
0x65: {  	[sflag:s20] =	ssyncset.done $0x0  }
0x66: {  	[sflag:s20] =	ssyncadd.s32 $0xFFFFFFF0  }
0x67: {  	[tilespmem:s26], [sflag:$0x2] =	stream.linear.gather [hbm4b:s12+s0], $0x10, $0x38;
	[tilespmem:$0x1CA80] =	vst v63  }
0x68: {  	_ =	swait.ge [sflag:s20], $0x10  }
0x69: {  	[sflag:s20] =	ssyncset.done $0x0  }
0x6a: {  	[sflag:s20] =	ssyncadd.s32 $0xFFFFFFF0  }
0x6b: {  	[tilespmem:s29], [sflag:$0x1] =	stream.indirect.gather [hbm4b:s1+s28], $0x80, s25, s28, $0xb8;
	[tilespmem:$0x1CA80] =	vst v63  }
0x6c: {  	s2 =	simm.s32 $0x8A00  }
0x6d: {  	[tilespmem:s2], [sflag:$0x2] =	stream.linear.gather [hbm4b:s13+s0], $0x800, $0x38;
	[tilespmem:$0x1CA80] =	vst v63  }
0x6e: {  	_ =	swait.ge [sflag:s20], $0x800  }
0x6f: {  	[sflag:s20] =	ssyncset.done $0x0  }
0x70: {  	[sflag:s20] =	ssyncadd.s32 $0xFFFFF800  }
0x71: {  	_ =	swait.ge [sflag:s24], $0x800  }
0x72: {  	[sflag:s24] =	ssyncset.done $0x0  }
0x73: {  	s0 =	simm.s32 $0x0;
	[sflag:s24] =	ssyncadd.s32 $0xFFFFF800  }
0x74: {  	v7 =	vld [tilespmem:s0+$0x8A00]  }
0x75: {  	v11 =	vld [tilespmem:s0+$0x8A10]  }
0x76: {  	v5 =	vld [tilespmem:s0+$0x8A20]  }
0x77: {  	v4 =	vld [tilespmem:s0+$0x8A30]  }
0x78: {  	v3 =	vld [tilespmem:s0+$0x8A40]  }
0x79: {  	v2 =	vld [tilespmem:s0+$0x8A50]  }
0x7a: {  	v1 =	vld [tilespmem:s0+$0x8A60]  }
0x7b: {  	v0 =	vld [tilespmem:s0+$0x8A70]  }
0x7c: {  	v12 =	vld [tilespmem:s0+$0x8200]  }
0x7d: {  	v13 =	vld [tilespmem:s0+$0x8210]  }
0x7e: {  	v10 =	vld [tilespmem:s0+$0x8220]  }
0x7f: {  	v9 =	vld [tilespmem:s0+$0x8230]  }
0x80: {  	v8 =	vld [tilespmem:s0+$0x8240]  }
0x81: {  	v6 =	vld [tilespmem:s0+$0x8250];
	v12 =	vmul.f32 v7, v12  }
0x82: {  	s2 =	simm.s32 $0x200;
	v11 =	vmul.f32 v11, v13;
	v7 =	vld [tilespmem:s0+$0x8260]  }
.LBB2_6:
0x83: {  	s9 =	sshra.s32 s2, $0x2;
	p1 =	sne.s32 s2, $0x1E00;
	[tilespmem:s0+$0x8200] =	vst v12;
	v5 =	vmul.f32 v5, v10;
	v10 =	vld [tilespmem:s0+$0x8270]  }
0x84: {  	v12 =	vld [tilespmem:s9+$0x8A00];
	[tilespmem:s0+$0x8210] =	vst v11;
	v4 =	vmul.f32 v4, v9  }
0x85: {  	v11 =	vld [tilespmem:s9+$0x8A10];
	[tilespmem:s0+$0x8220] =	vst v5;
	v3 =	vmul.f32 v3, v8  }
0x86: {  	v5 =	vld [tilespmem:s9+$0x8A20];
	[tilespmem:s0+$0x8230] =	vst v4;
	v2 =	vmul.f32 v2, v6  }
0x87: {  	v4 =	vld [tilespmem:s9+$0x8A30];
	[tilespmem:s0+$0x8240] =	vst v3;
	v1 =	vmul.f32 v1, v7  }
0x88: {  	v3 =	vld [tilespmem:s9+$0x8A40];
	[tilespmem:s0+$0x8250] =	vst v2;
	v0 =	vmul.f32 v0, v10  }
0x89: {  	v2 =	vld [tilespmem:s9+$0x8A50];
	[tilespmem:s0+$0x8260] =	vst v1  }
0x8a: {  	v1 =	vld [tilespmem:s9+$0x8A60];
	[tilespmem:s0+$0x8270] =	vst v0;
	s0 =	smov.u32 s9  }
0x8b: {  	v0 =	vld [tilespmem:s0+$0x8A70]  }
0x8c: {  	v6 =	vld [tilespmem:s0+$0x8200]  }
0x8d: {  	v7 =	vld [tilespmem:s0+$0x8210]  }
.Ltmp2:
0x8e: {  	v10 =	vld [tilespmem:s0+$0x8220];
	(pc) =	sbr.rel @p1 .LBB2_6-.Ltmp2, $4  }
0x8f: {  	v9 =	vld [tilespmem:s0+$0x8230]  }
0x90: {  	v8 =	vld [tilespmem:s0+$0x8240]  }
0x91: {  	v12 =	vmul.f32 v12, v6;
	v6 =	vld [tilespmem:s0+$0x8250]  }
0x92: {  	s2 =	sadd.s32 $0x200, s2;
	v11 =	vmul.f32 v11, v7;
	v7 =	vld [tilespmem:s0+$0x8260]  }
0x93: {  	[tilespmem:s0+$0x8200] =	vst v12;
	v5 =	vmul.f32 v5, v10;
	v63 =	vld [tilespmem:s0+$0x8270]  }
0x94: {  	[tilespmem:s0+$0x8210] =	vst v11;
	v4 =	vmul.f32 v4, v9  }
0x95: {  	[tilespmem:s0+$0x8220] =	vst v5;
	v3 =	vmul.f32 v3, v8  }
0x96: {  	[tilespmem:s0+$0x8230] =	vst v4;
	v2 =	vmul.f32 v2, v6  }
0x97: {  	[tilespmem:s0+$0x8240] =	vst v3;
	v1 =	vmul.f32 v1, v7  }
0x98: {  	[tilespmem:s0+$0x8250] =	vst v2;
	v0 =	vmul.f32 v0, v63  }
0x99: {  	[tilespmem:s0+$0x8260] =	vst v1  }
0x9a: {  	[tilespmem:s0+$0x8270] =	vst v0  }
0x9b: {  	[spmem:s3] =	stream.indirect.scatter.add.f32 [tilespmem:s29], [sflag:$0x2], $0x80, s26, s28, $0xb8;
	[tilespmem:$0x1CA80] =	vst v63  }
0x9c: {  	_ =	swait.ge [sflag:s20], $0x800  }
0x9d: {  	[sflag:s20] =	ssyncset.done $0x0  }
0x9e: {  	[sflag:s20] =	ssyncadd.s32 $0xFFFFF800  }
0x9f: {  	s0 =	simm.s32 @p0 $0x1FC2;
	[bflag:$0x0] =	sbarrier.arrive $0xFFFF  }
0xa0: {  	[hbm:s15], [sflag:s0] =	dma.local @p0 [spmem:s17], $0x1900  }
0xa1: {  	s0 =	simm.s32 @p0 $0x2  }
0xa2: {  	s4 =	sadd.s32 $0x1, s4;
	_ =	swait.ge @p0 [sflag:s0], $0x1900  }
0xa3: {  	p1 =	sne.s32 s4, s16;
	[sflag:s0] =	ssyncset.done @p0 $0x0  }
.Ltmp3:
0xa4: {  	[sflag:s0] =	ssyncadd.s32 @p0 $0xFFFFE700;
	s0 =	simm.s32 @!p0 $0x2;
	(pc) =	sbr.rel @p1 .LBB2_1-.Ltmp3, $4  }
0xa5: {  	[hbm:s14], [sflag:s18] =	dma.local @!p0 [spmem:s19], $0x2800  }
0xa6: {  	_ =	swait.ge @!p0 [sflag:s0], $0x2800  }
0xa7: {  	[sflag:s0] =	ssyncset.done @!p0 $0x0  }
0xa8: {  	[sflag:s0] =	ssyncadd.s32 @!p0 $0xFFFFD800  }
0xa9: {  	_ =	sfence.sel $0x180000  }
0xaa: {  	[bflag:$0x0] =	sbarrier.arrive $0xFFFF  }
0xab: {  	_ =	strace $0x90000047  }
0xac: {  	s0 =	stileid.u32;
	[bflag:$0x2] =	sbarrier.arrive $0xFFFF  }
0xad: {  	p0 =	sne.s32 s0, $0x0;
	s0 =	rddreg [dreg:$0x3]  }
0xae: {  	s0 =	sadd.s32 @!p0 $0x100000, s0  }
0xaf: {  	[sflag:s0] =	ssyncadd.tile.s32 @!p0 $0x1;
	_ =	shalt  }
.Lfunc_end2:
_tile_overlayer_lowered:
.L_overlay_start_2:
0xb0: {  	(tag) =	ssettag $0x2  }
0xb1: {  	s0 =	rddreg [dreg:$0x0];
	s2 =	stileid.u32  }
0xb2: {  	s1 =	rddreg [dreg:$0x1];
	p0 =	sne.s32 s2, $0x0  }
0xb3: {  	s3 =	rddreg [dreg:$0x2];
	[bflag:$0x3] =	sbarrier.arrive $0xFFFF;
	s2 =	simm.s32 @!p0 $0x1C02  }
0xb4: {  	[timem:s3], [sflag:s2] =	dma.local @!p0 [hbm:s0], s1  }
0xb5: {  	s0 =	simm.s32 @!p0 $0x2  }
0xb6: {  	_ =	swait.ge @!p0 [sflag:s0], s1  }
0xb7: {  	s1 =	ssub.s32 @!p0 $0x0, s1;
	[sflag:s0] =	ssyncset.done @!p0 $0x0  }
0xb8: {  	[sflag:s0] =	ssyncadd.s32 @!p0 s1  }
0xb9: {  	[bflag:$0x3] =	sbarrier.arrive $0xFFFF  }
0xba: {  	_ =	shalt  }

// kernel: kernel.19.cloned.1.call-start
scs
__scs_entry_jumppad:
0x0: {  	(pc) =	sbr.rel $0x88, $3  }
0x1: {  	(tag) =	ssettag $0x0;
	lr =	simm.s32 $0x1  }
0x2: {  	[smem:$0x3F67] =	sst lr;
	_ =	strace $0xD0000000  }
0x3: {  	_ = 	snop  }
0x4: {  	_ = 	snop  }
0x5: {  	_ = 	snop  }
0x6: {  	_ = 	snop  }
0x7: {  	_ = 	snop  }
__scs_overlays_trampoline_lowered:
0x8: {  	[smem:$0x3F76] =	sst s0  }
0x9: {  	[smem:$0x3F77] =	sst s1  }
0xa: {  	[smem:$0x3F78] =	sst s2  }
0xb: {  	[smem:$0x3F79] =	sst s3  }
0xc: {  	[smem:$0x3F7A] =	sst s4  }
0xd: {  	[smem:$0x3F7B] =	sst s5  }
0xe: {  	[smem:$0x3F7C] =	sst s6  }
0xf: {  	[smem:$0x3F7D] =	sst s7  }
0x10: {  	[smem:$0x3F7E] =	sst s8  }
0x11: {  	[smem:$0x3F7F] =	sst s9;
	s0 =	simm.s32 @!p0 $0x0  }
0x12: {  	s1 =	sld [smem:$0x3F65];
	s0 =	simm.s32 @p0 $0x1  }
0x13: {  	[smem:$0x3F80] =	sst s0;
	s0 =	simm.s32 @!p1 $0x0  }
0x14: {  	s2 =	sld [smem:$0x3F64];
	s0 =	simm.s32 @p1 $0x1  }
0x15: {  	[smem:$0x3F81] =	sst s0;
	s0 =	simm.s32 @!p2 $0x0  }
0x16: {  	s3 =	sld [smem:$0x3FDB];
	s0 =	simm.s32 @p2 $0x1  }
0x17: {  	s4 =	simm.s32 $0x1BF5;
	[smem:$0x3F83] =	sst s0  }
0x18: {  	s0 =	sld [smem:$0x3F66];
	_ =	swait.ge [sflag:s4], $0x0  }
0x19: {  	s7 =	sld [smem:$0x3F67]  }
0x1a: {  	s8 =	sadd.s32 $0xFFFFE003, lr  }
0x1b: {  	s9 =	sadd.s32 $0xFFFFFEF7, lr;
	s5 =	simm.s32 $0xFFFFFFFF;
	p2 =	slt.u32 s8, $0xFFFFF086  }
0x1c: {  	p1 =	slt.u32 s9, $0xF7A;
	s5 =	simm.s32 @!p2 $0x0  }
0x1d: {  	s5 =	simm.s32 @p1 $0x1;
	p0 =	seq.s32 s7, s2  }
0x1e: {  	s7 =	smul.u32 @!p0 $0xF7A, s2;
	p2 =	seq.s32 @!p0 s5, $0x0  }
0x1f: {  	s9 =	smul.u32 $0xF7A, s1;
	s8 =	simm.s32 @!p0 $0x1BF5;
	p2 =	por !p2, p0  }
0x20: {  	[sflag:s8] =	ssyncset.s32 @!p0 $0xFFFFF086;
	s6 =	sadd.s32 @!p0 s3, s7;
	s7 =	simm.s32 @!p0 $0x108  }
0x21: {  	s3 =	sadd.s32 s3, s9;
	s6 =	sadd.s32 @!p0 $0x88, s6;
	s7 =	simm.s32 @p2 $0x1082  }
0x22: {  	[simem:s7], [sflag:s8] =	dma.local @!p0 [hbm:s6], $0xF7A  }
0x23: {  	s9 =	sor.u32 $0xD0000000, s2;
	s6 =	simm.s32 $0x108;
	_ =	swait.ge @!p0 [sflag:s8], $0x0  }
0x24: {  	s3 =	sadd.s32 $0x88, s3;
	s6 =	simm.s32 @!p1 $0x1082;
	[sflag:s4] =	ssyncset.s32 $0xFFFFF086  }
0x25: {  	[simem:s6], [sflag:s4] =	dma.local [hbm:s3], $0xF7A  }
0x26: {  	[smem:$0x3F67] =	sst s1;
	(tag) =	ssettag s2;
	_ =	strace s9  }
0x27: {  	s1 =	sld [smem:$0x3F77]  }
0x28: {  	s2 =	sld [smem:$0x3F78]  }
0x29: {  	s4 =	sld [smem:$0x3F7A]  }
0x2a: {  	p0 =	seq.s32 s5, $0x0;
	s5 =	sld [smem:$0x3F7B]  }
0x2b: {  	s6 =	sld [smem:$0x3F7C]  }
0x2c: {  	s7 =	sld [smem:$0x3F7D]  }
0x2d: {  	s3 =	simm.s32 $0x108;
	s8 =	sld [smem:$0x3F7E]  }
0x2e: {  	s3 =	simm.s32 @!p0 $0x1082;
	s9 =	sld [smem:$0x3F7F]  }
0x2f: {  	lr =	sadd.s32 s0, s3;
	s0 =	sld [smem:$0x3F76]  }
0x30: {  	s3 =	sld [smem:$0x3F79]  }
0x31: {  	[smem:$0x3F82] =	sst s10  }
0x32: {  	s10 =	sld [smem:$0x3F80];
	_ =	sdelay $0x3  }
0x33: {  	p0 =	seq.s32 s10, $0x1;
	s10 =	sld [smem:$0x3F82];
	_ =	sdelay $0x3  }
0x34: {  	[smem:$0x3F82] =	sst s10  }
0x35: {  	s10 =	sld [smem:$0x3F81];
	_ =	sdelay $0x3  }
0x36: {  	p1 =	seq.s32 s10, $0x1;
	s10 =	sld [smem:$0x3F82];
	_ =	sdelay $0x3  }
0x37: {  	[smem:$0x3F82] =	sst s10  }
0x38: {  	s10 =	sld [smem:$0x3F83]  }
0x39: {  	_ = 	snop;
	(pc) =	sbr.ind lr, $3  }
0x3a: {  	_ = 	snop  }
0x3b: {  	_ = 	snop  }
0x3c: {  	p2 =	seq.s32 s10, $0x1;
	s10 =	sld [smem:$0x3F82]  }
0x3d: {  	_ =	shalt  }
0x3e: {  	_ =	shalt  }
0x3f: {  	_ =	shalt  }
0x40: {  	_ =	shalt  }
0x41: {  	_ =	shalt  }
0x42: {  	_ =	shalt  }
0x43: {  	_ =	shalt  }
0x44: {  	_ =	shalt  }
0x45: {  	_ =	shalt  }
0x46: {  	_ =	shalt  }
0x47: {  	_ =	shalt  }
0x48: {  	_ =	shalt  }
0x49: {  	_ =	shalt  }
0x4a: {  	_ =	shalt  }
0x4b: {  	_ =	shalt  }
0x4c: {  	_ =	shalt  }
0x4d: {  	_ =	shalt  }
0x4e: {  	_ =	shalt  }
0x4f: {  	_ =	shalt  }
0x50: {  	_ =	shalt  }
0x51: {  	_ =	shalt  }
0x52: {  	_ =	shalt  }
0x53: {  	_ =	shalt  }
0x54: {  	_ =	shalt  }
0x55: {  	_ =	shalt  }
0x56: {  	_ =	shalt  }
0x57: {  	_ =	shalt  }
0x58: {  	_ =	shalt  }
0x59: {  	_ =	shalt  }
0x5a: {  	_ =	shalt  }
0x5b: {  	_ =	shalt  }
0x5c: {  	_ =	shalt  }
0x5d: {  	_ =	shalt  }
0x5e: {  	_ =	shalt  }
0x5f: {  	_ =	shalt  }
0x60: {  	_ =	shalt  }
0x61: {  	_ =	shalt  }
0x62: {  	_ =	shalt  }
0x63: {  	_ =	shalt  }
0x64: {  	_ =	shalt  }
0x65: {  	_ =	shalt  }
0x66: {  	_ =	shalt  }
0x67: {  	_ =	shalt  }
0x68: {  	_ =	shalt  }
0x69: {  	_ =	shalt  }
0x6a: {  	_ =	shalt  }
0x6b: {  	_ =	shalt  }
0x6c: {  	_ =	shalt  }
0x6d: {  	_ =	shalt  }
0x6e: {  	_ =	shalt  }
0x6f: {  	_ =	shalt  }
0x70: {  	_ =	shalt  }
0x71: {  	_ =	shalt  }
0x72: {  	_ =	shalt  }
0x73: {  	_ =	shalt  }
0x74: {  	_ =	shalt  }
0x75: {  	_ =	shalt  }
0x76: {  	_ =	shalt  }
0x77: {  	_ =	shalt  }
0x78: {  	_ =	shalt  }
0x79: {  	_ =	shalt  }
0x7a: {  	_ =	shalt  }
0x7b: {  	_ =	shalt  }
0x7c: {  	_ =	shalt  }
0x7d: {  	_ =	shalt  }
0x7e: {  	_ =	shalt  }
0x7f: {  	_ =	shalt  }
0x80: {  	_ =	shalt  }
0x81: {  	_ =	shalt  }
0x82: {  	_ =	shalt  }
0x83: {  	_ =	shalt  }
0x84: {  	_ =	shalt  }
0x85: {  	_ =	shalt  }
0x86: {  	_ =	shalt  }
0x87: {  	_ =	shalt  }
.Lfunc_end0:
.L_simem_size_0:
called_computation.1_lowered:
.L_overlay_start_0:
0x88: {  	s2 =	sld [smem:$0x3FD9]  }
0x89: {  	s3 =	sld [smem:$0x3FFE];
	_ =	sdelay $0x1  }
0x8a: {  	s1 =	srdreg.scid  }
0x8b: {  	s0 =	sand.u32 $0x1, s1  }
0x8c: {  	s16 =	sshll.u32 s0, $0xA;
	s2 =	sadd.s32 s3, s2  }
0x8d: {  	s2 =	sadd.s32 s2, s16  }
0x8e: {  	[smem:$0x3F8E] =	sst s2  }
0x8f: {  	_ = 	snop  }
0x90: {  	(tm) =	ssettm $0x1  }
0x91: {  	s17 =	sld [smem:$0x3FFB];
	_ =	sdelay $0x3  }
0x92: {  	_ =	strace s17  }
0x93: {  	s2 =	sld [smem:$0x3FFC];
	_ =	sdelay $0x3  }
0x94: {  	_ =	strace s2  }
0x95: {  	s2 =	sld [smem:$0x3FFD];
	_ =	sdelay $0x3  }
0x96: {  	_ =	strace s2  }
0x97: {  	_ =	strace $0x8FFFFFFF  }
0x98: {  	s18 =	sld [smem:$0x3FDB];
	_ =	sdelay $0x1  }
0x99: {  	s19 =	simm.s32 $_scs_section_size  }
0x9a: {  	s4 =	simm.s32 $_size__tile_overlayer_lowered;
	s5 =	simm.s32 $_tile_overlayer_lowered  }
0x9b: {  	s22 =	simm.s32 $0x1BFF;
	s21 =	sshll.u32 s5, $0x1;
	s2 =	sadd.s32 s19, s18  }
0x9c: {  	s6 =	simm.s32 $0x0;
	s20 =	sshll.u32 s4, $0x1;
	s4 =	sadd.s32 s21, s2  }
0x9d: {  	[timem:s6], [sflag:s22] =	dma.local [hbm:s4], s20  }
0x9e: {  	_ =	swait.ge [sflag:s22], s20  }
0x9f: {  	s3 =	ssub.s32 $0x0, s20;
	[sflag:s22] =	ssyncset.done $0x0  }
0xa0: {  	[sflag:s22] =	ssyncadd.s32 s3;
	_ =	sdelay $0x1  }
0xa1: {  	s23 =	simm.s32 $0x1B8B  }
0xa2: {  	_ =	swait.ge [sflag:s23], $0x1  }
0xa3: {  	[sflag:s23] =	ssyncset.done $0x0  }
0xa4: {  	s25 =	simm.s32 $0x1B8E;
	s24 =	sld [smem:$0x3FFE];
	[sflag:s23] =	ssyncadd.s32 $0xFFFFFFFF  }
0xa5: {  	s26 =	simm.s32 $execute0_lowered;
	[smem:$0x3FD2] =	sst s25  }
0xa6: {  	s4 =	sshll.u32 s26, $0x1;
	_ =	strace $0x80000049;
	[dreg:$0x1] =	wrdreg $0xFFFFFFFF  }
0xa7: {  	s28 =	simm.s32 $_size_execute0_lowered;
	s2 =	sadd.s32 s2, s4;
	[dreg:$0x0] =	wrdreg $0x0  }
0xa8: {  	s4 =	sshll.u32 s28, $0x1;
	[dreg:$0x2] =	wrdreg s2  }
0xa9: {  	[dreg:$0x3] =	wrdreg s4  }
0xaa: {  	[dreg:$0x4] =	wrdreg $0xC0  }
0xab: {  	_ =	task [dreg:s6], $0x5FFFF  }
0xac: {  	[dreg:$0x1] =	wrdreg $0xFFFFFFFF  }
0xad: {  	[dreg:$0x0] =	wrdreg $0x60  }
0xae: {  	[dreg:$0x2] =	wrdreg s24  }
0xaf: {  	[dreg:$0x3] =	wrdreg $0x92000  }
0xb0: {  	[dreg:$0x4] =	wrdreg $0x9  }
0xb1: {  	_ =	task.clear_ibuf [dreg:s6], $0x5FFFF;
	_ =	strace $0x90000049  }
0xb2: {  	s29 =	simm.s32 $0x9;
	_ =	strace $0x8000004B  }
0xb3: {  	_ =	swait.ge [sflag:s29], $0x1  }
0xb4: {  	[sflag:s29] =	ssyncadd.s32 $0xFFFFFFFF  }
0xb5: {  	_ =	strace $0x9000004B  }
0xb6: {  	_ =	sfence  }
0xb7: {  	s30 =	sld [smem:$0x0];
	_ =	sdelay $0x2  }
0xb8: {  	s31 =	sshll.u32 s1, $0xD;
	s1 =	sshrl.u32 s1, $0x2  }
0xb9: {  	s3 =	sand.u32 $0x4000, s31;
	s1 =	sadd.s32 s1, s30  }
0xba: {  	s0 =	sor.u32 s3, s0;
	s1 =	sshll.u32 s1, $0x11  }
0xbb: {  	s0 =	sor.u32 s1, s0  }
0xbc: {  	s0 =	sadd.s32 $0x8F2B, s0  }
0xbd: {  	[sflag:s0] =	ssyncadd.remote.s32 $0x1  }
0xbe: {  	_ =	sfence.sel $0xFFFF  }
0xbf: {  	[dreg:$0x0] =	wrdreg $0xFFFFFFFF;
	(pc) =	sbr.abs _section_cstart, $3  }
0xc0: {  	[dreg:$0x1] =	wrdreg $0xFFFFFFFF  }
0xc1: {  	_ =	task.clear_ibuf [dreg:s6], $0x2FFFF;
	_ =	strace $0x9FFFFFFF  }
0xc2: {  	(tm) =	ssettm $0x7FFFFFFF  }
0xc3: {  	_ =	shalt  }
tec
execute0_lowered:
.L_overlay_start_1:
0x0: {  	(tag) =	ssettag $0x1  }
0x1: {  	s0 =	rddreg [dreg:$0x0]  }
0x2: {  	s1 =	rddreg [dreg:$0x1];
	s3 =	simm.s32 $0x0  }
0x3: {  	s19 =	stileid.u32;
	s7 =	srdreg.scid;
	s20 =	simm.s32 $0x2  }
0x4: {  	s21 =	simm.s32 $0x80;
	s22 =	simm.s32 $0x200;
	s23 =	simm.s32 $0x4200  }
0x5: {  	s24 =	simm.s32 $0x1;
	s25 =	simm.s32 $0x100;
	s29 =	simm.s32 $0x8200  }
0x6: {  	[smem:$0x7FF] =	sst s3;
	s4 =	sadd.s32 $0x9A00, s0;
	s2 =	smul.u32 $0x2800, s19  }
0x7: {  	s28 =	simm.s32 $0x10;
	s5 =	sadd.s32 $0x4F5800, s0;
	s6 =	sadd.s32 $0x4EBA00, s0  }
0x8: {  	s10 =	sand.u32 $0x1, s7;
	s7 =	sadd.s32 $0x1873A00, s0;
	s11 =	smul.u32 $0x50000, s19  }
0x9: {  	s14 =	sadd.s32 $0x30C00, s0;
	s17 =	sadd.s32 $0x12C000, s1;
	s18 =	smul.u32 $0x14000, s19  }
0xa: {  	p0 =	seq.s32 s19, $0xF;
	_ =	strace $0x8000004A;
	s8 =	sshll.u32 s10, $0x4  }
0xb: {  	s9 =	ssub.s32 $0x2, s10;
	s15 =	smul.u32 $0x138800, s10;
	s10 =	sadd.s32 $0x524E00, s0  }
0xc: {  	s17 =	sshrl.u32 @p0 s17, $0x3;
	s2 =	sadd.s32 s2, s0;
	s8 =	sor.u32 s19, s8  }
0xd: {  	s12 =	sshrl.u32 s9, $0x1;
	s11 =	sshrl.u32 s11, $0x2;
	s0 =	sshll.u32 @!p0 s19, $0x6  }
0xe: {  	s8 =	smul.u32 $0x2710, s8;
	s16 =	ssub.s32 s9, s12;
	s2 =	sadd.s32 $0x4FF600, s2  }
0xf: {  	s18 =	sadd.s32 s18, s15;
	s15 =	sshrl.u32 s15, $0x3;
	[dreg:$0x3] =	wrdreg s2  }
0x10: {  	s2 =	sadd.s32 s11, s1;
	s31 =	sshrl.u32 s18, $0x3;
	s15 =	sadd.s32 s14, s15  }
0x11: {  	s16 =	smax.u32 s16, $0x1;
	s18 =	sor.u32 @!p0 $0x1C02, s0;
	s13 =	sadd.s32 $0x2700, s8  }
0x12: {  	s14 =	sadd.s32 s14, s31;
	s15 =	sadd.s32 $0x25800, s15;
	s26 =	sshrl.u32 s13, $0x3  }
0x13: {  	s19 =	sshrl.u32 @!p0 s2, $0x3;
	s30 =	sshll.u32 s13, $0x4;
	s11 =	sadd.s32 s5, s26  }
0x14: {  	s12 =	sadd.s32 s6, s26;
	s13 =	sadd.s32 s7, s30;
	s26 =	simm.s32 $0x180  }
.LBB2_1:
0x15: {  	s0 =	simm.s32 @p0 $0x1FC2  }
0x16: {  	[spmem:s17], [sflag:s0] =	dma.local @p0 [hbm:s10], $0x1900  }
0x17: {  	s0 =	simm.s32 @p0 $0x2  }
0x18: {  	_ =	swait.ge @p0 [sflag:s0], $0x1900  }
0x19: {  	[sflag:s0] =	ssyncset.done @p0 $0x0  }
0x1a: {  	[sflag:s0] =	ssyncadd.s32 @p0 $0xFFFFE700;
	s0 =	rddreg [dreg:$0x3]  }
0x1b: {  	[spmem:s19], [sflag:s18] =	dma.local @!p0 [hbm:s0], $0x2800  }
0x1c: {  	s0 =	simm.s32 @!p0 $0x2  }
0x1d: {  	_ =	swait.ge @!p0 [sflag:s0], $0x2800  }
0x1e: {  	[sflag:s0] =	ssyncset.done @!p0 $0x0  }
0x1f: {  	[sflag:s0] =	ssyncadd.s32 @!p0 $0xFFFFD800  }
0x20: {  	s31 =	simm.s32 $0x0;
	[bflag:$0x0] =	sbarrier.arrive $0xFFFF  }
.LBB2_2:
0x21: {  	s0 =	sshll.u32 s31, $0x7  }
0x22: {  	s0 =	sadd.s32 s8, s0  }
0x23: {  	s2 =	sshrl.u32 s0, $0x3  }
0x24: {  	s9 =	simm.s32 $0x0;
	s30 =	sadd.s32 s5, s2  }
0x25: {  	[tilespmem:s9], [sflag:$0x2] =	stream.linear.gather [hbm4b:s30+s9], $0x80, $0x38;
	[tilespmem:$0x1CA80] =	vst v63  }
0x26: {  	_ =	swait.ge [sflag:s20], $0x80  }
0x27: {  	[sflag:s20] =	ssyncset.done $0x0  }
0x28: {  	s2 =	sadd.s32 s6, s2;
	[sflag:s20] =	ssyncadd.s32 $0xFFFFFF80  }
0x29: {  	[tilespmem:s21], [sflag:$0x2] =	stream.linear.gather [hbm4b:s2+s9], $0x80, $0x38;
	[tilespmem:$0x1CA80] =	vst v63  }
0x2a: {  	_ =	swait.ge [sflag:s20], $0x80  }
0x2b: {  	[sflag:s20] =	ssyncset.done $0x0  }
0x2c: {  	s0 =	sshll.u32 s0, $0x4;
	[sflag:s20] =	ssyncadd.s32 $0xFFFFFF80  }
0x2d: {  	[tilespmem:s22], [sflag:$0x1] =	stream.indirect.gather [hbm4b:s4+s21], $0x80, s9, s21, $0xb8;
	[tilespmem:$0x1CA80] =	vst v63  }
0x2e: {  	s0 =	sadd.s32 s7, s0  }
0x2f: {  	[tilespmem:s23], [sflag:$0x2] =	stream.linear.gather [hbm4b:s0+s9], $0x4000, $0x38;
	[tilespmem:$0x1CA80] =	vst v63  }
0x30: {  	_ =	swait.ge [sflag:s20], $0x4000  }
0x31: {  	[sflag:s20] =	ssyncset.done $0x0  }
0x32: {  	[sflag:s20] =	ssyncadd.s32 $0xFFFFC000  }
0x33: {  	_ =	swait.ge [sflag:s24], $0x4000  }
0x34: {  	[sflag:s24] =	ssyncset.done $0x0  }
0x35: {  	s0 =	simm.s32 $0x0;
	[sflag:s24] =	ssyncadd.s32 $0xFFFFC000  }
0x36: {  	v7 =	vld [tilespmem:s0+$0x4200]  }
0x37: {  	v11 =	vld [tilespmem:s0+$0x4210]  }
0x38: {  	v5 =	vld [tilespmem:s0+$0x4220]  }
0x39: {  	v4 =	vld [tilespmem:s0+$0x4230]  }
0x3a: {  	v3 =	vld [tilespmem:s0+$0x4240]  }
0x3b: {  	v2 =	vld [tilespmem:s0+$0x4250]  }
0x3c: {  	v1 =	vld [tilespmem:s0+$0x4260]  }
0x3d: {  	v0 =	vld [tilespmem:s0+$0x4270]  }
0x3e: {  	v12 =	vld [tilespmem:s0+$0x200]  }
0x3f: {  	v13 =	vld [tilespmem:s0+$0x210]  }
0x40: {  	v10 =	vld [tilespmem:s0+$0x220]  }
0x41: {  	v9 =	vld [tilespmem:s0+$0x230]  }
0x42: {  	v8 =	vld [tilespmem:s0+$0x240]  }
0x43: {  	v6 =	vld [tilespmem:s0+$0x250];
	v12 =	vmul.f32 v7, v12  }
0x44: {  	s2 =	simm.s32 $0x200;
	v11 =	vmul.f32 v11, v13;
	v7 =	vld [tilespmem:s0+$0x260]  }
.LBB2_3:
0x45: {  	s9 =	sshra.s32 s2, $0x2;
	p1 =	sne.s32 s2, $0xFE00;
	[tilespmem:s0+$0x200] =	vst v12;
	v5 =	vmul.f32 v5, v10;
	v10 =	vld [tilespmem:s0+$0x270]  }
0x46: {  	v12 =	vld [tilespmem:s9+$0x4200];
	[tilespmem:s0+$0x210] =	vst v11;
	v4 =	vmul.f32 v4, v9  }
0x47: {  	v11 =	vld [tilespmem:s9+$0x4210];
	[tilespmem:s0+$0x220] =	vst v5;
	v3 =	vmul.f32 v3, v8  }
0x48: {  	v5 =	vld [tilespmem:s9+$0x4220];
	[tilespmem:s0+$0x230] =	vst v4;
	v2 =	vmul.f32 v2, v6  }
0x49: {  	v4 =	vld [tilespmem:s9+$0x4230];
	[tilespmem:s0+$0x240] =	vst v3;
	v1 =	vmul.f32 v1, v7  }
0x4a: {  	v3 =	vld [tilespmem:s9+$0x4240];
	[tilespmem:s0+$0x250] =	vst v2;
	v0 =	vmul.f32 v0, v10  }
0x4b: {  	v2 =	vld [tilespmem:s9+$0x4250];
	[tilespmem:s0+$0x260] =	vst v1  }
0x4c: {  	v1 =	vld [tilespmem:s9+$0x4260];
	[tilespmem:s0+$0x270] =	vst v0;
	s0 =	smov.u32 s9  }
0x4d: {  	v0 =	vld [tilespmem:s0+$0x4270]  }
0x4e: {  	v6 =	vld [tilespmem:s0+$0x200]  }
0x4f: {  	v7 =	vld [tilespmem:s0+$0x210]  }
.Ltmp0:
0x50: {  	v10 =	vld [tilespmem:s0+$0x220];
	(pc) =	sbr.rel @p1 .LBB2_3-.Ltmp0, $4  }
0x51: {  	v9 =	vld [tilespmem:s0+$0x230]  }
0x52: {  	v8 =	vld [tilespmem:s0+$0x240]  }
0x53: {  	v12 =	vmul.f32 v12, v6;
	v6 =	vld [tilespmem:s0+$0x250]  }
0x54: {  	s2 =	sadd.s32 $0x200, s2;
	v11 =	vmul.f32 v11, v7;
	v7 =	vld [tilespmem:s0+$0x260]  }
0x55: {  	[tilespmem:s0+$0x200] =	vst v12;
	v5 =	vmul.f32 v5, v10;
	v63 =	vld [tilespmem:s0+$0x270]  }
0x56: {  	[tilespmem:s0+$0x210] =	vst v11;
	v4 =	vmul.f32 v4, v9  }
0x57: {  	[tilespmem:s0+$0x220] =	vst v5;
	v3 =	vmul.f32 v3, v8  }
0x58: {  	[tilespmem:s0+$0x230] =	vst v4;
	v2 =	vmul.f32 v2, v6  }
0x59: {  	[tilespmem:s0+$0x240] =	vst v3;
	v1 =	vmul.f32 v1, v7  }
0x5a: {  	s31 =	sadd.s32 $0x1, s31;
	[tilespmem:s0+$0x250] =	vst v2;
	v0 =	vmul.f32 v0, v63  }
0x5b: {  	p1 =	sne.s32 s31, $0x4E;
	[tilespmem:s0+$0x260] =	vst v1  }
.Ltmp1:
0x5c: {  	[tilespmem:s0+$0x270] =	vst v0;
	(pc) =	sbr.rel @p1 .LBB2_2-.Ltmp1, $4  }
0x5d: {  	[spmem:s1] =	stream.indirect.scatter.add.f32 [tilespmem:s22], [sflag:$0x2], $0x80, s21, s21, $0xb8;
	[tilespmem:$0x1CA80] =	vst v63  }
0x5e: {  	_ =	swait.ge [sflag:s20], $0x4000  }
0x5f: {  	[sflag:s20] =	ssyncset.done $0x0  }
0x60: {  	[sflag:s20] =	ssyncadd.s32 $0xFFFFC000  }
0x61: {  	s0 =	simm.s32 $0x0  }
0x62: {  	[tilespmem:s25], [sflag:$0x2] =	stream.linear.gather [hbm4b:s11+s0], $0x10, $0x38;
	[tilespmem:$0x1CA80] =	vst v63  }
0x63: {  	_ =	swait.ge [sflag:s20], $0x10  }
0x64: {  	[sflag:s20] =	ssyncset.done $0x0  }
0x65: {  	[sflag:s20] =	ssyncadd.s32 $0xFFFFFFF0  }
0x66: {  	[tilespmem:s26], [sflag:$0x2] =	stream.linear.gather [hbm4b:s12+s0], $0x10, $0x38;
	[tilespmem:$0x1CA80] =	vst v63  }
0x67: {  	_ =	swait.ge [sflag:s20], $0x10  }
0x68: {  	[sflag:s20] =	ssyncset.done $0x0  }
0x69: {  	[sflag:s20] =	ssyncadd.s32 $0xFFFFFFF0  }
0x6a: {  	[tilespmem:s29], [sflag:$0x1] =	stream.indirect.gather [hbm4b:s4+s28], $0x80, s25, s28, $0xb8;
	[tilespmem:$0x1CA80] =	vst v63  }
0x6b: {  	s2 =	simm.s32 $0x8A00  }
0x6c: {  	[tilespmem:s2], [sflag:$0x2] =	stream.linear.gather [hbm4b:s13+s0], $0x800, $0x38;
	[tilespmem:$0x1CA80] =	vst v63  }
0x6d: {  	_ =	swait.ge [sflag:s20], $0x800  }
0x6e: {  	[sflag:s20] =	ssyncset.done $0x0  }
0x6f: {  	[sflag:s20] =	ssyncadd.s32 $0xFFFFF800  }
0x70: {  	_ =	swait.ge [sflag:s24], $0x800  }
0x71: {  	[sflag:s24] =	ssyncset.done $0x0  }
0x72: {  	s0 =	simm.s32 $0x0;
	[sflag:s24] =	ssyncadd.s32 $0xFFFFF800  }
0x73: {  	v7 =	vld [tilespmem:s0+$0x8A00]  }
0x74: {  	v11 =	vld [tilespmem:s0+$0x8A10]  }
0x75: {  	v5 =	vld [tilespmem:s0+$0x8A20]  }
0x76: {  	v4 =	vld [tilespmem:s0+$0x8A30]  }
0x77: {  	v3 =	vld [tilespmem:s0+$0x8A40]  }
0x78: {  	v2 =	vld [tilespmem:s0+$0x8A50]  }
0x79: {  	v1 =	vld [tilespmem:s0+$0x8A60]  }
0x7a: {  	v0 =	vld [tilespmem:s0+$0x8A70]  }
0x7b: {  	v12 =	vld [tilespmem:s0+$0x8200]  }
0x7c: {  	v13 =	vld [tilespmem:s0+$0x8210]  }
0x7d: {  	v10 =	vld [tilespmem:s0+$0x8220]  }
0x7e: {  	v9 =	vld [tilespmem:s0+$0x8230]  }
0x7f: {  	v8 =	vld [tilespmem:s0+$0x8240]  }
0x80: {  	v6 =	vld [tilespmem:s0+$0x8250];
	v12 =	vmul.f32 v7, v12  }
0x81: {  	s2 =	simm.s32 $0x200;
	v11 =	vmul.f32 v11, v13;
	v7 =	vld [tilespmem:s0+$0x8260]  }
.LBB2_6:
0x82: {  	s9 =	sshra.s32 s2, $0x2;
	p1 =	sne.s32 s2, $0x1E00;
	[tilespmem:s0+$0x8200] =	vst v12;
	v5 =	vmul.f32 v5, v10;
	v10 =	vld [tilespmem:s0+$0x8270]  }
0x83: {  	v12 =	vld [tilespmem:s9+$0x8A00];
	[tilespmem:s0+$0x8210] =	vst v11;
	v4 =	vmul.f32 v4, v9  }
0x84: {  	v11 =	vld [tilespmem:s9+$0x8A10];
	[tilespmem:s0+$0x8220] =	vst v5;
	v3 =	vmul.f32 v3, v8  }
0x85: {  	v5 =	vld [tilespmem:s9+$0x8A20];
	[tilespmem:s0+$0x8230] =	vst v4;
	v2 =	vmul.f32 v2, v6  }
0x86: {  	v4 =	vld [tilespmem:s9+$0x8A30];
	[tilespmem:s0+$0x8240] =	vst v3;
	v1 =	vmul.f32 v1, v7  }
0x87: {  	v3 =	vld [tilespmem:s9+$0x8A40];
	[tilespmem:s0+$0x8250] =	vst v2;
	v0 =	vmul.f32 v0, v10  }
0x88: {  	v2 =	vld [tilespmem:s9+$0x8A50];
	[tilespmem:s0+$0x8260] =	vst v1  }
0x89: {  	v1 =	vld [tilespmem:s9+$0x8A60];
	[tilespmem:s0+$0x8270] =	vst v0;
	s0 =	smov.u32 s9  }
0x8a: {  	v0 =	vld [tilespmem:s0+$0x8A70]  }
0x8b: {  	v6 =	vld [tilespmem:s0+$0x8200]  }
0x8c: {  	v7 =	vld [tilespmem:s0+$0x8210]  }
.Ltmp2:
0x8d: {  	v10 =	vld [tilespmem:s0+$0x8220];
	(pc) =	sbr.rel @p1 .LBB2_6-.Ltmp2, $4  }
0x8e: {  	v9 =	vld [tilespmem:s0+$0x8230]  }
0x8f: {  	v8 =	vld [tilespmem:s0+$0x8240]  }
0x90: {  	v12 =	vmul.f32 v12, v6;
	v6 =	vld [tilespmem:s0+$0x8250]  }
0x91: {  	s2 =	sadd.s32 $0x200, s2;
	v11 =	vmul.f32 v11, v7;
	v7 =	vld [tilespmem:s0+$0x8260]  }
0x92: {  	[tilespmem:s0+$0x8200] =	vst v12;
	v5 =	vmul.f32 v5, v10;
	v63 =	vld [tilespmem:s0+$0x8270]  }
0x93: {  	[tilespmem:s0+$0x8210] =	vst v11;
	v4 =	vmul.f32 v4, v9  }
0x94: {  	[tilespmem:s0+$0x8220] =	vst v5;
	v3 =	vmul.f32 v3, v8  }
0x95: {  	[tilespmem:s0+$0x8230] =	vst v4;
	v2 =	vmul.f32 v2, v6  }
0x96: {  	[tilespmem:s0+$0x8240] =	vst v3;
	v1 =	vmul.f32 v1, v7  }
0x97: {  	[tilespmem:s0+$0x8250] =	vst v2;
	v0 =	vmul.f32 v0, v63  }
0x98: {  	[tilespmem:s0+$0x8260] =	vst v1  }
0x99: {  	[tilespmem:s0+$0x8270] =	vst v0  }
0x9a: {  	[spmem:s1] =	stream.indirect.scatter.add.f32 [tilespmem:s29], [sflag:$0x2], $0x80, s26, s28, $0xb8;
	[tilespmem:$0x1CA80] =	vst v63  }
0x9b: {  	_ =	swait.ge [sflag:s20], $0x800  }
0x9c: {  	[sflag:s20] =	ssyncset.done $0x0  }
0x9d: {  	[sflag:s20] =	ssyncadd.s32 $0xFFFFF800  }
0x9e: {  	s0 =	simm.s32 @p0 $0x1FC2;
	[bflag:$0x0] =	sbarrier.arrive $0xFFFF  }
0x9f: {  	[hbm:s15], [sflag:s0] =	dma.local @p0 [spmem:s17], $0x1900  }
0xa0: {  	s0 =	simm.s32 @p0 $0x2  }
0xa1: {  	s3 =	sadd.s32 $0x1, s3;
	_ =	swait.ge @p0 [sflag:s0], $0x1900  }
0xa2: {  	p1 =	sne.s32 s3, s16;
	[sflag:s0] =	ssyncset.done @p0 $0x0  }
.Ltmp3:
0xa3: {  	[sflag:s0] =	ssyncadd.s32 @p0 $0xFFFFE700;
	s0 =	simm.s32 @!p0 $0x2;
	(pc) =	sbr.rel @p1 .LBB2_1-.Ltmp3, $4  }
0xa4: {  	[hbm:s14], [sflag:s18] =	dma.local @!p0 [spmem:s19], $0x2800  }
0xa5: {  	_ =	swait.ge @!p0 [sflag:s0], $0x2800  }
0xa6: {  	[sflag:s0] =	ssyncset.done @!p0 $0x0  }
0xa7: {  	[sflag:s0] =	ssyncadd.s32 @!p0 $0xFFFFD800  }
0xa8: {  	_ =	sfence.sel $0x180000  }
0xa9: {  	[bflag:$0x0] =	sbarrier.arrive $0xFFFF  }
0xaa: {  	_ =	strace $0x9000004A  }
0xab: {  	s0 =	stileid.u32;
	[bflag:$0x2] =	sbarrier.arrive $0xFFFF  }
0xac: {  	p0 =	sne.s32 s0, $0x0;
	s0 =	rddreg [dreg:$0x2]  }
0xad: {  	s0 =	sadd.s32 @!p0 $0x100000, s0  }
0xae: {  	[sflag:s0] =	ssyncadd.tile.s32 @!p0 $0x1;
	_ =	shalt  }
.Lfunc_end2:
_tile_overlayer_lowered:
.L_overlay_start_2:
0xaf: {  	(tag) =	ssettag $0x2  }
0xb0: {  	s0 =	rddreg [dreg:$0x0];
	s2 =	stileid.u32  }
0xb1: {  	s1 =	rddreg [dreg:$0x1];
	p0 =	sne.s32 s2, $0x0  }
0xb2: {  	s3 =	rddreg [dreg:$0x2];
	[bflag:$0x3] =	sbarrier.arrive $0xFFFF;
	s2 =	simm.s32 @!p0 $0x1C02  }
0xb3: {  	[timem:s3], [sflag:s2] =	dma.local @!p0 [hbm:s0], s1  }
0xb4: {  	s0 =	simm.s32 @!p0 $0x2  }
0xb5: {  	_ =	swait.ge @!p0 [sflag:s0], s1  }
0xb6: {  	s1 =	ssub.s32 @!p0 $0x0, s1;
	[sflag:s0] =	ssyncset.done @!p0 $0x0  }
0xb7: {  	[sflag:s0] =	ssyncadd.s32 @!p0 s1  }
0xb8: {  	[bflag:$0x3] =	sbarrier.arrive $0xFFFF  }
0xb9: {  	_ =	shalt  }

// kernel: kernel.22.cloned.1.call-start
scs
__scs_entry_jumppad:
0x0: {  	(pc) =	sbr.rel $0x88, $3  }
0x1: {  	(tag) =	ssettag $0x0;
	lr =	simm.s32 $0x1  }
0x2: {  	[smem:$0x3F67] =	sst lr;
	_ =	strace $0xD0000000  }
0x3: {  	_ = 	snop  }
0x4: {  	_ = 	snop  }
0x5: {  	_ = 	snop  }
0x6: {  	_ = 	snop  }
0x7: {  	_ = 	snop  }
__scs_overlays_trampoline_lowered:
0x8: {  	[smem:$0x3F76] =	sst s0  }
0x9: {  	[smem:$0x3F77] =	sst s1  }
0xa: {  	[smem:$0x3F78] =	sst s2  }
0xb: {  	[smem:$0x3F79] =	sst s3  }
0xc: {  	[smem:$0x3F7A] =	sst s4  }
0xd: {  	[smem:$0x3F7B] =	sst s5  }
0xe: {  	[smem:$0x3F7C] =	sst s6  }
0xf: {  	[smem:$0x3F7D] =	sst s7  }
0x10: {  	[smem:$0x3F7E] =	sst s8  }
0x11: {  	[smem:$0x3F7F] =	sst s9;
	s0 =	simm.s32 @!p0 $0x0  }
0x12: {  	s1 =	sld [smem:$0x3F65];
	s0 =	simm.s32 @p0 $0x1  }
0x13: {  	[smem:$0x3F80] =	sst s0;
	s0 =	simm.s32 @!p1 $0x0  }
0x14: {  	s2 =	sld [smem:$0x3F64];
	s0 =	simm.s32 @p1 $0x1  }
0x15: {  	[smem:$0x3F81] =	sst s0;
	s0 =	simm.s32 @!p2 $0x0  }
0x16: {  	s3 =	sld [smem:$0x3FDB];
	s0 =	simm.s32 @p2 $0x1  }
0x17: {  	s4 =	simm.s32 $0x1BF5;
	[smem:$0x3F83] =	sst s0  }
0x18: {  	s0 =	sld [smem:$0x3F66];
	_ =	swait.ge [sflag:s4], $0x0  }
0x19: {  	s7 =	sld [smem:$0x3F67]  }
0x1a: {  	s8 =	sadd.s32 $0xFFFFE003, lr  }
0x1b: {  	s9 =	sadd.s32 $0xFFFFFEF7, lr;
	s5 =	simm.s32 $0xFFFFFFFF;
	p2 =	slt.u32 s8, $0xFFFFF086  }
0x1c: {  	p1 =	slt.u32 s9, $0xF7A;
	s5 =	simm.s32 @!p2 $0x0  }
0x1d: {  	s5 =	simm.s32 @p1 $0x1;
	p0 =	seq.s32 s7, s2  }
0x1e: {  	s7 =	smul.u32 @!p0 $0xF7A, s2;
	p2 =	seq.s32 @!p0 s5, $0x0  }
0x1f: {  	s9 =	smul.u32 $0xF7A, s1;
	s8 =	simm.s32 @!p0 $0x1BF5;
	p2 =	por !p2, p0  }
0x20: {  	[sflag:s8] =	ssyncset.s32 @!p0 $0xFFFFF086;
	s6 =	sadd.s32 @!p0 s3, s7;
	s7 =	simm.s32 @!p0 $0x108  }
0x21: {  	s3 =	sadd.s32 s3, s9;
	s6 =	sadd.s32 @!p0 $0x88, s6;
	s7 =	simm.s32 @p2 $0x1082  }
0x22: {  	[simem:s7], [sflag:s8] =	dma.local @!p0 [hbm:s6], $0xF7A  }
0x23: {  	s9 =	sor.u32 $0xD0000000, s2;
	s6 =	simm.s32 $0x108;
	_ =	swait.ge @!p0 [sflag:s8], $0x0  }
0x24: {  	s3 =	sadd.s32 $0x88, s3;
	s6 =	simm.s32 @!p1 $0x1082;
	[sflag:s4] =	ssyncset.s32 $0xFFFFF086  }
0x25: {  	[simem:s6], [sflag:s4] =	dma.local [hbm:s3], $0xF7A  }
0x26: {  	[smem:$0x3F67] =	sst s1;
	(tag) =	ssettag s2;
	_ =	strace s9  }
0x27: {  	s1 =	sld [smem:$0x3F77]  }
0x28: {  	s2 =	sld [smem:$0x3F78]  }
0x29: {  	s4 =	sld [smem:$0x3F7A]  }
0x2a: {  	p0 =	seq.s32 s5, $0x0;
	s5 =	sld [smem:$0x3F7B]  }
0x2b: {  	s6 =	sld [smem:$0x3F7C]  }
0x2c: {  	s7 =	sld [smem:$0x3F7D]  }
0x2d: {  	s3 =	simm.s32 $0x108;
	s8 =	sld [smem:$0x3F7E]  }
0x2e: {  	s3 =	simm.s32 @!p0 $0x1082;
	s9 =	sld [smem:$0x3F7F]  }
0x2f: {  	lr =	sadd.s32 s0, s3;
	s0 =	sld [smem:$0x3F76]  }
0x30: {  	s3 =	sld [smem:$0x3F79]  }
0x31: {  	[smem:$0x3F82] =	sst s10  }
0x32: {  	s10 =	sld [smem:$0x3F80];
	_ =	sdelay $0x3  }
0x33: {  	p0 =	seq.s32 s10, $0x1;
	s10 =	sld [smem:$0x3F82];
	_ =	sdelay $0x3  }
0x34: {  	[smem:$0x3F82] =	sst s10  }
0x35: {  	s10 =	sld [smem:$0x3F81];
	_ =	sdelay $0x3  }
0x36: {  	p1 =	seq.s32 s10, $0x1;
	s10 =	sld [smem:$0x3F82];
	_ =	sdelay $0x3  }
0x37: {  	[smem:$0x3F82] =	sst s10  }
0x38: {  	s10 =	sld [smem:$0x3F83]  }
0x39: {  	_ = 	snop;
	(pc) =	sbr.ind lr, $3  }
0x3a: {  	_ = 	snop  }
0x3b: {  	_ = 	snop  }
0x3c: {  	p2 =	seq.s32 s10, $0x1;
	s10 =	sld [smem:$0x3F82]  }
0x3d: {  	_ =	shalt  }
0x3e: {  	_ =	shalt  }
0x3f: {  	_ =	shalt  }
0x40: {  	_ =	shalt  }
0x41: {  	_ =	shalt  }
0x42: {  	_ =	shalt  }
0x43: {  	_ =	shalt  }
0x44: {  	_ =	shalt  }
0x45: {  	_ =	shalt  }
0x46: {  	_ =	shalt  }
0x47: {  	_ =	shalt  }
0x48: {  	_ =	shalt  }
0x49: {  	_ =	shalt  }
0x4a: {  	_ =	shalt  }
0x4b: {  	_ =	shalt  }
0x4c: {  	_ =	shalt  }
0x4d: {  	_ =	shalt  }
0x4e: {  	_ =	shalt  }
0x4f: {  	_ =	shalt  }
0x50: {  	_ =	shalt  }
0x51: {  	_ =	shalt  }
0x52: {  	_ =	shalt  }
0x53: {  	_ =	shalt  }
0x54: {  	_ =	shalt  }
0x55: {  	_ =	shalt  }
0x56: {  	_ =	shalt  }
0x57: {  	_ =	shalt  }
0x58: {  	_ =	shalt  }
0x59: {  	_ =	shalt  }
0x5a: {  	_ =	shalt  }
0x5b: {  	_ =	shalt  }
0x5c: {  	_ =	shalt  }
0x5d: {  	_ =	shalt  }
0x5e: {  	_ =	shalt  }
0x5f: {  	_ =	shalt  }
0x60: {  	_ =	shalt  }
0x61: {  	_ =	shalt  }
0x62: {  	_ =	shalt  }
0x63: {  	_ =	shalt  }
0x64: {  	_ =	shalt  }
0x65: {  	_ =	shalt  }
0x66: {  	_ =	shalt  }
0x67: {  	_ =	shalt  }
0x68: {  	_ =	shalt  }
0x69: {  	_ =	shalt  }
0x6a: {  	_ =	shalt  }
0x6b: {  	_ =	shalt  }
0x6c: {  	_ =	shalt  }
0x6d: {  	_ =	shalt  }
0x6e: {  	_ =	shalt  }
0x6f: {  	_ =	shalt  }
0x70: {  	_ =	shalt  }
0x71: {  	_ =	shalt  }
0x72: {  	_ =	shalt  }
0x73: {  	_ =	shalt  }
0x74: {  	_ =	shalt  }
0x75: {  	_ =	shalt  }
0x76: {  	_ =	shalt  }
0x77: {  	_ =	shalt  }
0x78: {  	_ =	shalt  }
0x79: {  	_ =	shalt  }
0x7a: {  	_ =	shalt  }
0x7b: {  	_ =	shalt  }
0x7c: {  	_ =	shalt  }
0x7d: {  	_ =	shalt  }
0x7e: {  	_ =	shalt  }
0x7f: {  	_ =	shalt  }
0x80: {  	_ =	shalt  }
0x81: {  	_ =	shalt  }
0x82: {  	_ =	shalt  }
0x83: {  	_ =	shalt  }
0x84: {  	_ =	shalt  }
0x85: {  	_ =	shalt  }
0x86: {  	_ =	shalt  }
0x87: {  	_ =	shalt  }
.Lfunc_end0:
.L_simem_size_0:
called_computation.2_lowered:
.L_overlay_start_0:
0x88: {  	s2 =	sld [smem:$0x3FD9]  }
0x89: {  	s3 =	sld [smem:$0x3FFE];
	_ =	sdelay $0x1  }
0x8a: {  	s1 =	srdreg.scid  }
0x8b: {  	s0 =	sand.u32 $0x1, s1  }
0x8c: {  	s16 =	sshll.u32 s0, $0xA;
	s2 =	sadd.s32 s3, s2  }
0x8d: {  	s2 =	sadd.s32 s2, s16  }
0x8e: {  	[smem:$0x3F8E] =	sst s2  }
0x8f: {  	_ = 	snop  }
0x90: {  	(tm) =	ssettm $0x1  }
0x91: {  	s17 =	sld [smem:$0x3FFB];
	_ =	sdelay $0x3  }
0x92: {  	_ =	strace s17  }
0x93: {  	s2 =	sld [smem:$0x3FFC];
	_ =	sdelay $0x3  }
0x94: {  	_ =	strace s2  }
0x95: {  	s2 =	sld [smem:$0x3FFD];
	_ =	sdelay $0x3  }
0x96: {  	_ =	strace s2  }
0x97: {  	_ =	strace $0x8FFFFFFF  }
0x98: {  	s18 =	sld [smem:$0x3FDB];
	_ =	sdelay $0x1  }
0x99: {  	s19 =	simm.s32 $_scs_section_size  }
0x9a: {  	s4 =	simm.s32 $_size__tile_overlayer_lowered;
	s5 =	simm.s32 $_tile_overlayer_lowered  }
0x9b: {  	s22 =	simm.s32 $0x1BFF;
	s21 =	sshll.u32 s5, $0x1;
	s2 =	sadd.s32 s19, s18  }
0x9c: {  	s6 =	simm.s32 $0x0;
	s20 =	sshll.u32 s4, $0x1;
	s4 =	sadd.s32 s21, s2  }
0x9d: {  	[timem:s6], [sflag:s22] =	dma.local [hbm:s4], s20  }
0x9e: {  	_ =	swait.ge [sflag:s22], s20  }
0x9f: {  	s3 =	ssub.s32 $0x0, s20;
	[sflag:s22] =	ssyncset.done $0x0  }
0xa0: {  	[sflag:s22] =	ssyncadd.s32 s3;
	_ =	sdelay $0x1  }
0xa1: {  	s23 =	simm.s32 $0x1B8B  }
0xa2: {  	_ =	swait.ge [sflag:s23], $0x1  }
0xa3: {  	[sflag:s23] =	ssyncset.done $0x0  }
0xa4: {  	s25 =	simm.s32 $0x1B8E;
	s24 =	sld [smem:$0x3FFE];
	[sflag:s23] =	ssyncadd.s32 $0xFFFFFFFF  }
0xa5: {  	s26 =	simm.s32 $execute0_lowered;
	[smem:$0x3FD2] =	sst s25  }
0xa6: {  	s4 =	sshll.u32 s26, $0x1;
	_ =	strace $0x8000004C;
	[dreg:$0x1] =	wrdreg $0xFFFFFFFF  }
0xa7: {  	s28 =	simm.s32 $_size_execute0_lowered;
	s2 =	sadd.s32 s2, s4;
	[dreg:$0x0] =	wrdreg $0x0  }
0xa8: {  	s4 =	sshll.u32 s28, $0x1;
	[dreg:$0x2] =	wrdreg s2  }
0xa9: {  	[dreg:$0x3] =	wrdreg s4  }
0xaa: {  	[dreg:$0x4] =	wrdreg $0xC0  }
0xab: {  	_ =	task [dreg:s6], $0x5FFFF  }
0xac: {  	[dreg:$0x1] =	wrdreg $0xFFFFFFFF  }
0xad: {  	[dreg:$0x0] =	wrdreg $0x60  }
0xae: {  	[dreg:$0x2] =	wrdreg s24  }
0xaf: {  	[dreg:$0x3] =	wrdreg $0x92000  }
0xb0: {  	[dreg:$0x4] =	wrdreg $0x9  }
0xb1: {  	_ =	task.clear_ibuf [dreg:s6], $0x5FFFF;
	_ =	strace $0x9000004C  }
0xb2: {  	s29 =	simm.s32 $0x9;
	_ =	strace $0x8000004E  }
0xb3: {  	_ =	swait.ge [sflag:s29], $0x1  }
0xb4: {  	[sflag:s29] =	ssyncadd.s32 $0xFFFFFFFF  }
0xb5: {  	_ =	strace $0x9000004E  }
0xb6: {  	_ =	sfence  }
0xb7: {  	s30 =	sld [smem:$0x0];
	_ =	sdelay $0x2  }
0xb8: {  	s31 =	sshll.u32 s1, $0xD;
	s1 =	sshrl.u32 s1, $0x2  }
0xb9: {  	s3 =	sand.u32 $0x4000, s31;
	s1 =	sadd.s32 s1, s30  }
0xba: {  	s0 =	sor.u32 s3, s0;
	s1 =	sshll.u32 s1, $0x11  }
0xbb: {  	s0 =	sor.u32 s1, s0  }
0xbc: {  	s0 =	sadd.s32 $0x8F2B, s0  }
0xbd: {  	[sflag:s0] =	ssyncadd.remote.s32 $0x1  }
0xbe: {  	_ =	sfence.sel $0xFFFF  }
0xbf: {  	[dreg:$0x0] =	wrdreg $0xFFFFFFFF;
	(pc) =	sbr.abs _section_cstart, $3  }
0xc0: {  	[dreg:$0x1] =	wrdreg $0xFFFFFFFF  }
0xc1: {  	_ =	task.clear_ibuf [dreg:s6], $0x2FFFF;
	_ =	strace $0x9FFFFFFF  }
0xc2: {  	(tm) =	ssettm $0x7FFFFFFF  }
0xc3: {  	_ =	shalt  }
tec
execute0_lowered:
.L_overlay_start_1:
0x0: {  	(tag) =	ssettag $0x1  }
0x1: {  	s0 =	rddreg [dreg:$0x0]  }
0x2: {  	s1 =	rddreg [dreg:$0x1];
	s3 =	simm.s32 $0x0  }
0x3: {  	s19 =	stileid.u32;
	s7 =	srdreg.scid;
	s20 =	simm.s32 $0x2  }
0x4: {  	s21 =	simm.s32 $0x80;
	s22 =	simm.s32 $0x200;
	s23 =	simm.s32 $0x4200  }
0x5: {  	s24 =	simm.s32 $0x1;
	s25 =	simm.s32 $0x100;
	s29 =	simm.s32 $0x8200  }
0x6: {  	[smem:$0x7FF] =	sst s3;
	s4 =	sadd.s32 $0x30C00, s0;
	s2 =	smul.u32 $0x2800, s19  }
0x7: {  	s28 =	simm.s32 $0x10;
	s5 =	sadd.s32 $0x4F5800, s0;
	s6 =	sadd.s32 $0x4EBA00, s0  }
0x8: {  	s10 =	sand.u32 $0x1, s7;
	s7 =	sadd.s32 $0x1D55A00, s0;
	s11 =	smul.u32 $0x50000, s19  }
0x9: {  	s14 =	sadd.s32 $0x57E00, s0;
	s17 =	sadd.s32 $0x12C000, s1;
	s18 =	smul.u32 $0x14000, s19  }
0xa: {  	p0 =	seq.s32 s19, $0xF;
	_ =	strace $0x8000004D;
	s8 =	sshll.u32 s10, $0x4  }
0xb: {  	s9 =	ssub.s32 $0x2, s10;
	s15 =	smul.u32 $0x138800, s10;
	s10 =	sadd.s32 $0x524E00, s0  }
0xc: {  	s17 =	sshrl.u32 @p0 s17, $0x3;
	s2 =	sadd.s32 s2, s0;
	s8 =	sor.u32 s19, s8  }
0xd: {  	s12 =	sshrl.u32 s9, $0x1;
	s11 =	sshrl.u32 s11, $0x2;
	s0 =	sshll.u32 @!p0 s19, $0x6  }
0xe: {  	s8 =	smul.u32 $0x2710, s8;
	s16 =	ssub.s32 s9, s12;
	s2 =	sadd.s32 $0x4FF600, s2  }
0xf: {  	s18 =	sadd.s32 s18, s15;
	s15 =	sshrl.u32 s15, $0x3;
	[dreg:$0x3] =	wrdreg s2  }
0x10: {  	s2 =	sadd.s32 s11, s1;
	s31 =	sshrl.u32 s18, $0x3;
	s15 =	sadd.s32 s14, s15  }
0x11: {  	s16 =	smax.u32 s16, $0x1;
	s18 =	sor.u32 @!p0 $0x1C02, s0;
	s13 =	sadd.s32 $0x2700, s8  }
0x12: {  	s14 =	sadd.s32 s14, s31;
	s15 =	sadd.s32 $0x25800, s15;
	s26 =	sshrl.u32 s13, $0x3  }
0x13: {  	s19 =	sshrl.u32 @!p0 s2, $0x3;
	s30 =	sshll.u32 s13, $0x4;
	s11 =	sadd.s32 s5, s26  }
0x14: {  	s12 =	sadd.s32 s6, s26;
	s13 =	sadd.s32 s7, s30;
	s26 =	simm.s32 $0x180  }
.LBB2_1:
0x15: {  	s0 =	simm.s32 @p0 $0x1FC2  }
0x16: {  	[spmem:s17], [sflag:s0] =	dma.local @p0 [hbm:s10], $0x1900  }
0x17: {  	s0 =	simm.s32 @p0 $0x2  }
0x18: {  	_ =	swait.ge @p0 [sflag:s0], $0x1900  }
0x19: {  	[sflag:s0] =	ssyncset.done @p0 $0x0  }
0x1a: {  	[sflag:s0] =	ssyncadd.s32 @p0 $0xFFFFE700;
	s0 =	rddreg [dreg:$0x3]  }
0x1b: {  	[spmem:s19], [sflag:s18] =	dma.local @!p0 [hbm:s0], $0x2800  }
0x1c: {  	s0 =	simm.s32 @!p0 $0x2  }
0x1d: {  	_ =	swait.ge @!p0 [sflag:s0], $0x2800  }
0x1e: {  	[sflag:s0] =	ssyncset.done @!p0 $0x0  }
0x1f: {  	[sflag:s0] =	ssyncadd.s32 @!p0 $0xFFFFD800  }
0x20: {  	s31 =	simm.s32 $0x0;
	[bflag:$0x0] =	sbarrier.arrive $0xFFFF  }
.LBB2_2:
0x21: {  	s0 =	sshll.u32 s31, $0x7  }
0x22: {  	s0 =	sadd.s32 s8, s0  }
0x23: {  	s2 =	sshrl.u32 s0, $0x3  }
0x24: {  	s9 =	simm.s32 $0x0;
	s30 =	sadd.s32 s5, s2  }
0x25: {  	[tilespmem:s9], [sflag:$0x2] =	stream.linear.gather [hbm4b:s30+s9], $0x80, $0x38;
	[tilespmem:$0x1CA80] =	vst v63  }
0x26: {  	_ =	swait.ge [sflag:s20], $0x80  }
0x27: {  	[sflag:s20] =	ssyncset.done $0x0  }
0x28: {  	s2 =	sadd.s32 s6, s2;
	[sflag:s20] =	ssyncadd.s32 $0xFFFFFF80  }
0x29: {  	[tilespmem:s21], [sflag:$0x2] =	stream.linear.gather [hbm4b:s2+s9], $0x80, $0x38;
	[tilespmem:$0x1CA80] =	vst v63  }
0x2a: {  	_ =	swait.ge [sflag:s20], $0x80  }
0x2b: {  	[sflag:s20] =	ssyncset.done $0x0  }
0x2c: {  	s0 =	sshll.u32 s0, $0x4;
	[sflag:s20] =	ssyncadd.s32 $0xFFFFFF80  }
0x2d: {  	[tilespmem:s22], [sflag:$0x1] =	stream.indirect.gather [hbm4b:s4+s21], $0x80, s9, s21, $0xb8;
	[tilespmem:$0x1CA80] =	vst v63  }
0x2e: {  	s0 =	sadd.s32 s7, s0  }
0x2f: {  	[tilespmem:s23], [sflag:$0x2] =	stream.linear.gather [hbm4b:s0+s9], $0x4000, $0x38;
	[tilespmem:$0x1CA80] =	vst v63  }
0x30: {  	_ =	swait.ge [sflag:s20], $0x4000  }
0x31: {  	[sflag:s20] =	ssyncset.done $0x0  }
0x32: {  	[sflag:s20] =	ssyncadd.s32 $0xFFFFC000  }
0x33: {  	_ =	swait.ge [sflag:s24], $0x4000  }
0x34: {  	[sflag:s24] =	ssyncset.done $0x0  }
0x35: {  	s0 =	simm.s32 $0x0;
	[sflag:s24] =	ssyncadd.s32 $0xFFFFC000  }
0x36: {  	v7 =	vld [tilespmem:s0+$0x4200]  }
0x37: {  	v11 =	vld [tilespmem:s0+$0x4210]  }
0x38: {  	v5 =	vld [tilespmem:s0+$0x4220]  }
0x39: {  	v4 =	vld [tilespmem:s0+$0x4230]  }
0x3a: {  	v3 =	vld [tilespmem:s0+$0x4240]  }
0x3b: {  	v2 =	vld [tilespmem:s0+$0x4250]  }
0x3c: {  	v1 =	vld [tilespmem:s0+$0x4260]  }
0x3d: {  	v0 =	vld [tilespmem:s0+$0x4270]  }
0x3e: {  	v12 =	vld [tilespmem:s0+$0x200]  }
0x3f: {  	v13 =	vld [tilespmem:s0+$0x210]  }
0x40: {  	v10 =	vld [tilespmem:s0+$0x220]  }
0x41: {  	v9 =	vld [tilespmem:s0+$0x230]  }
0x42: {  	v8 =	vld [tilespmem:s0+$0x240]  }
0x43: {  	v6 =	vld [tilespmem:s0+$0x250];
	v12 =	vmul.f32 v7, v12  }
0x44: {  	s2 =	simm.s32 $0x200;
	v11 =	vmul.f32 v11, v13;
	v7 =	vld [tilespmem:s0+$0x260]  }
.LBB2_3:
0x45: {  	s9 =	sshra.s32 s2, $0x2;
	p1 =	sne.s32 s2, $0xFE00;
	[tilespmem:s0+$0x200] =	vst v12;
	v5 =	vmul.f32 v5, v10;
	v10 =	vld [tilespmem:s0+$0x270]  }
0x46: {  	v12 =	vld [tilespmem:s9+$0x4200];
	[tilespmem:s0+$0x210] =	vst v11;
	v4 =	vmul.f32 v4, v9  }
0x47: {  	v11 =	vld [tilespmem:s9+$0x4210];
	[tilespmem:s0+$0x220] =	vst v5;
	v3 =	vmul.f32 v3, v8  }
0x48: {  	v5 =	vld [tilespmem:s9+$0x4220];
	[tilespmem:s0+$0x230] =	vst v4;
	v2 =	vmul.f32 v2, v6  }
0x49: {  	v4 =	vld [tilespmem:s9+$0x4230];
	[tilespmem:s0+$0x240] =	vst v3;
	v1 =	vmul.f32 v1, v7  }
0x4a: {  	v3 =	vld [tilespmem:s9+$0x4240];
	[tilespmem:s0+$0x250] =	vst v2;
	v0 =	vmul.f32 v0, v10  }
0x4b: {  	v2 =	vld [tilespmem:s9+$0x4250];
	[tilespmem:s0+$0x260] =	vst v1  }
0x4c: {  	v1 =	vld [tilespmem:s9+$0x4260];
	[tilespmem:s0+$0x270] =	vst v0;
	s0 =	smov.u32 s9  }
0x4d: {  	v0 =	vld [tilespmem:s0+$0x4270]  }
0x4e: {  	v6 =	vld [tilespmem:s0+$0x200]  }
0x4f: {  	v7 =	vld [tilespmem:s0+$0x210]  }
.Ltmp0:
0x50: {  	v10 =	vld [tilespmem:s0+$0x220];
	(pc) =	sbr.rel @p1 .LBB2_3-.Ltmp0, $4  }
0x51: {  	v9 =	vld [tilespmem:s0+$0x230]  }
0x52: {  	v8 =	vld [tilespmem:s0+$0x240]  }
0x53: {  	v12 =	vmul.f32 v12, v6;
	v6 =	vld [tilespmem:s0+$0x250]  }
0x54: {  	s2 =	sadd.s32 $0x200, s2;
	v11 =	vmul.f32 v11, v7;
	v7 =	vld [tilespmem:s0+$0x260]  }
0x55: {  	[tilespmem:s0+$0x200] =	vst v12;
	v5 =	vmul.f32 v5, v10;
	v63 =	vld [tilespmem:s0+$0x270]  }
0x56: {  	[tilespmem:s0+$0x210] =	vst v11;
	v4 =	vmul.f32 v4, v9  }
0x57: {  	[tilespmem:s0+$0x220] =	vst v5;
	v3 =	vmul.f32 v3, v8  }
0x58: {  	[tilespmem:s0+$0x230] =	vst v4;
	v2 =	vmul.f32 v2, v6  }
0x59: {  	[tilespmem:s0+$0x240] =	vst v3;
	v1 =	vmul.f32 v1, v7  }
0x5a: {  	s31 =	sadd.s32 $0x1, s31;
	[tilespmem:s0+$0x250] =	vst v2;
	v0 =	vmul.f32 v0, v63  }
0x5b: {  	p1 =	sne.s32 s31, $0x4E;
	[tilespmem:s0+$0x260] =	vst v1  }
.Ltmp1:
0x5c: {  	[tilespmem:s0+$0x270] =	vst v0;
	(pc) =	sbr.rel @p1 .LBB2_2-.Ltmp1, $4  }
0x5d: {  	[spmem:s1] =	stream.indirect.scatter.add.f32 [tilespmem:s22], [sflag:$0x2], $0x80, s21, s21, $0xb8;
	[tilespmem:$0x1CA80] =	vst v63  }
0x5e: {  	_ =	swait.ge [sflag:s20], $0x4000  }
0x5f: {  	[sflag:s20] =	ssyncset.done $0x0  }
0x60: {  	[sflag:s20] =	ssyncadd.s32 $0xFFFFC000  }
0x61: {  	s0 =	simm.s32 $0x0  }
0x62: {  	[tilespmem:s25], [sflag:$0x2] =	stream.linear.gather [hbm4b:s11+s0], $0x10, $0x38;
	[tilespmem:$0x1CA80] =	vst v63  }
0x63: {  	_ =	swait.ge [sflag:s20], $0x10  }
0x64: {  	[sflag:s20] =	ssyncset.done $0x0  }
0x65: {  	[sflag:s20] =	ssyncadd.s32 $0xFFFFFFF0  }
0x66: {  	[tilespmem:s26], [sflag:$0x2] =	stream.linear.gather [hbm4b:s12+s0], $0x10, $0x38;
	[tilespmem:$0x1CA80] =	vst v63  }
0x67: {  	_ =	swait.ge [sflag:s20], $0x10  }
0x68: {  	[sflag:s20] =	ssyncset.done $0x0  }
0x69: {  	[sflag:s20] =	ssyncadd.s32 $0xFFFFFFF0  }
0x6a: {  	[tilespmem:s29], [sflag:$0x1] =	stream.indirect.gather [hbm4b:s4+s28], $0x80, s25, s28, $0xb8;
	[tilespmem:$0x1CA80] =	vst v63  }
0x6b: {  	s2 =	simm.s32 $0x8A00  }
0x6c: {  	[tilespmem:s2], [sflag:$0x2] =	stream.linear.gather [hbm4b:s13+s0], $0x800, $0x38;
	[tilespmem:$0x1CA80] =	vst v63  }
0x6d: {  	_ =	swait.ge [sflag:s20], $0x800  }
0x6e: {  	[sflag:s20] =	ssyncset.done $0x0  }
0x6f: {  	[sflag:s20] =	ssyncadd.s32 $0xFFFFF800  }
0x70: {  	_ =	swait.ge [sflag:s24], $0x800  }
0x71: {  	[sflag:s24] =	ssyncset.done $0x0  }
0x72: {  	s0 =	simm.s32 $0x0;
	[sflag:s24] =	ssyncadd.s32 $0xFFFFF800  }
0x73: {  	v7 =	vld [tilespmem:s0+$0x8A00]  }
0x74: {  	v11 =	vld [tilespmem:s0+$0x8A10]  }
0x75: {  	v5 =	vld [tilespmem:s0+$0x8A20]  }
0x76: {  	v4 =	vld [tilespmem:s0+$0x8A30]  }
0x77: {  	v3 =	vld [tilespmem:s0+$0x8A40]  }
0x78: {  	v2 =	vld [tilespmem:s0+$0x8A50]  }
0x79: {  	v1 =	vld [tilespmem:s0+$0x8A60]  }
0x7a: {  	v0 =	vld [tilespmem:s0+$0x8A70]  }
0x7b: {  	v12 =	vld [tilespmem:s0+$0x8200]  }
0x7c: {  	v13 =	vld [tilespmem:s0+$0x8210]  }
0x7d: {  	v10 =	vld [tilespmem:s0+$0x8220]  }
0x7e: {  	v9 =	vld [tilespmem:s0+$0x8230]  }
0x7f: {  	v8 =	vld [tilespmem:s0+$0x8240]  }
0x80: {  	v6 =	vld [tilespmem:s0+$0x8250];
	v12 =	vmul.f32 v7, v12  }
0x81: {  	s2 =	simm.s32 $0x200;
	v11 =	vmul.f32 v11, v13;
	v7 =	vld [tilespmem:s0+$0x8260]  }
.LBB2_6:
0x82: {  	s9 =	sshra.s32 s2, $0x2;
	p1 =	sne.s32 s2, $0x1E00;
	[tilespmem:s0+$0x8200] =	vst v12;
	v5 =	vmul.f32 v5, v10;
	v10 =	vld [tilespmem:s0+$0x8270]  }
0x83: {  	v12 =	vld [tilespmem:s9+$0x8A00];
	[tilespmem:s0+$0x8210] =	vst v11;
	v4 =	vmul.f32 v4, v9  }
0x84: {  	v11 =	vld [tilespmem:s9+$0x8A10];
	[tilespmem:s0+$0x8220] =	vst v5;
	v3 =	vmul.f32 v3, v8  }
0x85: {  	v5 =	vld [tilespmem:s9+$0x8A20];
	[tilespmem:s0+$0x8230] =	vst v4;
	v2 =	vmul.f32 v2, v6  }
0x86: {  	v4 =	vld [tilespmem:s9+$0x8A30];
	[tilespmem:s0+$0x8240] =	vst v3;
	v1 =	vmul.f32 v1, v7  }
0x87: {  	v3 =	vld [tilespmem:s9+$0x8A40];
	[tilespmem:s0+$0x8250] =	vst v2;
	v0 =	vmul.f32 v0, v10  }
0x88: {  	v2 =	vld [tilespmem:s9+$0x8A50];
	[tilespmem:s0+$0x8260] =	vst v1  }
0x89: {  	v1 =	vld [tilespmem:s9+$0x8A60];
	[tilespmem:s0+$0x8270] =	vst v0;
	s0 =	smov.u32 s9  }
0x8a: {  	v0 =	vld [tilespmem:s0+$0x8A70]  }
0x8b: {  	v6 =	vld [tilespmem:s0+$0x8200]  }
0x8c: {  	v7 =	vld [tilespmem:s0+$0x8210]  }
.Ltmp2:
0x8d: {  	v10 =	vld [tilespmem:s0+$0x8220];
	(pc) =	sbr.rel @p1 .LBB2_6-.Ltmp2, $4  }
0x8e: {  	v9 =	vld [tilespmem:s0+$0x8230]  }
0x8f: {  	v8 =	vld [tilespmem:s0+$0x8240]  }
0x90: {  	v12 =	vmul.f32 v12, v6;
	v6 =	vld [tilespmem:s0+$0x8250]  }
0x91: {  	s2 =	sadd.s32 $0x200, s2;
	v11 =	vmul.f32 v11, v7;
	v7 =	vld [tilespmem:s0+$0x8260]  }
0x92: {  	[tilespmem:s0+$0x8200] =	vst v12;
	v5 =	vmul.f32 v5, v10;
	v63 =	vld [tilespmem:s0+$0x8270]  }
0x93: {  	[tilespmem:s0+$0x8210] =	vst v11;
	v4 =	vmul.f32 v4, v9  }
0x94: {  	[tilespmem:s0+$0x8220] =	vst v5;
	v3 =	vmul.f32 v3, v8  }
0x95: {  	[tilespmem:s0+$0x8230] =	vst v4;
	v2 =	vmul.f32 v2, v6  }
0x96: {  	[tilespmem:s0+$0x8240] =	vst v3;
	v1 =	vmul.f32 v1, v7  }
0x97: {  	[tilespmem:s0+$0x8250] =	vst v2;
	v0 =	vmul.f32 v0, v63  }
0x98: {  	[tilespmem:s0+$0x8260] =	vst v1  }
0x99: {  	[tilespmem:s0+$0x8270] =	vst v0  }
0x9a: {  	[spmem:s1] =	stream.indirect.scatter.add.f32 [tilespmem:s29], [sflag:$0x2], $0x80, s26, s28, $0xb8;
	[tilespmem:$0x1CA80] =	vst v63  }
0x9b: {  	_ =	swait.ge [sflag:s20], $0x800  }
0x9c: {  	[sflag:s20] =	ssyncset.done $0x0  }
0x9d: {  	[sflag:s20] =	ssyncadd.s32 $0xFFFFF800  }
0x9e: {  	s0 =	simm.s32 @p0 $0x1FC2;
	[bflag:$0x0] =	sbarrier.arrive $0xFFFF  }
0x9f: {  	[hbm:s15], [sflag:s0] =	dma.local @p0 [spmem:s17], $0x1900  }
0xa0: {  	s0 =	simm.s32 @p0 $0x2  }
0xa1: {  	s3 =	sadd.s32 $0x1, s3;
	_ =	swait.ge @p0 [sflag:s0], $0x1900  }
0xa2: {  	p1 =	sne.s32 s3, s16;
	[sflag:s0] =	ssyncset.done @p0 $0x0  }
.Ltmp3:
0xa3: {  	[sflag:s0] =	ssyncadd.s32 @p0 $0xFFFFE700;
	s0 =	simm.s32 @!p0 $0x2;
	(pc) =	sbr.rel @p1 .LBB2_1-.Ltmp3, $4  }
0xa4: {  	[hbm:s14], [sflag:s18] =	dma.local @!p0 [spmem:s19], $0x2800  }
0xa5: {  	_ =	swait.ge @!p0 [sflag:s0], $0x2800  }
0xa6: {  	[sflag:s0] =	ssyncset.done @!p0 $0x0  }
0xa7: {  	[sflag:s0] =	ssyncadd.s32 @!p0 $0xFFFFD800  }
0xa8: {  	_ =	sfence.sel $0x180000  }
0xa9: {  	[bflag:$0x0] =	sbarrier.arrive $0xFFFF  }
0xaa: {  	_ =	strace $0x9000004D  }
0xab: {  	s0 =	stileid.u32;
	[bflag:$0x2] =	sbarrier.arrive $0xFFFF  }
0xac: {  	p0 =	sne.s32 s0, $0x0;
	s0 =	rddreg [dreg:$0x2]  }
0xad: {  	s0 =	sadd.s32 @!p0 $0x100000, s0  }
0xae: {  	[sflag:s0] =	ssyncadd.tile.s32 @!p0 $0x1;
	_ =	shalt  }
.Lfunc_end2:
_tile_overlayer_lowered:
.L_overlay_start_2:
0xaf: {  	(tag) =	ssettag $0x2  }
0xb0: {  	s0 =	rddreg [dreg:$0x0];
	s2 =	stileid.u32  }
0xb1: {  	s1 =	rddreg [dreg:$0x1];
	p0 =	sne.s32 s2, $0x0  }
0xb2: {  	s3 =	rddreg [dreg:$0x2];
	[bflag:$0x3] =	sbarrier.arrive $0xFFFF;
	s2 =	simm.s32 @!p0 $0x1C02  }
0xb3: {  	[timem:s3], [sflag:s2] =	dma.local @!p0 [hbm:s0], s1  }
0xb4: {  	s0 =	simm.s32 @!p0 $0x2  }
0xb5: {  	_ =	swait.ge @!p0 [sflag:s0], s1  }
0xb6: {  	s1 =	ssub.s32 @!p0 $0x0, s1;
	[sflag:s0] =	ssyncset.done @!p0 $0x0  }
0xb7: {  	[sflag:s0] =	ssyncadd.s32 @!p0 s1  }
0xb8: {  	[bflag:$0x3] =	sbarrier.arrive $0xFFFF  }
0xb9: {  	_ =	shalt  }

// kernel: kernel.25.cloned.1.call-start
scs
__scs_entry_jumppad:
0x0: {  	(pc) =	sbr.rel $0x88, $3  }
0x1: {  	(tag) =	ssettag $0x0;
	lr =	simm.s32 $0x1  }
0x2: {  	[smem:$0x3F67] =	sst lr;
	_ =	strace $0xD0000000  }
0x3: {  	_ = 	snop  }
0x4: {  	_ = 	snop  }
0x5: {  	_ = 	snop  }
0x6: {  	_ = 	snop  }
0x7: {  	_ = 	snop  }
__scs_overlays_trampoline_lowered:
0x8: {  	[smem:$0x3F76] =	sst s0  }
0x9: {  	[smem:$0x3F77] =	sst s1  }
0xa: {  	[smem:$0x3F78] =	sst s2  }
0xb: {  	[smem:$0x3F79] =	sst s3  }
0xc: {  	[smem:$0x3F7A] =	sst s4  }
0xd: {  	[smem:$0x3F7B] =	sst s5  }
0xe: {  	[smem:$0x3F7C] =	sst s6  }
0xf: {  	[smem:$0x3F7D] =	sst s7  }
0x10: {  	[smem:$0x3F7E] =	sst s8  }
0x11: {  	[smem:$0x3F7F] =	sst s9;
	s0 =	simm.s32 @!p0 $0x0  }
0x12: {  	s1 =	sld [smem:$0x3F65];
	s0 =	simm.s32 @p0 $0x1  }
0x13: {  	[smem:$0x3F80] =	sst s0;
	s0 =	simm.s32 @!p1 $0x0  }
0x14: {  	s2 =	sld [smem:$0x3F64];
	s0 =	simm.s32 @p1 $0x1  }
0x15: {  	[smem:$0x3F81] =	sst s0;
	s0 =	simm.s32 @!p2 $0x0  }
0x16: {  	s3 =	sld [smem:$0x3FDB];
	s0 =	simm.s32 @p2 $0x1  }
0x17: {  	s4 =	simm.s32 $0x1BF5;
	[smem:$0x3F83] =	sst s0  }
0x18: {  	s0 =	sld [smem:$0x3F66];
	_ =	swait.ge [sflag:s4], $0x0  }
0x19: {  	s7 =	sld [smem:$0x3F67]  }
0x1a: {  	s8 =	sadd.s32 $0xFFFFE003, lr  }
0x1b: {  	s9 =	sadd.s32 $0xFFFFFEF7, lr;
	s5 =	simm.s32 $0xFFFFFFFF;
	p2 =	slt.u32 s8, $0xFFFFF086  }
0x1c: {  	p1 =	slt.u32 s9, $0xF7A;
	s5 =	simm.s32 @!p2 $0x0  }
0x1d: {  	s5 =	simm.s32 @p1 $0x1;
	p0 =	seq.s32 s7, s2  }
0x1e: {  	s7 =	smul.u32 @!p0 $0xF7A, s2;
	p2 =	seq.s32 @!p0 s5, $0x0  }
0x1f: {  	s9 =	smul.u32 $0xF7A, s1;
	s8 =	simm.s32 @!p0 $0x1BF5;
	p2 =	por !p2, p0  }
0x20: {  	[sflag:s8] =	ssyncset.s32 @!p0 $0xFFFFF086;
	s6 =	sadd.s32 @!p0 s3, s7;
	s7 =	simm.s32 @!p0 $0x108  }
0x21: {  	s3 =	sadd.s32 s3, s9;
	s6 =	sadd.s32 @!p0 $0x88, s6;
	s7 =	simm.s32 @p2 $0x1082  }
0x22: {  	[simem:s7], [sflag:s8] =	dma.local @!p0 [hbm:s6], $0xF7A  }
0x23: {  	s9 =	sor.u32 $0xD0000000, s2;
	s6 =	simm.s32 $0x108;
	_ =	swait.ge @!p0 [sflag:s8], $0x0  }
0x24: {  	s3 =	sadd.s32 $0x88, s3;
	s6 =	simm.s32 @!p1 $0x1082;
	[sflag:s4] =	ssyncset.s32 $0xFFFFF086  }
0x25: {  	[simem:s6], [sflag:s4] =	dma.local [hbm:s3], $0xF7A  }
0x26: {  	[smem:$0x3F67] =	sst s1;
	(tag) =	ssettag s2;
	_ =	strace s9  }
0x27: {  	s1 =	sld [smem:$0x3F77]  }
0x28: {  	s2 =	sld [smem:$0x3F78]  }
0x29: {  	s4 =	sld [smem:$0x3F7A]  }
0x2a: {  	p0 =	seq.s32 s5, $0x0;
	s5 =	sld [smem:$0x3F7B]  }
0x2b: {  	s6 =	sld [smem:$0x3F7C]  }
0x2c: {  	s7 =	sld [smem:$0x3F7D]  }
0x2d: {  	s3 =	simm.s32 $0x108;
	s8 =	sld [smem:$0x3F7E]  }
0x2e: {  	s3 =	simm.s32 @!p0 $0x1082;
	s9 =	sld [smem:$0x3F7F]  }
0x2f: {  	lr =	sadd.s32 s0, s3;
	s0 =	sld [smem:$0x3F76]  }
0x30: {  	s3 =	sld [smem:$0x3F79]  }
0x31: {  	[smem:$0x3F82] =	sst s10  }
0x32: {  	s10 =	sld [smem:$0x3F80];
	_ =	sdelay $0x3  }
0x33: {  	p0 =	seq.s32 s10, $0x1;
	s10 =	sld [smem:$0x3F82];
	_ =	sdelay $0x3  }
0x34: {  	[smem:$0x3F82] =	sst s10  }
0x35: {  	s10 =	sld [smem:$0x3F81];
	_ =	sdelay $0x3  }
0x36: {  	p1 =	seq.s32 s10, $0x1;
	s10 =	sld [smem:$0x3F82];
	_ =	sdelay $0x3  }
0x37: {  	[smem:$0x3F82] =	sst s10  }
0x38: {  	s10 =	sld [smem:$0x3F83]  }
0x39: {  	_ = 	snop;
	(pc) =	sbr.ind lr, $3  }
0x3a: {  	_ = 	snop  }
0x3b: {  	_ = 	snop  }
0x3c: {  	p2 =	seq.s32 s10, $0x1;
	s10 =	sld [smem:$0x3F82]  }
0x3d: {  	_ =	shalt  }
0x3e: {  	_ =	shalt  }
0x3f: {  	_ =	shalt  }
0x40: {  	_ =	shalt  }
0x41: {  	_ =	shalt  }
0x42: {  	_ =	shalt  }
0x43: {  	_ =	shalt  }
0x44: {  	_ =	shalt  }
0x45: {  	_ =	shalt  }
0x46: {  	_ =	shalt  }
0x47: {  	_ =	shalt  }
0x48: {  	_ =	shalt  }
0x49: {  	_ =	shalt  }
0x4a: {  	_ =	shalt  }
0x4b: {  	_ =	shalt  }
0x4c: {  	_ =	shalt  }
0x4d: {  	_ =	shalt  }
0x4e: {  	_ =	shalt  }
0x4f: {  	_ =	shalt  }
0x50: {  	_ =	shalt  }
0x51: {  	_ =	shalt  }
0x52: {  	_ =	shalt  }
0x53: {  	_ =	shalt  }
0x54: {  	_ =	shalt  }
0x55: {  	_ =	shalt  }
0x56: {  	_ =	shalt  }
0x57: {  	_ =	shalt  }
0x58: {  	_ =	shalt  }
0x59: {  	_ =	shalt  }
0x5a: {  	_ =	shalt  }
0x5b: {  	_ =	shalt  }
0x5c: {  	_ =	shalt  }
0x5d: {  	_ =	shalt  }
0x5e: {  	_ =	shalt  }
0x5f: {  	_ =	shalt  }
0x60: {  	_ =	shalt  }
0x61: {  	_ =	shalt  }
0x62: {  	_ =	shalt  }
0x63: {  	_ =	shalt  }
0x64: {  	_ =	shalt  }
0x65: {  	_ =	shalt  }
0x66: {  	_ =	shalt  }
0x67: {  	_ =	shalt  }
0x68: {  	_ =	shalt  }
0x69: {  	_ =	shalt  }
0x6a: {  	_ =	shalt  }
0x6b: {  	_ =	shalt  }
0x6c: {  	_ =	shalt  }
0x6d: {  	_ =	shalt  }
0x6e: {  	_ =	shalt  }
0x6f: {  	_ =	shalt  }
0x70: {  	_ =	shalt  }
0x71: {  	_ =	shalt  }
0x72: {  	_ =	shalt  }
0x73: {  	_ =	shalt  }
0x74: {  	_ =	shalt  }
0x75: {  	_ =	shalt  }
0x76: {  	_ =	shalt  }
0x77: {  	_ =	shalt  }
0x78: {  	_ =	shalt  }
0x79: {  	_ =	shalt  }
0x7a: {  	_ =	shalt  }
0x7b: {  	_ =	shalt  }
0x7c: {  	_ =	shalt  }
0x7d: {  	_ =	shalt  }
0x7e: {  	_ =	shalt  }
0x7f: {  	_ =	shalt  }
0x80: {  	_ =	shalt  }
0x81: {  	_ =	shalt  }
0x82: {  	_ =	shalt  }
0x83: {  	_ =	shalt  }
0x84: {  	_ =	shalt  }
0x85: {  	_ =	shalt  }
0x86: {  	_ =	shalt  }
0x87: {  	_ =	shalt  }
.Lfunc_end0:
.L_simem_size_0:
called_computation.3_lowered:
.L_overlay_start_0:
0x88: {  	s2 =	sld [smem:$0x3FD9]  }
0x89: {  	s3 =	sld [smem:$0x3FFE];
	_ =	sdelay $0x1  }
0x8a: {  	s1 =	srdreg.scid  }
0x8b: {  	s0 =	sand.u32 $0x1, s1  }
0x8c: {  	s16 =	sshll.u32 s0, $0xA;
	s2 =	sadd.s32 s3, s2  }
0x8d: {  	s2 =	sadd.s32 s2, s16  }
0x8e: {  	[smem:$0x3F8E] =	sst s2  }
0x8f: {  	_ = 	snop  }
0x90: {  	(tm) =	ssettm $0x1  }
0x91: {  	s17 =	sld [smem:$0x3FFB];
	_ =	sdelay $0x3  }
0x92: {  	_ =	strace s17  }
0x93: {  	s2 =	sld [smem:$0x3FFC];
	_ =	sdelay $0x3  }
0x94: {  	_ =	strace s2  }
0x95: {  	s2 =	sld [smem:$0x3FFD];
	_ =	sdelay $0x3  }
0x96: {  	_ =	strace s2  }
0x97: {  	_ =	strace $0x8FFFFFFF  }
0x98: {  	s18 =	sld [smem:$0x3FDB];
	_ =	sdelay $0x1  }
0x99: {  	s19 =	simm.s32 $_scs_section_size  }
0x9a: {  	s4 =	simm.s32 $_size__tile_overlayer_lowered;
	s5 =	simm.s32 $_tile_overlayer_lowered  }
0x9b: {  	s22 =	simm.s32 $0x1BFF;
	s21 =	sshll.u32 s5, $0x1;
	s2 =	sadd.s32 s19, s18  }
0x9c: {  	s6 =	simm.s32 $0x0;
	s20 =	sshll.u32 s4, $0x1;
	s4 =	sadd.s32 s21, s2  }
0x9d: {  	[timem:s6], [sflag:s22] =	dma.local [hbm:s4], s20  }
0x9e: {  	_ =	swait.ge [sflag:s22], s20  }
0x9f: {  	s3 =	ssub.s32 $0x0, s20;
	[sflag:s22] =	ssyncset.done $0x0  }
0xa0: {  	[sflag:s22] =	ssyncadd.s32 s3;
	_ =	sdelay $0x1  }
0xa1: {  	s23 =	simm.s32 $0x1B8B  }
0xa2: {  	_ =	swait.ge [sflag:s23], $0x1  }
0xa3: {  	[sflag:s23] =	ssyncset.done $0x0  }
0xa4: {  	s25 =	simm.s32 $0x1B8E;
	s24 =	sld [smem:$0x3FFE];
	[sflag:s23] =	ssyncadd.s32 $0xFFFFFFFF  }
0xa5: {  	s26 =	simm.s32 $execute0_lowered;
	[smem:$0x3FD2] =	sst s25  }
0xa6: {  	s4 =	sshll.u32 s26, $0x1;
	_ =	strace $0x8000004F;
	[dreg:$0x1] =	wrdreg $0xFFFFFFFF  }
0xa7: {  	s28 =	simm.s32 $_size_execute0_lowered;
	s2 =	sadd.s32 s2, s4;
	[dreg:$0x0] =	wrdreg $0x0  }
0xa8: {  	s4 =	sshll.u32 s28, $0x1;
	[dreg:$0x2] =	wrdreg s2  }
0xa9: {  	[dreg:$0x3] =	wrdreg s4  }
0xaa: {  	[dreg:$0x4] =	wrdreg $0xC0  }
0xab: {  	_ =	task [dreg:s6], $0x5FFFF  }
0xac: {  	[dreg:$0x1] =	wrdreg $0xFFFFFFFF  }
0xad: {  	[dreg:$0x0] =	wrdreg $0x60  }
0xae: {  	[dreg:$0x2] =	wrdreg s24  }
0xaf: {  	[dreg:$0x3] =	wrdreg $0x92000  }
0xb0: {  	[dreg:$0x4] =	wrdreg $0x9  }
0xb1: {  	_ =	task.clear_ibuf [dreg:s6], $0x5FFFF;
	_ =	strace $0x9000004F  }
0xb2: {  	s29 =	simm.s32 $0x9;
	_ =	strace $0x80000051  }
0xb3: {  	_ =	swait.ge [sflag:s29], $0x1  }
0xb4: {  	[sflag:s29] =	ssyncadd.s32 $0xFFFFFFFF  }
0xb5: {  	_ =	strace $0x90000051  }
0xb6: {  	_ =	sfence  }
0xb7: {  	s30 =	sld [smem:$0x0];
	_ =	sdelay $0x2  }
0xb8: {  	s31 =	sshll.u32 s1, $0xD;
	s1 =	sshrl.u32 s1, $0x2  }
0xb9: {  	s3 =	sand.u32 $0x4000, s31;
	s1 =	sadd.s32 s1, s30  }
0xba: {  	s0 =	sor.u32 s3, s0;
	s1 =	sshll.u32 s1, $0x11  }
0xbb: {  	s0 =	sor.u32 s1, s0  }
0xbc: {  	s0 =	sadd.s32 $0x8F2B, s0  }
0xbd: {  	[sflag:s0] =	ssyncadd.remote.s32 $0x1  }
0xbe: {  	_ =	sfence.sel $0xFFFF  }
0xbf: {  	[dreg:$0x0] =	wrdreg $0xFFFFFFFF;
	(pc) =	sbr.abs _section_cstart, $3  }
0xc0: {  	[dreg:$0x1] =	wrdreg $0xFFFFFFFF  }
0xc1: {  	_ =	task.clear_ibuf [dreg:s6], $0x2FFFF;
	_ =	strace $0x9FFFFFFF  }
0xc2: {  	(tm) =	ssettm $0x7FFFFFFF  }
0xc3: {  	_ =	shalt  }
tec
execute0_lowered:
.L_overlay_start_1:
0x0: {  	(tag) =	ssettag $0x1  }
0x1: {  	s0 =	rddreg [dreg:$0x0]  }
0x2: {  	s1 =	rddreg [dreg:$0x1];
	s3 =	simm.s32 $0x0  }
0x3: {  	s19 =	stileid.u32;
	s7 =	srdreg.scid;
	s20 =	simm.s32 $0x2  }
0x4: {  	s21 =	simm.s32 $0x80;
	s22 =	simm.s32 $0x200;
	s23 =	simm.s32 $0x4200  }
0x5: {  	s24 =	simm.s32 $0x1;
	s25 =	simm.s32 $0x100;
	s29 =	simm.s32 $0x8200  }
0x6: {  	[smem:$0x7FF] =	sst s3;
	s4 =	sadd.s32 $0x30C00, s0;
	s2 =	smul.u32 $0x2800, s19  }
0x7: {  	s28 =	simm.s32 $0x10;
	s5 =	sadd.s32 $0x4F5800, s0;
	s6 =	sadd.s32 $0x4EBA00, s0  }
0x8: {  	s10 =	sand.u32 $0x1, s7;
	s7 =	sadd.s32 $0x2237A00, s0;
	s11 =	smul.u32 $0x50000, s19  }
0x9: {  	s14 =	sadd.s32 $0x57E00, s0;
	s17 =	sadd.s32 $0x12C000, s1;
	s18 =	smul.u32 $0x14000, s19  }
0xa: {  	p0 =	seq.s32 s19, $0xF;
	_ =	strace $0x80000050;
	s8 =	sshll.u32 s10, $0x4  }
0xb: {  	s9 =	ssub.s32 $0x2, s10;
	s15 =	smul.u32 $0x138800, s10;
	s10 =	sadd.s32 $0x524E00, s0  }
0xc: {  	s17 =	sshrl.u32 @p0 s17, $0x3;
	s2 =	sadd.s32 s2, s0;
	s8 =	sor.u32 s19, s8  }
0xd: {  	s12 =	sshrl.u32 s9, $0x1;
	s11 =	sshrl.u32 s11, $0x2;
	s0 =	sshll.u32 @!p0 s19, $0x6  }
0xe: {  	s8 =	smul.u32 $0x2710, s8;
	s16 =	ssub.s32 s9, s12;
	s2 =	sadd.s32 $0x4FF600, s2  }
0xf: {  	s18 =	sadd.s32 s18, s15;
	s15 =	sshrl.u32 s15, $0x3;
	[dreg:$0x3] =	wrdreg s2  }
0x10: {  	s2 =	sadd.s32 s11, s1;
	s31 =	sshrl.u32 s18, $0x3;
	s15 =	sadd.s32 s14, s15  }
0x11: {  	s16 =	smax.u32 s16, $0x1;
	s18 =	sor.u32 @!p0 $0x1C02, s0;
	s13 =	sadd.s32 $0x2700, s8  }
0x12: {  	s14 =	sadd.s32 s14, s31;
	s15 =	sadd.s32 $0x25800, s15;
	s26 =	sshrl.u32 s13, $0x3  }
0x13: {  	s19 =	sshrl.u32 @!p0 s2, $0x3;
	s30 =	sshll.u32 s13, $0x4;
	s11 =	sadd.s32 s5, s26  }
0x14: {  	s12 =	sadd.s32 s6, s26;
	s13 =	sadd.s32 s7, s30;
	s26 =	simm.s32 $0x180  }
.LBB2_1:
0x15: {  	s0 =	simm.s32 @p0 $0x1FC2  }
0x16: {  	[spmem:s17], [sflag:s0] =	dma.local @p0 [hbm:s10], $0x1900  }
0x17: {  	s0 =	simm.s32 @p0 $0x2  }
0x18: {  	_ =	swait.ge @p0 [sflag:s0], $0x1900  }
0x19: {  	[sflag:s0] =	ssyncset.done @p0 $0x0  }
0x1a: {  	[sflag:s0] =	ssyncadd.s32 @p0 $0xFFFFE700;
	s0 =	rddreg [dreg:$0x3]  }
0x1b: {  	[spmem:s19], [sflag:s18] =	dma.local @!p0 [hbm:s0], $0x2800  }
0x1c: {  	s0 =	simm.s32 @!p0 $0x2  }
0x1d: {  	_ =	swait.ge @!p0 [sflag:s0], $0x2800  }
0x1e: {  	[sflag:s0] =	ssyncset.done @!p0 $0x0  }
0x1f: {  	[sflag:s0] =	ssyncadd.s32 @!p0 $0xFFFFD800  }
0x20: {  	s31 =	simm.s32 $0x0;
	[bflag:$0x0] =	sbarrier.arrive $0xFFFF  }
.LBB2_2:
0x21: {  	s0 =	sshll.u32 s31, $0x7  }
0x22: {  	s0 =	sadd.s32 s8, s0  }
0x23: {  	s2 =	sshrl.u32 s0, $0x3  }
0x24: {  	s9 =	simm.s32 $0x0;
	s30 =	sadd.s32 s5, s2  }
0x25: {  	[tilespmem:s9], [sflag:$0x2] =	stream.linear.gather [hbm4b:s30+s9], $0x80, $0x38;
	[tilespmem:$0x1CA80] =	vst v63  }
0x26: {  	_ =	swait.ge [sflag:s20], $0x80  }
0x27: {  	[sflag:s20] =	ssyncset.done $0x0  }
0x28: {  	s2 =	sadd.s32 s6, s2;
	[sflag:s20] =	ssyncadd.s32 $0xFFFFFF80  }
0x29: {  	[tilespmem:s21], [sflag:$0x2] =	stream.linear.gather [hbm4b:s2+s9], $0x80, $0x38;
	[tilespmem:$0x1CA80] =	vst v63  }
0x2a: {  	_ =	swait.ge [sflag:s20], $0x80  }
0x2b: {  	[sflag:s20] =	ssyncset.done $0x0  }
0x2c: {  	s0 =	sshll.u32 s0, $0x4;
	[sflag:s20] =	ssyncadd.s32 $0xFFFFFF80  }
0x2d: {  	[tilespmem:s22], [sflag:$0x1] =	stream.indirect.gather [hbm4b:s4+s21], $0x80, s9, s21, $0xb8;
	[tilespmem:$0x1CA80] =	vst v63  }
0x2e: {  	s0 =	sadd.s32 s7, s0  }
0x2f: {  	[tilespmem:s23], [sflag:$0x2] =	stream.linear.gather [hbm4b:s0+s9], $0x4000, $0x38;
	[tilespmem:$0x1CA80] =	vst v63  }
0x30: {  	_ =	swait.ge [sflag:s20], $0x4000  }
0x31: {  	[sflag:s20] =	ssyncset.done $0x0  }
0x32: {  	[sflag:s20] =	ssyncadd.s32 $0xFFFFC000  }
0x33: {  	_ =	swait.ge [sflag:s24], $0x4000  }
0x34: {  	[sflag:s24] =	ssyncset.done $0x0  }
0x35: {  	s0 =	simm.s32 $0x0;
	[sflag:s24] =	ssyncadd.s32 $0xFFFFC000  }
0x36: {  	v7 =	vld [tilespmem:s0+$0x4200]  }
0x37: {  	v11 =	vld [tilespmem:s0+$0x4210]  }
0x38: {  	v5 =	vld [tilespmem:s0+$0x4220]  }
0x39: {  	v4 =	vld [tilespmem:s0+$0x4230]  }
0x3a: {  	v3 =	vld [tilespmem:s0+$0x4240]  }
0x3b: {  	v2 =	vld [tilespmem:s0+$0x4250]  }
0x3c: {  	v1 =	vld [tilespmem:s0+$0x4260]  }
0x3d: {  	v0 =	vld [tilespmem:s0+$0x4270]  }
0x3e: {  	v12 =	vld [tilespmem:s0+$0x200]  }
0x3f: {  	v13 =	vld [tilespmem:s0+$0x210]  }
0x40: {  	v10 =	vld [tilespmem:s0+$0x220]  }
0x41: {  	v9 =	vld [tilespmem:s0+$0x230]  }
0x42: {  	v8 =	vld [tilespmem:s0+$0x240]  }
0x43: {  	v6 =	vld [tilespmem:s0+$0x250];
	v12 =	vmul.f32 v7, v12  }
0x44: {  	s2 =	simm.s32 $0x200;
	v11 =	vmul.f32 v11, v13;
	v7 =	vld [tilespmem:s0+$0x260]  }
.LBB2_3:
0x45: {  	s9 =	sshra.s32 s2, $0x2;
	p1 =	sne.s32 s2, $0xFE00;
	[tilespmem:s0+$0x200] =	vst v12;
	v5 =	vmul.f32 v5, v10;
	v10 =	vld [tilespmem:s0+$0x270]  }
0x46: {  	v12 =	vld [tilespmem:s9+$0x4200];
	[tilespmem:s0+$0x210] =	vst v11;
	v4 =	vmul.f32 v4, v9  }
0x47: {  	v11 =	vld [tilespmem:s9+$0x4210];
	[tilespmem:s0+$0x220] =	vst v5;
	v3 =	vmul.f32 v3, v8  }
0x48: {  	v5 =	vld [tilespmem:s9+$0x4220];
	[tilespmem:s0+$0x230] =	vst v4;
	v2 =	vmul.f32 v2, v6  }
0x49: {  	v4 =	vld [tilespmem:s9+$0x4230];
	[tilespmem:s0+$0x240] =	vst v3;
	v1 =	vmul.f32 v1, v7  }
0x4a: {  	v3 =	vld [tilespmem:s9+$0x4240];
	[tilespmem:s0+$0x250] =	vst v2;
	v0 =	vmul.f32 v0, v10  }
0x4b: {  	v2 =	vld [tilespmem:s9+$0x4250];
	[tilespmem:s0+$0x260] =	vst v1  }
0x4c: {  	v1 =	vld [tilespmem:s9+$0x4260];
	[tilespmem:s0+$0x270] =	vst v0;
	s0 =	smov.u32 s9  }
0x4d: {  	v0 =	vld [tilespmem:s0+$0x4270]  }
0x4e: {  	v6 =	vld [tilespmem:s0+$0x200]  }
0x4f: {  	v7 =	vld [tilespmem:s0+$0x210]  }
.Ltmp0:
0x50: {  	v10 =	vld [tilespmem:s0+$0x220];
	(pc) =	sbr.rel @p1 .LBB2_3-.Ltmp0, $4  }
0x51: {  	v9 =	vld [tilespmem:s0+$0x230]  }
0x52: {  	v8 =	vld [tilespmem:s0+$0x240]  }
0x53: {  	v12 =	vmul.f32 v12, v6;
	v6 =	vld [tilespmem:s0+$0x250]  }
0x54: {  	s2 =	sadd.s32 $0x200, s2;
	v11 =	vmul.f32 v11, v7;
	v7 =	vld [tilespmem:s0+$0x260]  }
0x55: {  	[tilespmem:s0+$0x200] =	vst v12;
	v5 =	vmul.f32 v5, v10;
	v63 =	vld [tilespmem:s0+$0x270]  }
0x56: {  	[tilespmem:s0+$0x210] =	vst v11;
	v4 =	vmul.f32 v4, v9  }
0x57: {  	[tilespmem:s0+$0x220] =	vst v5;
	v3 =	vmul.f32 v3, v8  }
0x58: {  	[tilespmem:s0+$0x230] =	vst v4;
	v2 =	vmul.f32 v2, v6  }
0x59: {  	[tilespmem:s0+$0x240] =	vst v3;
	v1 =	vmul.f32 v1, v7  }
0x5a: {  	s31 =	sadd.s32 $0x1, s31;
	[tilespmem:s0+$0x250] =	vst v2;
	v0 =	vmul.f32 v0, v63  }
0x5b: {  	p1 =	sne.s32 s31, $0x4E;
	[tilespmem:s0+$0x260] =	vst v1  }
.Ltmp1:
0x5c: {  	[tilespmem:s0+$0x270] =	vst v0;
	(pc) =	sbr.rel @p1 .LBB2_2-.Ltmp1, $4  }
0x5d: {  	[spmem:s1] =	stream.indirect.scatter.add.f32 [tilespmem:s22], [sflag:$0x2], $0x80, s21, s21, $0xb8;
	[tilespmem:$0x1CA80] =	vst v63  }
0x5e: {  	_ =	swait.ge [sflag:s20], $0x4000  }
0x5f: {  	[sflag:s20] =	ssyncset.done $0x0  }
0x60: {  	[sflag:s20] =	ssyncadd.s32 $0xFFFFC000  }
0x61: {  	s0 =	simm.s32 $0x0  }
0x62: {  	[tilespmem:s25], [sflag:$0x2] =	stream.linear.gather [hbm4b:s11+s0], $0x10, $0x38;
	[tilespmem:$0x1CA80] =	vst v63  }
0x63: {  	_ =	swait.ge [sflag:s20], $0x10  }
0x64: {  	[sflag:s20] =	ssyncset.done $0x0  }
0x65: {  	[sflag:s20] =	ssyncadd.s32 $0xFFFFFFF0  }
0x66: {  	[tilespmem:s26], [sflag:$0x2] =	stream.linear.gather [hbm4b:s12+s0], $0x10, $0x38;
	[tilespmem:$0x1CA80] =	vst v63  }
0x67: {  	_ =	swait.ge [sflag:s20], $0x10  }
0x68: {  	[sflag:s20] =	ssyncset.done $0x0  }
0x69: {  	[sflag:s20] =	ssyncadd.s32 $0xFFFFFFF0  }
0x6a: {  	[tilespmem:s29], [sflag:$0x1] =	stream.indirect.gather [hbm4b:s4+s28], $0x80, s25, s28, $0xb8;
	[tilespmem:$0x1CA80] =	vst v63  }
0x6b: {  	s2 =	simm.s32 $0x8A00  }
0x6c: {  	[tilespmem:s2], [sflag:$0x2] =	stream.linear.gather [hbm4b:s13+s0], $0x800, $0x38;
	[tilespmem:$0x1CA80] =	vst v63  }
0x6d: {  	_ =	swait.ge [sflag:s20], $0x800  }
0x6e: {  	[sflag:s20] =	ssyncset.done $0x0  }
0x6f: {  	[sflag:s20] =	ssyncadd.s32 $0xFFFFF800  }
0x70: {  	_ =	swait.ge [sflag:s24], $0x800  }
0x71: {  	[sflag:s24] =	ssyncset.done $0x0  }
0x72: {  	s0 =	simm.s32 $0x0;
	[sflag:s24] =	ssyncadd.s32 $0xFFFFF800  }
0x73: {  	v7 =	vld [tilespmem:s0+$0x8A00]  }
0x74: {  	v11 =	vld [tilespmem:s0+$0x8A10]  }
0x75: {  	v5 =	vld [tilespmem:s0+$0x8A20]  }
0x76: {  	v4 =	vld [tilespmem:s0+$0x8A30]  }
0x77: {  	v3 =	vld [tilespmem:s0+$0x8A40]  }
0x78: {  	v2 =	vld [tilespmem:s0+$0x8A50]  }
0x79: {  	v1 =	vld [tilespmem:s0+$0x8A60]  }
0x7a: {  	v0 =	vld [tilespmem:s0+$0x8A70]  }
0x7b: {  	v12 =	vld [tilespmem:s0+$0x8200]  }
0x7c: {  	v13 =	vld [tilespmem:s0+$0x8210]  }
0x7d: {  	v10 =	vld [tilespmem:s0+$0x8220]  }
0x7e: {  	v9 =	vld [tilespmem:s0+$0x8230]  }
0x7f: {  	v8 =	vld [tilespmem:s0+$0x8240]  }
0x80: {  	v6 =	vld [tilespmem:s0+$0x8250];
	v12 =	vmul.f32 v7, v12  }
0x81: {  	s2 =	simm.s32 $0x200;
	v11 =	vmul.f32 v11, v13;
	v7 =	vld [tilespmem:s0+$0x8260]  }
.LBB2_6:
0x82: {  	s9 =	sshra.s32 s2, $0x2;
	p1 =	sne.s32 s2, $0x1E00;
	[tilespmem:s0+$0x8200] =	vst v12;
	v5 =	vmul.f32 v5, v10;
	v10 =	vld [tilespmem:s0+$0x8270]  }
0x83: {  	v12 =	vld [tilespmem:s9+$0x8A00];
	[tilespmem:s0+$0x8210] =	vst v11;
	v4 =	vmul.f32 v4, v9  }
0x84: {  	v11 =	vld [tilespmem:s9+$0x8A10];
	[tilespmem:s0+$0x8220] =	vst v5;
	v3 =	vmul.f32 v3, v8  }
0x85: {  	v5 =	vld [tilespmem:s9+$0x8A20];
	[tilespmem:s0+$0x8230] =	vst v4;
	v2 =	vmul.f32 v2, v6  }
0x86: {  	v4 =	vld [tilespmem:s9+$0x8A30];
	[tilespmem:s0+$0x8240] =	vst v3;
	v1 =	vmul.f32 v1, v7  }
0x87: {  	v3 =	vld [tilespmem:s9+$0x8A40];
	[tilespmem:s0+$0x8250] =	vst v2;
	v0 =	vmul.f32 v0, v10  }
0x88: {  	v2 =	vld [tilespmem:s9+$0x8A50];
	[tilespmem:s0+$0x8260] =	vst v1  }
0x89: {  	v1 =	vld [tilespmem:s9+$0x8A60];
	[tilespmem:s0+$0x8270] =	vst v0;
	s0 =	smov.u32 s9  }
0x8a: {  	v0 =	vld [tilespmem:s0+$0x8A70]  }
0x8b: {  	v6 =	vld [tilespmem:s0+$0x8200]  }
0x8c: {  	v7 =	vld [tilespmem:s0+$0x8210]  }
.Ltmp2:
0x8d: {  	v10 =	vld [tilespmem:s0+$0x8220];
	(pc) =	sbr.rel @p1 .LBB2_6-.Ltmp2, $4  }
0x8e: {  	v9 =	vld [tilespmem:s0+$0x8230]  }
0x8f: {  	v8 =	vld [tilespmem:s0+$0x8240]  }
0x90: {  	v12 =	vmul.f32 v12, v6;
	v6 =	vld [tilespmem:s0+$0x8250]  }
0x91: {  	s2 =	sadd.s32 $0x200, s2;
	v11 =	vmul.f32 v11, v7;
	v7 =	vld [tilespmem:s0+$0x8260]  }
0x92: {  	[tilespmem:s0+$0x8200] =	vst v12;
	v5 =	vmul.f32 v5, v10;
	v63 =	vld [tilespmem:s0+$0x8270]  }
0x93: {  	[tilespmem:s0+$0x8210] =	vst v11;
	v4 =	vmul.f32 v4, v9  }
0x94: {  	[tilespmem:s0+$0x8220] =	vst v5;
	v3 =	vmul.f32 v3, v8  }
0x95: {  	[tilespmem:s0+$0x8230] =	vst v4;
	v2 =	vmul.f32 v2, v6  }
0x96: {  	[tilespmem:s0+$0x8240] =	vst v3;
	v1 =	vmul.f32 v1, v7  }
0x97: {  	[tilespmem:s0+$0x8250] =	vst v2;
	v0 =	vmul.f32 v0, v63  }
0x98: {  	[tilespmem:s0+$0x8260] =	vst v1  }
0x99: {  	[tilespmem:s0+$0x8270] =	vst v0  }
0x9a: {  	[spmem:s1] =	stream.indirect.scatter.add.f32 [tilespmem:s29], [sflag:$0x2], $0x80, s26, s28, $0xb8;
	[tilespmem:$0x1CA80] =	vst v63  }
0x9b: {  	_ =	swait.ge [sflag:s20], $0x800  }
0x9c: {  	[sflag:s20] =	ssyncset.done $0x0  }
0x9d: {  	[sflag:s20] =	ssyncadd.s32 $0xFFFFF800  }
0x9e: {  	s0 =	simm.s32 @p0 $0x1FC2;
	[bflag:$0x0] =	sbarrier.arrive $0xFFFF  }
0x9f: {  	[hbm:s15], [sflag:s0] =	dma.local @p0 [spmem:s17], $0x1900  }
0xa0: {  	s0 =	simm.s32 @p0 $0x2  }
0xa1: {  	s3 =	sadd.s32 $0x1, s3;
	_ =	swait.ge @p0 [sflag:s0], $0x1900  }
0xa2: {  	p1 =	sne.s32 s3, s16;
	[sflag:s0] =	ssyncset.done @p0 $0x0  }
.Ltmp3:
0xa3: {  	[sflag:s0] =	ssyncadd.s32 @p0 $0xFFFFE700;
	s0 =	simm.s32 @!p0 $0x2;
	(pc) =	sbr.rel @p1 .LBB2_1-.Ltmp3, $4  }
0xa4: {  	[hbm:s14], [sflag:s18] =	dma.local @!p0 [spmem:s19], $0x2800  }
0xa5: {  	_ =	swait.ge @!p0 [sflag:s0], $0x2800  }
0xa6: {  	[sflag:s0] =	ssyncset.done @!p0 $0x0  }
0xa7: {  	[sflag:s0] =	ssyncadd.s32 @!p0 $0xFFFFD800  }
0xa8: {  	_ =	sfence.sel $0x180000  }
0xa9: {  	[bflag:$0x0] =	sbarrier.arrive $0xFFFF  }
0xaa: {  	_ =	strace $0x90000050  }
0xab: {  	s0 =	stileid.u32;
	[bflag:$0x2] =	sbarrier.arrive $0xFFFF  }
0xac: {  	p0 =	sne.s32 s0, $0x0;
	s0 =	rddreg [dreg:$0x2]  }
0xad: {  	s0 =	sadd.s32 @!p0 $0x100000, s0  }
0xae: {  	[sflag:s0] =	ssyncadd.tile.s32 @!p0 $0x1;
	_ =	shalt  }
.Lfunc_end2:
_tile_overlayer_lowered:
.L_overlay_start_2:
0xaf: {  	(tag) =	ssettag $0x2  }
0xb0: {  	s0 =	rddreg [dreg:$0x0];
	s2 =	stileid.u32  }
0xb1: {  	s1 =	rddreg [dreg:$0x1];
	p0 =	sne.s32 s2, $0x0  }
0xb2: {  	s3 =	rddreg [dreg:$0x2];
	[bflag:$0x3] =	sbarrier.arrive $0xFFFF;
	s2 =	simm.s32 @!p0 $0x1C02  }
0xb3: {  	[timem:s3], [sflag:s2] =	dma.local @!p0 [hbm:s0], s1  }
0xb4: {  	s0 =	simm.s32 @!p0 $0x2  }
0xb5: {  	_ =	swait.ge @!p0 [sflag:s0], s1  }
0xb6: {  	s1 =	ssub.s32 @!p0 $0x0, s1;
	[sflag:s0] =	ssyncset.done @!p0 $0x0  }
0xb7: {  	[sflag:s0] =	ssyncadd.s32 @!p0 s1  }
0xb8: {  	[bflag:$0x3] =	sbarrier.arrive $0xFFFF  }
0xb9: {  	_ =	shalt  }

</sc_bundles>
